<compile_context>
chip_gen: v7x
topology: tpu7x:2x2x1
jax: 0.10.2.dev20260603
libtpu: 0.0.44.dev20260713+nightly
codegen_flags: <defaults>
</compile_context>

<pallas_src>
import functools

import jax
import jax.numpy as jnp
from jax import lax
from jax.experimental import pallas as pl
from jax.experimental.pallas import tpu as pltpu
from jax.experimental.pallas import tpu_sc as plsc

N = 10000
H = 10000
E = 320000
D = 128

NC = 2
NS = 16
NW = NC * NS
CHUNK = 80
ROWS = E // CHUNK
RPW = ROWS // NW
SJ = 25
OUTER = RPW // SJ
HP = 10240
RPT = HP // NS
ZR = 128
CPT = HP // NS
F32 = jnp.float32
I32 = jnp.int32

_mesh = plsc.VectorSubcoreMesh(
    core_axis_name="c", subcore_axis_name="s", num_cores=NC, num_subcores=NS)


def _leaky(x):
  return jnp.where(x >= 0, x, 0.01 * x)


def _ln(x, g, b):
  mu = jnp.mean(x, axis=-1, keepdims=True)
  var = jnp.mean((x - mu) ** 2, axis=-1, keepdims=True)
  return (x - mu) * lax.rsqrt(var + 1e-5) * g + b


def _tc_front_body(x_ref, g1_ref, b1_ref, wi_ref, bi_ref, g2_ref, b2_ref,
                   wh_ref, o_ref):
  x = x_ref[...]
  h = _ln(x, g1_ref[...], b1_ref[...])
  h = lax.dot_general(h, wi_ref[...], (((1,), (1,)), ((), ())),
                      preferred_element_type=F32) + bi_ref[...]
  h = _leaky(h)
  h = _ln(h, g2_ref[...], b2_ref[...])
  o_ref[...] = lax.dot_general(h, wh_ref[...], (((1,), (1,)), ((), ())),
                               preferred_element_type=F32)


def _tc_front(x, g1, b1, wi, bi, g2, b2, wh):
  blk = 1000
  vec = pl.BlockSpec((D,), lambda i: (0,))
  mat = pl.BlockSpec((D, D), lambda i: (0, 0))
  return pl.pallas_call(
      _tc_front_body,
      grid=(N // blk,),
      in_specs=[pl.BlockSpec((blk, D), lambda i: (i, 0)),
                vec, vec, mat, vec, vec, vec, mat],
      out_specs=pl.BlockSpec((blk, D), lambda i: (i, 0)),
      out_shape=jax.ShapeDtypeStruct((N, D), F32),
  )(x, g1, b1, wi, bi, g2, b2, wh)


def _tc_scale_body(with_bias, p_ref, c_ref, b_ref, o_ref):
  p = p_ref[...]
  s = p[0] + p[1]
  c = c_ref[...]
  cnt = c[0] + c[1]
  inv = jnp.where(cnt > 0, 1.0 / cnt, 0.0)
  r = s * inv[:, None]
  if with_bias:
    r = _leaky(r + b_ref[...])
  o_ref[...] = r


def _tc_scale(part, cnt, bias, with_bias):
  blk = 1024
  return pl.pallas_call(
      functools.partial(_tc_scale_body, with_bias),
      grid=(HP // blk,),
      in_specs=[pl.BlockSpec((2, blk, D), lambda i: (0, i, 0)),
                pl.BlockSpec((2, blk), lambda i: (0, i)),
                pl.BlockSpec((D,), lambda i: (0,))],
      out_specs=pl.BlockSpec((blk, D), lambda i: (i, 0)),
      out_shape=jax.ShapeDtypeStruct((HP, D), F32),
  )(part, cnt, bias)


def _tc_final(aggT, w, b):
  blk = 1024
  def body(a_ref, w_ref, b_ref, o_ref):
    a = a_ref[...]
    a = jnp.where(a < jnp.inf, a, 0.0)
    o_ref[...] = lax.dot_general(a, w_ref[...], (((0,), (1,)), ((), ())),
                                 preferred_element_type=F32) + b_ref[...]
  return pl.pallas_call(
      body,
      grid=(HP // blk,),
      in_specs=[pl.BlockSpec((D, blk), lambda i: (0, i)),
                pl.BlockSpec((D, D), lambda i: (0, 0)),
                pl.BlockSpec((D,), lambda i: (0,))],
      out_specs=pl.BlockSpec((blk, D), lambda i: (i, 0)),
      out_shape=jax.ShapeDtypeStruct((HP, D), F32),
  )(aggT, w, b)


def _sc_gsa_body(do_counts, *refs):
  if do_counts:
    (table, gidx, sidx, zeros2d, zeros1d, ones1d,
     out, cntg, cnts,
     gi_v, si_v, rows_v, z2_v, z1_v, on_v, acc_sp, cg_sp, cs_sp) = refs
  else:
    (table, gidx, sidx, zeros2d,
     out,
     gi_v, si_v, rows_v, z2_v, acc_sp) = refs

  c = lax.axis_index("c")
  s = lax.axis_index("s")
  w = c * NS + s

  pltpu.sync_copy(zeros2d, z2_v)
  for r in range(RPT // ZR):
    pltpu.sync_copy(z2_v, acc_sp.at[pl.ds(s * RPT + r * ZR, ZR)])
  del w
  if do_counts:
    pltpu.sync_copy(zeros1d, z1_v)
    pltpu.sync_copy(ones1d, on_v)
    pltpu.sync_copy(z1_v, cg_sp.at[pl.ds(s * CPT, CPT)])
    pltpu.sync_copy(z1_v, cs_sp.at[pl.ds(s * CPT, CPT)])
  plsc.subcore_barrier()

  wq = c * NS + s
  for t in range(OUTER):
    pltpu.sync_copy(gidx.at[wq, t], gi_v)
    pltpu.sync_copy(sidx.at[wq, t], si_v)

    def step(j, _):
      pltpu.sync_copy(table.at[gi_v.at[j]], rows_v)
      pltpu.sync_copy(rows_v, acc_sp.at[si_v.at[j]], add=True)
      if do_counts:
        pltpu.sync_copy(on_v, cg_sp.at[gi_v.at[j]], add=True)
        pltpu.sync_copy(on_v, cs_sp.at[si_v.at[j]], add=True)
      return 0

    lax.fori_loop(0, SJ, step, 0)

  plsc.subcore_barrier()

  for r in range(RPT // ZR):
    off = s * RPT + r * ZR
    pltpu.sync_copy(acc_sp.at[pl.ds(off, ZR)], z2_v)
    pltpu.sync_copy(z2_v, out.at[c, pl.ds(off, ZR)])
  if do_counts:
    pltpu.sync_copy(cg_sp.at[pl.ds(s * CPT, CPT)], z1_v)
    pltpu.sync_copy(z1_v, cntg.at[c, pl.ds(s * CPT, CPT)])
    pltpu.sync_copy(cs_sp.at[pl.ds(s * CPT, CPT)], z1_v)
    pltpu.sync_copy(z1_v, cnts.at[c, pl.ds(s * CPT, CPT)])


def _sc_gather_scatter_add(table, gidx2d, sidx2d, zeros2d, zeros1d, ones1d,
                           do_counts):
  out_types = [jax.ShapeDtypeStruct((NC, HP, D), F32)]
  scratch = [
      pltpu.VMEM((SJ, CHUNK), I32),
      pltpu.VMEM((SJ, CHUNK), I32),
      pltpu.VMEM((CHUNK, D), F32),
      pltpu.VMEM((ZR, D), F32),
  ]
  if do_counts:
    out_types += [jax.ShapeDtypeStruct((NC, HP), F32),
                  jax.ShapeDtypeStruct((NC, HP), F32)]
    scratch += [pltpu.VMEM((CPT,), F32), pltpu.VMEM((CHUNK,), F32)]
  scratch += [pltpu.VMEM_SHARED((HP, D), F32)]
  if do_counts:
    scratch += [pltpu.VMEM_SHARED((HP,), F32), pltpu.VMEM_SHARED((HP,), F32)]

  fn = pl.kernel(
      functools.partial(_sc_gsa_body, do_counts),
      out_type=tuple(out_types) if do_counts else out_types[0],
      mesh=_mesh,
      scratch_types=scratch,
  )
  if do_counts:
    return fn(table, gidx2d, sidx2d, zeros2d, zeros1d, ones1d)
  return fn(table, gidx2d, sidx2d, zeros2d)


FPT = D // NW


def _sc_min_body(h2, nidx, hidx, inf1d,
                 outT,
                 ni_v, hi_v, rb_v, col_v, acc_v, scr_v):
  c = lax.axis_index("c")
  s = lax.axis_index("s")
  w = c * NS + s
  iota = lax.iota(I32, 16)
  base_col = w * FPT

  def stage(k, _):
    pltpu.sync_copy(h2.at[pl.ds(k * 80 * D, 80 * D)], rb_v)

    def grp(g, _):
      r = g * 16 + iota
      rbase = r * D + base_col
      for f in range(FPT):
        v = plsc.load_gather(rb_v, [rbase + f])
        plsc.store_scatter(col_v, [k * 80 + r + f * HP], v)
      return 0

    lax.fori_loop(0, 80 // 16, grp, 0)
    return 0

  lax.fori_loop(0, HP // 80, stage, 0)
  for f in range(FPT):
    pltpu.sync_copy(inf1d, acc_v.at[pl.ds(f * HP, HP)])

  def outer(t, _):
    base = t * 2000
    pltpu.sync_copy(nidx.at[pl.ds(base, 2000)], ni_v)
    pltpu.sync_copy(hidx.at[pl.ds(base, 2000)], hi_v)

    def group(gidx, _):
      off = gidx * 16
      nid = ni_v[pl.ds(off, 16)]
      hid = hi_v[pl.ds(off, 16)]
      plsc.store_scatter(scr_v, [hid], iota)
      rb = plsc.load_gather(scr_v, [hid])
      dup = jnp.any(rb != iota)
      vals = []
      for f in range(FPT):
        v = plsc.load_gather(col_v, [nid + f * HP])
        a = hid + f * HP
        cur = plsc.load_gather(acc_v, [a])
        plsc.store_scatter(acc_v, [a], jnp.minimum(cur, v))
        vals.append((a, v))

      @pl.when(dup)
      def _fix():
        for f in range(FPT):
          a, v = vals[f]
          def rnd(r, _):
            cur = plsc.load_gather(acc_v, [a])
            act = cur > v
            plsc.store_scatter(acc_v, [a], jnp.minimum(cur, v), mask=act)
            return 0
          lax.fori_loop(0, 16, rnd, 0)
      return 0

    lax.fori_loop(0, 2000 // 16, group, 0, unroll=5)
    return 0

  lax.fori_loop(0, E // 2000, outer, 0)

  pltpu.sync_copy(acc_v, outT.at[w])


def _sc_scatter_min(h2, nidx1d, hidx1d, inf1d):
  return pl.kernel(
      _sc_min_body,
      out_type=jax.ShapeDtypeStruct((NW, FPT * HP), F32),
      mesh=_mesh,
      compiler_params=pltpu.CompilerParams(needs_layout_passes=False),
      scratch_types=[
          pltpu.VMEM((2000,), I32),
          pltpu.VMEM((2000,), I32),
          pltpu.VMEM((80 * D,), F32),
          pltpu.VMEM((FPT * HP,), F32),
          pltpu.VMEM((FPT * HP,), F32),
          pltpu.VMEM((H,), I32),
      ],
  )(h2, nidx1d, hidx1d, inf1d)


def kernel(x, x_e, edge_index, ln_in_g, ln_in_b, W_in, b_in, ln0_g, ln0_b,
           W_hg, b_hg, W_lin, b_lin):
  del x_e
  nidx = edge_index[0]
  hidx = edge_index[1]
  nidx2d = nidx.reshape(NW, OUTER, SJ, CHUNK)
  hidx2d = hidx.reshape(NW, OUTER, SJ, CHUNK)

  zeros2d = jnp.zeros((ZR, D), F32)
  zeros1d = jnp.zeros((CPT,), F32)
  ones1d = jnp.ones((CHUNK,), F32)
  inf1d = jnp.full((HP,), jnp.inf, F32)

  hx = _tc_front(x, ln_in_g, ln_in_b, W_in, b_in, ln0_g, ln0_b, W_hg)

  sum_e, cnt_n, cnt_h = _sc_gather_scatter_add(
      hx, nidx2d, hidx2d, zeros2d, zeros1d, ones1d, do_counts=True)
  out_e = _tc_scale(sum_e, cnt_h, b_hg, with_bias=False)

  sum_v = _sc_gather_scatter_add(
      out_e, hidx2d, nidx2d, zeros2d, zeros1d, ones1d, do_counts=False)
  h2 = _tc_scale(sum_v, cnt_n, b_hg, with_bias=True)

  aggT = _sc_scatter_min(h2.reshape(HP * D), nidx, hidx, inf1d)
  return _tc_final(aggT.reshape(D, HP), W_lin, b_lin)[:N]

# --- scband reference (transcript-rebuilt; emitter-appended) ---
"""Pipeline reference for scband-model-baseline-4449586118670 (READ-ONLY COPY).

The authoritative reference and input builder live on the scoring server;
editing this copy changes nothing except your own understanding.
"""

import jax, jax.numpy as jnp
import numpy as np

N_NODES = 10000
N_HE = 10000
E = 320000
D_IN = 128
D_HID = 128
D_OUT = 128


def setup_inputs(seed: int = 0) -> dict:
    key = jax.random.key(seed)
    ks = jax.random.split(key, 12)
    inp = {}
    inp["x"] = jax.random.normal(ks[0], (N_NODES, D_IN), dtype=jnp.float32)
    inp["x_e"] = jax.random.normal(ks[1], (N_HE, 16), dtype=jnp.float32)
    inp["edge_index"] = jax.random.randint(ks[2], (2, E), 0, N_NODES, dtype=jnp.int32)
    # learned parameters
    inp["ln_in_g"] = jnp.ones((D_IN,), dtype=jnp.float32)
    inp["ln_in_b"] = jnp.zeros((D_IN,), dtype=jnp.float32)
    s_in = 1.0 / np.sqrt(D_IN)
    inp["W_in"] = jax.random.uniform(ks[3], (D_HID, D_IN), minval=-s_in, maxval=s_in, dtype=jnp.float32)
    inp["b_in"] = jax.random.uniform(ks[4], (D_HID,), minval=-s_in, maxval=s_in, dtype=jnp.float32)
    inp["ln0_g"] = jnp.ones((D_HID,), dtype=jnp.float32)
    inp["ln0_b"] = jnp.zeros((D_HID,), dtype=jnp.float32)
    s_h = 1.0 / np.sqrt(D_HID)
    inp["W_hg"] = jax.random.uniform(ks[5], (D_HID, D_HID), minval=-s_h, maxval=s_h, dtype=jnp.float32)
    inp["b_hg"] = jnp.zeros((D_HID,), dtype=jnp.float32)
    inp["W_lin"] = jax.random.uniform(ks[6], (D_OUT, D_HID), minval=-s_h, maxval=s_h, dtype=jnp.float32)
    inp["b_lin"] = jax.random.uniform(ks[7], (D_OUT,), minval=-s_h, maxval=s_h, dtype=jnp.float32)
    return inp


def layer_norm(x, g, b, eps=1e-5):
    mu = jnp.mean(x, axis=-1, keepdims=True)
    var = jnp.mean((x - mu) ** 2, axis=-1, keepdims=True)
    return (x - mu) * jax.lax.rsqrt(var + eps) * g + b


def hypergraph_conv(x, node_idx, he_idx, W, b):
    # PyG HypergraphConv, use_attention=False, heads=1, concat=False
    x = x @ W.T  # lin (no bias)
    ones_e = jnp.ones(node_idx.shape[0], dtype=x.dtype)
    D = jax.ops.segment_sum(ones_e, node_idx, num_segments=N_NODES)
    Dinv = jnp.where(D > 0, 1.0 / D, 0.0)
    Bc = jax.ops.segment_sum(ones_e, he_idx, num_segments=N_HE)
    Binv = jnp.where(Bc > 0, 1.0 / Bc, 0.0)
    # node -> hyperedge: message = B[e] * x[v], summed at hyperedge e
    out_e = jax.ops.segment_sum(Binv[he_idx][:, None] * x[node_idx], he_idx, num_segments=N_HE)
    # hyperedge -> node: message = D[v] * out_e[e], summed at node v
    out = jax.ops.segment_sum(Dinv[node_idx][:, None] * out_e[he_idx], node_idx, num_segments=N_NODES)
    return out + b


def reference(x, x_e, edge_index, ln_in_g, ln_in_b, W_in, b_in, ln0_g, ln0_b, W_hg, b_hg, W_lin, b_lin):
    node_idx = edge_index[0]
    he_idx = edge_index[1]
    h = layer_norm(x, ln_in_g, ln_in_b)
    h = h @ W_in.T + b_in
    h = jax.nn.leaky_relu(h, negative_slope=0.01)
    # dropout: eval mode -> identity
    h = layer_norm(h, ln0_g, ln0_b)
    h = jax.nn.leaky_relu(hypergraph_conv(h, node_idx, he_idx, W_hg, b_hg), negative_slope=0.01)
    agg = jax.ops.segment_min(h[node_idx], he_idx, num_segments=N_HE)
    agg = jnp.where(jnp.isfinite(agg), agg, 0.0)  # guard empty segments
    out = agg @ W_lin.T + b_lin
    return out

if __name__ == "__main__":
    import jax
    _d = setup_inputs()
    print(jax.jit(kernel)(*tuple(_d.values())))

</pallas_src>

<mosaic_0001>
#map = affine_map<(d0, d1) -> (0)>
#map1 = affine_map<(d0, d1) -> (0, 0)>
module attributes {stable_mosaic.version = 14 : i64} {
  func.func @_sc_min_body(%arg0: i32, %arg1: i32, %arg2: memref<1310720xf32, #tpu.memory_space<hbm>>, %arg3: memref<320000xi32, #tpu.memory_space<hbm>>, %arg4: memref<320000xi32, #tpu.memory_space<hbm>>, %arg5: memref<10240xf32, #tpu.memory_space<hbm>>, %arg6: memref<32x40960xf32, #tpu.memory_space<hbm>>, %arg7: memref<2000xi32, #tpu.memory_space<vmem>>, %arg8: memref<2000xi32, #tpu.memory_space<vmem>>, %arg9: memref<10240xf32, #tpu.memory_space<vmem>>, %arg10: memref<40960xf32, #tpu.memory_space<vmem>>, %arg11: memref<40960xf32, #tpu.memory_space<vmem>>, %arg12: memref<10000xi32, #tpu.memory_space<vmem>>) attributes {dimension_semantics = [#tpu.dimension_semantics<core_parallel>, #tpu.dimension_semantics<subcore_parallel>], iteration_bounds = array<i64: 2, 16>, scalar_prefetch = 0 : i64, scratch_operands = 6 : i64, tpu.core_type = #tpu.core_type<sc_vector_subcore>, window_params = [{transform_indices = #map}, {transform_indices = #map}, {transform_indices = #map}, {transform_indices = #map}, {transform_indices = #map1}]} {
    %mul3A = arith.constant 16 : i32
    %mul3A_0 = arith.muli %arg0, %mul3A : i32
    %add3A = arith.addi %mul3A_0, %arg1 : i32
    %iota3A = tpu.iota {dimensions = array<i32: 0>} : vector<16xi32>
    %mul3A_1 = arith.constant 4 : i32
    %mul3A_2 = arith.muli %add3A, %mul3A_1 : i32
    %scan3A = arith.constant 0 : i32
    %scan3A_3 = arith.constant 0 : i32
    %scan3A_4 = arith.constant 128 : i32
    %scan3A_5 = arith.addi %scan3A_3, %scan3A_4 : i32
    %scan3A_6 = arith.constant 1 : i32
    %scan3A_7 = scf.for %scan3A_16 = %scan3A_3 to %scan3A_5 step %scan3A_6 iter_args(%scan3A_17 = %scan3A) -> (i32)  : i32 {
      %mul3A_18 = arith.constant 80 : i32
      %mul3A_19 = arith.muli %scan3A_16, %mul3A_18 : i32
      %mul3A_20 = arith.constant 128 : i32
      %mul3A_21 = arith.muli %mul3A_19, %mul3A_20 : i32
      "tpu.region"() ({
        %run_scoped3A = tpu.sem_alloc : memref<!tpu.dma_semaphore, #tpu.memory_space<semaphore_mem>>
        %dma_start3A = tpu.memref_slice %arg2[%mul3A_21] : memref<1310720xf32, #tpu.memory_space<hbm>> -> memref<10240xf32, #tpu.memory_space<hbm>>
        %dma_start3A_30 = tpu.memref_slice %arg2[%mul3A_21] : memref<1310720xf32, #tpu.memory_space<hbm>> -> memref<10240xf32, #tpu.memory_space<hbm>>
        tpu.enqueue_dma source(%dma_start3A_30 : memref<10240xf32, #tpu.memory_space<hbm>>) target(%arg9 : memref<10240xf32, #tpu.memory_space<vmem>>) target_semaphore(%run_scoped3A : memref<!tpu.dma_semaphore, #tpu.memory_space<semaphore_mem>>)
        %dma_wait3A = tpu.memref_slice %arg2[%mul3A_21] : memref<1310720xf32, #tpu.memory_space<hbm>> -> memref<10240xf32, #tpu.memory_space<hbm>>
        %dma_wait3A_31 = tpu.memref_slice %arg2[%mul3A_21] : memref<1310720xf32, #tpu.memory_space<hbm>> -> memref<10240xf32, #tpu.memory_space<hbm>>
        tpu.wait_dma2 semaphore(%run_scoped3A : memref<!tpu.dma_semaphore, #tpu.memory_space<semaphore_mem>>) src(%dma_wait3A_31 : memref<10240xf32, #tpu.memory_space<hbm>>) dst(%arg9 : memref<10240xf32, #tpu.memory_space<vmem>>)
        tpu.yield
      }) : () -> ()
      %scan3A_22 = arith.constant 0 : i32
      %scan3A_23 = arith.constant 0 : i32
      %scan3A_24 = arith.constant 5 : i32
      %scan3A_25 = arith.addi %scan3A_23, %scan3A_24 : i32
      %scan3A_26 = arith.constant 1 : i32
      %scan3A_27 = scf.for %scan3A_30 = %scan3A_23 to %scan3A_25 step %scan3A_26 iter_args(%scan3A_31 = %scan3A_22) -> (i32)  : i32 {
        %mul3A_32 = arith.constant 16 : i32
        %mul3A_33 = arith.muli %scan3A_30, %mul3A_32 : i32
        %add3A_34 = vector.broadcast %mul3A_33 : i32 to vector<16xi32>
        %add3A_35 = arith.addi %add3A_34, %iota3A : vector<16xi32>
        %mul3A_36 = arith.constant 128 : i32
        %mul3A_37 = vector.broadcast %mul3A_36 : i32 to vector<16xi32>
        %mul3A_38 = arith.muli %add3A_35, %mul3A_37 : vector<16xi32>
        %add3A_39 = vector.broadcast %mul3A_2 : i32 to vector<16xi32>
        %add3A_40 = arith.addi %mul3A_38, %add3A_39 : vector<16xi32>
        %add3A_41 = arith.constant 0 : i32
        %add3A_42 = vector.broadcast %add3A_41 : i32 to vector<16xi32>
        %add3A_43 = arith.addi %add3A_40, %add3A_42 : vector<16xi32>
        %gather3A = tpu.vector_load_idx %arg9[%add3A_43] : memref<10240xf32, #tpu.memory_space<vmem>>[vector<16xi32>], vector<16xf32>,
        %mul3A_44 = arith.constant 80 : i32
        %mul3A_45 = arith.muli %scan3A_16, %mul3A_44 : i32
        %add3A_46 = vector.broadcast %mul3A_45 : i32 to vector<16xi32>
        %add3A_47 = arith.addi %add3A_46, %add3A_35 : vector<16xi32>
        %add3A_48 = arith.constant 0 : i32
        %add3A_49 = vector.broadcast %add3A_48 : i32 to vector<16xi32>
        %add3A_50 = arith.addi %add3A_47, %add3A_49 : vector<16xi32>
        tpu.vector_store_idx %arg10[%add3A_50], %gather3A : memref<40960xf32, #tpu.memory_space<vmem>>[vector<16xi32>], vector<16xf32>,
        %add3A_51 = arith.constant 1 : i32
        %add3A_52 = vector.broadcast %add3A_51 : i32 to vector<16xi32>
        %add3A_53 = arith.addi %add3A_40, %add3A_52 : vector<16xi32>
        %gather3A_54 = tpu.vector_load_idx %arg9[%add3A_53] : memref<10240xf32, #tpu.memory_space<vmem>>[vector<16xi32>], vector<16xf32>,
        %mul3A_55 = arith.constant 80 : i32
        %mul3A_56 = arith.muli %scan3A_16, %mul3A_55 : i32
        %add3A_57 = vector.broadcast %mul3A_56 : i32 to vector<16xi32>
        %add3A_58 = arith.addi %add3A_57, %add3A_35 : vector<16xi32>
        %add3A_59 = arith.constant 10240 : i32
        %add3A_60 = vector.broadcast %add3A_59 : i32 to vector<16xi32>
        %add3A_61 = arith.addi %add3A_58, %add3A_60 : vector<16xi32>
        tpu.vector_store_idx %arg10[%add3A_61], %gather3A_54 : memref<40960xf32, #tpu.memory_space<vmem>>[vector<16xi32>], vector<16xf32>,
        %add3A_62 = arith.constant 2 : i32
        %add3A_63 = vector.broadcast %add3A_62 : i32 to vector<16xi32>
        %add3A_64 = arith.addi %add3A_40, %add3A_63 : vector<16xi32>
        %gather3A_65 = tpu.vector_load_idx %arg9[%add3A_64] : memref<10240xf32, #tpu.memory_space<vmem>>[vector<16xi32>], vector<16xf32>,
        %mul3A_66 = arith.constant 80 : i32
        %mul3A_67 = arith.muli %scan3A_16, %mul3A_66 : i32
        %add3A_68 = vector.broadcast %mul3A_67 : i32 to vector<16xi32>
        %add3A_69 = arith.addi %add3A_68, %add3A_35 : vector<16xi32>
        %add3A_70 = arith.constant 20480 : i32
        %add3A_71 = vector.broadcast %add3A_70 : i32 to vector<16xi32>
        %add3A_72 = arith.addi %add3A_69, %add3A_71 : vector<16xi32>
        tpu.vector_store_idx %arg10[%add3A_72], %gather3A_65 : memref<40960xf32, #tpu.memory_space<vmem>>[vector<16xi32>], vector<16xf32>,
        %add3A_73 = arith.constant 3 : i32
        %add3A_74 = vector.broadcast %add3A_73 : i32 to vector<16xi32>
        %add3A_75 = arith.addi %add3A_40, %add3A_74 : vector<16xi32>
        %gather3A_76 = tpu.vector_load_idx %arg9[%add3A_75] : memref<10240xf32, #tpu.memory_space<vmem>>[vector<16xi32>], vector<16xf32>,
        %mul3A_77 = arith.constant 80 : i32
        %mul3A_78 = arith.muli %scan3A_16, %mul3A_77 : i32
        %add3A_79 = vector.broadcast %mul3A_78 : i32 to vector<16xi32>
        %add3A_80 = arith.addi %add3A_79, %add3A_35 : vector<16xi32>
        %add3A_81 = arith.constant 30720 : i32
        %add3A_82 = vector.broadcast %add3A_81 : i32 to vector<16xi32>
        %add3A_83 = arith.addi %add3A_80, %add3A_82 : vector<16xi32>
        tpu.vector_store_idx %arg10[%add3A_83], %gather3A_76 : memref<40960xf32, #tpu.memory_space<vmem>>[vector<16xi32>], vector<16xf32>,
        %scan3A_84 = arith.constant 0 : i32
        scf.yield %scan3A_84 : i32
      }
      %scan3A_28 = arith.constant 5 : i32
      %scan3A_29 = arith.constant 0 : i32
      scf.yield %scan3A_29 : i32
    }
    %scan3A_8 = arith.constant 128 : i32
    "tpu.region"() ({
      %run_scoped3A = tpu.sem_alloc : memref<!tpu.dma_semaphore, #tpu.memory_space<semaphore_mem>>
      %dma_start3A = arith.constant 0 : i32
      %dma_start3A_16 = tpu.memref_slice %arg11[%dma_start3A] : memref<40960xf32, #tpu.memory_space<vmem>> -> memref<10240xf32, #tpu.memory_space<vmem>>
      %dma_start3A_17 = arith.constant 0 : i32
      %dma_start3A_18 = tpu.memref_slice %arg11[%dma_start3A_17] : memref<40960xf32, #tpu.memory_space<vmem>> -> memref<10240xf32, #tpu.memory_space<vmem>>
      tpu.enqueue_dma source(%arg5 : memref<10240xf32, #tpu.memory_space<hbm>>) target(%dma_start3A_18 : memref<10240xf32, #tpu.memory_space<vmem>>) target_semaphore(%run_scoped3A : memref<!tpu.dma_semaphore, #tpu.memory_space<semaphore_mem>>)
      %dma_wait3A = arith.constant 0 : i32
      %dma_wait3A_19 = tpu.memref_slice %arg11[%dma_wait3A] : memref<40960xf32, #tpu.memory_space<vmem>> -> memref<10240xf32, #tpu.memory_space<vmem>>
      %dma_wait3A_20 = arith.constant 0 : i32
      %dma_wait3A_21 = tpu.memref_slice %arg11[%dma_wait3A_20] : memref<40960xf32, #tpu.memory_space<vmem>> -> memref<10240xf32, #tpu.memory_space<vmem>>
      tpu.wait_dma2 semaphore(%run_scoped3A : memref<!tpu.dma_semaphore, #tpu.memory_space<semaphore_mem>>) src(%arg5 : memref<10240xf32, #tpu.memory_space<hbm>>) dst(%dma_wait3A_21 : memref<10240xf32, #tpu.memory_space<vmem>>)
      tpu.yield
    }) : () -> ()
    "tpu.region"() ({
      %run_scoped3A = tpu.sem_alloc : memref<!tpu.dma_semaphore, #tpu.memory_space<semaphore_mem>>
      %dma_start3A = arith.constant 10240 : i32
      %dma_start3A_16 = tpu.memref_slice %arg11[%dma_start3A] : memref<40960xf32, #tpu.memory_space<vmem>> -> memref<10240xf32, #tpu.memory_space<vmem>>
      %dma_start3A_17 = arith.constant 10240 : i32
      %dma_start3A_18 = tpu.memref_slice %arg11[%dma_start3A_17] : memref<40960xf32, #tpu.memory_space<vmem>> -> memref<10240xf32, #tpu.memory_space<vmem>>
      tpu.enqueue_dma source(%arg5 : memref<10240xf32, #tpu.memory_space<hbm>>) target(%dma_start3A_18 : memref<10240xf32, #tpu.memory_space<vmem>>) target_semaphore(%run_scoped3A : memref<!tpu.dma_semaphore, #tpu.memory_space<semaphore_mem>>)
      %dma_wait3A = arith.constant 10240 : i32
      %dma_wait3A_19 = tpu.memref_slice %arg11[%dma_wait3A] : memref<40960xf32, #tpu.memory_space<vmem>> -> memref<10240xf32, #tpu.memory_space<vmem>>
      %dma_wait3A_20 = arith.constant 10240 : i32
      %dma_wait3A_21 = tpu.memref_slice %arg11[%dma_wait3A_20] : memref<40960xf32, #tpu.memory_space<vmem>> -> memref<10240xf32, #tpu.memory_space<vmem>>
      tpu.wait_dma2 semaphore(%run_scoped3A : memref<!tpu.dma_semaphore, #tpu.memory_space<semaphore_mem>>) src(%arg5 : memref<10240xf32, #tpu.memory_space<hbm>>) dst(%dma_wait3A_21 : memref<10240xf32, #tpu.memory_space<vmem>>)
      tpu.yield
    }) : () -> ()
    "tpu.region"() ({
      %run_scoped3A = tpu.sem_alloc : memref<!tpu.dma_semaphore, #tpu.memory_space<semaphore_mem>>
      %dma_start3A = arith.constant 20480 : i32
      %dma_start3A_16 = tpu.memref_slice %arg11[%dma_start3A] : memref<40960xf32, #tpu.memory_space<vmem>> -> memref<10240xf32, #tpu.memory_space<vmem>>
      %dma_start3A_17 = arith.constant 20480 : i32
      %dma_start3A_18 = tpu.memref_slice %arg11[%dma_start3A_17] : memref<40960xf32, #tpu.memory_space<vmem>> -> memref<10240xf32, #tpu.memory_space<vmem>>
      tpu.enqueue_dma source(%arg5 : memref<10240xf32, #tpu.memory_space<hbm>>) target(%dma_start3A_18 : memref<10240xf32, #tpu.memory_space<vmem>>) target_semaphore(%run_scoped3A : memref<!tpu.dma_semaphore, #tpu.memory_space<semaphore_mem>>)
      %dma_wait3A = arith.constant 20480 : i32
      %dma_wait3A_19 = tpu.memref_slice %arg11[%dma_wait3A] : memref<40960xf32, #tpu.memory_space<vmem>> -> memref<10240xf32, #tpu.memory_space<vmem>>
      %dma_wait3A_20 = arith.constant 20480 : i32
      %dma_wait3A_21 = tpu.memref_slice %arg11[%dma_wait3A_20] : memref<40960xf32, #tpu.memory_space<vmem>> -> memref<10240xf32, #tpu.memory_space<vmem>>
      tpu.wait_dma2 semaphore(%run_scoped3A : memref<!tpu.dma_semaphore, #tpu.memory_space<semaphore_mem>>) src(%arg5 : memref<10240xf32, #tpu.memory_space<hbm>>) dst(%dma_wait3A_21 : memref<10240xf32, #tpu.memory_space<vmem>>)
      tpu.yield
    }) : () -> ()
    "tpu.region"() ({
      %run_scoped3A = tpu.sem_alloc : memref<!tpu.dma_semaphore, #tpu.memory_space<semaphore_mem>>
      %dma_start3A = arith.constant 30720 : i32
      %dma_start3A_16 = tpu.memref_slice %arg11[%dma_start3A] : memref<40960xf32, #tpu.memory_space<vmem>> -> memref<10240xf32, #tpu.memory_space<vmem>>
      %dma_start3A_17 = arith.constant 30720 : i32
      %dma_start3A_18 = tpu.memref_slice %arg11[%dma_start3A_17] : memref<40960xf32, #tpu.memory_space<vmem>> -> memref<10240xf32, #tpu.memory_space<vmem>>
      tpu.enqueue_dma source(%arg5 : memref<10240xf32, #tpu.memory_space<hbm>>) target(%dma_start3A_18 : memref<10240xf32, #tpu.memory_space<vmem>>) target_semaphore(%run_scoped3A : memref<!tpu.dma_semaphore, #tpu.memory_space<semaphore_mem>>)
      %dma_wait3A = arith.constant 30720 : i32
      %dma_wait3A_19 = tpu.memref_slice %arg11[%dma_wait3A] : memref<40960xf32, #tpu.memory_space<vmem>> -> memref<10240xf32, #tpu.memory_space<vmem>>
      %dma_wait3A_20 = arith.constant 30720 : i32
      %dma_wait3A_21 = tpu.memref_slice %arg11[%dma_wait3A_20] : memref<40960xf32, #tpu.memory_space<vmem>> -> memref<10240xf32, #tpu.memory_space<vmem>>
      tpu.wait_dma2 semaphore(%run_scoped3A : memref<!tpu.dma_semaphore, #tpu.memory_space<semaphore_mem>>) src(%arg5 : memref<10240xf32, #tpu.memory_space<hbm>>) dst(%dma_wait3A_21 : memref<10240xf32, #tpu.memory_space<vmem>>)
      tpu.yield
    }) : () -> ()
    %scan3A_9 = arith.constant 0 : i32
    %scan3A_10 = arith.constant 0 : i32
    %scan3A_11 = arith.constant 160 : i32
    %scan3A_12 = arith.addi %scan3A_10, %scan3A_11 : i32
    %scan3A_13 = arith.constant 1 : i32
    %scan3A_14 = scf.for %scan3A_16 = %scan3A_10 to %scan3A_12 step %scan3A_13 iter_args(%scan3A_17 = %scan3A_9) -> (i32)  : i32 {
      %mul3A_18 = arith.constant 2000 : i32
      %mul3A_19 = arith.muli %scan3A_16, %mul3A_18 : i32
      "tpu.region"() ({
        %run_scoped3A = tpu.sem_alloc : memref<!tpu.dma_semaphore, #tpu.memory_space<semaphore_mem>>
        %dma_start3A = tpu.memref_slice %arg3[%mul3A_19] : memref<320000xi32, #tpu.memory_space<hbm>> -> memref<2000xi32, #tpu.memory_space<hbm>>
        %dma_start3A_28 = tpu.memref_slice %arg3[%mul3A_19] : memref<320000xi32, #tpu.memory_space<hbm>> -> memref<2000xi32, #tpu.memory_space<hbm>>
        tpu.enqueue_dma source(%dma_start3A_28 : memref<2000xi32, #tpu.memory_space<hbm>>) target(%arg7 : memref<2000xi32, #tpu.memory_space<vmem>>) target_semaphore(%run_scoped3A : memref<!tpu.dma_semaphore, #tpu.memory_space<semaphore_mem>>)
        %dma_wait3A = tpu.memref_slice %arg3[%mul3A_19] : memref<320000xi32, #tpu.memory_space<hbm>> -> memref<2000xi32, #tpu.memory_space<hbm>>
        %dma_wait3A_29 = tpu.memref_slice %arg3[%mul3A_19] : memref<320000xi32, #tpu.memory_space<hbm>> -> memref<2000xi32, #tpu.memory_space<hbm>>
        tpu.wait_dma2 semaphore(%run_scoped3A : memref<!tpu.dma_semaphore, #tpu.memory_space<semaphore_mem>>) src(%dma_wait3A_29 : memref<2000xi32, #tpu.memory_space<hbm>>) dst(%arg7 : memref<2000xi32, #tpu.memory_space<vmem>>)
        tpu.yield
      }) : () -> ()
      "tpu.region"() ({
        %run_scoped3A = tpu.sem_alloc : memref<!tpu.dma_semaphore, #tpu.memory_space<semaphore_mem>>
        %dma_start3A = tpu.memref_slice %arg4[%mul3A_19] : memref<320000xi32, #tpu.memory_space<hbm>> -> memref<2000xi32, #tpu.memory_space<hbm>>
        %dma_start3A_28 = tpu.memref_slice %arg4[%mul3A_19] : memref<320000xi32, #tpu.memory_space<hbm>> -> memref<2000xi32, #tpu.memory_space<hbm>>
        tpu.enqueue_dma source(%dma_start3A_28 : memref<2000xi32, #tpu.memory_space<hbm>>) target(%arg8 : memref<2000xi32, #tpu.memory_space<vmem>>) target_semaphore(%run_scoped3A : memref<!tpu.dma_semaphore, #tpu.memory_space<semaphore_mem>>)
        %dma_wait3A = tpu.memref_slice %arg4[%mul3A_19] : memref<320000xi32, #tpu.memory_space<hbm>> -> memref<2000xi32, #tpu.memory_space<hbm>>
        %dma_wait3A_29 = tpu.memref_slice %arg4[%mul3A_19] : memref<320000xi32, #tpu.memory_space<hbm>> -> memref<2000xi32, #tpu.memory_space<hbm>>
        tpu.wait_dma2 semaphore(%run_scoped3A : memref<!tpu.dma_semaphore, #tpu.memory_space<semaphore_mem>>) src(%dma_wait3A_29 : memref<2000xi32, #tpu.memory_space<hbm>>) dst(%arg8 : memref<2000xi32, #tpu.memory_space<vmem>>)
        tpu.yield
      }) : () -> ()
      %scan3A_20 = arith.constant 0 : i32
      %scan3A_21 = arith.constant 0 : i32
      %scan3A_22 = arith.constant 125 : i32
      %scan3A_23 = arith.addi %scan3A_21, %scan3A_22 : i32
      %scan3A_24 = arith.constant 5 : i32
      %scan3A_25 = scf.for %scan3A_28 = %scan3A_21 to %scan3A_23 step %scan3A_24 iter_args(%scan3A_29 = %scan3A_20) -> (i32)  : i32 {
        %mul3A_30 = arith.constant 16 : i32
        %mul3A_31 = arith.muli %scan3A_28, %mul3A_30 : i32
        %get3A = arith.index_cast %mul3A_31 : i32 to index
        %get3A_32 = tpu.vector_load %arg7[%get3A] {strides = array<i32>} : memref<2000xi32, #tpu.memory_space<vmem>>, vector<16xi32>,
        %get3A_33 = arith.index_cast %mul3A_31 : i32 to index
        %get3A_34 = tpu.vector_load %arg8[%get3A_33] {strides = array<i32>} : memref<2000xi32, #tpu.memory_space<vmem>>, vector<16xi32>,
        tpu.vector_store_idx %arg12[%get3A_34], %iota3A : memref<10000xi32, #tpu.memory_space<vmem>>[vector<16xi32>], vector<16xi32>,
        %gather3A = tpu.vector_load_idx %arg12[%get3A_34] : memref<10000xi32, #tpu.memory_space<vmem>>[vector<16xi32>], vector<16xi32>,
        %ne3A = arith.cmpi ne, %gather3A, %iota3A : vector<16xi32>
        %reduce_or3A = arith.constant 1.000000e+00 : f32
        %reduce_or3A_35 = arith.constant 0.000000e+00 : f32
        %reduce_or3A_36 = vector.broadcast %reduce_or3A : f32 to vector<16xf32>
        %reduce_or3A_37 = vector.broadcast %reduce_or3A_35 : f32 to vector<16xf32>
        %reduce_or3A_38 = arith.select %ne3A, %reduce_or3A_36, %reduce_or3A_37 : vector<16xi1>, vector<16xf32>
        %reduce_or3A_39 = arith.constant true
        %reduce_or3A_40 = vector.broadcast %reduce_or3A_39 : i1 to vector<16xi1>
        %reduce_or3A_41 = tpu.scan <max>, %reduce_or3A_38 masked %reduce_or3A_40 : vector<16xf32>, vector<16xi1> -> vector<16xf32>
        %reduce_or3A_42 = vector.extract %reduce_or3A_41[15] : f32 from vector<16xf32>
        %reduce_or3A_43 = arith.constant 0.000000e+00 : f32
        %reduce_or3A_44 = arith.cmpf ogt, %reduce_or3A_42, %reduce_or3A_43 : f32
        %add3A_45 = arith.constant 0 : i32
        %add3A_46 = vector.broadcast %add3A_45 : i32 to vector<16xi32>
        %add3A_47 = arith.addi %get3A_32, %add3A_46 : vector<16xi32>
        %gather3A_48 = tpu.vector_load_idx %arg10[%add3A_47] : memref<40960xf32, #tpu.memory_space<vmem>>[vector<16xi32>], vector<16xf32>,
        %add3A_49 = arith.constant 0 : i32
        %add3A_50 = vector.broadcast %add3A_49 : i32 to vector<16xi32>
        %add3A_51 = arith.addi %get3A_34, %add3A_50 : vector<16xi32>
        %gather3A_52 = tpu.vector_load_idx %arg11[%add3A_51] : memref<40960xf32, #tpu.memory_space<vmem>>[vector<16xi32>], vector<16xf32>,
        %min3A = arith.minimumf %gather3A_52, %gather3A_48 : vector<16xf32>
        tpu.vector_store_idx %arg11[%add3A_51], %min3A : memref<40960xf32, #tpu.memory_space<vmem>>[vector<16xi32>], vector<16xf32>,
        %add3A_53 = arith.constant 10240 : i32
        %add3A_54 = vector.broadcast %add3A_53 : i32 to vector<16xi32>
        %add3A_55 = arith.addi %get3A_32, %add3A_54 : vector<16xi32>
        %gather3A_56 = tpu.vector_load_idx %arg10[%add3A_55] : memref<40960xf32, #tpu.memory_space<vmem>>[vector<16xi32>], vector<16xf32>,
        %add3A_57 = arith.constant 10240 : i32
        %add3A_58 = vector.broadcast %add3A_57 : i32 to vector<16xi32>
        %add3A_59 = arith.addi %get3A_34, %add3A_58 : vector<16xi32>
        %gather3A_60 = tpu.vector_load_idx %arg11[%add3A_59] : memref<40960xf32, #tpu.memory_space<vmem>>[vector<16xi32>], vector<16xf32>,
        %min3A_61 = arith.minimumf %gather3A_60, %gather3A_56 : vector<16xf32>
        tpu.vector_store_idx %arg11[%add3A_59], %min3A_61 : memref<40960xf32, #tpu.memory_space<vmem>>[vector<16xi32>], vector<16xf32>,
        %add3A_62 = arith.constant 20480 : i32
        %add3A_63 = vector.broadcast %add3A_62 : i32 to vector<16xi32>
        %add3A_64 = arith.addi %get3A_32, %add3A_63 : vector<16xi32>
        %gather3A_65 = tpu.vector_load_idx %arg10[%add3A_64] : memref<40960xf32, #tpu.memory_space<vmem>>[vector<16xi32>], vector<16xf32>,
        %add3A_66 = arith.constant 20480 : i32
        %add3A_67 = vector.broadcast %add3A_66 : i32 to vector<16xi32>
        %add3A_68 = arith.addi %get3A_34, %add3A_67 : vector<16xi32>
        %gather3A_69 = tpu.vector_load_idx %arg11[%add3A_68] : memref<40960xf32, #tpu.memory_space<vmem>>[vector<16xi32>], vector<16xf32>,
        %min3A_70 = arith.minimumf %gather3A_69, %gather3A_65 : vector<16xf32>
        tpu.vector_store_idx %arg11[%add3A_68], %min3A_70 : memref<40960xf32, #tpu.memory_space<vmem>>[vector<16xi32>], vector<16xf32>,
        %add3A_71 = arith.constant 30720 : i32
        %add3A_72 = vector.broadcast %add3A_71 : i32 to vector<16xi32>
        %add3A_73 = arith.addi %get3A_32, %add3A_72 : vector<16xi32>
        %gather3A_74 = tpu.vector_load_idx %arg10[%add3A_73] : memref<40960xf32, #tpu.memory_space<vmem>>[vector<16xi32>], vector<16xf32>,
        %add3A_75 = arith.constant 30720 : i32
        %add3A_76 = vector.broadcast %add3A_75 : i32 to vector<16xi32>
        %add3A_77 = arith.addi %get3A_34, %add3A_76 : vector<16xi32>
        %gather3A_78 = tpu.vector_load_idx %arg11[%add3A_77] : memref<40960xf32, #tpu.memory_space<vmem>>[vector<16xi32>], vector<16xf32>,
        %min3A_79 = arith.minimumf %gather3A_78, %gather3A_74 : vector<16xf32>
        tpu.vector_store_idx %arg11[%add3A_77], %min3A_79 : memref<40960xf32, #tpu.memory_space<vmem>>[vector<16xi32>], vector<16xf32>,
        %convert_element_type3A = arith.extui %reduce_or3A_44 : i1 to i32
        %cond3A = arith.constant 0 : i32
        %cond3A_80 = arith.cmpi ne, %convert_element_type3A, %cond3A : i32
        scf.if %cond3A_80 {
          %scan3A_326 = arith.constant 0 : i32
          %scan3A_327 = arith.constant 0 : i32
          %scan3A_328 = arith.constant 16 : i32
          %scan3A_329 = arith.addi %scan3A_327, %scan3A_328 : i32
          %scan3A_330 = arith.constant 1 : i32
          %scan3A_331 = scf.for %scan3A_354 = %scan3A_327 to %scan3A_329 step %scan3A_330 iter_args(%scan3A_355 = %scan3A_326) -> (i32)  : i32 {
            %gather3A_356 = tpu.vector_load_idx %arg11[%add3A_51] : memref<40960xf32, #tpu.memory_space<vmem>>[vector<16xi32>], vector<16xf32>,
            %gt3A = arith.cmpf ogt, %gather3A_356, %gather3A_48 : vector<16xf32>
            %min3A_357 = arith.minimumf %gather3A_356, %gather3A_48 : vector<16xf32>
            tpu.vector_store_idx %arg11[%add3A_51], %min3A_357 masked %gt3A : memref<40960xf32, #tpu.memory_space<vmem>>[vector<16xi32>], vector<16xf32>, vector<16xi1>
            %scan3A_358 = arith.constant 0 : i32
            scf.yield %scan3A_358 : i32
          }
          %scan3A_332 = arith.constant 16 : i32
          %scan3A_333 = arith.constant 0 : i32
          %scan3A_334 = arith.constant 0 : i32
          %scan3A_335 = arith.constant 16 : i32
          %scan3A_336 = arith.addi %scan3A_334, %scan3A_335 : i32
          %scan3A_337 = arith.constant 1 : i32
          %scan3A_338 = scf.for %scan3A_354 = %scan3A_334 to %scan3A_336 step %scan3A_337 iter_args(%scan3A_355 = %scan3A_333) -> (i32)  : i32 {
            %gather3A_356 = tpu.vector_load_idx %arg11[%add3A_59] : memref<40960xf32, #tpu.memory_space<vmem>>[vector<16xi32>], vector<16xf32>,
            %gt3A = arith.cmpf ogt, %gather3A_356, %gather3A_56 : vector<16xf32>
            %min3A_357 = arith.minimumf %gather3A_356, %gather3A_56 : vector<16xf32>
            tpu.vector_store_idx %arg11[%add3A_59], %min3A_357 masked %gt3A : memref<40960xf32, #tpu.memory_space<vmem>>[vector<16xi32>], vector<16xf32>, vector<16xi1>
            %scan3A_358 = arith.constant 0 : i32
            scf.yield %scan3A_358 : i32
          }
          %scan3A_339 = arith.constant 16 : i32
          %scan3A_340 = arith.constant 0 : i32
          %scan3A_341 = arith.constant 0 : i32
          %scan3A_342 = arith.constant 16 : i32
          %scan3A_343 = arith.addi %scan3A_341, %scan3A_342 : i32
          %scan3A_344 = arith.constant 1 : i32
          %scan3A_345 = scf.for %scan3A_354 = %scan3A_341 to %scan3A_343 step %scan3A_344 iter_args(%scan3A_355 = %scan3A_340) -> (i32)  : i32 {
            %gather3A_356 = tpu.vector_load_idx %arg11[%add3A_68] : memref<40960xf32, #tpu.memory_space<vmem>>[vector<16xi32>], vector<16xf32>,
            %gt3A = arith.cmpf ogt, %gather3A_356, %gather3A_65 : vector<16xf32>
            %min3A_357 = arith.minimumf %gather3A_356, %gather3A_65 : vector<16xf32>
            tpu.vector_store_idx %arg11[%add3A_68], %min3A_357 masked %gt3A : memref<40960xf32, #tpu.memory_space<vmem>>[vector<16xi32>], vector<16xf32>, vector<16xi1>
            %scan3A_358 = arith.constant 0 : i32
            scf.yield %scan3A_358 : i32
          }
          %scan3A_346 = arith.constant 16 : i32
          %scan3A_347 = arith.constant 0 : i32
          %scan3A_348 = arith.constant 0 : i32
          %scan3A_349 = arith.constant 16 : i32
          %scan3A_350 = arith.addi %scan3A_348, %scan3A_349 : i32
          %scan3A_351 = arith.constant 1 : i32
          %scan3A_352 = scf.for %scan3A_354 = %scan3A_348 to %scan3A_350 step %scan3A_351 iter_args(%scan3A_355 = %scan3A_347) -> (i32)  : i32 {
            %gather3A_356 = tpu.vector_load_idx %arg11[%add3A_77] : memref<40960xf32, #tpu.memory_space<vmem>>[vector<16xi32>], vector<16xf32>,
            %gt3A = arith.cmpf ogt, %gather3A_356, %gather3A_74 : vector<16xf32>
            %min3A_357 = arith.minimumf %gather3A_356, %gather3A_74 : vector<16xf32>
            tpu.vector_store_idx %arg11[%add3A_77], %min3A_357 masked %gt3A : memref<40960xf32, #tpu.memory_space<vmem>>[vector<16xi32>], vector<16xf32>, vector<16xi1>
            %scan3A_358 = arith.constant 0 : i32
            scf.yield %scan3A_358 : i32
          }
          %scan3A_353 = arith.constant 16 : i32
        } else {
        }
        %scan3A_81 = arith.constant 0 : i32
        %scan3A_82 = arith.constant 1 : i32
        %scan3A_83 = arith.addi %scan3A_28, %scan3A_82 : i32
        %mul3A_84 = arith.constant 16 : i32
        %mul3A_85 = arith.muli %scan3A_83, %mul3A_84 : i32
        %get3A_86 = arith.index_cast %mul3A_85 : i32 to index
        %get3A_87 = tpu.vector_load %arg7[%get3A_86] {strides = array<i32>} : memref<2000xi32, #tpu.memory_space<vmem>>, vector<16xi32>,
        %get3A_88 = arith.index_cast %mul3A_85 : i32 to index
        %get3A_89 = tpu.vector_load %arg8[%get3A_88] {strides = array<i32>} : memref<2000xi32, #tpu.memory_space<vmem>>, vector<16xi32>,
        tpu.vector_store_idx %arg12[%get3A_89], %iota3A : memref<10000xi32, #tpu.memory_space<vmem>>[vector<16xi32>], vector<16xi32>,
        %gather3A_90 = tpu.vector_load_idx %arg12[%get3A_89] : memref<10000xi32, #tpu.memory_space<vmem>>[vector<16xi32>], vector<16xi32>,
        %ne3A_91 = arith.cmpi ne, %gather3A_90, %iota3A : vector<16xi32>
        %reduce_or3A_92 = arith.constant 1.000000e+00 : f32
        %reduce_or3A_93 = arith.constant 0.000000e+00 : f32
        %reduce_or3A_94 = vector.broadcast %reduce_or3A_92 : f32 to vector<16xf32>
        %reduce_or3A_95 = vector.broadcast %reduce_or3A_93 : f32 to vector<16xf32>
        %reduce_or3A_96 = arith.select %ne3A_91, %reduce_or3A_94, %reduce_or3A_95 : vector<16xi1>, vector<16xf32>
        %reduce_or3A_97 = arith.constant true
        %reduce_or3A_98 = vector.broadcast %reduce_or3A_97 : i1 to vector<16xi1>
        %reduce_or3A_99 = tpu.scan <max>, %reduce_or3A_96 masked %reduce_or3A_98 : vector<16xf32>, vector<16xi1> -> vector<16xf32>
        %reduce_or3A_100 = vector.extract %reduce_or3A_99[15] : f32 from vector<16xf32>
        %reduce_or3A_101 = arith.constant 0.000000e+00 : f32
        %reduce_or3A_102 = arith.cmpf ogt, %reduce_or3A_100, %reduce_or3A_101 : f32
        %add3A_103 = arith.constant 0 : i32
        %add3A_104 = vector.broadcast %add3A_103 : i32 to vector<16xi32>
        %add3A_105 = arith.addi %get3A_87, %add3A_104 : vector<16xi32>
        %gather3A_106 = tpu.vector_load_idx %arg10[%add3A_105] : memref<40960xf32, #tpu.memory_space<vmem>>[vector<16xi32>], vector<16xf32>,
        %add3A_107 = arith.constant 0 : i32
        %add3A_108 = vector.broadcast %add3A_107 : i32 to vector<16xi32>
        %add3A_109 = arith.addi %get3A_89, %add3A_108 : vector<16xi32>
        %gather3A_110 = tpu.vector_load_idx %arg11[%add3A_109] : memref<40960xf32, #tpu.memory_space<vmem>>[vector<16xi32>], vector<16xf32>,
        %min3A_111 = arith.minimumf %gather3A_110, %gather3A_106 : vector<16xf32>
        tpu.vector_store_idx %arg11[%add3A_109], %min3A_111 : memref<40960xf32, #tpu.memory_space<vmem>>[vector<16xi32>], vector<16xf32>,
        %add3A_112 = arith.constant 10240 : i32
        %add3A_113 = vector.broadcast %add3A_112 : i32 to vector<16xi32>
        %add3A_114 = arith.addi %get3A_87, %add3A_113 : vector<16xi32>
        %gather3A_115 = tpu.vector_load_idx %arg10[%add3A_114] : memref<40960xf32, #tpu.memory_space<vmem>>[vector<16xi32>], vector<16xf32>,
        %add3A_116 = arith.constant 10240 : i32
        %add3A_117 = vector.broadcast %add3A_116 : i32 to vector<16xi32>
        %add3A_118 = arith.addi %get3A_89, %add3A_117 : vector<16xi32>
        %gather3A_119 = tpu.vector_load_idx %arg11[%add3A_118] : memref<40960xf32, #tpu.memory_space<vmem>>[vector<16xi32>], vector<16xf32>,
        %min3A_120 = arith.minimumf %gather3A_119, %gather3A_115 : vector<16xf32>
        tpu.vector_store_idx %arg11[%add3A_118], %min3A_120 : memref<40960xf32, #tpu.memory_space<vmem>>[vector<16xi32>], vector<16xf32>,
        %add3A_121 = arith.constant 20480 : i32
        %add3A_122 = vector.broadcast %add3A_121 : i32 to vector<16xi32>
        %add3A_123 = arith.addi %get3A_87, %add3A_122 : vector<16xi32>
        %gather3A_124 = tpu.vector_load_idx %arg10[%add3A_123] : memref<40960xf32, #tpu.memory_space<vmem>>[vector<16xi32>], vector<16xf32>,
        %add3A_125 = arith.constant 20480 : i32
        %add3A_126 = vector.broadcast %add3A_125 : i32 to vector<16xi32>
        %add3A_127 = arith.addi %get3A_89, %add3A_126 : vector<16xi32>
        %gather3A_128 = tpu.vector_load_idx %arg11[%add3A_127] : memref<40960xf32, #tpu.memory_space<vmem>>[vector<16xi32>], vector<16xf32>,
        %min3A_129 = arith.minimumf %gather3A_128, %gather3A_124 : vector<16xf32>
        tpu.vector_store_idx %arg11[%add3A_127], %min3A_129 : memref<40960xf32, #tpu.memory_space<vmem>>[vector<16xi32>], vector<16xf32>,
        %add3A_130 = arith.constant 30720 : i32
        %add3A_131 = vector.broadcast %add3A_130 : i32 to vector<16xi32>
        %add3A_132 = arith.addi %get3A_87, %add3A_131 : vector<16xi32>
        %gather3A_133 = tpu.vector_load_idx %arg10[%add3A_132] : memref<40960xf32, #tpu.memory_space<vmem>>[vector<16xi32>], vector<16xf32>,
        %add3A_134 = arith.constant 30720 : i32
        %add3A_135 = vector.broadcast %add3A_134 : i32 to vector<16xi32>
        %add3A_136 = arith.addi %get3A_89, %add3A_135 : vector<16xi32>
        %gather3A_137 = tpu.vector_load_idx %arg11[%add3A_136] : memref<40960xf32, #tpu.memory_space<vmem>>[vector<16xi32>], vector<16xf32>,
        %min3A_138 = arith.minimumf %gather3A_137, %gather3A_133 : vector<16xf32>
        tpu.vector_store_idx %arg11[%add3A_136], %min3A_138 : memref<40960xf32, #tpu.memory_space<vmem>>[vector<16xi32>], vector<16xf32>,
        %convert_element_type3A_139 = arith.extui %reduce_or3A_102 : i1 to i32
        %cond3A_140 = arith.constant 0 : i32
        %cond3A_141 = arith.cmpi ne, %convert_element_type3A_139, %cond3A_140 : i32
        scf.if %cond3A_141 {
          %scan3A_326 = arith.constant 0 : i32
          %scan3A_327 = arith.constant 0 : i32
          %scan3A_328 = arith.constant 16 : i32
          %scan3A_329 = arith.addi %scan3A_327, %scan3A_328 : i32
          %scan3A_330 = arith.constant 1 : i32
          %scan3A_331 = scf.for %scan3A_354 = %scan3A_327 to %scan3A_329 step %scan3A_330 iter_args(%scan3A_355 = %scan3A_326) -> (i32)  : i32 {
            %gather3A_356 = tpu.vector_load_idx %arg11[%add3A_109] : memref<40960xf32, #tpu.memory_space<vmem>>[vector<16xi32>], vector<16xf32>,
            %gt3A = arith.cmpf ogt, %gather3A_356, %gather3A_106 : vector<16xf32>
            %min3A_357 = arith.minimumf %gather3A_356, %gather3A_106 : vector<16xf32>
            tpu.vector_store_idx %arg11[%add3A_109], %min3A_357 masked %gt3A : memref<40960xf32, #tpu.memory_space<vmem>>[vector<16xi32>], vector<16xf32>, vector<16xi1>
            %scan3A_358 = arith.constant 0 : i32
            scf.yield %scan3A_358 : i32
          }
          %scan3A_332 = arith.constant 16 : i32
          %scan3A_333 = arith.constant 0 : i32
          %scan3A_334 = arith.constant 0 : i32
          %scan3A_335 = arith.constant 16 : i32
          %scan3A_336 = arith.addi %scan3A_334, %scan3A_335 : i32
          %scan3A_337 = arith.constant 1 : i32
          %scan3A_338 = scf.for %scan3A_354 = %scan3A_334 to %scan3A_336 step %scan3A_337 iter_args(%scan3A_355 = %scan3A_333) -> (i32)  : i32 {
            %gather3A_356 = tpu.vector_load_idx %arg11[%add3A_118] : memref<40960xf32, #tpu.memory_space<vmem>>[vector<16xi32>], vector<16xf32>,
            %gt3A = arith.cmpf ogt, %gather3A_356, %gather3A_115 : vector<16xf32>
            %min3A_357 = arith.minimumf %gather3A_356, %gather3A_115 : vector<16xf32>
            tpu.vector_store_idx %arg11[%add3A_118], %min3A_357 masked %gt3A : memref<40960xf32, #tpu.memory_space<vmem>>[vector<16xi32>], vector<16xf32>, vector<16xi1>
            %scan3A_358 = arith.constant 0 : i32
            scf.yield %scan3A_358 : i32
          }
          %scan3A_339 = arith.constant 16 : i32
          %scan3A_340 = arith.constant 0 : i32
          %scan3A_341 = arith.constant 0 : i32
          %scan3A_342 = arith.constant 16 : i32
          %scan3A_343 = arith.addi %scan3A_341, %scan3A_342 : i32
          %scan3A_344 = arith.constant 1 : i32
          %scan3A_345 = scf.for %scan3A_354 = %scan3A_341 to %scan3A_343 step %scan3A_344 iter_args(%scan3A_355 = %scan3A_340) -> (i32)  : i32 {
            %gather3A_356 = tpu.vector_load_idx %arg11[%add3A_127] : memref<40960xf32, #tpu.memory_space<vmem>>[vector<16xi32>], vector<16xf32>,
            %gt3A = arith.cmpf ogt, %gather3A_356, %gather3A_124 : vector<16xf32>
            %min3A_357 = arith.minimumf %gather3A_356, %gather3A_124 : vector<16xf32>
            tpu.vector_store_idx %arg11[%add3A_127], %min3A_357 masked %gt3A : memref<40960xf32, #tpu.memory_space<vmem>>[vector<16xi32>], vector<16xf32>, vector<16xi1>
            %scan3A_358 = arith.constant 0 : i32
            scf.yield %scan3A_358 : i32
          }
          %scan3A_346 = arith.constant 16 : i32
          %scan3A_347 = arith.constant 0 : i32
          %scan3A_348 = arith.constant 0 : i32
          %scan3A_349 = arith.constant 16 : i32
          %scan3A_350 = arith.addi %scan3A_348, %scan3A_349 : i32
          %scan3A_351 = arith.constant 1 : i32
          %scan3A_352 = scf.for %scan3A_354 = %scan3A_348 to %scan3A_350 step %scan3A_351 iter_args(%scan3A_355 = %scan3A_347) -> (i32)  : i32 {
            %gather3A_356 = tpu.vector_load_idx %arg11[%add3A_136] : memref<40960xf32, #tpu.memory_space<vmem>>[vector<16xi32>], vector<16xf32>,
            %gt3A = arith.cmpf ogt, %gather3A_356, %gather3A_133 : vector<16xf32>
            %min3A_357 = arith.minimumf %gather3A_356, %gather3A_133 : vector<16xf32>
            tpu.vector_store_idx %arg11[%add3A_136], %min3A_357 masked %gt3A : memref<40960xf32, #tpu.memory_space<vmem>>[vector<16xi32>], vector<16xf32>, vector<16xi1>
            %scan3A_358 = arith.constant 0 : i32
            scf.yield %scan3A_358 : i32
          }
          %scan3A_353 = arith.constant 16 : i32
        } else {
        }
        %scan3A_142 = arith.constant 0 : i32
        %scan3A_143 = arith.constant 2 : i32
        %scan3A_144 = arith.addi %scan3A_28, %scan3A_143 : i32
        %mul3A_145 = arith.constant 16 : i32
        %mul3A_146 = arith.muli %scan3A_144, %mul3A_145 : i32
        %get3A_147 = arith.index_cast %mul3A_146 : i32 to index
        %get3A_148 = tpu.vector_load %arg7[%get3A_147] {strides = array<i32>} : memref<2000xi32, #tpu.memory_space<vmem>>, vector<16xi32>,
        %get3A_149 = arith.index_cast %mul3A_146 : i32 to index
        %get3A_150 = tpu.vector_load %arg8[%get3A_149] {strides = array<i32>} : memref<2000xi32, #tpu.memory_space<vmem>>, vector<16xi32>,
        tpu.vector_store_idx %arg12[%get3A_150], %iota3A : memref<10000xi32, #tpu.memory_space<vmem>>[vector<16xi32>], vector<16xi32>,
        %gather3A_151 = tpu.vector_load_idx %arg12[%get3A_150] : memref<10000xi32, #tpu.memory_space<vmem>>[vector<16xi32>], vector<16xi32>,
        %ne3A_152 = arith.cmpi ne, %gather3A_151, %iota3A : vector<16xi32>
        %reduce_or3A_153 = arith.constant 1.000000e+00 : f32
        %reduce_or3A_154 = arith.constant 0.000000e+00 : f32
        %reduce_or3A_155 = vector.broadcast %reduce_or3A_153 : f32 to vector<16xf32>
        %reduce_or3A_156 = vector.broadcast %reduce_or3A_154 : f32 to vector<16xf32>
        %reduce_or3A_157 = arith.select %ne3A_152, %reduce_or3A_155, %reduce_or3A_156 : vector<16xi1>, vector<16xf32>
        %reduce_or3A_158 = arith.constant true
        %reduce_or3A_159 = vector.broadcast %reduce_or3A_158 : i1 to vector<16xi1>
        %reduce_or3A_160 = tpu.scan <max>, %reduce_or3A_157 masked %reduce_or3A_159 : vector<16xf32>, vector<16xi1> -> vector<16xf32>
        %reduce_or3A_161 = vector.extract %reduce_or3A_160[15] : f32 from vector<16xf32>
        %reduce_or3A_162 = arith.constant 0.000000e+00 : f32
        %reduce_or3A_163 = arith.cmpf ogt, %reduce_or3A_161, %reduce_or3A_162 : f32
        %add3A_164 = arith.constant 0 : i32
        %add3A_165 = vector.broadcast %add3A_164 : i32 to vector<16xi32>
        %add3A_166 = arith.addi %get3A_148, %add3A_165 : vector<16xi32>
        %gather3A_167 = tpu.vector_load_idx %arg10[%add3A_166] : memref<40960xf32, #tpu.memory_space<vmem>>[vector<16xi32>], vector<16xf32>,
        %add3A_168 = arith.constant 0 : i32
        %add3A_169 = vector.broadcast %add3A_168 : i32 to vector<16xi32>
        %add3A_170 = arith.addi %get3A_150, %add3A_169 : vector<16xi32>
        %gather3A_171 = tpu.vector_load_idx %arg11[%add3A_170] : memref<40960xf32, #tpu.memory_space<vmem>>[vector<16xi32>], vector<16xf32>,
        %min3A_172 = arith.minimumf %gather3A_171, %gather3A_167 : vector<16xf32>
        tpu.vector_store_idx %arg11[%add3A_170], %min3A_172 : memref<40960xf32, #tpu.memory_space<vmem>>[vector<16xi32>], vector<16xf32>,
        %add3A_173 = arith.constant 10240 : i32
        %add3A_174 = vector.broadcast %add3A_173 : i32 to vector<16xi32>
        %add3A_175 = arith.addi %get3A_148, %add3A_174 : vector<16xi32>
        %gather3A_176 = tpu.vector_load_idx %arg10[%add3A_175] : memref<40960xf32, #tpu.memory_space<vmem>>[vector<16xi32>], vector<16xf32>,
        %add3A_177 = arith.constant 10240 : i32
        %add3A_178 = vector.broadcast %add3A_177 : i32 to vector<16xi32>
        %add3A_179 = arith.addi %get3A_150, %add3A_178 : vector<16xi32>
        %gather3A_180 = tpu.vector_load_idx %arg11[%add3A_179] : memref<40960xf32, #tpu.memory_space<vmem>>[vector<16xi32>], vector<16xf32>,
        %min3A_181 = arith.minimumf %gather3A_180, %gather3A_176 : vector<16xf32>
        tpu.vector_store_idx %arg11[%add3A_179], %min3A_181 : memref<40960xf32, #tpu.memory_space<vmem>>[vector<16xi32>], vector<16xf32>,
        %add3A_182 = arith.constant 20480 : i32
        %add3A_183 = vector.broadcast %add3A_182 : i32 to vector<16xi32>
        %add3A_184 = arith.addi %get3A_148, %add3A_183 : vector<16xi32>
        %gather3A_185 = tpu.vector_load_idx %arg10[%add3A_184] : memref<40960xf32, #tpu.memory_space<vmem>>[vector<16xi32>], vector<16xf32>,
        %add3A_186 = arith.constant 20480 : i32
        %add3A_187 = vector.broadcast %add3A_186 : i32 to vector<16xi32>
        %add3A_188 = arith.addi %get3A_150, %add3A_187 : vector<16xi32>
        %gather3A_189 = tpu.vector_load_idx %arg11[%add3A_188] : memref<40960xf32, #tpu.memory_space<vmem>>[vector<16xi32>], vector<16xf32>,
        %min3A_190 = arith.minimumf %gather3A_189, %gather3A_185 : vector<16xf32>
        tpu.vector_store_idx %arg11[%add3A_188], %min3A_190 : memref<40960xf32, #tpu.memory_space<vmem>>[vector<16xi32>], vector<16xf32>,
        %add3A_191 = arith.constant 30720 : i32
        %add3A_192 = vector.broadcast %add3A_191 : i32 to vector<16xi32>
        %add3A_193 = arith.addi %get3A_148, %add3A_192 : vector<16xi32>
        %gather3A_194 = tpu.vector_load_idx %arg10[%add3A_193] : memref<40960xf32, #tpu.memory_space<vmem>>[vector<16xi32>], vector<16xf32>,
        %add3A_195 = arith.constant 30720 : i32
        %add3A_196 = vector.broadcast %add3A_195 : i32 to vector<16xi32>
        %add3A_197 = arith.addi %get3A_150, %add3A_196 : vector<16xi32>
        %gather3A_198 = tpu.vector_load_idx %arg11[%add3A_197] : memref<40960xf32, #tpu.memory_space<vmem>>[vector<16xi32>], vector<16xf32>,
        %min3A_199 = arith.minimumf %gather3A_198, %gather3A_194 : vector<16xf32>
        tpu.vector_store_idx %arg11[%add3A_197], %min3A_199 : memref<40960xf32, #tpu.memory_space<vmem>>[vector<16xi32>], vector<16xf32>,
        %convert_element_type3A_200 = arith.extui %reduce_or3A_163 : i1 to i32
        %cond3A_201 = arith.constant 0 : i32
        %cond3A_202 = arith.cmpi ne, %convert_element_type3A_200, %cond3A_201 : i32
        scf.if %cond3A_202 {
          %scan3A_326 = arith.constant 0 : i32
          %scan3A_327 = arith.constant 0 : i32
          %scan3A_328 = arith.constant 16 : i32
          %scan3A_329 = arith.addi %scan3A_327, %scan3A_328 : i32
          %scan3A_330 = arith.constant 1 : i32
          %scan3A_331 = scf.for %scan3A_354 = %scan3A_327 to %scan3A_329 step %scan3A_330 iter_args(%scan3A_355 = %scan3A_326) -> (i32)  : i32 {
            %gather3A_356 = tpu.vector_load_idx %arg11[%add3A_170] : memref<40960xf32, #tpu.memory_space<vmem>>[vector<16xi32>], vector<16xf32>,
            %gt3A = arith.cmpf ogt, %gather3A_356, %gather3A_167 : vector<16xf32>
            %min3A_357 = arith.minimumf %gather3A_356, %gather3A_167 : vector<16xf32>
            tpu.vector_store_idx %arg11[%add3A_170], %min3A_357 masked %gt3A : memref<40960xf32, #tpu.memory_space<vmem>>[vector<16xi32>], vector<16xf32>, vector<16xi1>
            %scan3A_358 = arith.constant 0 : i32
            scf.yield %scan3A_358 : i32
          }
          %scan3A_332 = arith.constant 16 : i32
          %scan3A_333 = arith.constant 0 : i32
          %scan3A_334 = arith.constant 0 : i32
          %scan3A_335 = arith.constant 16 : i32
          %scan3A_336 = arith.addi %scan3A_334, %scan3A_335 : i32
          %scan3A_337 = arith.constant 1 : i32
          %scan3A_338 = scf.for %scan3A_354 = %scan3A_334 to %scan3A_336 step %scan3A_337 iter_args(%scan3A_355 = %scan3A_333) -> (i32)  : i32 {
            %gather3A_356 = tpu.vector_load_idx %arg11[%add3A_179] : memref<40960xf32, #tpu.memory_space<vmem>>[vector<16xi32>], vector<16xf32>,
            %gt3A = arith.cmpf ogt, %gather3A_356, %gather3A_176 : vector<16xf32>
            %min3A_357 = arith.minimumf %gather3A_356, %gather3A_176 : vector<16xf32>
            tpu.vector_store_idx %arg11[%add3A_179], %min3A_357 masked %gt3A : memref<40960xf32, #tpu.memory_space<vmem>>[vector<16xi32>], vector<16xf32>, vector<16xi1>
            %scan3A_358 = arith.constant 0 : i32
            scf.yield %scan3A_358 : i32
          }
          %scan3A_339 = arith.constant 16 : i32
          %scan3A_340 = arith.constant 0 : i32
          %scan3A_341 = arith.constant 0 : i32
          %scan3A_342 = arith.constant 16 : i32
          %scan3A_343 = arith.addi %scan3A_341, %scan3A_342 : i32
          %scan3A_344 = arith.constant 1 : i32
          %scan3A_345 = scf.for %scan3A_354 = %scan3A_341 to %scan3A_343 step %scan3A_344 iter_args(%scan3A_355 = %scan3A_340) -> (i32)  : i32 {
            %gather3A_356 = tpu.vector_load_idx %arg11[%add3A_188] : memref<40960xf32, #tpu.memory_space<vmem>>[vector<16xi32>], vector<16xf32>,
            %gt3A = arith.cmpf ogt, %gather3A_356, %gather3A_185 : vector<16xf32>
            %min3A_357 = arith.minimumf %gather3A_356, %gather3A_185 : vector<16xf32>
            tpu.vector_store_idx %arg11[%add3A_188], %min3A_357 masked %gt3A : memref<40960xf32, #tpu.memory_space<vmem>>[vector<16xi32>], vector<16xf32>, vector<16xi1>
            %scan3A_358 = arith.constant 0 : i32
            scf.yield %scan3A_358 : i32
          }
          %scan3A_346 = arith.constant 16 : i32
          %scan3A_347 = arith.constant 0 : i32
          %scan3A_348 = arith.constant 0 : i32
          %scan3A_349 = arith.constant 16 : i32
          %scan3A_350 = arith.addi %scan3A_348, %scan3A_349 : i32
          %scan3A_351 = arith.constant 1 : i32
          %scan3A_352 = scf.for %scan3A_354 = %scan3A_348 to %scan3A_350 step %scan3A_351 iter_args(%scan3A_355 = %scan3A_347) -> (i32)  : i32 {
            %gather3A_356 = tpu.vector_load_idx %arg11[%add3A_197] : memref<40960xf32, #tpu.memory_space<vmem>>[vector<16xi32>], vector<16xf32>,
            %gt3A = arith.cmpf ogt, %gather3A_356, %gather3A_194 : vector<16xf32>
            %min3A_357 = arith.minimumf %gather3A_356, %gather3A_194 : vector<16xf32>
            tpu.vector_store_idx %arg11[%add3A_197], %min3A_357 masked %gt3A : memref<40960xf32, #tpu.memory_space<vmem>>[vector<16xi32>], vector<16xf32>, vector<16xi1>
            %scan3A_358 = arith.constant 0 : i32
            scf.yield %scan3A_358 : i32
          }
          %scan3A_353 = arith.constant 16 : i32
        } else {
        }
        %scan3A_203 = arith.constant 0 : i32
        %scan3A_204 = arith.constant 3 : i32
        %scan3A_205 = arith.addi %scan3A_28, %scan3A_204 : i32
        %mul3A_206 = arith.constant 16 : i32
        %mul3A_207 = arith.muli %scan3A_205, %mul3A_206 : i32
        %get3A_208 = arith.index_cast %mul3A_207 : i32 to index
        %get3A_209 = tpu.vector_load %arg7[%get3A_208] {strides = array<i32>} : memref<2000xi32, #tpu.memory_space<vmem>>, vector<16xi32>,
        %get3A_210 = arith.index_cast %mul3A_207 : i32 to index
        %get3A_211 = tpu.vector_load %arg8[%get3A_210] {strides = array<i32>} : memref<2000xi32, #tpu.memory_space<vmem>>, vector<16xi32>,
        tpu.vector_store_idx %arg12[%get3A_211], %iota3A : memref<10000xi32, #tpu.memory_space<vmem>>[vector<16xi32>], vector<16xi32>,
        %gather3A_212 = tpu.vector_load_idx %arg12[%get3A_211] : memref<10000xi32, #tpu.memory_space<vmem>>[vector<16xi32>], vector<16xi32>,
        %ne3A_213 = arith.cmpi ne, %gather3A_212, %iota3A : vector<16xi32>
        %reduce_or3A_214 = arith.constant 1.000000e+00 : f32
        %reduce_or3A_215 = arith.constant 0.000000e+00 : f32
        %reduce_or3A_216 = vector.broadcast %reduce_or3A_214 : f32 to vector<16xf32>
        %reduce_or3A_217 = vector.broadcast %reduce_or3A_215 : f32 to vector<16xf32>
        %reduce_or3A_218 = arith.select %ne3A_213, %reduce_or3A_216, %reduce_or3A_217 : vector<16xi1>, vector<16xf32>
        %reduce_or3A_219 = arith.constant true
        %reduce_or3A_220 = vector.broadcast %reduce_or3A_219 : i1 to vector<16xi1>
        %reduce_or3A_221 = tpu.scan <max>, %reduce_or3A_218 masked %reduce_or3A_220 : vector<16xf32>, vector<16xi1> -> vector<16xf32>
        %reduce_or3A_222 = vector.extract %reduce_or3A_221[15] : f32 from vector<16xf32>
        %reduce_or3A_223 = arith.constant 0.000000e+00 : f32
        %reduce_or3A_224 = arith.cmpf ogt, %reduce_or3A_222, %reduce_or3A_223 : f32
        %add3A_225 = arith.constant 0 : i32
        %add3A_226 = vector.broadcast %add3A_225 : i32 to vector<16xi32>
        %add3A_227 = arith.addi %get3A_209, %add3A_226 : vector<16xi32>
        %gather3A_228 = tpu.vector_load_idx %arg10[%add3A_227] : memref<40960xf32, #tpu.memory_space<vmem>>[vector<16xi32>], vector<16xf32>,
        %add3A_229 = arith.constant 0 : i32
        %add3A_230 = vector.broadcast %add3A_229 : i32 to vector<16xi32>
        %add3A_231 = arith.addi %get3A_211, %add3A_230 : vector<16xi32>
        %gather3A_232 = tpu.vector_load_idx %arg11[%add3A_231] : memref<40960xf32, #tpu.memory_space<vmem>>[vector<16xi32>], vector<16xf32>,
        %min3A_233 = arith.minimumf %gather3A_232, %gather3A_228 : vector<16xf32>
        tpu.vector_store_idx %arg11[%add3A_231], %min3A_233 : memref<40960xf32, #tpu.memory_space<vmem>>[vector<16xi32>], vector<16xf32>,
        %add3A_234 = arith.constant 10240 : i32
        %add3A_235 = vector.broadcast %add3A_234 : i32 to vector<16xi32>
        %add3A_236 = arith.addi %get3A_209, %add3A_235 : vector<16xi32>
        %gather3A_237 = tpu.vector_load_idx %arg10[%add3A_236] : memref<40960xf32, #tpu.memory_space<vmem>>[vector<16xi32>], vector<16xf32>,
        %add3A_238 = arith.constant 10240 : i32
        %add3A_239 = vector.broadcast %add3A_238 : i32 to vector<16xi32>
        %add3A_240 = arith.addi %get3A_211, %add3A_239 : vector<16xi32>
        %gather3A_241 = tpu.vector_load_idx %arg11[%add3A_240] : memref<40960xf32, #tpu.memory_space<vmem>>[vector<16xi32>], vector<16xf32>,
        %min3A_242 = arith.minimumf %gather3A_241, %gather3A_237 : vector<16xf32>
        tpu.vector_store_idx %arg11[%add3A_240], %min3A_242 : memref<40960xf32, #tpu.memory_space<vmem>>[vector<16xi32>], vector<16xf32>,
        %add3A_243 = arith.constant 20480 : i32
        %add3A_244 = vector.broadcast %add3A_243 : i32 to vector<16xi32>
        %add3A_245 = arith.addi %get3A_209, %add3A_244 : vector<16xi32>
        %gather3A_246 = tpu.vector_load_idx %arg10[%add3A_245] : memref<40960xf32, #tpu.memory_space<vmem>>[vector<16xi32>], vector<16xf32>,
        %add3A_247 = arith.constant 20480 : i32
        %add3A_248 = vector.broadcast %add3A_247 : i32 to vector<16xi32>
        %add3A_249 = arith.addi %get3A_211, %add3A_248 : vector<16xi32>
        %gather3A_250 = tpu.vector_load_idx %arg11[%add3A_249] : memref<40960xf32, #tpu.memory_space<vmem>>[vector<16xi32>], vector<16xf32>,
        %min3A_251 = arith.minimumf %gather3A_250, %gather3A_246 : vector<16xf32>
        tpu.vector_store_idx %arg11[%add3A_249], %min3A_251 : memref<40960xf32, #tpu.memory_space<vmem>>[vector<16xi32>], vector<16xf32>,
        %add3A_252 = arith.constant 30720 : i32
        %add3A_253 = vector.broadcast %add3A_252 : i32 to vector<16xi32>
        %add3A_254 = arith.addi %get3A_209, %add3A_253 : vector<16xi32>
        %gather3A_255 = tpu.vector_load_idx %arg10[%add3A_254] : memref<40960xf32, #tpu.memory_space<vmem>>[vector<16xi32>], vector<16xf32>,
        %add3A_256 = arith.constant 30720 : i32
        %add3A_257 = vector.broadcast %add3A_256 : i32 to vector<16xi32>
        %add3A_258 = arith.addi %get3A_211, %add3A_257 : vector<16xi32>
        %gather3A_259 = tpu.vector_load_idx %arg11[%add3A_258] : memref<40960xf32, #tpu.memory_space<vmem>>[vector<16xi32>], vector<16xf32>,
        %min3A_260 = arith.minimumf %gather3A_259, %gather3A_255 : vector<16xf32>
        tpu.vector_store_idx %arg11[%add3A_258], %min3A_260 : memref<40960xf32, #tpu.memory_space<vmem>>[vector<16xi32>], vector<16xf32>,
        %convert_element_type3A_261 = arith.extui %reduce_or3A_224 : i1 to i32
        %cond3A_262 = arith.constant 0 : i32
        %cond3A_263 = arith.cmpi ne, %convert_element_type3A_261, %cond3A_262 : i32
        scf.if %cond3A_263 {
          %scan3A_326 = arith.constant 0 : i32
          %scan3A_327 = arith.constant 0 : i32
          %scan3A_328 = arith.constant 16 : i32
          %scan3A_329 = arith.addi %scan3A_327, %scan3A_328 : i32
          %scan3A_330 = arith.constant 1 : i32
          %scan3A_331 = scf.for %scan3A_354 = %scan3A_327 to %scan3A_329 step %scan3A_330 iter_args(%scan3A_355 = %scan3A_326) -> (i32)  : i32 {
            %gather3A_356 = tpu.vector_load_idx %arg11[%add3A_231] : memref<40960xf32, #tpu.memory_space<vmem>>[vector<16xi32>], vector<16xf32>,
            %gt3A = arith.cmpf ogt, %gather3A_356, %gather3A_228 : vector<16xf32>
            %min3A_357 = arith.minimumf %gather3A_356, %gather3A_228 : vector<16xf32>
            tpu.vector_store_idx %arg11[%add3A_231], %min3A_357 masked %gt3A : memref<40960xf32, #tpu.memory_space<vmem>>[vector<16xi32>], vector<16xf32>, vector<16xi1>
            %scan3A_358 = arith.constant 0 : i32
            scf.yield %scan3A_358 : i32
          }
          %scan3A_332 = arith.constant 16 : i32
          %scan3A_333 = arith.constant 0 : i32
          %scan3A_334 = arith.constant 0 : i32
          %scan3A_335 = arith.constant 16 : i32
          %scan3A_336 = arith.addi %scan3A_334, %scan3A_335 : i32
          %scan3A_337 = arith.constant 1 : i32
          %scan3A_338 = scf.for %scan3A_354 = %scan3A_334 to %scan3A_336 step %scan3A_337 iter_args(%scan3A_355 = %scan3A_333) -> (i32)  : i32 {
            %gather3A_356 = tpu.vector_load_idx %arg11[%add3A_240] : memref<40960xf32, #tpu.memory_space<vmem>>[vector<16xi32>], vector<16xf32>,
            %gt3A = arith.cmpf ogt, %gather3A_356, %gather3A_237 : vector<16xf32>
            %min3A_357 = arith.minimumf %gather3A_356, %gather3A_237 : vector<16xf32>
            tpu.vector_store_idx %arg11[%add3A_240], %min3A_357 masked %gt3A : memref<40960xf32, #tpu.memory_space<vmem>>[vector<16xi32>], vector<16xf32>, vector<16xi1>
            %scan3A_358 = arith.constant 0 : i32
            scf.yield %scan3A_358 : i32
          }
          %scan3A_339 = arith.constant 16 : i32
          %scan3A_340 = arith.constant 0 : i32
          %scan3A_341 = arith.constant 0 : i32
          %scan3A_342 = arith.constant 16 : i32
          %scan3A_343 = arith.addi %scan3A_341, %scan3A_342 : i32
          %scan3A_344 = arith.constant 1 : i32
          %scan3A_345 = scf.for %scan3A_354 = %scan3A_341 to %scan3A_343 step %scan3A_344 iter_args(%scan3A_355 = %scan3A_340) -> (i32)  : i32 {
            %gather3A_356 = tpu.vector_load_idx %arg11[%add3A_249] : memref<40960xf32, #tpu.memory_space<vmem>>[vector<16xi32>], vector<16xf32>,
            %gt3A = arith.cmpf ogt, %gather3A_356, %gather3A_246 : vector<16xf32>
            %min3A_357 = arith.minimumf %gather3A_356, %gather3A_246 : vector<16xf32>
            tpu.vector_store_idx %arg11[%add3A_249], %min3A_357 masked %gt3A : memref<40960xf32, #tpu.memory_space<vmem>>[vector<16xi32>], vector<16xf32>, vector<16xi1>
            %scan3A_358 = arith.constant 0 : i32
            scf.yield %scan3A_358 : i32
          }
          %scan3A_346 = arith.constant 16 : i32
          %scan3A_347 = arith.constant 0 : i32
          %scan3A_348 = arith.constant 0 : i32
          %scan3A_349 = arith.constant 16 : i32
          %scan3A_350 = arith.addi %scan3A_348, %scan3A_349 : i32
          %scan3A_351 = arith.constant 1 : i32
          %scan3A_352 = scf.for %scan3A_354 = %scan3A_348 to %scan3A_350 step %scan3A_351 iter_args(%scan3A_355 = %scan3A_347) -> (i32)  : i32 {
            %gather3A_356 = tpu.vector_load_idx %arg11[%add3A_258] : memref<40960xf32, #tpu.memory_space<vmem>>[vector<16xi32>], vector<16xf32>,
            %gt3A = arith.cmpf ogt, %gather3A_356, %gather3A_255 : vector<16xf32>
            %min3A_357 = arith.minimumf %gather3A_356, %gather3A_255 : vector<16xf32>
            tpu.vector_store_idx %arg11[%add3A_258], %min3A_357 masked %gt3A : memref<40960xf32, #tpu.memory_space<vmem>>[vector<16xi32>], vector<16xf32>, vector<16xi1>
            %scan3A_358 = arith.constant 0 : i32
            scf.yield %scan3A_358 : i32
          }
          %scan3A_353 = arith.constant 16 : i32
        } else {
        }
        %scan3A_264 = arith.constant 0 : i32
        %scan3A_265 = arith.constant 4 : i32
        %scan3A_266 = arith.addi %scan3A_28, %scan3A_265 : i32
        %mul3A_267 = arith.constant 16 : i32
        %mul3A_268 = arith.muli %scan3A_266, %mul3A_267 : i32
        %get3A_269 = arith.index_cast %mul3A_268 : i32 to index
        %get3A_270 = tpu.vector_load %arg7[%get3A_269] {strides = array<i32>} : memref<2000xi32, #tpu.memory_space<vmem>>, vector<16xi32>,
        %get3A_271 = arith.index_cast %mul3A_268 : i32 to index
        %get3A_272 = tpu.vector_load %arg8[%get3A_271] {strides = array<i32>} : memref<2000xi32, #tpu.memory_space<vmem>>, vector<16xi32>,
        tpu.vector_store_idx %arg12[%get3A_272], %iota3A : memref<10000xi32, #tpu.memory_space<vmem>>[vector<16xi32>], vector<16xi32>,
        %gather3A_273 = tpu.vector_load_idx %arg12[%get3A_272] : memref<10000xi32, #tpu.memory_space<vmem>>[vector<16xi32>], vector<16xi32>,
        %ne3A_274 = arith.cmpi ne, %gather3A_273, %iota3A : vector<16xi32>
        %reduce_or3A_275 = arith.constant 1.000000e+00 : f32
        %reduce_or3A_276 = arith.constant 0.000000e+00 : f32
        %reduce_or3A_277 = vector.broadcast %reduce_or3A_275 : f32 to vector<16xf32>
        %reduce_or3A_278 = vector.broadcast %reduce_or3A_276 : f32 to vector<16xf32>
        %reduce_or3A_279 = arith.select %ne3A_274, %reduce_or3A_277, %reduce_or3A_278 : vector<16xi1>, vector<16xf32>
        %reduce_or3A_280 = arith.constant true
        %reduce_or3A_281 = vector.broadcast %reduce_or3A_280 : i1 to vector<16xi1>
        %reduce_or3A_282 = tpu.scan <max>, %reduce_or3A_279 masked %reduce_or3A_281 : vector<16xf32>, vector<16xi1> -> vector<16xf32>
        %reduce_or3A_283 = vector.extract %reduce_or3A_282[15] : f32 from vector<16xf32>
        %reduce_or3A_284 = arith.constant 0.000000e+00 : f32
        %reduce_or3A_285 = arith.cmpf ogt, %reduce_or3A_283, %reduce_or3A_284 : f32
        %add3A_286 = arith.constant 0 : i32
        %add3A_287 = vector.broadcast %add3A_286 : i32 to vector<16xi32>
        %add3A_288 = arith.addi %get3A_270, %add3A_287 : vector<16xi32>
        %gather3A_289 = tpu.vector_load_idx %arg10[%add3A_288] : memref<40960xf32, #tpu.memory_space<vmem>>[vector<16xi32>], vector<16xf32>,
        %add3A_290 = arith.constant 0 : i32
        %add3A_291 = vector.broadcast %add3A_290 : i32 to vector<16xi32>
        %add3A_292 = arith.addi %get3A_272, %add3A_291 : vector<16xi32>
        %gather3A_293 = tpu.vector_load_idx %arg11[%add3A_292] : memref<40960xf32, #tpu.memory_space<vmem>>[vector<16xi32>], vector<16xf32>,
        %min3A_294 = arith.minimumf %gather3A_293, %gather3A_289 : vector<16xf32>
        tpu.vector_store_idx %arg11[%add3A_292], %min3A_294 : memref<40960xf32, #tpu.memory_space<vmem>>[vector<16xi32>], vector<16xf32>,
        %add3A_295 = arith.constant 10240 : i32
        %add3A_296 = vector.broadcast %add3A_295 : i32 to vector<16xi32>
        %add3A_297 = arith.addi %get3A_270, %add3A_296 : vector<16xi32>
        %gather3A_298 = tpu.vector_load_idx %arg10[%add3A_297] : memref<40960xf32, #tpu.memory_space<vmem>>[vector<16xi32>], vector<16xf32>,
        %add3A_299 = arith.constant 10240 : i32
        %add3A_300 = vector.broadcast %add3A_299 : i32 to vector<16xi32>
        %add3A_301 = arith.addi %get3A_272, %add3A_300 : vector<16xi32>
        %gather3A_302 = tpu.vector_load_idx %arg11[%add3A_301] : memref<40960xf32, #tpu.memory_space<vmem>>[vector<16xi32>], vector<16xf32>,
        %min3A_303 = arith.minimumf %gather3A_302, %gather3A_298 : vector<16xf32>
        tpu.vector_store_idx %arg11[%add3A_301], %min3A_303 : memref<40960xf32, #tpu.memory_space<vmem>>[vector<16xi32>], vector<16xf32>,
        %add3A_304 = arith.constant 20480 : i32
        %add3A_305 = vector.broadcast %add3A_304 : i32 to vector<16xi32>
        %add3A_306 = arith.addi %get3A_270, %add3A_305 : vector<16xi32>
        %gather3A_307 = tpu.vector_load_idx %arg10[%add3A_306] : memref<40960xf32, #tpu.memory_space<vmem>>[vector<16xi32>], vector<16xf32>,
        %add3A_308 = arith.constant 20480 : i32
        %add3A_309 = vector.broadcast %add3A_308 : i32 to vector<16xi32>
        %add3A_310 = arith.addi %get3A_272, %add3A_309 : vector<16xi32>
        %gather3A_311 = tpu.vector_load_idx %arg11[%add3A_310] : memref<40960xf32, #tpu.memory_space<vmem>>[vector<16xi32>], vector<16xf32>,
        %min3A_312 = arith.minimumf %gather3A_311, %gather3A_307 : vector<16xf32>
        tpu.vector_store_idx %arg11[%add3A_310], %min3A_312 : memref<40960xf32, #tpu.memory_space<vmem>>[vector<16xi32>], vector<16xf32>,
        %add3A_313 = arith.constant 30720 : i32
        %add3A_314 = vector.broadcast %add3A_313 : i32 to vector<16xi32>
        %add3A_315 = arith.addi %get3A_270, %add3A_314 : vector<16xi32>
        %gather3A_316 = tpu.vector_load_idx %arg10[%add3A_315] : memref<40960xf32, #tpu.memory_space<vmem>>[vector<16xi32>], vector<16xf32>,
        %add3A_317 = arith.constant 30720 : i32
        %add3A_318 = vector.broadcast %add3A_317 : i32 to vector<16xi32>
        %add3A_319 = arith.addi %get3A_272, %add3A_318 : vector<16xi32>
        %gather3A_320 = tpu.vector_load_idx %arg11[%add3A_319] : memref<40960xf32, #tpu.memory_space<vmem>>[vector<16xi32>], vector<16xf32>,
        %min3A_321 = arith.minimumf %gather3A_320, %gather3A_316 : vector<16xf32>
        tpu.vector_store_idx %arg11[%add3A_319], %min3A_321 : memref<40960xf32, #tpu.memory_space<vmem>>[vector<16xi32>], vector<16xf32>,
        %convert_element_type3A_322 = arith.extui %reduce_or3A_285 : i1 to i32
        %cond3A_323 = arith.constant 0 : i32
        %cond3A_324 = arith.cmpi ne, %convert_element_type3A_322, %cond3A_323 : i32
        scf.if %cond3A_324 {
          %scan3A_326 = arith.constant 0 : i32
          %scan3A_327 = arith.constant 0 : i32
          %scan3A_328 = arith.constant 16 : i32
          %scan3A_329 = arith.addi %scan3A_327, %scan3A_328 : i32
          %scan3A_330 = arith.constant 1 : i32
          %scan3A_331 = scf.for %scan3A_354 = %scan3A_327 to %scan3A_329 step %scan3A_330 iter_args(%scan3A_355 = %scan3A_326) -> (i32)  : i32 {
            %gather3A_356 = tpu.vector_load_idx %arg11[%add3A_292] : memref<40960xf32, #tpu.memory_space<vmem>>[vector<16xi32>], vector<16xf32>,
            %gt3A = arith.cmpf ogt, %gather3A_356, %gather3A_289 : vector<16xf32>
            %min3A_357 = arith.minimumf %gather3A_356, %gather3A_289 : vector<16xf32>
            tpu.vector_store_idx %arg11[%add3A_292], %min3A_357 masked %gt3A : memref<40960xf32, #tpu.memory_space<vmem>>[vector<16xi32>], vector<16xf32>, vector<16xi1>
            %scan3A_358 = arith.constant 0 : i32
            scf.yield %scan3A_358 : i32
          }
          %scan3A_332 = arith.constant 16 : i32
          %scan3A_333 = arith.constant 0 : i32
          %scan3A_334 = arith.constant 0 : i32
          %scan3A_335 = arith.constant 16 : i32
          %scan3A_336 = arith.addi %scan3A_334, %scan3A_335 : i32
          %scan3A_337 = arith.constant 1 : i32
          %scan3A_338 = scf.for %scan3A_354 = %scan3A_334 to %scan3A_336 step %scan3A_337 iter_args(%scan3A_355 = %scan3A_333) -> (i32)  : i32 {
            %gather3A_356 = tpu.vector_load_idx %arg11[%add3A_301] : memref<40960xf32, #tpu.memory_space<vmem>>[vector<16xi32>], vector<16xf32>,
            %gt3A = arith.cmpf ogt, %gather3A_356, %gather3A_298 : vector<16xf32>
            %min3A_357 = arith.minimumf %gather3A_356, %gather3A_298 : vector<16xf32>
            tpu.vector_store_idx %arg11[%add3A_301], %min3A_357 masked %gt3A : memref<40960xf32, #tpu.memory_space<vmem>>[vector<16xi32>], vector<16xf32>, vector<16xi1>
            %scan3A_358 = arith.constant 0 : i32
            scf.yield %scan3A_358 : i32
          }
          %scan3A_339 = arith.constant 16 : i32
          %scan3A_340 = arith.constant 0 : i32
          %scan3A_341 = arith.constant 0 : i32
          %scan3A_342 = arith.constant 16 : i32
          %scan3A_343 = arith.addi %scan3A_341, %scan3A_342 : i32
          %scan3A_344 = arith.constant 1 : i32
          %scan3A_345 = scf.for %scan3A_354 = %scan3A_341 to %scan3A_343 step %scan3A_344 iter_args(%scan3A_355 = %scan3A_340) -> (i32)  : i32 {
            %gather3A_356 = tpu.vector_load_idx %arg11[%add3A_310] : memref<40960xf32, #tpu.memory_space<vmem>>[vector<16xi32>], vector<16xf32>,
            %gt3A = arith.cmpf ogt, %gather3A_356, %gather3A_307 : vector<16xf32>
            %min3A_357 = arith.minimumf %gather3A_356, %gather3A_307 : vector<16xf32>
            tpu.vector_store_idx %arg11[%add3A_310], %min3A_357 masked %gt3A : memref<40960xf32, #tpu.memory_space<vmem>>[vector<16xi32>], vector<16xf32>, vector<16xi1>
            %scan3A_358 = arith.constant 0 : i32
            scf.yield %scan3A_358 : i32
          }
          %scan3A_346 = arith.constant 16 : i32
          %scan3A_347 = arith.constant 0 : i32
          %scan3A_348 = arith.constant 0 : i32
          %scan3A_349 = arith.constant 16 : i32
          %scan3A_350 = arith.addi %scan3A_348, %scan3A_349 : i32
          %scan3A_351 = arith.constant 1 : i32
          %scan3A_352 = scf.for %scan3A_354 = %scan3A_348 to %scan3A_350 step %scan3A_351 iter_args(%scan3A_355 = %scan3A_347) -> (i32)  : i32 {
            %gather3A_356 = tpu.vector_load_idx %arg11[%add3A_319] : memref<40960xf32, #tpu.memory_space<vmem>>[vector<16xi32>], vector<16xf32>,
            %gt3A = arith.cmpf ogt, %gather3A_356, %gather3A_316 : vector<16xf32>
            %min3A_357 = arith.minimumf %gather3A_356, %gather3A_316 : vector<16xf32>
            tpu.vector_store_idx %arg11[%add3A_319], %min3A_357 masked %gt3A : memref<40960xf32, #tpu.memory_space<vmem>>[vector<16xi32>], vector<16xf32>, vector<16xi1>
            %scan3A_358 = arith.constant 0 : i32
            scf.yield %scan3A_358 : i32
          }
          %scan3A_353 = arith.constant 16 : i32
        } else {
        }
        %scan3A_325 = arith.constant 0 : i32
        scf.yield %scan3A_325 : i32
      }
      %scan3A_26 = arith.constant 125 : i32
      %scan3A_27 = arith.constant 0 : i32
      scf.yield %scan3A_27 : i32
    }
    %scan3A_15 = arith.constant 160 : i32
    "tpu.region"() ({
      %run_scoped3A = tpu.sem_alloc : memref<!tpu.dma_semaphore, #tpu.memory_space<semaphore_mem>>
      %dma_start3A = arith.constant 0 : i32
      %dma_start3A_16 = tpu.memref_slice %arg6[%add3A, %dma_start3A] : memref<32x40960xf32, #tpu.memory_space<hbm>> -> memref<1x40960xf32, #tpu.memory_space<hbm>>
      %dma_start3A_17 = tpu.memref_squeeze %dma_start3A_16 : memref<1x40960xf32, #tpu.memory_space<hbm>> -> memref<40960xf32, #tpu.memory_space<hbm>>
      %dma_start3A_18 = arith.constant 0 : i32
      %dma_start3A_19 = tpu.memref_slice %arg6[%add3A, %dma_start3A_18] : memref<32x40960xf32, #tpu.memory_space<hbm>> -> memref<1x40960xf32, #tpu.memory_space<hbm>>
      %dma_start3A_20 = tpu.memref_squeeze %dma_start3A_19 : memref<1x40960xf32, #tpu.memory_space<hbm>> -> memref<40960xf32, #tpu.memory_space<hbm>>
      tpu.enqueue_dma source(%arg11 : memref<40960xf32, #tpu.memory_space<vmem>>) target(%dma_start3A_20 : memref<40960xf32, #tpu.memory_space<hbm>>) target_semaphore(%run_scoped3A : memref<!tpu.dma_semaphore, #tpu.memory_space<semaphore_mem>>)
      %dma_wait3A = arith.constant 0 : i32
      %dma_wait3A_21 = tpu.memref_slice %arg6[%add3A, %dma_wait3A] : memref<32x40960xf32, #tpu.memory_space<hbm>> -> memref<1x40960xf32, #tpu.memory_space<hbm>>
      %dma_wait3A_22 = tpu.memref_squeeze %dma_wait3A_21 : memref<1x40960xf32, #tpu.memory_space<hbm>> -> memref<40960xf32, #tpu.memory_space<hbm>>
      %dma_wait3A_23 = arith.constant 0 : i32
      %dma_wait3A_24 = tpu.memref_slice %arg6[%add3A, %dma_wait3A_23] : memref<32x40960xf32, #tpu.memory_space<hbm>> -> memref<1x40960xf32, #tpu.memory_space<hbm>>
      %dma_wait3A_25 = tpu.memref_squeeze %dma_wait3A_24 : memref<1x40960xf32, #tpu.memory_space<hbm>> -> memref<40960xf32, #tpu.memory_space<hbm>>
      tpu.wait_dma2 semaphore(%run_scoped3A : memref<!tpu.dma_semaphore, #tpu.memory_space<semaphore_mem>>) src(%arg11 : memref<40960xf32, #tpu.memory_space<vmem>>) dst(%dma_wait3A_25 : memref<40960xf32, #tpu.memory_space<hbm>>)
      tpu.yield
    }) : () -> ()
    return
  }
}

#map = affine_map<(d0, d1) -> (0, 0)>
#map1 = affine_map<(d0, d1) -> (0, 0, 0, 0)>
#map2 = affine_map<(d0, d1) -> (0, 0, 0)>
module attributes {stable_mosaic.version = 14 : i64} {
  func.func @_sc_gsa_body(%arg0: i32, %arg1: i32, %arg2: memref<10240x128xf32, #tpu.memory_space<hbm>>, %arg3: memref<32x5x25x80xi32, #tpu.memory_space<hbm>>, %arg4: memref<32x5x25x80xi32, #tpu.memory_space<hbm>>, %arg5: memref<128x128xf32, #tpu.memory_space<hbm>>, %arg6: memref<2x10240x128xf32, #tpu.memory_space<hbm>>, %arg7: memref<25x80xi32, #tpu.memory_space<vmem>>, %arg8: memref<25x80xi32, #tpu.memory_space<vmem>>, %arg9: memref<80x128xf32, #tpu.memory_space<vmem>>, %arg10: memref<128x128xf32, #tpu.memory_space<vmem>>, %arg11: memref<10240x128xf32, #tpu.memory_space<vmem_shared>>) attributes {dimension_semantics = [#tpu.dimension_semantics<core_parallel>, #tpu.dimension_semantics<subcore_parallel>], iteration_bounds = array<i64: 2, 16>, scalar_prefetch = 0 : i64, scratch_operands = 5 : i64, tpu.core_type = #tpu.core_type<sc_vector_subcore>, window_params = [{transform_indices = #map}, {transform_indices = #map1}, {transform_indices = #map1}, {transform_indices = #map}, {transform_indices = #map2}]} {
    %mul3A = arith.constant 16 : i32
    %mul3A_0 = arith.muli %arg0, %mul3A : i32
    %add3A = arith.addi %mul3A_0, %arg1 : i32
    "tpu.region"() ({
      %run_scoped3A_88 = tpu.sem_alloc : memref<!tpu.dma_semaphore, #tpu.memory_space<semaphore_mem>>
      tpu.enqueue_dma source(%arg5 : memref<128x128xf32, #tpu.memory_space<hbm>>) target(%arg10 : memref<128x128xf32, #tpu.memory_space<vmem>>) target_semaphore(%run_scoped3A_88 : memref<!tpu.dma_semaphore, #tpu.memory_space<semaphore_mem>>)
      tpu.wait_dma2 semaphore(%run_scoped3A_88 : memref<!tpu.dma_semaphore, #tpu.memory_space<semaphore_mem>>) src(%arg5 : memref<128x128xf32, #tpu.memory_space<hbm>>) dst(%arg10 : memref<128x128xf32, #tpu.memory_space<vmem>>)
      tpu.yield
    }) : () -> ()
    %mul3A_1 = arith.constant 640 : i32
    %mul3A_2 = arith.muli %arg1, %mul3A_1 : i32
    %add3A_3 = arith.constant 0 : i32
    %add3A_4 = arith.addi %mul3A_2, %add3A_3 : i32
    "tpu.region"() ({
      %run_scoped3A_88 = tpu.sem_alloc : memref<!tpu.dma_semaphore, #tpu.memory_space<semaphore_mem>>
      %dma_start3A = arith.constant 0 : i32
      %dma_start3A_89 = tpu.memref_slice %arg11[%add3A_4, %dma_start3A] : memref<10240x128xf32, #tpu.memory_space<vmem_shared>> -> memref<128x128xf32, #tpu.memory_space<vmem_shared>>
      %dma_start3A_90 = arith.constant 0 : i32
      %dma_start3A_91 = tpu.memref_slice %arg11[%add3A_4, %dma_start3A_90] : memref<10240x128xf32, #tpu.memory_space<vmem_shared>> -> memref<128x128xf32, #tpu.memory_space<vmem_shared>>
      tpu.enqueue_dma source(%arg10 : memref<128x128xf32, #tpu.memory_space<vmem>>) target(%dma_start3A_91 : memref<128x128xf32, #tpu.memory_space<vmem_shared>>) target_semaphore(%run_scoped3A_88 : memref<!tpu.dma_semaphore, #tpu.memory_space<semaphore_mem>>)
      %dma_wait3A = arith.constant 0 : i32
      %dma_wait3A_92 = tpu.memref_slice %arg11[%add3A_4, %dma_wait3A] : memref<10240x128xf32, #tpu.memory_space<vmem_shared>> -> memref<128x128xf32, #tpu.memory_space<vmem_shared>>
      %dma_wait3A_93 = arith.constant 0 : i32
      %dma_wait3A_94 = tpu.memref_slice %arg11[%add3A_4, %dma_wait3A_93] : memref<10240x128xf32, #tpu.memory_space<vmem_shared>> -> memref<128x128xf32, #tpu.memory_space<vmem_shared>>
      tpu.wait_dma2 semaphore(%run_scoped3A_88 : memref<!tpu.dma_semaphore, #tpu.memory_space<semaphore_mem>>) src(%arg10 : memref<128x128xf32, #tpu.memory_space<vmem>>) dst(%dma_wait3A_94 : memref<128x128xf32, #tpu.memory_space<vmem_shared>>)
      tpu.yield
    }) : () -> ()
    %mul3A_5 = arith.constant 640 : i32
    %mul3A_6 = arith.muli %arg1, %mul3A_5 : i32
    %add3A_7 = arith.constant 128 : i32
    %add3A_8 = arith.addi %mul3A_6, %add3A_7 : i32
    "tpu.region"() ({
      %run_scoped3A_88 = tpu.sem_alloc : memref<!tpu.dma_semaphore, #tpu.memory_space<semaphore_mem>>
      %dma_start3A = arith.constant 0 : i32
      %dma_start3A_89 = tpu.memref_slice %arg11[%add3A_8, %dma_start3A] : memref<10240x128xf32, #tpu.memory_space<vmem_shared>> -> memref<128x128xf32, #tpu.memory_space<vmem_shared>>
      %dma_start3A_90 = arith.constant 0 : i32
      %dma_start3A_91 = tpu.memref_slice %arg11[%add3A_8, %dma_start3A_90] : memref<10240x128xf32, #tpu.memory_space<vmem_shared>> -> memref<128x128xf32, #tpu.memory_space<vmem_shared>>
      tpu.enqueue_dma source(%arg10 : memref<128x128xf32, #tpu.memory_space<vmem>>) target(%dma_start3A_91 : memref<128x128xf32, #tpu.memory_space<vmem_shared>>) target_semaphore(%run_scoped3A_88 : memref<!tpu.dma_semaphore, #tpu.memory_space<semaphore_mem>>)
      %dma_wait3A = arith.constant 0 : i32
      %dma_wait3A_92 = tpu.memref_slice %arg11[%add3A_8, %dma_wait3A] : memref<10240x128xf32, #tpu.memory_space<vmem_shared>> -> memref<128x128xf32, #tpu.memory_space<vmem_shared>>
      %dma_wait3A_93 = arith.constant 0 : i32
      %dma_wait3A_94 = tpu.memref_slice %arg11[%add3A_8, %dma_wait3A_93] : memref<10240x128xf32, #tpu.memory_space<vmem_shared>> -> memref<128x128xf32, #tpu.memory_space<vmem_shared>>
      tpu.wait_dma2 semaphore(%run_scoped3A_88 : memref<!tpu.dma_semaphore, #tpu.memory_space<semaphore_mem>>) src(%arg10 : memref<128x128xf32, #tpu.memory_space<vmem>>) dst(%dma_wait3A_94 : memref<128x128xf32, #tpu.memory_space<vmem_shared>>)
      tpu.yield
    }) : () -> ()
    %mul3A_9 = arith.constant 640 : i32
    %mul3A_10 = arith.muli %arg1, %mul3A_9 : i32
    %add3A_11 = arith.constant 256 : i32
    %add3A_12 = arith.addi %mul3A_10, %add3A_11 : i32
    "tpu.region"() ({
      %run_scoped3A_88 = tpu.sem_alloc : memref<!tpu.dma_semaphore, #tpu.memory_space<semaphore_mem>>
      %dma_start3A = arith.constant 0 : i32
      %dma_start3A_89 = tpu.memref_slice %arg11[%add3A_12, %dma_start3A] : memref<10240x128xf32, #tpu.memory_space<vmem_shared>> -> memref<128x128xf32, #tpu.memory_space<vmem_shared>>
      %dma_start3A_90 = arith.constant 0 : i32
      %dma_start3A_91 = tpu.memref_slice %arg11[%add3A_12, %dma_start3A_90] : memref<10240x128xf32, #tpu.memory_space<vmem_shared>> -> memref<128x128xf32, #tpu.memory_space<vmem_shared>>
      tpu.enqueue_dma source(%arg10 : memref<128x128xf32, #tpu.memory_space<vmem>>) target(%dma_start3A_91 : memref<128x128xf32, #tpu.memory_space<vmem_shared>>) target_semaphore(%run_scoped3A_88 : memref<!tpu.dma_semaphore, #tpu.memory_space<semaphore_mem>>)
      %dma_wait3A = arith.constant 0 : i32
      %dma_wait3A_92 = tpu.memref_slice %arg11[%add3A_12, %dma_wait3A] : memref<10240x128xf32, #tpu.memory_space<vmem_shared>> -> memref<128x128xf32, #tpu.memory_space<vmem_shared>>
      %dma_wait3A_93 = arith.constant 0 : i32
      %dma_wait3A_94 = tpu.memref_slice %arg11[%add3A_12, %dma_wait3A_93] : memref<10240x128xf32, #tpu.memory_space<vmem_shared>> -> memref<128x128xf32, #tpu.memory_space<vmem_shared>>
      tpu.wait_dma2 semaphore(%run_scoped3A_88 : memref<!tpu.dma_semaphore, #tpu.memory_space<semaphore_mem>>) src(%arg10 : memref<128x128xf32, #tpu.memory_space<vmem>>) dst(%dma_wait3A_94 : memref<128x128xf32, #tpu.memory_space<vmem_shared>>)
      tpu.yield
    }) : () -> ()
    %mul3A_13 = arith.constant 640 : i32
    %mul3A_14 = arith.muli %arg1, %mul3A_13 : i32
    %add3A_15 = arith.constant 384 : i32
    %add3A_16 = arith.addi %mul3A_14, %add3A_15 : i32
    "tpu.region"() ({
      %run_scoped3A_88 = tpu.sem_alloc : memref<!tpu.dma_semaphore, #tpu.memory_space<semaphore_mem>>
      %dma_start3A = arith.constant 0 : i32
      %dma_start3A_89 = tpu.memref_slice %arg11[%add3A_16, %dma_start3A] : memref<10240x128xf32, #tpu.memory_space<vmem_shared>> -> memref<128x128xf32, #tpu.memory_space<vmem_shared>>
      %dma_start3A_90 = arith.constant 0 : i32
      %dma_start3A_91 = tpu.memref_slice %arg11[%add3A_16, %dma_start3A_90] : memref<10240x128xf32, #tpu.memory_space<vmem_shared>> -> memref<128x128xf32, #tpu.memory_space<vmem_shared>>
      tpu.enqueue_dma source(%arg10 : memref<128x128xf32, #tpu.memory_space<vmem>>) target(%dma_start3A_91 : memref<128x128xf32, #tpu.memory_space<vmem_shared>>) target_semaphore(%run_scoped3A_88 : memref<!tpu.dma_semaphore, #tpu.memory_space<semaphore_mem>>)
      %dma_wait3A = arith.constant 0 : i32
      %dma_wait3A_92 = tpu.memref_slice %arg11[%add3A_16, %dma_wait3A] : memref<10240x128xf32, #tpu.memory_space<vmem_shared>> -> memref<128x128xf32, #tpu.memory_space<vmem_shared>>
      %dma_wait3A_93 = arith.constant 0 : i32
      %dma_wait3A_94 = tpu.memref_slice %arg11[%add3A_16, %dma_wait3A_93] : memref<10240x128xf32, #tpu.memory_space<vmem_shared>> -> memref<128x128xf32, #tpu.memory_space<vmem_shared>>
      tpu.wait_dma2 semaphore(%run_scoped3A_88 : memref<!tpu.dma_semaphore, #tpu.memory_space<semaphore_mem>>) src(%arg10 : memref<128x128xf32, #tpu.memory_space<vmem>>) dst(%dma_wait3A_94 : memref<128x128xf32, #tpu.memory_space<vmem_shared>>)
      tpu.yield
    }) : () -> ()
    %mul3A_17 = arith.constant 640 : i32
    %mul3A_18 = arith.muli %arg1, %mul3A_17 : i32
    %add3A_19 = arith.constant 512 : i32
    %add3A_20 = arith.addi %mul3A_18, %add3A_19 : i32
    "tpu.region"() ({
      %run_scoped3A_88 = tpu.sem_alloc : memref<!tpu.dma_semaphore, #tpu.memory_space<semaphore_mem>>
      %dma_start3A = arith.constant 0 : i32
      %dma_start3A_89 = tpu.memref_slice %arg11[%add3A_20, %dma_start3A] : memref<10240x128xf32, #tpu.memory_space<vmem_shared>> -> memref<128x128xf32, #tpu.memory_space<vmem_shared>>
      %dma_start3A_90 = arith.constant 0 : i32
      %dma_start3A_91 = tpu.memref_slice %arg11[%add3A_20, %dma_start3A_90] : memref<10240x128xf32, #tpu.memory_space<vmem_shared>> -> memref<128x128xf32, #tpu.memory_space<vmem_shared>>
      tpu.enqueue_dma source(%arg10 : memref<128x128xf32, #tpu.memory_space<vmem>>) target(%dma_start3A_91 : memref<128x128xf32, #tpu.memory_space<vmem_shared>>) target_semaphore(%run_scoped3A_88 : memref<!tpu.dma_semaphore, #tpu.memory_space<semaphore_mem>>)
      %dma_wait3A = arith.constant 0 : i32
      %dma_wait3A_92 = tpu.memref_slice %arg11[%add3A_20, %dma_wait3A] : memref<10240x128xf32, #tpu.memory_space<vmem_shared>> -> memref<128x128xf32, #tpu.memory_space<vmem_shared>>
      %dma_wait3A_93 = arith.constant 0 : i32
      %dma_wait3A_94 = tpu.memref_slice %arg11[%add3A_20, %dma_wait3A_93] : memref<10240x128xf32, #tpu.memory_space<vmem_shared>> -> memref<128x128xf32, #tpu.memory_space<vmem_shared>>
      tpu.wait_dma2 semaphore(%run_scoped3A_88 : memref<!tpu.dma_semaphore, #tpu.memory_space<semaphore_mem>>) src(%arg10 : memref<128x128xf32, #tpu.memory_space<vmem>>) dst(%dma_wait3A_94 : memref<128x128xf32, #tpu.memory_space<vmem_shared>>)
      tpu.yield
    }) : () -> ()
    %barrier3A = arith.constant 0 : index
    tpu.barrier barrier_id(%barrier3A)
    %mul3A_21 = arith.constant 16 : i32
    %mul3A_22 = arith.muli %arg0, %mul3A_21 : i32
    %add3A_23 = arith.addi %mul3A_22, %arg1 : i32
    %run_scoped3A = arith.constant 0 : i32
    "tpu.region"() ({
      %run_scoped3A_88 = tpu.sem_alloc : memref<!tpu.dma_semaphore, #tpu.memory_space<semaphore_mem>>
      %dma_start3A = arith.constant 0 : i32
      %dma_start3A_89 = arith.constant 0 : i32
      %dma_start3A_90 = tpu.memref_slice %arg3[%add3A_23, %run_scoped3A, %dma_start3A, %dma_start3A_89] : memref<32x5x25x80xi32, #tpu.memory_space<hbm>> -> memref<1x1x25x80xi32, #tpu.memory_space<hbm>>
      %dma_start3A_91 = tpu.memref_squeeze %dma_start3A_90 : memref<1x1x25x80xi32, #tpu.memory_space<hbm>> -> memref<25x80xi32, #tpu.memory_space<hbm>>
      %dma_start3A_92 = arith.constant 0 : i32
      %dma_start3A_93 = arith.constant 0 : i32
      %dma_start3A_94 = tpu.memref_slice %arg3[%add3A_23, %run_scoped3A, %dma_start3A_92, %dma_start3A_93] : memref<32x5x25x80xi32, #tpu.memory_space<hbm>> -> memref<1x1x25x80xi32, #tpu.memory_space<hbm>>
      %dma_start3A_95 = tpu.memref_squeeze %dma_start3A_94 : memref<1x1x25x80xi32, #tpu.memory_space<hbm>> -> memref<25x80xi32, #tpu.memory_space<hbm>>
      tpu.enqueue_dma source(%dma_start3A_95 : memref<25x80xi32, #tpu.memory_space<hbm>>) target(%arg7 : memref<25x80xi32, #tpu.memory_space<vmem>>) target_semaphore(%run_scoped3A_88 : memref<!tpu.dma_semaphore, #tpu.memory_space<semaphore_mem>>)
      %dma_wait3A = arith.constant 0 : i32
      %dma_wait3A_96 = arith.constant 0 : i32
      %dma_wait3A_97 = tpu.memref_slice %arg3[%add3A_23, %run_scoped3A, %dma_wait3A, %dma_wait3A_96] : memref<32x5x25x80xi32, #tpu.memory_space<hbm>> -> memref<1x1x25x80xi32, #tpu.memory_space<hbm>>
      %dma_wait3A_98 = tpu.memref_squeeze %dma_wait3A_97 : memref<1x1x25x80xi32, #tpu.memory_space<hbm>> -> memref<25x80xi32, #tpu.memory_space<hbm>>
      %dma_wait3A_99 = arith.constant 0 : i32
      %dma_wait3A_100 = arith.constant 0 : i32
      %dma_wait3A_101 = tpu.memref_slice %arg3[%add3A_23, %run_scoped3A, %dma_wait3A_99, %dma_wait3A_100] : memref<32x5x25x80xi32, #tpu.memory_space<hbm>> -> memref<1x1x25x80xi32, #tpu.memory_space<hbm>>
      %dma_wait3A_102 = tpu.memref_squeeze %dma_wait3A_101 : memref<1x1x25x80xi32, #tpu.memory_space<hbm>> -> memref<25x80xi32, #tpu.memory_space<hbm>>
      tpu.wait_dma2 semaphore(%run_scoped3A_88 : memref<!tpu.dma_semaphore, #tpu.memory_space<semaphore_mem>>) src(%dma_wait3A_102 : memref<25x80xi32, #tpu.memory_space<hbm>>) dst(%arg7 : memref<25x80xi32, #tpu.memory_space<vmem>>)
      tpu.yield
    }) : () -> ()
    %run_scoped3A_24 = arith.constant 0 : i32
    "tpu.region"() ({
      %run_scoped3A_88 = tpu.sem_alloc : memref<!tpu.dma_semaphore, #tpu.memory_space<semaphore_mem>>
      %dma_start3A = arith.constant 0 : i32
      %dma_start3A_89 = arith.constant 0 : i32
      %dma_start3A_90 = tpu.memref_slice %arg4[%add3A_23, %run_scoped3A_24, %dma_start3A, %dma_start3A_89] : memref<32x5x25x80xi32, #tpu.memory_space<hbm>> -> memref<1x1x25x80xi32, #tpu.memory_space<hbm>>
      %dma_start3A_91 = tpu.memref_squeeze %dma_start3A_90 : memref<1x1x25x80xi32, #tpu.memory_space<hbm>> -> memref<25x80xi32, #tpu.memory_space<hbm>>
      %dma_start3A_92 = arith.constant 0 : i32
      %dma_start3A_93 = arith.constant 0 : i32
      %dma_start3A_94 = tpu.memref_slice %arg4[%add3A_23, %run_scoped3A_24, %dma_start3A_92, %dma_start3A_93] : memref<32x5x25x80xi32, #tpu.memory_space<hbm>> -> memref<1x1x25x80xi32, #tpu.memory_space<hbm>>
      %dma_start3A_95 = tpu.memref_squeeze %dma_start3A_94 : memref<1x1x25x80xi32, #tpu.memory_space<hbm>> -> memref<25x80xi32, #tpu.memory_space<hbm>>
      tpu.enqueue_dma source(%dma_start3A_95 : memref<25x80xi32, #tpu.memory_space<hbm>>) target(%arg8 : memref<25x80xi32, #tpu.memory_space<vmem>>) target_semaphore(%run_scoped3A_88 : memref<!tpu.dma_semaphore, #tpu.memory_space<semaphore_mem>>)
      %dma_wait3A = arith.constant 0 : i32
      %dma_wait3A_96 = arith.constant 0 : i32
      %dma_wait3A_97 = tpu.memref_slice %arg4[%add3A_23, %run_scoped3A_24, %dma_wait3A, %dma_wait3A_96] : memref<32x5x25x80xi32, #tpu.memory_space<hbm>> -> memref<1x1x25x80xi32, #tpu.memory_space<hbm>>
      %dma_wait3A_98 = tpu.memref_squeeze %dma_wait3A_97 : memref<1x1x25x80xi32, #tpu.memory_space<hbm>> -> memref<25x80xi32, #tpu.memory_space<hbm>>
      %dma_wait3A_99 = arith.constant 0 : i32
      %dma_wait3A_100 = arith.constant 0 : i32
      %dma_wait3A_101 = tpu.memref_slice %arg4[%add3A_23, %run_scoped3A_24, %dma_wait3A_99, %dma_wait3A_100] : memref<32x5x25x80xi32, #tpu.memory_space<hbm>> -> memref<1x1x25x80xi32, #tpu.memory_space<hbm>>
      %dma_wait3A_102 = tpu.memref_squeeze %dma_wait3A_101 : memref<1x1x25x80xi32, #tpu.memory_space<hbm>> -> memref<25x80xi32, #tpu.memory_space<hbm>>
      tpu.wait_dma2 semaphore(%run_scoped3A_88 : memref<!tpu.dma_semaphore, #tpu.memory_space<semaphore_mem>>) src(%dma_wait3A_102 : memref<25x80xi32, #tpu.memory_space<hbm>>) dst(%arg8 : memref<25x80xi32, #tpu.memory_space<vmem>>)
      tpu.yield
    }) : () -> ()
    %scan3A = arith.constant 0 : i32
    %scan3A_25 = arith.constant 0 : i32
    %scan3A_26 = arith.constant 25 : i32
    %scan3A_27 = arith.addi %scan3A_25, %scan3A_26 : i32
    %scan3A_28 = arith.constant 1 : i32
    %scan3A_29 = scf.for %scan3A_88 = %scan3A_25 to %scan3A_27 step %scan3A_28 iter_args(%scan3A_89 = %scan3A) -> (i32)  : i32 {
      "tpu.region"() ({
        %run_scoped3A_91 = tpu.sem_alloc : memref<!tpu.dma_semaphore, #tpu.memory_space<semaphore_mem>>
        %dma_start3A = arith.constant 0 : i32
        %dma_start3A_92 = tpu.memref_slice %arg7[%scan3A_88, %dma_start3A] : memref<25x80xi32, #tpu.memory_space<vmem>> -> memref<1x80xi32, #tpu.memory_space<vmem>>
        %dma_start3A_93 = tpu.memref_squeeze %dma_start3A_92 : memref<1x80xi32, #tpu.memory_space<vmem>> -> memref<80xi32, #tpu.memory_space<vmem>>
        %dma_start3A_94 = arith.constant 0 : i32
        %dma_start3A_95 = arith.constant 0 : i32
        %dma_start3A_96 = tpu.memref_slice %arg2[%dma_start3A_94, %dma_start3A_95] : memref<10240x128xf32, #tpu.memory_space<hbm>> -> memref<10240x128xf32, #tpu.memory_space<hbm>>
        tpu.enqueue_indirect_dma source(%dma_start3A_96 : memref<10240x128xf32, #tpu.memory_space<hbm>>) target(%arg9 : memref<80x128xf32, #tpu.memory_space<vmem>>) offsets(%dma_start3A_93 : memref<80xi32, #tpu.memory_space<vmem>>) semaphore(%run_scoped3A_91 : memref<!tpu.dma_semaphore, #tpu.memory_space<semaphore_mem>>)
        %dma_wait3A = arith.constant 0 : i32
        %dma_wait3A_97 = tpu.memref_slice %arg7[%scan3A_88, %dma_wait3A] : memref<25x80xi32, #tpu.memory_space<vmem>> -> memref<1x80xi32, #tpu.memory_space<vmem>>
        %dma_wait3A_98 = tpu.memref_squeeze %dma_wait3A_97 : memref<1x80xi32, #tpu.memory_space<vmem>> -> memref<80xi32, #tpu.memory_space<vmem>>
        %dma_wait3A_99 = arith.constant 0 : i32
        %dma_wait3A_100 = arith.constant 0 : i32
        %dma_wait3A_101 = tpu.memref_slice %arg2[%dma_wait3A_99, %dma_wait3A_100] : memref<10240x128xf32, #tpu.memory_space<hbm>> -> memref<10240x128xf32, #tpu.memory_space<hbm>>
        tpu.wait_indirect_dma semaphore(%run_scoped3A_91 : memref<!tpu.dma_semaphore, #tpu.memory_space<semaphore_mem>>) src(%dma_wait3A_101 : memref<10240x128xf32, #tpu.memory_space<hbm>>) dst(%arg9 : memref<80x128xf32, #tpu.memory_space<vmem>>)
        tpu.yield
      }) : () -> ()
      "tpu.region"() ({
        %run_scoped3A_91 = tpu.sem_alloc : memref<!tpu.dma_semaphore, #tpu.memory_space<semaphore_mem>>
        %dma_start3A = arith.constant 0 : i32
        %dma_start3A_92 = tpu.memref_slice %arg8[%scan3A_88, %dma_start3A] : memref<25x80xi32, #tpu.memory_space<vmem>> -> memref<1x80xi32, #tpu.memory_space<vmem>>
        %dma_start3A_93 = tpu.memref_squeeze %dma_start3A_92 : memref<1x80xi32, #tpu.memory_space<vmem>> -> memref<80xi32, #tpu.memory_space<vmem>>
        %dma_start3A_94 = arith.constant 0 : i32
        %dma_start3A_95 = arith.constant 0 : i32
        %dma_start3A_96 = tpu.memref_slice %arg11[%dma_start3A_94, %dma_start3A_95] : memref<10240x128xf32, #tpu.memory_space<vmem_shared>> -> memref<10240x128xf32, #tpu.memory_space<vmem_shared>>
        tpu.enqueue_indirect_dma source(%arg9 : memref<80x128xf32, #tpu.memory_space<vmem>>) target(%dma_start3A_96 : memref<10240x128xf32, #tpu.memory_space<vmem_shared>>) offsets(%dma_start3A_93 : memref<80xi32, #tpu.memory_space<vmem>>) semaphore(%run_scoped3A_91 : memref<!tpu.dma_semaphore, #tpu.memory_space<semaphore_mem>>) {add = true}
        %dma_wait3A = arith.constant 0 : i32
        %dma_wait3A_97 = tpu.memref_slice %arg8[%scan3A_88, %dma_wait3A] : memref<25x80xi32, #tpu.memory_space<vmem>> -> memref<1x80xi32, #tpu.memory_space<vmem>>
        %dma_wait3A_98 = tpu.memref_squeeze %dma_wait3A_97 : memref<1x80xi32, #tpu.memory_space<vmem>> -> memref<80xi32, #tpu.memory_space<vmem>>
        %dma_wait3A_99 = arith.constant 0 : i32
        %dma_wait3A_100 = arith.constant 0 : i32
        %dma_wait3A_101 = tpu.memref_slice %arg11[%dma_wait3A_99, %dma_wait3A_100] : memref<10240x128xf32, #tpu.memory_space<vmem_shared>> -> memref<10240x128xf32, #tpu.memory_space<vmem_shared>>
        tpu.wait_indirect_dma semaphore(%run_scoped3A_91 : memref<!tpu.dma_semaphore, #tpu.memory_space<semaphore_mem>>) src(%arg9 : memref<80x128xf32, #tpu.memory_space<vmem>>) dst(%dma_wait3A_101 : memref<10240x128xf32, #tpu.memory_space<vmem_shared>>)
        tpu.yield
      }) : () -> ()
      %scan3A_90 = arith.constant 0 : i32
      scf.yield %scan3A_90 : i32
    }
    %scan3A_30 = arith.constant 25 : i32
    %run_scoped3A_31 = arith.constant 1 : i32
    "tpu.region"() ({
      %run_scoped3A_88 = tpu.sem_alloc : memref<!tpu.dma_semaphore, #tpu.memory_space<semaphore_mem>>
      %dma_start3A = arith.constant 0 : i32
      %dma_start3A_89 = arith.constant 0 : i32
      %dma_start3A_90 = tpu.memref_slice %arg3[%add3A_23, %run_scoped3A_31, %dma_start3A, %dma_start3A_89] : memref<32x5x25x80xi32, #tpu.memory_space<hbm>> -> memref<1x1x25x80xi32, #tpu.memory_space<hbm>>
      %dma_start3A_91 = tpu.memref_squeeze %dma_start3A_90 : memref<1x1x25x80xi32, #tpu.memory_space<hbm>> -> memref<25x80xi32, #tpu.memory_space<hbm>>
      %dma_start3A_92 = arith.constant 0 : i32
      %dma_start3A_93 = arith.constant 0 : i32
      %dma_start3A_94 = tpu.memref_slice %arg3[%add3A_23, %run_scoped3A_31, %dma_start3A_92, %dma_start3A_93] : memref<32x5x25x80xi32, #tpu.memory_space<hbm>> -> memref<1x1x25x80xi32, #tpu.memory_space<hbm>>
      %dma_start3A_95 = tpu.memref_squeeze %dma_start3A_94 : memref<1x1x25x80xi32, #tpu.memory_space<hbm>> -> memref<25x80xi32, #tpu.memory_space<hbm>>
      tpu.enqueue_dma source(%dma_start3A_95 : memref<25x80xi32, #tpu.memory_space<hbm>>) target(%arg7 : memref<25x80xi32, #tpu.memory_space<vmem>>) target_semaphore(%run_scoped3A_88 : memref<!tpu.dma_semaphore, #tpu.memory_space<semaphore_mem>>)
      %dma_wait3A = arith.constant 0 : i32
      %dma_wait3A_96 = arith.constant 0 : i32
      %dma_wait3A_97 = tpu.memref_slice %arg3[%add3A_23, %run_scoped3A_31, %dma_wait3A, %dma_wait3A_96] : memref<32x5x25x80xi32, #tpu.memory_space<hbm>> -> memref<1x1x25x80xi32, #tpu.memory_space<hbm>>
      %dma_wait3A_98 = tpu.memref_squeeze %dma_wait3A_97 : memref<1x1x25x80xi32, #tpu.memory_space<hbm>> -> memref<25x80xi32, #tpu.memory_space<hbm>>
      %dma_wait3A_99 = arith.constant 0 : i32
      %dma_wait3A_100 = arith.constant 0 : i32
      %dma_wait3A_101 = tpu.memref_slice %arg3[%add3A_23, %run_scoped3A_31, %dma_wait3A_99, %dma_wait3A_100] : memref<32x5x25x80xi32, #tpu.memory_space<hbm>> -> memref<1x1x25x80xi32, #tpu.memory_space<hbm>>
      %dma_wait3A_102 = tpu.memref_squeeze %dma_wait3A_101 : memref<1x1x25x80xi32, #tpu.memory_space<hbm>> -> memref<25x80xi32, #tpu.memory_space<hbm>>
      tpu.wait_dma2 semaphore(%run_scoped3A_88 : memref<!tpu.dma_semaphore, #tpu.memory_space<semaphore_mem>>) src(%dma_wait3A_102 : memref<25x80xi32, #tpu.memory_space<hbm>>) dst(%arg7 : memref<25x80xi32, #tpu.memory_space<vmem>>)
      tpu.yield
    }) : () -> ()
    %run_scoped3A_32 = arith.constant 1 : i32
    "tpu.region"() ({
      %run_scoped3A_88 = tpu.sem_alloc : memref<!tpu.dma_semaphore, #tpu.memory_space<semaphore_mem>>
      %dma_start3A = arith.constant 0 : i32
      %dma_start3A_89 = arith.constant 0 : i32
      %dma_start3A_90 = tpu.memref_slice %arg4[%add3A_23, %run_scoped3A_32, %dma_start3A, %dma_start3A_89] : memref<32x5x25x80xi32, #tpu.memory_space<hbm>> -> memref<1x1x25x80xi32, #tpu.memory_space<hbm>>
      %dma_start3A_91 = tpu.memref_squeeze %dma_start3A_90 : memref<1x1x25x80xi32, #tpu.memory_space<hbm>> -> memref<25x80xi32, #tpu.memory_space<hbm>>
      %dma_start3A_92 = arith.constant 0 : i32
      %dma_start3A_93 = arith.constant 0 : i32
      %dma_start3A_94 = tpu.memref_slice %arg4[%add3A_23, %run_scoped3A_32, %dma_start3A_92, %dma_start3A_93] : memref<32x5x25x80xi32, #tpu.memory_space<hbm>> -> memref<1x1x25x80xi32, #tpu.memory_space<hbm>>
      %dma_start3A_95 = tpu.memref_squeeze %dma_start3A_94 : memref<1x1x25x80xi32, #tpu.memory_space<hbm>> -> memref<25x80xi32, #tpu.memory_space<hbm>>
      tpu.enqueue_dma source(%dma_start3A_95 : memref<25x80xi32, #tpu.memory_space<hbm>>) target(%arg8 : memref<25x80xi32, #tpu.memory_space<vmem>>) target_semaphore(%run_scoped3A_88 : memref<!tpu.dma_semaphore, #tpu.memory_space<semaphore_mem>>)
      %dma_wait3A = arith.constant 0 : i32
      %dma_wait3A_96 = arith.constant 0 : i32
      %dma_wait3A_97 = tpu.memref_slice %arg4[%add3A_23, %run_scoped3A_32, %dma_wait3A, %dma_wait3A_96] : memref<32x5x25x80xi32, #tpu.memory_space<hbm>> -> memref<1x1x25x80xi32, #tpu.memory_space<hbm>>
      %dma_wait3A_98 = tpu.memref_squeeze %dma_wait3A_97 : memref<1x1x25x80xi32, #tpu.memory_space<hbm>> -> memref<25x80xi32, #tpu.memory_space<hbm>>
      %dma_wait3A_99 = arith.constant 0 : i32
      %dma_wait3A_100 = arith.constant 0 : i32
      %dma_wait3A_101 = tpu.memref_slice %arg4[%add3A_23, %run_scoped3A_32, %dma_wait3A_99, %dma_wait3A_100] : memref<32x5x25x80xi32, #tpu.memory_space<hbm>> -> memref<1x1x25x80xi32, #tpu.memory_space<hbm>>
      %dma_wait3A_102 = tpu.memref_squeeze %dma_wait3A_101 : memref<1x1x25x80xi32, #tpu.memory_space<hbm>> -> memref<25x80xi32, #tpu.memory_space<hbm>>
      tpu.wait_dma2 semaphore(%run_scoped3A_88 : memref<!tpu.dma_semaphore, #tpu.memory_space<semaphore_mem>>) src(%dma_wait3A_102 : memref<25x80xi32, #tpu.memory_space<hbm>>) dst(%arg8 : memref<25x80xi32, #tpu.memory_space<vmem>>)
      tpu.yield
    }) : () -> ()
    %scan3A_33 = arith.constant 0 : i32
    %scan3A_34 = arith.constant 0 : i32
    %scan3A_35 = arith.constant 25 : i32
    %scan3A_36 = arith.addi %scan3A_34, %scan3A_35 : i32
    %scan3A_37 = arith.constant 1 : i32
    %scan3A_38 = scf.for %scan3A_88 = %scan3A_34 to %scan3A_36 step %scan3A_37 iter_args(%scan3A_89 = %scan3A_33) -> (i32)  : i32 {
      "tpu.region"() ({
        %run_scoped3A_91 = tpu.sem_alloc : memref<!tpu.dma_semaphore, #tpu.memory_space<semaphore_mem>>
        %dma_start3A = arith.constant 0 : i32
        %dma_start3A_92 = tpu.memref_slice %arg7[%scan3A_88, %dma_start3A] : memref<25x80xi32, #tpu.memory_space<vmem>> -> memref<1x80xi32, #tpu.memory_space<vmem>>
        %dma_start3A_93 = tpu.memref_squeeze %dma_start3A_92 : memref<1x80xi32, #tpu.memory_space<vmem>> -> memref<80xi32, #tpu.memory_space<vmem>>
        %dma_start3A_94 = arith.constant 0 : i32
        %dma_start3A_95 = arith.constant 0 : i32
        %dma_start3A_96 = tpu.memref_slice %arg2[%dma_start3A_94, %dma_start3A_95] : memref<10240x128xf32, #tpu.memory_space<hbm>> -> memref<10240x128xf32, #tpu.memory_space<hbm>>
        tpu.enqueue_indirect_dma source(%dma_start3A_96 : memref<10240x128xf32, #tpu.memory_space<hbm>>) target(%arg9 : memref<80x128xf32, #tpu.memory_space<vmem>>) offsets(%dma_start3A_93 : memref<80xi32, #tpu.memory_space<vmem>>) semaphore(%run_scoped3A_91 : memref<!tpu.dma_semaphore, #tpu.memory_space<semaphore_mem>>)
        %dma_wait3A = arith.constant 0 : i32
        %dma_wait3A_97 = tpu.memref_slice %arg7[%scan3A_88, %dma_wait3A] : memref<25x80xi32, #tpu.memory_space<vmem>> -> memref<1x80xi32, #tpu.memory_space<vmem>>
        %dma_wait3A_98 = tpu.memref_squeeze %dma_wait3A_97 : memref<1x80xi32, #tpu.memory_space<vmem>> -> memref<80xi32, #tpu.memory_space<vmem>>
        %dma_wait3A_99 = arith.constant 0 : i32
        %dma_wait3A_100 = arith.constant 0 : i32
        %dma_wait3A_101 = tpu.memref_slice %arg2[%dma_wait3A_99, %dma_wait3A_100] : memref<10240x128xf32, #tpu.memory_space<hbm>> -> memref<10240x128xf32, #tpu.memory_space<hbm>>
        tpu.wait_indirect_dma semaphore(%run_scoped3A_91 : memref<!tpu.dma_semaphore, #tpu.memory_space<semaphore_mem>>) src(%dma_wait3A_101 : memref<10240x128xf32, #tpu.memory_space<hbm>>) dst(%arg9 : memref<80x128xf32, #tpu.memory_space<vmem>>)
        tpu.yield
      }) : () -> ()
      "tpu.region"() ({
        %run_scoped3A_91 = tpu.sem_alloc : memref<!tpu.dma_semaphore, #tpu.memory_space<semaphore_mem>>
        %dma_start3A = arith.constant 0 : i32
        %dma_start3A_92 = tpu.memref_slice %arg8[%scan3A_88, %dma_start3A] : memref<25x80xi32, #tpu.memory_space<vmem>> -> memref<1x80xi32, #tpu.memory_space<vmem>>
        %dma_start3A_93 = tpu.memref_squeeze %dma_start3A_92 : memref<1x80xi32, #tpu.memory_space<vmem>> -> memref<80xi32, #tpu.memory_space<vmem>>
        %dma_start3A_94 = arith.constant 0 : i32
        %dma_start3A_95 = arith.constant 0 : i32
        %dma_start3A_96 = tpu.memref_slice %arg11[%dma_start3A_94, %dma_start3A_95] : memref<10240x128xf32, #tpu.memory_space<vmem_shared>> -> memref<10240x128xf32, #tpu.memory_space<vmem_shared>>
        tpu.enqueue_indirect_dma source(%arg9 : memref<80x128xf32, #tpu.memory_space<vmem>>) target(%dma_start3A_96 : memref<10240x128xf32, #tpu.memory_space<vmem_shared>>) offsets(%dma_start3A_93 : memref<80xi32, #tpu.memory_space<vmem>>) semaphore(%run_scoped3A_91 : memref<!tpu.dma_semaphore, #tpu.memory_space<semaphore_mem>>) {add = true}
        %dma_wait3A = arith.constant 0 : i32
        %dma_wait3A_97 = tpu.memref_slice %arg8[%scan3A_88, %dma_wait3A] : memref<25x80xi32, #tpu.memory_space<vmem>> -> memref<1x80xi32, #tpu.memory_space<vmem>>
        %dma_wait3A_98 = tpu.memref_squeeze %dma_wait3A_97 : memref<1x80xi32, #tpu.memory_space<vmem>> -> memref<80xi32, #tpu.memory_space<vmem>>
        %dma_wait3A_99 = arith.constant 0 : i32
        %dma_wait3A_100 = arith.constant 0 : i32
        %dma_wait3A_101 = tpu.memref_slice %arg11[%dma_wait3A_99, %dma_wait3A_100] : memref<10240x128xf32, #tpu.memory_space<vmem_shared>> -> memref<10240x128xf32, #tpu.memory_space<vmem_shared>>
        tpu.wait_indirect_dma semaphore(%run_scoped3A_91 : memref<!tpu.dma_semaphore, #tpu.memory_space<semaphore_mem>>) src(%arg9 : memref<80x128xf32, #tpu.memory_space<vmem>>) dst(%dma_wait3A_101 : memref<10240x128xf32, #tpu.memory_space<vmem_shared>>)
        tpu.yield
      }) : () -> ()
      %scan3A_90 = arith.constant 0 : i32
      scf.yield %scan3A_90 : i32
    }
    %scan3A_39 = arith.constant 25 : i32
    %run_scoped3A_40 = arith.constant 2 : i32
    "tpu.region"() ({
      %run_scoped3A_88 = tpu.sem_alloc : memref<!tpu.dma_semaphore, #tpu.memory_space<semaphore_mem>>
      %dma_start3A = arith.constant 0 : i32
      %dma_start3A_89 = arith.constant 0 : i32
      %dma_start3A_90 = tpu.memref_slice %arg3[%add3A_23, %run_scoped3A_40, %dma_start3A, %dma_start3A_89] : memref<32x5x25x80xi32, #tpu.memory_space<hbm>> -> memref<1x1x25x80xi32, #tpu.memory_space<hbm>>
      %dma_start3A_91 = tpu.memref_squeeze %dma_start3A_90 : memref<1x1x25x80xi32, #tpu.memory_space<hbm>> -> memref<25x80xi32, #tpu.memory_space<hbm>>
      %dma_start3A_92 = arith.constant 0 : i32
      %dma_start3A_93 = arith.constant 0 : i32
      %dma_start3A_94 = tpu.memref_slice %arg3[%add3A_23, %run_scoped3A_40, %dma_start3A_92, %dma_start3A_93] : memref<32x5x25x80xi32, #tpu.memory_space<hbm>> -> memref<1x1x25x80xi32, #tpu.memory_space<hbm>>
      %dma_start3A_95 = tpu.memref_squeeze %dma_start3A_94 : memref<1x1x25x80xi32, #tpu.memory_space<hbm>> -> memref<25x80xi32, #tpu.memory_space<hbm>>
      tpu.enqueue_dma source(%dma_start3A_95 : memref<25x80xi32, #tpu.memory_space<hbm>>) target(%arg7 : memref<25x80xi32, #tpu.memory_space<vmem>>) target_semaphore(%run_scoped3A_88 : memref<!tpu.dma_semaphore, #tpu.memory_space<semaphore_mem>>)
      %dma_wait3A = arith.constant 0 : i32
      %dma_wait3A_96 = arith.constant 0 : i32
      %dma_wait3A_97 = tpu.memref_slice %arg3[%add3A_23, %run_scoped3A_40, %dma_wait3A, %dma_wait3A_96] : memref<32x5x25x80xi32, #tpu.memory_space<hbm>> -> memref<1x1x25x80xi32, #tpu.memory_space<hbm>>
      %dma_wait3A_98 = tpu.memref_squeeze %dma_wait3A_97 : memref<1x1x25x80xi32, #tpu.memory_space<hbm>> -> memref<25x80xi32, #tpu.memory_space<hbm>>
      %dma_wait3A_99 = arith.constant 0 : i32
      %dma_wait3A_100 = arith.constant 0 : i32
      %dma_wait3A_101 = tpu.memref_slice %arg3[%add3A_23, %run_scoped3A_40, %dma_wait3A_99, %dma_wait3A_100] : memref<32x5x25x80xi32, #tpu.memory_space<hbm>> -> memref<1x1x25x80xi32, #tpu.memory_space<hbm>>
      %dma_wait3A_102 = tpu.memref_squeeze %dma_wait3A_101 : memref<1x1x25x80xi32, #tpu.memory_space<hbm>> -> memref<25x80xi32, #tpu.memory_space<hbm>>
      tpu.wait_dma2 semaphore(%run_scoped3A_88 : memref<!tpu.dma_semaphore, #tpu.memory_space<semaphore_mem>>) src(%dma_wait3A_102 : memref<25x80xi32, #tpu.memory_space<hbm>>) dst(%arg7 : memref<25x80xi32, #tpu.memory_space<vmem>>)
      tpu.yield
    }) : () -> ()
    %run_scoped3A_41 = arith.constant 2 : i32
    "tpu.region"() ({
      %run_scoped3A_88 = tpu.sem_alloc : memref<!tpu.dma_semaphore, #tpu.memory_space<semaphore_mem>>
      %dma_start3A = arith.constant 0 : i32
      %dma_start3A_89 = arith.constant 0 : i32
      %dma_start3A_90 = tpu.memref_slice %arg4[%add3A_23, %run_scoped3A_41, %dma_start3A, %dma_start3A_89] : memref<32x5x25x80xi32, #tpu.memory_space<hbm>> -> memref<1x1x25x80xi32, #tpu.memory_space<hbm>>
      %dma_start3A_91 = tpu.memref_squeeze %dma_start3A_90 : memref<1x1x25x80xi32, #tpu.memory_space<hbm>> -> memref<25x80xi32, #tpu.memory_space<hbm>>
      %dma_start3A_92 = arith.constant 0 : i32
      %dma_start3A_93 = arith.constant 0 : i32
      %dma_start3A_94 = tpu.memref_slice %arg4[%add3A_23, %run_scoped3A_41, %dma_start3A_92, %dma_start3A_93] : memref<32x5x25x80xi32, #tpu.memory_space<hbm>> -> memref<1x1x25x80xi32, #tpu.memory_space<hbm>>
      %dma_start3A_95 = tpu.memref_squeeze %dma_start3A_94 : memref<1x1x25x80xi32, #tpu.memory_space<hbm>> -> memref<25x80xi32, #tpu.memory_space<hbm>>
      tpu.enqueue_dma source(%dma_start3A_95 : memref<25x80xi32, #tpu.memory_space<hbm>>) target(%arg8 : memref<25x80xi32, #tpu.memory_space<vmem>>) target_semaphore(%run_scoped3A_88 : memref<!tpu.dma_semaphore, #tpu.memory_space<semaphore_mem>>)
      %dma_wait3A = arith.constant 0 : i32
      %dma_wait3A_96 = arith.constant 0 : i32
      %dma_wait3A_97 = tpu.memref_slice %arg4[%add3A_23, %run_scoped3A_41, %dma_wait3A, %dma_wait3A_96] : memref<32x5x25x80xi32, #tpu.memory_space<hbm>> -> memref<1x1x25x80xi32, #tpu.memory_space<hbm>>
      %dma_wait3A_98 = tpu.memref_squeeze %dma_wait3A_97 : memref<1x1x25x80xi32, #tpu.memory_space<hbm>> -> memref<25x80xi32, #tpu.memory_space<hbm>>
      %dma_wait3A_99 = arith.constant 0 : i32
      %dma_wait3A_100 = arith.constant 0 : i32
      %dma_wait3A_101 = tpu.memref_slice %arg4[%add3A_23, %run_scoped3A_41, %dma_wait3A_99, %dma_wait3A_100] : memref<32x5x25x80xi32, #tpu.memory_space<hbm>> -> memref<1x1x25x80xi32, #tpu.memory_space<hbm>>
      %dma_wait3A_102 = tpu.memref_squeeze %dma_wait3A_101 : memref<1x1x25x80xi32, #tpu.memory_space<hbm>> -> memref<25x80xi32, #tpu.memory_space<hbm>>
      tpu.wait_dma2 semaphore(%run_scoped3A_88 : memref<!tpu.dma_semaphore, #tpu.memory_space<semaphore_mem>>) src(%dma_wait3A_102 : memref<25x80xi32, #tpu.memory_space<hbm>>) dst(%arg8 : memref<25x80xi32, #tpu.memory_space<vmem>>)
      tpu.yield
    }) : () -> ()
    %scan3A_42 = arith.constant 0 : i32
    %scan3A_43 = arith.constant 0 : i32
    %scan3A_44 = arith.constant 25 : i32
    %scan3A_45 = arith.addi %scan3A_43, %scan3A_44 : i32
    %scan3A_46 = arith.constant 1 : i32
    %scan3A_47 = scf.for %scan3A_88 = %scan3A_43 to %scan3A_45 step %scan3A_46 iter_args(%scan3A_89 = %scan3A_42) -> (i32)  : i32 {
      "tpu.region"() ({
        %run_scoped3A_91 = tpu.sem_alloc : memref<!tpu.dma_semaphore, #tpu.memory_space<semaphore_mem>>
        %dma_start3A = arith.constant 0 : i32
        %dma_start3A_92 = tpu.memref_slice %arg7[%scan3A_88, %dma_start3A] : memref<25x80xi32, #tpu.memory_space<vmem>> -> memref<1x80xi32, #tpu.memory_space<vmem>>
        %dma_start3A_93 = tpu.memref_squeeze %dma_start3A_92 : memref<1x80xi32, #tpu.memory_space<vmem>> -> memref<80xi32, #tpu.memory_space<vmem>>
        %dma_start3A_94 = arith.constant 0 : i32
        %dma_start3A_95 = arith.constant 0 : i32
        %dma_start3A_96 = tpu.memref_slice %arg2[%dma_start3A_94, %dma_start3A_95] : memref<10240x128xf32, #tpu.memory_space<hbm>> -> memref<10240x128xf32, #tpu.memory_space<hbm>>
        tpu.enqueue_indirect_dma source(%dma_start3A_96 : memref<10240x128xf32, #tpu.memory_space<hbm>>) target(%arg9 : memref<80x128xf32, #tpu.memory_space<vmem>>) offsets(%dma_start3A_93 : memref<80xi32, #tpu.memory_space<vmem>>) semaphore(%run_scoped3A_91 : memref<!tpu.dma_semaphore, #tpu.memory_space<semaphore_mem>>)
        %dma_wait3A = arith.constant 0 : i32
        %dma_wait3A_97 = tpu.memref_slice %arg7[%scan3A_88, %dma_wait3A] : memref<25x80xi32, #tpu.memory_space<vmem>> -> memref<1x80xi32, #tpu.memory_space<vmem>>
        %dma_wait3A_98 = tpu.memref_squeeze %dma_wait3A_97 : memref<1x80xi32, #tpu.memory_space<vmem>> -> memref<80xi32, #tpu.memory_space<vmem>>
        %dma_wait3A_99 = arith.constant 0 : i32
        %dma_wait3A_100 = arith.constant 0 : i32
        %dma_wait3A_101 = tpu.memref_slice %arg2[%dma_wait3A_99, %dma_wait3A_100] : memref<10240x128xf32, #tpu.memory_space<hbm>> -> memref<10240x128xf32, #tpu.memory_space<hbm>>
        tpu.wait_indirect_dma semaphore(%run_scoped3A_91 : memref<!tpu.dma_semaphore, #tpu.memory_space<semaphore_mem>>) src(%dma_wait3A_101 : memref<10240x128xf32, #tpu.memory_space<hbm>>) dst(%arg9 : memref<80x128xf32, #tpu.memory_space<vmem>>)
        tpu.yield
      }) : () -> ()
      "tpu.region"() ({
        %run_scoped3A_91 = tpu.sem_alloc : memref<!tpu.dma_semaphore, #tpu.memory_space<semaphore_mem>>
        %dma_start3A = arith.constant 0 : i32
        %dma_start3A_92 = tpu.memref_slice %arg8[%scan3A_88, %dma_start3A] : memref<25x80xi32, #tpu.memory_space<vmem>> -> memref<1x80xi32, #tpu.memory_space<vmem>>
        %dma_start3A_93 = tpu.memref_squeeze %dma_start3A_92 : memref<1x80xi32, #tpu.memory_space<vmem>> -> memref<80xi32, #tpu.memory_space<vmem>>
        %dma_start3A_94 = arith.constant 0 : i32
        %dma_start3A_95 = arith.constant 0 : i32
        %dma_start3A_96 = tpu.memref_slice %arg11[%dma_start3A_94, %dma_start3A_95] : memref<10240x128xf32, #tpu.memory_space<vmem_shared>> -> memref<10240x128xf32, #tpu.memory_space<vmem_shared>>
        tpu.enqueue_indirect_dma source(%arg9 : memref<80x128xf32, #tpu.memory_space<vmem>>) target(%dma_start3A_96 : memref<10240x128xf32, #tpu.memory_space<vmem_shared>>) offsets(%dma_start3A_93 : memref<80xi32, #tpu.memory_space<vmem>>) semaphore(%run_scoped3A_91 : memref<!tpu.dma_semaphore, #tpu.memory_space<semaphore_mem>>) {add = true}
        %dma_wait3A = arith.constant 0 : i32
        %dma_wait3A_97 = tpu.memref_slice %arg8[%scan3A_88, %dma_wait3A] : memref<25x80xi32, #tpu.memory_space<vmem>> -> memref<1x80xi32, #tpu.memory_space<vmem>>
        %dma_wait3A_98 = tpu.memref_squeeze %dma_wait3A_97 : memref<1x80xi32, #tpu.memory_space<vmem>> -> memref<80xi32, #tpu.memory_space<vmem>>
        %dma_wait3A_99 = arith.constant 0 : i32
        %dma_wait3A_100 = arith.constant 0 : i32
        %dma_wait3A_101 = tpu.memref_slice %arg11[%dma_wait3A_99, %dma_wait3A_100] : memref<10240x128xf32, #tpu.memory_space<vmem_shared>> -> memref<10240x128xf32, #tpu.memory_space<vmem_shared>>
        tpu.wait_indirect_dma semaphore(%run_scoped3A_91 : memref<!tpu.dma_semaphore, #tpu.memory_space<semaphore_mem>>) src(%arg9 : memref<80x128xf32, #tpu.memory_space<vmem>>) dst(%dma_wait3A_101 : memref<10240x128xf32, #tpu.memory_space<vmem_shared>>)
        tpu.yield
      }) : () -> ()
      %scan3A_90 = arith.constant 0 : i32
      scf.yield %scan3A_90 : i32
    }
    %scan3A_48 = arith.constant 25 : i32
    %run_scoped3A_49 = arith.constant 3 : i32
    "tpu.region"() ({
      %run_scoped3A_88 = tpu.sem_alloc : memref<!tpu.dma_semaphore, #tpu.memory_space<semaphore_mem>>
      %dma_start3A = arith.constant 0 : i32
      %dma_start3A_89 = arith.constant 0 : i32
      %dma_start3A_90 = tpu.memref_slice %arg3[%add3A_23, %run_scoped3A_49, %dma_start3A, %dma_start3A_89] : memref<32x5x25x80xi32, #tpu.memory_space<hbm>> -> memref<1x1x25x80xi32, #tpu.memory_space<hbm>>
      %dma_start3A_91 = tpu.memref_squeeze %dma_start3A_90 : memref<1x1x25x80xi32, #tpu.memory_space<hbm>> -> memref<25x80xi32, #tpu.memory_space<hbm>>
      %dma_start3A_92 = arith.constant 0 : i32
      %dma_start3A_93 = arith.constant 0 : i32
      %dma_start3A_94 = tpu.memref_slice %arg3[%add3A_23, %run_scoped3A_49, %dma_start3A_92, %dma_start3A_93] : memref<32x5x25x80xi32, #tpu.memory_space<hbm>> -> memref<1x1x25x80xi32, #tpu.memory_space<hbm>>
      %dma_start3A_95 = tpu.memref_squeeze %dma_start3A_94 : memref<1x1x25x80xi32, #tpu.memory_space<hbm>> -> memref<25x80xi32, #tpu.memory_space<hbm>>
      tpu.enqueue_dma source(%dma_start3A_95 : memref<25x80xi32, #tpu.memory_space<hbm>>) target(%arg7 : memref<25x80xi32, #tpu.memory_space<vmem>>) target_semaphore(%run_scoped3A_88 : memref<!tpu.dma_semaphore, #tpu.memory_space<semaphore_mem>>)
      %dma_wait3A = arith.constant 0 : i32
      %dma_wait3A_96 = arith.constant 0 : i32
      %dma_wait3A_97 = tpu.memref_slice %arg3[%add3A_23, %run_scoped3A_49, %dma_wait3A, %dma_wait3A_96] : memref<32x5x25x80xi32, #tpu.memory_space<hbm>> -> memref<1x1x25x80xi32, #tpu.memory_space<hbm>>
      %dma_wait3A_98 = tpu.memref_squeeze %dma_wait3A_97 : memref<1x1x25x80xi32, #tpu.memory_space<hbm>> -> memref<25x80xi32, #tpu.memory_space<hbm>>
      %dma_wait3A_99 = arith.constant 0 : i32
      %dma_wait3A_100 = arith.constant 0 : i32
      %dma_wait3A_101 = tpu.memref_slice %arg3[%add3A_23, %run_scoped3A_49, %dma_wait3A_99, %dma_wait3A_100] : memref<32x5x25x80xi32, #tpu.memory_space<hbm>> -> memref<1x1x25x80xi32, #tpu.memory_space<hbm>>
      %dma_wait3A_102 = tpu.memref_squeeze %dma_wait3A_101 : memref<1x1x25x80xi32, #tpu.memory_space<hbm>> -> memref<25x80xi32, #tpu.memory_space<hbm>>
      tpu.wait_dma2 semaphore(%run_scoped3A_88 : memref<!tpu.dma_semaphore, #tpu.memory_space<semaphore_mem>>) src(%dma_wait3A_102 : memref<25x80xi32, #tpu.memory_space<hbm>>) dst(%arg7 : memref<25x80xi32, #tpu.memory_space<vmem>>)
      tpu.yield
    }) : () -> ()
    %run_scoped3A_50 = arith.constant 3 : i32
    "tpu.region"() ({
      %run_scoped3A_88 = tpu.sem_alloc : memref<!tpu.dma_semaphore, #tpu.memory_space<semaphore_mem>>
      %dma_start3A = arith.constant 0 : i32
      %dma_start3A_89 = arith.constant 0 : i32
      %dma_start3A_90 = tpu.memref_slice %arg4[%add3A_23, %run_scoped3A_50, %dma_start3A, %dma_start3A_89] : memref<32x5x25x80xi32, #tpu.memory_space<hbm>> -> memref<1x1x25x80xi32, #tpu.memory_space<hbm>>
      %dma_start3A_91 = tpu.memref_squeeze %dma_start3A_90 : memref<1x1x25x80xi32, #tpu.memory_space<hbm>> -> memref<25x80xi32, #tpu.memory_space<hbm>>
      %dma_start3A_92 = arith.constant 0 : i32
      %dma_start3A_93 = arith.constant 0 : i32
      %dma_start3A_94 = tpu.memref_slice %arg4[%add3A_23, %run_scoped3A_50, %dma_start3A_92, %dma_start3A_93] : memref<32x5x25x80xi32, #tpu.memory_space<hbm>> -> memref<1x1x25x80xi32, #tpu.memory_space<hbm>>
      %dma_start3A_95 = tpu.memref_squeeze %dma_start3A_94 : memref<1x1x25x80xi32, #tpu.memory_space<hbm>> -> memref<25x80xi32, #tpu.memory_space<hbm>>
      tpu.enqueue_dma source(%dma_start3A_95 : memref<25x80xi32, #tpu.memory_space<hbm>>) target(%arg8 : memref<25x80xi32, #tpu.memory_space<vmem>>) target_semaphore(%run_scoped3A_88 : memref<!tpu.dma_semaphore, #tpu.memory_space<semaphore_mem>>)
      %dma_wait3A = arith.constant 0 : i32
      %dma_wait3A_96 = arith.constant 0 : i32
      %dma_wait3A_97 = tpu.memref_slice %arg4[%add3A_23, %run_scoped3A_50, %dma_wait3A, %dma_wait3A_96] : memref<32x5x25x80xi32, #tpu.memory_space<hbm>> -> memref<1x1x25x80xi32, #tpu.memory_space<hbm>>
      %dma_wait3A_98 = tpu.memref_squeeze %dma_wait3A_97 : memref<1x1x25x80xi32, #tpu.memory_space<hbm>> -> memref<25x80xi32, #tpu.memory_space<hbm>>
      %dma_wait3A_99 = arith.constant 0 : i32
      %dma_wait3A_100 = arith.constant 0 : i32
      %dma_wait3A_101 = tpu.memref_slice %arg4[%add3A_23, %run_scoped3A_50, %dma_wait3A_99, %dma_wait3A_100] : memref<32x5x25x80xi32, #tpu.memory_space<hbm>> -> memref<1x1x25x80xi32, #tpu.memory_space<hbm>>
      %dma_wait3A_102 = tpu.memref_squeeze %dma_wait3A_101 : memref<1x1x25x80xi32, #tpu.memory_space<hbm>> -> memref<25x80xi32, #tpu.memory_space<hbm>>
      tpu.wait_dma2 semaphore(%run_scoped3A_88 : memref<!tpu.dma_semaphore, #tpu.memory_space<semaphore_mem>>) src(%dma_wait3A_102 : memref<25x80xi32, #tpu.memory_space<hbm>>) dst(%arg8 : memref<25x80xi32, #tpu.memory_space<vmem>>)
      tpu.yield
    }) : () -> ()
    %scan3A_51 = arith.constant 0 : i32
    %scan3A_52 = arith.constant 0 : i32
    %scan3A_53 = arith.constant 25 : i32
    %scan3A_54 = arith.addi %scan3A_52, %scan3A_53 : i32
    %scan3A_55 = arith.constant 1 : i32
    %scan3A_56 = scf.for %scan3A_88 = %scan3A_52 to %scan3A_54 step %scan3A_55 iter_args(%scan3A_89 = %scan3A_51) -> (i32)  : i32 {
      "tpu.region"() ({
        %run_scoped3A_91 = tpu.sem_alloc : memref<!tpu.dma_semaphore, #tpu.memory_space<semaphore_mem>>
        %dma_start3A = arith.constant 0 : i32
        %dma_start3A_92 = tpu.memref_slice %arg7[%scan3A_88, %dma_start3A] : memref<25x80xi32, #tpu.memory_space<vmem>> -> memref<1x80xi32, #tpu.memory_space<vmem>>
        %dma_start3A_93 = tpu.memref_squeeze %dma_start3A_92 : memref<1x80xi32, #tpu.memory_space<vmem>> -> memref<80xi32, #tpu.memory_space<vmem>>
        %dma_start3A_94 = arith.constant 0 : i32
        %dma_start3A_95 = arith.constant 0 : i32
        %dma_start3A_96 = tpu.memref_slice %arg2[%dma_start3A_94, %dma_start3A_95] : memref<10240x128xf32, #tpu.memory_space<hbm>> -> memref<10240x128xf32, #tpu.memory_space<hbm>>
        tpu.enqueue_indirect_dma source(%dma_start3A_96 : memref<10240x128xf32, #tpu.memory_space<hbm>>) target(%arg9 : memref<80x128xf32, #tpu.memory_space<vmem>>) offsets(%dma_start3A_93 : memref<80xi32, #tpu.memory_space<vmem>>) semaphore(%run_scoped3A_91 : memref<!tpu.dma_semaphore, #tpu.memory_space<semaphore_mem>>)
        %dma_wait3A = arith.constant 0 : i32
        %dma_wait3A_97 = tpu.memref_slice %arg7[%scan3A_88, %dma_wait3A] : memref<25x80xi32, #tpu.memory_space<vmem>> -> memref<1x80xi32, #tpu.memory_space<vmem>>
        %dma_wait3A_98 = tpu.memref_squeeze %dma_wait3A_97 : memref<1x80xi32, #tpu.memory_space<vmem>> -> memref<80xi32, #tpu.memory_space<vmem>>
        %dma_wait3A_99 = arith.constant 0 : i32
        %dma_wait3A_100 = arith.constant 0 : i32
        %dma_wait3A_101 = tpu.memref_slice %arg2[%dma_wait3A_99, %dma_wait3A_100] : memref<10240x128xf32, #tpu.memory_space<hbm>> -> memref<10240x128xf32, #tpu.memory_space<hbm>>
        tpu.wait_indirect_dma semaphore(%run_scoped3A_91 : memref<!tpu.dma_semaphore, #tpu.memory_space<semaphore_mem>>) src(%dma_wait3A_101 : memref<10240x128xf32, #tpu.memory_space<hbm>>) dst(%arg9 : memref<80x128xf32, #tpu.memory_space<vmem>>)
        tpu.yield
      }) : () -> ()
      "tpu.region"() ({
        %run_scoped3A_91 = tpu.sem_alloc : memref<!tpu.dma_semaphore, #tpu.memory_space<semaphore_mem>>
        %dma_start3A = arith.constant 0 : i32
        %dma_start3A_92 = tpu.memref_slice %arg8[%scan3A_88, %dma_start3A] : memref<25x80xi32, #tpu.memory_space<vmem>> -> memref<1x80xi32, #tpu.memory_space<vmem>>
        %dma_start3A_93 = tpu.memref_squeeze %dma_start3A_92 : memref<1x80xi32, #tpu.memory_space<vmem>> -> memref<80xi32, #tpu.memory_space<vmem>>
        %dma_start3A_94 = arith.constant 0 : i32
        %dma_start3A_95 = arith.constant 0 : i32
        %dma_start3A_96 = tpu.memref_slice %arg11[%dma_start3A_94, %dma_start3A_95] : memref<10240x128xf32, #tpu.memory_space<vmem_shared>> -> memref<10240x128xf32, #tpu.memory_space<vmem_shared>>
        tpu.enqueue_indirect_dma source(%arg9 : memref<80x128xf32, #tpu.memory_space<vmem>>) target(%dma_start3A_96 : memref<10240x128xf32, #tpu.memory_space<vmem_shared>>) offsets(%dma_start3A_93 : memref<80xi32, #tpu.memory_space<vmem>>) semaphore(%run_scoped3A_91 : memref<!tpu.dma_semaphore, #tpu.memory_space<semaphore_mem>>) {add = true}
        %dma_wait3A = arith.constant 0 : i32
        %dma_wait3A_97 = tpu.memref_slice %arg8[%scan3A_88, %dma_wait3A] : memref<25x80xi32, #tpu.memory_space<vmem>> -> memref<1x80xi32, #tpu.memory_space<vmem>>
        %dma_wait3A_98 = tpu.memref_squeeze %dma_wait3A_97 : memref<1x80xi32, #tpu.memory_space<vmem>> -> memref<80xi32, #tpu.memory_space<vmem>>
        %dma_wait3A_99 = arith.constant 0 : i32
        %dma_wait3A_100 = arith.constant 0 : i32
        %dma_wait3A_101 = tpu.memref_slice %arg11[%dma_wait3A_99, %dma_wait3A_100] : memref<10240x128xf32, #tpu.memory_space<vmem_shared>> -> memref<10240x128xf32, #tpu.memory_space<vmem_shared>>
        tpu.wait_indirect_dma semaphore(%run_scoped3A_91 : memref<!tpu.dma_semaphore, #tpu.memory_space<semaphore_mem>>) src(%arg9 : memref<80x128xf32, #tpu.memory_space<vmem>>) dst(%dma_wait3A_101 : memref<10240x128xf32, #tpu.memory_space<vmem_shared>>)
        tpu.yield
      }) : () -> ()
      %scan3A_90 = arith.constant 0 : i32
      scf.yield %scan3A_90 : i32
    }
    %scan3A_57 = arith.constant 25 : i32
    %run_scoped3A_58 = arith.constant 4 : i32
    "tpu.region"() ({
      %run_scoped3A_88 = tpu.sem_alloc : memref<!tpu.dma_semaphore, #tpu.memory_space<semaphore_mem>>
      %dma_start3A = arith.constant 0 : i32
      %dma_start3A_89 = arith.constant 0 : i32
      %dma_start3A_90 = tpu.memref_slice %arg3[%add3A_23, %run_scoped3A_58, %dma_start3A, %dma_start3A_89] : memref<32x5x25x80xi32, #tpu.memory_space<hbm>> -> memref<1x1x25x80xi32, #tpu.memory_space<hbm>>
      %dma_start3A_91 = tpu.memref_squeeze %dma_start3A_90 : memref<1x1x25x80xi32, #tpu.memory_space<hbm>> -> memref<25x80xi32, #tpu.memory_space<hbm>>
      %dma_start3A_92 = arith.constant 0 : i32
      %dma_start3A_93 = arith.constant 0 : i32
      %dma_start3A_94 = tpu.memref_slice %arg3[%add3A_23, %run_scoped3A_58, %dma_start3A_92, %dma_start3A_93] : memref<32x5x25x80xi32, #tpu.memory_space<hbm>> -> memref<1x1x25x80xi32, #tpu.memory_space<hbm>>
      %dma_start3A_95 = tpu.memref_squeeze %dma_start3A_94 : memref<1x1x25x80xi32, #tpu.memory_space<hbm>> -> memref<25x80xi32, #tpu.memory_space<hbm>>
      tpu.enqueue_dma source(%dma_start3A_95 : memref<25x80xi32, #tpu.memory_space<hbm>>) target(%arg7 : memref<25x80xi32, #tpu.memory_space<vmem>>) target_semaphore(%run_scoped3A_88 : memref<!tpu.dma_semaphore, #tpu.memory_space<semaphore_mem>>)
      %dma_wait3A = arith.constant 0 : i32
      %dma_wait3A_96 = arith.constant 0 : i32
      %dma_wait3A_97 = tpu.memref_slice %arg3[%add3A_23, %run_scoped3A_58, %dma_wait3A, %dma_wait3A_96] : memref<32x5x25x80xi32, #tpu.memory_space<hbm>> -> memref<1x1x25x80xi32, #tpu.memory_space<hbm>>
      %dma_wait3A_98 = tpu.memref_squeeze %dma_wait3A_97 : memref<1x1x25x80xi32, #tpu.memory_space<hbm>> -> memref<25x80xi32, #tpu.memory_space<hbm>>
      %dma_wait3A_99 = arith.constant 0 : i32
      %dma_wait3A_100 = arith.constant 0 : i32
      %dma_wait3A_101 = tpu.memref_slice %arg3[%add3A_23, %run_scoped3A_58, %dma_wait3A_99, %dma_wait3A_100] : memref<32x5x25x80xi32, #tpu.memory_space<hbm>> -> memref<1x1x25x80xi32, #tpu.memory_space<hbm>>
      %dma_wait3A_102 = tpu.memref_squeeze %dma_wait3A_101 : memref<1x1x25x80xi32, #tpu.memory_space<hbm>> -> memref<25x80xi32, #tpu.memory_space<hbm>>
      tpu.wait_dma2 semaphore(%run_scoped3A_88 : memref<!tpu.dma_semaphore, #tpu.memory_space<semaphore_mem>>) src(%dma_wait3A_102 : memref<25x80xi32, #tpu.memory_space<hbm>>) dst(%arg7 : memref<25x80xi32, #tpu.memory_space<vmem>>)
      tpu.yield
    }) : () -> ()
    %run_scoped3A_59 = arith.constant 4 : i32
    "tpu.region"() ({
      %run_scoped3A_88 = tpu.sem_alloc : memref<!tpu.dma_semaphore, #tpu.memory_space<semaphore_mem>>
      %dma_start3A = arith.constant 0 : i32
      %dma_start3A_89 = arith.constant 0 : i32
      %dma_start3A_90 = tpu.memref_slice %arg4[%add3A_23, %run_scoped3A_59, %dma_start3A, %dma_start3A_89] : memref<32x5x25x80xi32, #tpu.memory_space<hbm>> -> memref<1x1x25x80xi32, #tpu.memory_space<hbm>>
      %dma_start3A_91 = tpu.memref_squeeze %dma_start3A_90 : memref<1x1x25x80xi32, #tpu.memory_space<hbm>> -> memref<25x80xi32, #tpu.memory_space<hbm>>
      %dma_start3A_92 = arith.constant 0 : i32
      %dma_start3A_93 = arith.constant 0 : i32
      %dma_start3A_94 = tpu.memref_slice %arg4[%add3A_23, %run_scoped3A_59, %dma_start3A_92, %dma_start3A_93] : memref<32x5x25x80xi32, #tpu.memory_space<hbm>> -> memref<1x1x25x80xi32, #tpu.memory_space<hbm>>
      %dma_start3A_95 = tpu.memref_squeeze %dma_start3A_94 : memref<1x1x25x80xi32, #tpu.memory_space<hbm>> -> memref<25x80xi32, #tpu.memory_space<hbm>>
      tpu.enqueue_dma source(%dma_start3A_95 : memref<25x80xi32, #tpu.memory_space<hbm>>) target(%arg8 : memref<25x80xi32, #tpu.memory_space<vmem>>) target_semaphore(%run_scoped3A_88 : memref<!tpu.dma_semaphore, #tpu.memory_space<semaphore_mem>>)
      %dma_wait3A = arith.constant 0 : i32
      %dma_wait3A_96 = arith.constant 0 : i32
      %dma_wait3A_97 = tpu.memref_slice %arg4[%add3A_23, %run_scoped3A_59, %dma_wait3A, %dma_wait3A_96] : memref<32x5x25x80xi32, #tpu.memory_space<hbm>> -> memref<1x1x25x80xi32, #tpu.memory_space<hbm>>
      %dma_wait3A_98 = tpu.memref_squeeze %dma_wait3A_97 : memref<1x1x25x80xi32, #tpu.memory_space<hbm>> -> memref<25x80xi32, #tpu.memory_space<hbm>>
      %dma_wait3A_99 = arith.constant 0 : i32
      %dma_wait3A_100 = arith.constant 0 : i32
      %dma_wait3A_101 = tpu.memref_slice %arg4[%add3A_23, %run_scoped3A_59, %dma_wait3A_99, %dma_wait3A_100] : memref<32x5x25x80xi32, #tpu.memory_space<hbm>> -> memref<1x1x25x80xi32, #tpu.memory_space<hbm>>
      %dma_wait3A_102 = tpu.memref_squeeze %dma_wait3A_101 : memref<1x1x25x80xi32, #tpu.memory_space<hbm>> -> memref<25x80xi32, #tpu.memory_space<hbm>>
      tpu.wait_dma2 semaphore(%run_scoped3A_88 : memref<!tpu.dma_semaphore, #tpu.memory_space<semaphore_mem>>) src(%dma_wait3A_102 : memref<25x80xi32, #tpu.memory_space<hbm>>) dst(%arg8 : memref<25x80xi32, #tpu.memory_space<vmem>>)
      tpu.yield
    }) : () -> ()
    %scan3A_60 = arith.constant 0 : i32
    %scan3A_61 = arith.constant 0 : i32
    %scan3A_62 = arith.constant 25 : i32
    %scan3A_63 = arith.addi %scan3A_61, %scan3A_62 : i32
    %scan3A_64 = arith.constant 1 : i32
    %scan3A_65 = scf.for %scan3A_88 = %scan3A_61 to %scan3A_63 step %scan3A_64 iter_args(%scan3A_89 = %scan3A_60) -> (i32)  : i32 {
      "tpu.region"() ({
        %run_scoped3A_91 = tpu.sem_alloc : memref<!tpu.dma_semaphore, #tpu.memory_space<semaphore_mem>>
        %dma_start3A = arith.constant 0 : i32
        %dma_start3A_92 = tpu.memref_slice %arg7[%scan3A_88, %dma_start3A] : memref<25x80xi32, #tpu.memory_space<vmem>> -> memref<1x80xi32, #tpu.memory_space<vmem>>
        %dma_start3A_93 = tpu.memref_squeeze %dma_start3A_92 : memref<1x80xi32, #tpu.memory_space<vmem>> -> memref<80xi32, #tpu.memory_space<vmem>>
        %dma_start3A_94 = arith.constant 0 : i32
        %dma_start3A_95 = arith.constant 0 : i32
        %dma_start3A_96 = tpu.memref_slice %arg2[%dma_start3A_94, %dma_start3A_95] : memref<10240x128xf32, #tpu.memory_space<hbm>> -> memref<10240x128xf32, #tpu.memory_space<hbm>>
        tpu.enqueue_indirect_dma source(%dma_start3A_96 : memref<10240x128xf32, #tpu.memory_space<hbm>>) target(%arg9 : memref<80x128xf32, #tpu.memory_space<vmem>>) offsets(%dma_start3A_93 : memref<80xi32, #tpu.memory_space<vmem>>) semaphore(%run_scoped3A_91 : memref<!tpu.dma_semaphore, #tpu.memory_space<semaphore_mem>>)
        %dma_wait3A = arith.constant 0 : i32
        %dma_wait3A_97 = tpu.memref_slice %arg7[%scan3A_88, %dma_wait3A] : memref<25x80xi32, #tpu.memory_space<vmem>> -> memref<1x80xi32, #tpu.memory_space<vmem>>
        %dma_wait3A_98 = tpu.memref_squeeze %dma_wait3A_97 : memref<1x80xi32, #tpu.memory_space<vmem>> -> memref<80xi32, #tpu.memory_space<vmem>>
        %dma_wait3A_99 = arith.constant 0 : i32
        %dma_wait3A_100 = arith.constant 0 : i32
        %dma_wait3A_101 = tpu.memref_slice %arg2[%dma_wait3A_99, %dma_wait3A_100] : memref<10240x128xf32, #tpu.memory_space<hbm>> -> memref<10240x128xf32, #tpu.memory_space<hbm>>
        tpu.wait_indirect_dma semaphore(%run_scoped3A_91 : memref<!tpu.dma_semaphore, #tpu.memory_space<semaphore_mem>>) src(%dma_wait3A_101 : memref<10240x128xf32, #tpu.memory_space<hbm>>) dst(%arg9 : memref<80x128xf32, #tpu.memory_space<vmem>>)
        tpu.yield
      }) : () -> ()
      "tpu.region"() ({
        %run_scoped3A_91 = tpu.sem_alloc : memref<!tpu.dma_semaphore, #tpu.memory_space<semaphore_mem>>
        %dma_start3A = arith.constant 0 : i32
        %dma_start3A_92 = tpu.memref_slice %arg8[%scan3A_88, %dma_start3A] : memref<25x80xi32, #tpu.memory_space<vmem>> -> memref<1x80xi32, #tpu.memory_space<vmem>>
        %dma_start3A_93 = tpu.memref_squeeze %dma_start3A_92 : memref<1x80xi32, #tpu.memory_space<vmem>> -> memref<80xi32, #tpu.memory_space<vmem>>
        %dma_start3A_94 = arith.constant 0 : i32
        %dma_start3A_95 = arith.constant 0 : i32
        %dma_start3A_96 = tpu.memref_slice %arg11[%dma_start3A_94, %dma_start3A_95] : memref<10240x128xf32, #tpu.memory_space<vmem_shared>> -> memref<10240x128xf32, #tpu.memory_space<vmem_shared>>
        tpu.enqueue_indirect_dma source(%arg9 : memref<80x128xf32, #tpu.memory_space<vmem>>) target(%dma_start3A_96 : memref<10240x128xf32, #tpu.memory_space<vmem_shared>>) offsets(%dma_start3A_93 : memref<80xi32, #tpu.memory_space<vmem>>) semaphore(%run_scoped3A_91 : memref<!tpu.dma_semaphore, #tpu.memory_space<semaphore_mem>>) {add = true}
        %dma_wait3A = arith.constant 0 : i32
        %dma_wait3A_97 = tpu.memref_slice %arg8[%scan3A_88, %dma_wait3A] : memref<25x80xi32, #tpu.memory_space<vmem>> -> memref<1x80xi32, #tpu.memory_space<vmem>>
        %dma_wait3A_98 = tpu.memref_squeeze %dma_wait3A_97 : memref<1x80xi32, #tpu.memory_space<vmem>> -> memref<80xi32, #tpu.memory_space<vmem>>
        %dma_wait3A_99 = arith.constant 0 : i32
        %dma_wait3A_100 = arith.constant 0 : i32
        %dma_wait3A_101 = tpu.memref_slice %arg11[%dma_wait3A_99, %dma_wait3A_100] : memref<10240x128xf32, #tpu.memory_space<vmem_shared>> -> memref<10240x128xf32, #tpu.memory_space<vmem_shared>>
        tpu.wait_indirect_dma semaphore(%run_scoped3A_91 : memref<!tpu.dma_semaphore, #tpu.memory_space<semaphore_mem>>) src(%arg9 : memref<80x128xf32, #tpu.memory_space<vmem>>) dst(%dma_wait3A_101 : memref<10240x128xf32, #tpu.memory_space<vmem_shared>>)
        tpu.yield
      }) : () -> ()
      %scan3A_90 = arith.constant 0 : i32
      scf.yield %scan3A_90 : i32
    }
    %scan3A_66 = arith.constant 25 : i32
    %barrier3A_67 = arith.constant 0 : index
    tpu.barrier barrier_id(%barrier3A_67)
    %mul3A_68 = arith.constant 640 : i32
    %mul3A_69 = arith.muli %arg1, %mul3A_68 : i32
    %add3A_70 = arith.constant 0 : i32
    %add3A_71 = arith.addi %mul3A_69, %add3A_70 : i32
    "tpu.region"() ({
      %run_scoped3A_88 = tpu.sem_alloc : memref<!tpu.dma_semaphore, #tpu.memory_space<semaphore_mem>>
      %dma_start3A = arith.constant 0 : i32
      %dma_start3A_89 = tpu.memref_slice %arg11[%add3A_71, %dma_start3A] : memref<10240x128xf32, #tpu.memory_space<vmem_shared>> -> memref<128x128xf32, #tpu.memory_space<vmem_shared>>
      %dma_start3A_90 = arith.constant 0 : i32
      %dma_start3A_91 = tpu.memref_slice %arg11[%add3A_71, %dma_start3A_90] : memref<10240x128xf32, #tpu.memory_space<vmem_shared>> -> memref<128x128xf32, #tpu.memory_space<vmem_shared>>
      tpu.enqueue_dma source(%dma_start3A_91 : memref<128x128xf32, #tpu.memory_space<vmem_shared>>) target(%arg10 : memref<128x128xf32, #tpu.memory_space<vmem>>) target_semaphore(%run_scoped3A_88 : memref<!tpu.dma_semaphore, #tpu.memory_space<semaphore_mem>>)
      %dma_wait3A = arith.constant 0 : i32
      %dma_wait3A_92 = tpu.memref_slice %arg11[%add3A_71, %dma_wait3A] : memref<10240x128xf32, #tpu.memory_space<vmem_shared>> -> memref<128x128xf32, #tpu.memory_space<vmem_shared>>
      %dma_wait3A_93 = arith.constant 0 : i32
      %dma_wait3A_94 = tpu.memref_slice %arg11[%add3A_71, %dma_wait3A_93] : memref<10240x128xf32, #tpu.memory_space<vmem_shared>> -> memref<128x128xf32, #tpu.memory_space<vmem_shared>>
      tpu.wait_dma2 semaphore(%run_scoped3A_88 : memref<!tpu.dma_semaphore, #tpu.memory_space<semaphore_mem>>) src(%dma_wait3A_94 : memref<128x128xf32, #tpu.memory_space<vmem_shared>>) dst(%arg10 : memref<128x128xf32, #tpu.memory_space<vmem>>)
      tpu.yield
    }) : () -> ()
    "tpu.region"() ({
      %run_scoped3A_88 = tpu.sem_alloc : memref<!tpu.dma_semaphore, #tpu.memory_space<semaphore_mem>>
      %dma_start3A = arith.constant 0 : i32
      %dma_start3A_89 = tpu.memref_slice %arg6[%arg0, %add3A_71, %dma_start3A] : memref<2x10240x128xf32, #tpu.memory_space<hbm>> -> memref<1x128x128xf32, #tpu.memory_space<hbm>>
      %dma_start3A_90 = tpu.memref_squeeze %dma_start3A_89 : memref<1x128x128xf32, #tpu.memory_space<hbm>> -> memref<128x128xf32, #tpu.memory_space<hbm>>
      %dma_start3A_91 = arith.constant 0 : i32
      %dma_start3A_92 = tpu.memref_slice %arg6[%arg0, %add3A_71, %dma_start3A_91] : memref<2x10240x128xf32, #tpu.memory_space<hbm>> -> memref<1x128x128xf32, #tpu.memory_space<hbm>>
      %dma_start3A_93 = tpu.memref_squeeze %dma_start3A_92 : memref<1x128x128xf32, #tpu.memory_space<hbm>> -> memref<128x128xf32, #tpu.memory_space<hbm>>
      tpu.enqueue_dma source(%arg10 : memref<128x128xf32, #tpu.memory_space<vmem>>) target(%dma_start3A_93 : memref<128x128xf32, #tpu.memory_space<hbm>>) target_semaphore(%run_scoped3A_88 : memref<!tpu.dma_semaphore, #tpu.memory_space<semaphore_mem>>)
      %dma_wait3A = arith.constant 0 : i32
      %dma_wait3A_94 = tpu.memref_slice %arg6[%arg0, %add3A_71, %dma_wait3A] : memref<2x10240x128xf32, #tpu.memory_space<hbm>> -> memref<1x128x128xf32, #tpu.memory_space<hbm>>
      %dma_wait3A_95 = tpu.memref_squeeze %dma_wait3A_94 : memref<1x128x128xf32, #tpu.memory_space<hbm>> -> memref<128x128xf32, #tpu.memory_space<hbm>>
      %dma_wait3A_96 = arith.constant 0 : i32
      %dma_wait3A_97 = tpu.memref_slice %arg6[%arg0, %add3A_71, %dma_wait3A_96] : memref<2x10240x128xf32, #tpu.memory_space<hbm>> -> memref<1x128x128xf32, #tpu.memory_space<hbm>>
      %dma_wait3A_98 = tpu.memref_squeeze %dma_wait3A_97 : memref<1x128x128xf32, #tpu.memory_space<hbm>> -> memref<128x128xf32, #tpu.memory_space<hbm>>
      tpu.wait_dma2 semaphore(%run_scoped3A_88 : memref<!tpu.dma_semaphore, #tpu.memory_space<semaphore_mem>>) src(%arg10 : memref<128x128xf32, #tpu.memory_space<vmem>>) dst(%dma_wait3A_98 : memref<128x128xf32, #tpu.memory_space<hbm>>)
      tpu.yield
    }) : () -> ()
    %mul3A_72 = arith.constant 640 : i32
    %mul3A_73 = arith.muli %arg1, %mul3A_72 : i32
    %add3A_74 = arith.constant 128 : i32
    %add3A_75 = arith.addi %mul3A_73, %add3A_74 : i32
    "tpu.region"() ({
      %run_scoped3A_88 = tpu.sem_alloc : memref<!tpu.dma_semaphore, #tpu.memory_space<semaphore_mem>>
      %dma_start3A = arith.constant 0 : i32
      %dma_start3A_89 = tpu.memref_slice %arg11[%add3A_75, %dma_start3A] : memref<10240x128xf32, #tpu.memory_space<vmem_shared>> -> memref<128x128xf32, #tpu.memory_space<vmem_shared>>
      %dma_start3A_90 = arith.constant 0 : i32
      %dma_start3A_91 = tpu.memref_slice %arg11[%add3A_75, %dma_start3A_90] : memref<10240x128xf32, #tpu.memory_space<vmem_shared>> -> memref<128x128xf32, #tpu.memory_space<vmem_shared>>
      tpu.enqueue_dma source(%dma_start3A_91 : memref<128x128xf32, #tpu.memory_space<vmem_shared>>) target(%arg10 : memref<128x128xf32, #tpu.memory_space<vmem>>) target_semaphore(%run_scoped3A_88 : memref<!tpu.dma_semaphore, #tpu.memory_space<semaphore_mem>>)
      %dma_wait3A = arith.constant 0 : i32
      %dma_wait3A_92 = tpu.memref_slice %arg11[%add3A_75, %dma_wait3A] : memref<10240x128xf32, #tpu.memory_space<vmem_shared>> -> memref<128x128xf32, #tpu.memory_space<vmem_shared>>
      %dma_wait3A_93 = arith.constant 0 : i32
      %dma_wait3A_94 = tpu.memref_slice %arg11[%add3A_75, %dma_wait3A_93] : memref<10240x128xf32, #tpu.memory_space<vmem_shared>> -> memref<128x128xf32, #tpu.memory_space<vmem_shared>>
      tpu.wait_dma2 semaphore(%run_scoped3A_88 : memref<!tpu.dma_semaphore, #tpu.memory_space<semaphore_mem>>) src(%dma_wait3A_94 : memref<128x128xf32, #tpu.memory_space<vmem_shared>>) dst(%arg10 : memref<128x128xf32, #tpu.memory_space<vmem>>)
      tpu.yield
    }) : () -> ()
    "tpu.region"() ({
      %run_scoped3A_88 = tpu.sem_alloc : memref<!tpu.dma_semaphore, #tpu.memory_space<semaphore_mem>>
      %dma_start3A = arith.constant 0 : i32
      %dma_start3A_89 = tpu.memref_slice %arg6[%arg0, %add3A_75, %dma_start3A] : memref<2x10240x128xf32, #tpu.memory_space<hbm>> -> memref<1x128x128xf32, #tpu.memory_space<hbm>>
      %dma_start3A_90 = tpu.memref_squeeze %dma_start3A_89 : memref<1x128x128xf32, #tpu.memory_space<hbm>> -> memref<128x128xf32, #tpu.memory_space<hbm>>
      %dma_start3A_91 = arith.constant 0 : i32
      %dma_start3A_92 = tpu.memref_slice %arg6[%arg0, %add3A_75, %dma_start3A_91] : memref<2x10240x128xf32, #tpu.memory_space<hbm>> -> memref<1x128x128xf32, #tpu.memory_space<hbm>>
      %dma_start3A_93 = tpu.memref_squeeze %dma_start3A_92 : memref<1x128x128xf32, #tpu.memory_space<hbm>> -> memref<128x128xf32, #tpu.memory_space<hbm>>
      tpu.enqueue_dma source(%arg10 : memref<128x128xf32, #tpu.memory_space<vmem>>) target(%dma_start3A_93 : memref<128x128xf32, #tpu.memory_space<hbm>>) target_semaphore(%run_scoped3A_88 : memref<!tpu.dma_semaphore, #tpu.memory_space<semaphore_mem>>)
      %dma_wait3A = arith.constant 0 : i32
      %dma_wait3A_94 = tpu.memref_slice %arg6[%arg0, %add3A_75, %dma_wait3A] : memref<2x10240x128xf32, #tpu.memory_space<hbm>> -> memref<1x128x128xf32, #tpu.memory_space<hbm>>
      %dma_wait3A_95 = tpu.memref_squeeze %dma_wait3A_94 : memref<1x128x128xf32, #tpu.memory_space<hbm>> -> memref<128x128xf32, #tpu.memory_space<hbm>>
      %dma_wait3A_96 = arith.constant 0 : i32
      %dma_wait3A_97 = tpu.memref_slice %arg6[%arg0, %add3A_75, %dma_wait3A_96] : memref<2x10240x128xf32, #tpu.memory_space<hbm>> -> memref<1x128x128xf32, #tpu.memory_space<hbm>>
      %dma_wait3A_98 = tpu.memref_squeeze %dma_wait3A_97 : memref<1x128x128xf32, #tpu.memory_space<hbm>> -> memref<128x128xf32, #tpu.memory_space<hbm>>
      tpu.wait_dma2 semaphore(%run_scoped3A_88 : memref<!tpu.dma_semaphore, #tpu.memory_space<semaphore_mem>>) src(%arg10 : memref<128x128xf32, #tpu.memory_space<vmem>>) dst(%dma_wait3A_98 : memref<128x128xf32, #tpu.memory_space<hbm>>)
      tpu.yield
    }) : () -> ()
    %mul3A_76 = arith.constant 640 : i32
    %mul3A_77 = arith.muli %arg1, %mul3A_76 : i32
    %add3A_78 = arith.constant 256 : i32
    %add3A_79 = arith.addi %mul3A_77, %add3A_78 : i32
    "tpu.region"() ({
      %run_scoped3A_88 = tpu.sem_alloc : memref<!tpu.dma_semaphore, #tpu.memory_space<semaphore_mem>>
      %dma_start3A = arith.constant 0 : i32
      %dma_start3A_89 = tpu.memref_slice %arg11[%add3A_79, %dma_start3A] : memref<10240x128xf32, #tpu.memory_space<vmem_shared>> -> memref<128x128xf32, #tpu.memory_space<vmem_shared>>
      %dma_start3A_90 = arith.constant 0 : i32
      %dma_start3A_91 = tpu.memref_slice %arg11[%add3A_79, %dma_start3A_90] : memref<10240x128xf32, #tpu.memory_space<vmem_shared>> -> memref<128x128xf32, #tpu.memory_space<vmem_shared>>
      tpu.enqueue_dma source(%dma_start3A_91 : memref<128x128xf32, #tpu.memory_space<vmem_shared>>) target(%arg10 : memref<128x128xf32, #tpu.memory_space<vmem>>) target_semaphore(%run_scoped3A_88 : memref<!tpu.dma_semaphore, #tpu.memory_space<semaphore_mem>>)
      %dma_wait3A = arith.constant 0 : i32
      %dma_wait3A_92 = tpu.memref_slice %arg11[%add3A_79, %dma_wait3A] : memref<10240x128xf32, #tpu.memory_space<vmem_shared>> -> memref<128x128xf32, #tpu.memory_space<vmem_shared>>
      %dma_wait3A_93 = arith.constant 0 : i32
      %dma_wait3A_94 = tpu.memref_slice %arg11[%add3A_79, %dma_wait3A_93] : memref<10240x128xf32, #tpu.memory_space<vmem_shared>> -> memref<128x128xf32, #tpu.memory_space<vmem_shared>>
      tpu.wait_dma2 semaphore(%run_scoped3A_88 : memref<!tpu.dma_semaphore, #tpu.memory_space<semaphore_mem>>) src(%dma_wait3A_94 : memref<128x128xf32, #tpu.memory_space<vmem_shared>>) dst(%arg10 : memref<128x128xf32, #tpu.memory_space<vmem>>)
      tpu.yield
    }) : () -> ()
    "tpu.region"() ({
      %run_scoped3A_88 = tpu.sem_alloc : memref<!tpu.dma_semaphore, #tpu.memory_space<semaphore_mem>>
      %dma_start3A = arith.constant 0 : i32
      %dma_start3A_89 = tpu.memref_slice %arg6[%arg0, %add3A_79, %dma_start3A] : memref<2x10240x128xf32, #tpu.memory_space<hbm>> -> memref<1x128x128xf32, #tpu.memory_space<hbm>>
      %dma_start3A_90 = tpu.memref_squeeze %dma_start3A_89 : memref<1x128x128xf32, #tpu.memory_space<hbm>> -> memref<128x128xf32, #tpu.memory_space<hbm>>
      %dma_start3A_91 = arith.constant 0 : i32
      %dma_start3A_92 = tpu.memref_slice %arg6[%arg0, %add3A_79, %dma_start3A_91] : memref<2x10240x128xf32, #tpu.memory_space<hbm>> -> memref<1x128x128xf32, #tpu.memory_space<hbm>>
      %dma_start3A_93 = tpu.memref_squeeze %dma_start3A_92 : memref<1x128x128xf32, #tpu.memory_space<hbm>> -> memref<128x128xf32, #tpu.memory_space<hbm>>
      tpu.enqueue_dma source(%arg10 : memref<128x128xf32, #tpu.memory_space<vmem>>) target(%dma_start3A_93 : memref<128x128xf32, #tpu.memory_space<hbm>>) target_semaphore(%run_scoped3A_88 : memref<!tpu.dma_semaphore, #tpu.memory_space<semaphore_mem>>)
      %dma_wait3A = arith.constant 0 : i32
      %dma_wait3A_94 = tpu.memref_slice %arg6[%arg0, %add3A_79, %dma_wait3A] : memref<2x10240x128xf32, #tpu.memory_space<hbm>> -> memref<1x128x128xf32, #tpu.memory_space<hbm>>
      %dma_wait3A_95 = tpu.memref_squeeze %dma_wait3A_94 : memref<1x128x128xf32, #tpu.memory_space<hbm>> -> memref<128x128xf32, #tpu.memory_space<hbm>>
      %dma_wait3A_96 = arith.constant 0 : i32
      %dma_wait3A_97 = tpu.memref_slice %arg6[%arg0, %add3A_79, %dma_wait3A_96] : memref<2x10240x128xf32, #tpu.memory_space<hbm>> -> memref<1x128x128xf32, #tpu.memory_space<hbm>>
      %dma_wait3A_98 = tpu.memref_squeeze %dma_wait3A_97 : memref<1x128x128xf32, #tpu.memory_space<hbm>> -> memref<128x128xf32, #tpu.memory_space<hbm>>
      tpu.wait_dma2 semaphore(%run_scoped3A_88 : memref<!tpu.dma_semaphore, #tpu.memory_space<semaphore_mem>>) src(%arg10 : memref<128x128xf32, #tpu.memory_space<vmem>>) dst(%dma_wait3A_98 : memref<128x128xf32, #tpu.memory_space<hbm>>)
      tpu.yield
    }) : () -> ()
    %mul3A_80 = arith.constant 640 : i32
    %mul3A_81 = arith.muli %arg1, %mul3A_80 : i32
    %add3A_82 = arith.constant 384 : i32
    %add3A_83 = arith.addi %mul3A_81, %add3A_82 : i32
    "tpu.region"() ({
      %run_scoped3A_88 = tpu.sem_alloc : memref<!tpu.dma_semaphore, #tpu.memory_space<semaphore_mem>>
      %dma_start3A = arith.constant 0 : i32
      %dma_start3A_89 = tpu.memref_slice %arg11[%add3A_83, %dma_start3A] : memref<10240x128xf32, #tpu.memory_space<vmem_shared>> -> memref<128x128xf32, #tpu.memory_space<vmem_shared>>
      %dma_start3A_90 = arith.constant 0 : i32
      %dma_start3A_91 = tpu.memref_slice %arg11[%add3A_83, %dma_start3A_90] : memref<10240x128xf32, #tpu.memory_space<vmem_shared>> -> memref<128x128xf32, #tpu.memory_space<vmem_shared>>
      tpu.enqueue_dma source(%dma_start3A_91 : memref<128x128xf32, #tpu.memory_space<vmem_shared>>) target(%arg10 : memref<128x128xf32, #tpu.memory_space<vmem>>) target_semaphore(%run_scoped3A_88 : memref<!tpu.dma_semaphore, #tpu.memory_space<semaphore_mem>>)
      %dma_wait3A = arith.constant 0 : i32
      %dma_wait3A_92 = tpu.memref_slice %arg11[%add3A_83, %dma_wait3A] : memref<10240x128xf32, #tpu.memory_space<vmem_shared>> -> memref<128x128xf32, #tpu.memory_space<vmem_shared>>
      %dma_wait3A_93 = arith.constant 0 : i32
      %dma_wait3A_94 = tpu.memref_slice %arg11[%add3A_83, %dma_wait3A_93] : memref<10240x128xf32, #tpu.memory_space<vmem_shared>> -> memref<128x128xf32, #tpu.memory_space<vmem_shared>>
      tpu.wait_dma2 semaphore(%run_scoped3A_88 : memref<!tpu.dma_semaphore, #tpu.memory_space<semaphore_mem>>) src(%dma_wait3A_94 : memref<128x128xf32, #tpu.memory_space<vmem_shared>>) dst(%arg10 : memref<128x128xf32, #tpu.memory_space<vmem>>)
      tpu.yield
    }) : () -> ()
    "tpu.region"() ({
      %run_scoped3A_88 = tpu.sem_alloc : memref<!tpu.dma_semaphore, #tpu.memory_space<semaphore_mem>>
      %dma_start3A = arith.constant 0 : i32
      %dma_start3A_89 = tpu.memref_slice %arg6[%arg0, %add3A_83, %dma_start3A] : memref<2x10240x128xf32, #tpu.memory_space<hbm>> -> memref<1x128x128xf32, #tpu.memory_space<hbm>>
      %dma_start3A_90 = tpu.memref_squeeze %dma_start3A_89 : memref<1x128x128xf32, #tpu.memory_space<hbm>> -> memref<128x128xf32, #tpu.memory_space<hbm>>
      %dma_start3A_91 = arith.constant 0 : i32
      %dma_start3A_92 = tpu.memref_slice %arg6[%arg0, %add3A_83, %dma_start3A_91] : memref<2x10240x128xf32, #tpu.memory_space<hbm>> -> memref<1x128x128xf32, #tpu.memory_space<hbm>>
      %dma_start3A_93 = tpu.memref_squeeze %dma_start3A_92 : memref<1x128x128xf32, #tpu.memory_space<hbm>> -> memref<128x128xf32, #tpu.memory_space<hbm>>
      tpu.enqueue_dma source(%arg10 : memref<128x128xf32, #tpu.memory_space<vmem>>) target(%dma_start3A_93 : memref<128x128xf32, #tpu.memory_space<hbm>>) target_semaphore(%run_scoped3A_88 : memref<!tpu.dma_semaphore, #tpu.memory_space<semaphore_mem>>)
      %dma_wait3A = arith.constant 0 : i32
      %dma_wait3A_94 = tpu.memref_slice %arg6[%arg0, %add3A_83, %dma_wait3A] : memref<2x10240x128xf32, #tpu.memory_space<hbm>> -> memref<1x128x128xf32, #tpu.memory_space<hbm>>
      %dma_wait3A_95 = tpu.memref_squeeze %dma_wait3A_94 : memref<1x128x128xf32, #tpu.memory_space<hbm>> -> memref<128x128xf32, #tpu.memory_space<hbm>>
      %dma_wait3A_96 = arith.constant 0 : i32
      %dma_wait3A_97 = tpu.memref_slice %arg6[%arg0, %add3A_83, %dma_wait3A_96] : memref<2x10240x128xf32, #tpu.memory_space<hbm>> -> memref<1x128x128xf32, #tpu.memory_space<hbm>>
      %dma_wait3A_98 = tpu.memref_squeeze %dma_wait3A_97 : memref<1x128x128xf32, #tpu.memory_space<hbm>> -> memref<128x128xf32, #tpu.memory_space<hbm>>
      tpu.wait_dma2 semaphore(%run_scoped3A_88 : memref<!tpu.dma_semaphore, #tpu.memory_space<semaphore_mem>>) src(%arg10 : memref<128x128xf32, #tpu.memory_space<vmem>>) dst(%dma_wait3A_98 : memref<128x128xf32, #tpu.memory_space<hbm>>)
      tpu.yield
    }) : () -> ()
    %mul3A_84 = arith.constant 640 : i32
    %mul3A_85 = arith.muli %arg1, %mul3A_84 : i32
    %add3A_86 = arith.constant 512 : i32
    %add3A_87 = arith.addi %mul3A_85, %add3A_86 : i32
    "tpu.region"() ({
      %run_scoped3A_88 = tpu.sem_alloc : memref<!tpu.dma_semaphore, #tpu.memory_space<semaphore_mem>>
      %dma_start3A = arith.constant 0 : i32
      %dma_start3A_89 = tpu.memref_slice %arg11[%add3A_87, %dma_start3A] : memref<10240x128xf32, #tpu.memory_space<vmem_shared>> -> memref<128x128xf32, #tpu.memory_space<vmem_shared>>
      %dma_start3A_90 = arith.constant 0 : i32
      %dma_start3A_91 = tpu.memref_slice %arg11[%add3A_87, %dma_start3A_90] : memref<10240x128xf32, #tpu.memory_space<vmem_shared>> -> memref<128x128xf32, #tpu.memory_space<vmem_shared>>
      tpu.enqueue_dma source(%dma_start3A_91 : memref<128x128xf32, #tpu.memory_space<vmem_shared>>) target(%arg10 : memref<128x128xf32, #tpu.memory_space<vmem>>) target_semaphore(%run_scoped3A_88 : memref<!tpu.dma_semaphore, #tpu.memory_space<semaphore_mem>>)
      %dma_wait3A = arith.constant 0 : i32
      %dma_wait3A_92 = tpu.memref_slice %arg11[%add3A_87, %dma_wait3A] : memref<10240x128xf32, #tpu.memory_space<vmem_shared>> -> memref<128x128xf32, #tpu.memory_space<vmem_shared>>
      %dma_wait3A_93 = arith.constant 0 : i32
      %dma_wait3A_94 = tpu.memref_slice %arg11[%add3A_87, %dma_wait3A_93] : memref<10240x128xf32, #tpu.memory_space<vmem_shared>> -> memref<128x128xf32, #tpu.memory_space<vmem_shared>>
      tpu.wait_dma2 semaphore(%run_scoped3A_88 : memref<!tpu.dma_semaphore, #tpu.memory_space<semaphore_mem>>) src(%dma_wait3A_94 : memref<128x128xf32, #tpu.memory_space<vmem_shared>>) dst(%arg10 : memref<128x128xf32, #tpu.memory_space<vmem>>)
      tpu.yield
    }) : () -> ()
    "tpu.region"() ({
      %run_scoped3A_88 = tpu.sem_alloc : memref<!tpu.dma_semaphore, #tpu.memory_space<semaphore_mem>>
      %dma_start3A = arith.constant 0 : i32
      %dma_start3A_89 = tpu.memref_slice %arg6[%arg0, %add3A_87, %dma_start3A] : memref<2x10240x128xf32, #tpu.memory_space<hbm>> -> memref<1x128x128xf32, #tpu.memory_space<hbm>>
      %dma_start3A_90 = tpu.memref_squeeze %dma_start3A_89 : memref<1x128x128xf32, #tpu.memory_space<hbm>> -> memref<128x128xf32, #tpu.memory_space<hbm>>
      %dma_start3A_91 = arith.constant 0 : i32
      %dma_start3A_92 = tpu.memref_slice %arg6[%arg0, %add3A_87, %dma_start3A_91] : memref<2x10240x128xf32, #tpu.memory_space<hbm>> -> memref<1x128x128xf32, #tpu.memory_space<hbm>>
      %dma_start3A_93 = tpu.memref_squeeze %dma_start3A_92 : memref<1x128x128xf32, #tpu.memory_space<hbm>> -> memref<128x128xf32, #tpu.memory_space<hbm>>
      tpu.enqueue_dma source(%arg10 : memref<128x128xf32, #tpu.memory_space<vmem>>) target(%dma_start3A_93 : memref<128x128xf32, #tpu.memory_space<hbm>>) target_semaphore(%run_scoped3A_88 : memref<!tpu.dma_semaphore, #tpu.memory_space<semaphore_mem>>)
      %dma_wait3A = arith.constant 0 : i32
      %dma_wait3A_94 = tpu.memref_slice %arg6[%arg0, %add3A_87, %dma_wait3A] : memref<2x10240x128xf32, #tpu.memory_space<hbm>> -> memref<1x128x128xf32, #tpu.memory_space<hbm>>
      %dma_wait3A_95 = tpu.memref_squeeze %dma_wait3A_94 : memref<1x128x128xf32, #tpu.memory_space<hbm>> -> memref<128x128xf32, #tpu.memory_space<hbm>>
      %dma_wait3A_96 = arith.constant 0 : i32
      %dma_wait3A_97 = tpu.memref_slice %arg6[%arg0, %add3A_87, %dma_wait3A_96] : memref<2x10240x128xf32, #tpu.memory_space<hbm>> -> memref<1x128x128xf32, #tpu.memory_space<hbm>>
      %dma_wait3A_98 = tpu.memref_squeeze %dma_wait3A_97 : memref<1x128x128xf32, #tpu.memory_space<hbm>> -> memref<128x128xf32, #tpu.memory_space<hbm>>
      tpu.wait_dma2 semaphore(%run_scoped3A_88 : memref<!tpu.dma_semaphore, #tpu.memory_space<semaphore_mem>>) src(%arg10 : memref<128x128xf32, #tpu.memory_space<vmem>>) dst(%dma_wait3A_98 : memref<128x128xf32, #tpu.memory_space<hbm>>)
      tpu.yield
    }) : () -> ()
    return
  }
}

#map = affine_map<(d0, d1) -> (0, 0)>
#map1 = affine_map<(d0, d1) -> (0, 0, 0, 0)>
#map2 = affine_map<(d0, d1) -> (0)>
#map3 = affine_map<(d0, d1) -> (0, 0, 0)>
module attributes {stable_mosaic.version = 14 : i64} {
  func.func @_sc_gsa_body(%arg0: i32, %arg1: i32, %arg2: memref<10000x128xf32, #tpu.memory_space<hbm>>, %arg3: memref<32x5x25x80xi32, #tpu.memory_space<hbm>>, %arg4: memref<32x5x25x80xi32, #tpu.memory_space<hbm>>, %arg5: memref<128x128xf32, #tpu.memory_space<hbm>>, %arg6: memref<640xf32, #tpu.memory_space<hbm>>, %arg7: memref<80xf32, #tpu.memory_space<hbm>>, %arg8: memref<2x10240x128xf32, #tpu.memory_space<hbm>>, %arg9: memref<2x10240xf32, #tpu.memory_space<hbm>>, %arg10: memref<2x10240xf32, #tpu.memory_space<hbm>>, %arg11: memref<25x80xi32, #tpu.memory_space<vmem>>, %arg12: memref<25x80xi32, #tpu.memory_space<vmem>>, %arg13: memref<80x128xf32, #tpu.memory_space<vmem>>, %arg14: memref<128x128xf32, #tpu.memory_space<vmem>>, %arg15: memref<640xf32, #tpu.memory_space<vmem>>, %arg16: memref<80xf32, #tpu.memory_space<vmem>>, %arg17: memref<10240x128xf32, #tpu.memory_space<vmem_shared>>, %arg18: memref<10240xf32, #tpu.memory_space<vmem_shared>>, %arg19: memref<10240xf32, #tpu.memory_space<vmem_shared>>) attributes {dimension_semantics = [#tpu.dimension_semantics<core_parallel>, #tpu.dimension_semantics<subcore_parallel>], iteration_bounds = array<i64: 2, 16>, scalar_prefetch = 0 : i64, scratch_operands = 9 : i64, tpu.core_type = #tpu.core_type<sc_vector_subcore>, window_params = [{transform_indices = #map}, {transform_indices = #map1}, {transform_indices = #map1}, {transform_indices = #map}, {transform_indices = #map2}, {transform_indices = #map2}, {transform_indices = #map3}, {transform_indices = #map}, {transform_indices = #map}]} {
    %mul3A = arith.constant 16 : i32
    %mul3A_0 = arith.muli %arg0, %mul3A : i32
    %add3A = arith.addi %mul3A_0, %arg1 : i32
    "tpu.region"() ({
      %run_scoped3A_100 = tpu.sem_alloc : memref<!tpu.dma_semaphore, #tpu.memory_space<semaphore_mem>>
      tpu.enqueue_dma source(%arg5 : memref<128x128xf32, #tpu.memory_space<hbm>>) target(%arg14 : memref<128x128xf32, #tpu.memory_space<vmem>>) target_semaphore(%run_scoped3A_100 : memref<!tpu.dma_semaphore, #tpu.memory_space<semaphore_mem>>)
      tpu.wait_dma2 semaphore(%run_scoped3A_100 : memref<!tpu.dma_semaphore, #tpu.memory_space<semaphore_mem>>) src(%arg5 : memref<128x128xf32, #tpu.memory_space<hbm>>) dst(%arg14 : memref<128x128xf32, #tpu.memory_space<vmem>>)
      tpu.yield
    }) : () -> ()
    %mul3A_1 = arith.constant 640 : i32
    %mul3A_2 = arith.muli %arg1, %mul3A_1 : i32
    %add3A_3 = arith.constant 0 : i32
    %add3A_4 = arith.addi %mul3A_2, %add3A_3 : i32
    "tpu.region"() ({
      %run_scoped3A_100 = tpu.sem_alloc : memref<!tpu.dma_semaphore, #tpu.memory_space<semaphore_mem>>
      %dma_start3A = arith.constant 0 : i32
      %dma_start3A_101 = tpu.memref_slice %arg17[%add3A_4, %dma_start3A] : memref<10240x128xf32, #tpu.memory_space<vmem_shared>> -> memref<128x128xf32, #tpu.memory_space<vmem_shared>>
      %dma_start3A_102 = arith.constant 0 : i32
      %dma_start3A_103 = tpu.memref_slice %arg17[%add3A_4, %dma_start3A_102] : memref<10240x128xf32, #tpu.memory_space<vmem_shared>> -> memref<128x128xf32, #tpu.memory_space<vmem_shared>>
      tpu.enqueue_dma source(%arg14 : memref<128x128xf32, #tpu.memory_space<vmem>>) target(%dma_start3A_103 : memref<128x128xf32, #tpu.memory_space<vmem_shared>>) target_semaphore(%run_scoped3A_100 : memref<!tpu.dma_semaphore, #tpu.memory_space<semaphore_mem>>)
      %dma_wait3A = arith.constant 0 : i32
      %dma_wait3A_104 = tpu.memref_slice %arg17[%add3A_4, %dma_wait3A] : memref<10240x128xf32, #tpu.memory_space<vmem_shared>> -> memref<128x128xf32, #tpu.memory_space<vmem_shared>>
      %dma_wait3A_105 = arith.constant 0 : i32
      %dma_wait3A_106 = tpu.memref_slice %arg17[%add3A_4, %dma_wait3A_105] : memref<10240x128xf32, #tpu.memory_space<vmem_shared>> -> memref<128x128xf32, #tpu.memory_space<vmem_shared>>
      tpu.wait_dma2 semaphore(%run_scoped3A_100 : memref<!tpu.dma_semaphore, #tpu.memory_space<semaphore_mem>>) src(%arg14 : memref<128x128xf32, #tpu.memory_space<vmem>>) dst(%dma_wait3A_106 : memref<128x128xf32, #tpu.memory_space<vmem_shared>>)
      tpu.yield
    }) : () -> ()
    %mul3A_5 = arith.constant 640 : i32
    %mul3A_6 = arith.muli %arg1, %mul3A_5 : i32
    %add3A_7 = arith.constant 128 : i32
    %add3A_8 = arith.addi %mul3A_6, %add3A_7 : i32
    "tpu.region"() ({
      %run_scoped3A_100 = tpu.sem_alloc : memref<!tpu.dma_semaphore, #tpu.memory_space<semaphore_mem>>
      %dma_start3A = arith.constant 0 : i32
      %dma_start3A_101 = tpu.memref_slice %arg17[%add3A_8, %dma_start3A] : memref<10240x128xf32, #tpu.memory_space<vmem_shared>> -> memref<128x128xf32, #tpu.memory_space<vmem_shared>>
      %dma_start3A_102 = arith.constant 0 : i32
      %dma_start3A_103 = tpu.memref_slice %arg17[%add3A_8, %dma_start3A_102] : memref<10240x128xf32, #tpu.memory_space<vmem_shared>> -> memref<128x128xf32, #tpu.memory_space<vmem_shared>>
      tpu.enqueue_dma source(%arg14 : memref<128x128xf32, #tpu.memory_space<vmem>>) target(%dma_start3A_103 : memref<128x128xf32, #tpu.memory_space<vmem_shared>>) target_semaphore(%run_scoped3A_100 : memref<!tpu.dma_semaphore, #tpu.memory_space<semaphore_mem>>)
      %dma_wait3A = arith.constant 0 : i32
      %dma_wait3A_104 = tpu.memref_slice %arg17[%add3A_8, %dma_wait3A] : memref<10240x128xf32, #tpu.memory_space<vmem_shared>> -> memref<128x128xf32, #tpu.memory_space<vmem_shared>>
      %dma_wait3A_105 = arith.constant 0 : i32
      %dma_wait3A_106 = tpu.memref_slice %arg17[%add3A_8, %dma_wait3A_105] : memref<10240x128xf32, #tpu.memory_space<vmem_shared>> -> memref<128x128xf32, #tpu.memory_space<vmem_shared>>
      tpu.wait_dma2 semaphore(%run_scoped3A_100 : memref<!tpu.dma_semaphore, #tpu.memory_space<semaphore_mem>>) src(%arg14 : memref<128x128xf32, #tpu.memory_space<vmem>>) dst(%dma_wait3A_106 : memref<128x128xf32, #tpu.memory_space<vmem_shared>>)
      tpu.yield
    }) : () -> ()
    %mul3A_9 = arith.constant 640 : i32
    %mul3A_10 = arith.muli %arg1, %mul3A_9 : i32
    %add3A_11 = arith.constant 256 : i32
    %add3A_12 = arith.addi %mul3A_10, %add3A_11 : i32
    "tpu.region"() ({
      %run_scoped3A_100 = tpu.sem_alloc : memref<!tpu.dma_semaphore, #tpu.memory_space<semaphore_mem>>
      %dma_start3A = arith.constant 0 : i32
      %dma_start3A_101 = tpu.memref_slice %arg17[%add3A_12, %dma_start3A] : memref<10240x128xf32, #tpu.memory_space<vmem_shared>> -> memref<128x128xf32, #tpu.memory_space<vmem_shared>>
      %dma_start3A_102 = arith.constant 0 : i32
      %dma_start3A_103 = tpu.memref_slice %arg17[%add3A_12, %dma_start3A_102] : memref<10240x128xf32, #tpu.memory_space<vmem_shared>> -> memref<128x128xf32, #tpu.memory_space<vmem_shared>>
      tpu.enqueue_dma source(%arg14 : memref<128x128xf32, #tpu.memory_space<vmem>>) target(%dma_start3A_103 : memref<128x128xf32, #tpu.memory_space<vmem_shared>>) target_semaphore(%run_scoped3A_100 : memref<!tpu.dma_semaphore, #tpu.memory_space<semaphore_mem>>)
      %dma_wait3A = arith.constant 0 : i32
      %dma_wait3A_104 = tpu.memref_slice %arg17[%add3A_12, %dma_wait3A] : memref<10240x128xf32, #tpu.memory_space<vmem_shared>> -> memref<128x128xf32, #tpu.memory_space<vmem_shared>>
      %dma_wait3A_105 = arith.constant 0 : i32
      %dma_wait3A_106 = tpu.memref_slice %arg17[%add3A_12, %dma_wait3A_105] : memref<10240x128xf32, #tpu.memory_space<vmem_shared>> -> memref<128x128xf32, #tpu.memory_space<vmem_shared>>
      tpu.wait_dma2 semaphore(%run_scoped3A_100 : memref<!tpu.dma_semaphore, #tpu.memory_space<semaphore_mem>>) src(%arg14 : memref<128x128xf32, #tpu.memory_space<vmem>>) dst(%dma_wait3A_106 : memref<128x128xf32, #tpu.memory_space<vmem_shared>>)
      tpu.yield
    }) : () -> ()
    %mul3A_13 = arith.constant 640 : i32
    %mul3A_14 = arith.muli %arg1, %mul3A_13 : i32
    %add3A_15 = arith.constant 384 : i32
    %add3A_16 = arith.addi %mul3A_14, %add3A_15 : i32
    "tpu.region"() ({
      %run_scoped3A_100 = tpu.sem_alloc : memref<!tpu.dma_semaphore, #tpu.memory_space<semaphore_mem>>
      %dma_start3A = arith.constant 0 : i32
      %dma_start3A_101 = tpu.memref_slice %arg17[%add3A_16, %dma_start3A] : memref<10240x128xf32, #tpu.memory_space<vmem_shared>> -> memref<128x128xf32, #tpu.memory_space<vmem_shared>>
      %dma_start3A_102 = arith.constant 0 : i32
      %dma_start3A_103 = tpu.memref_slice %arg17[%add3A_16, %dma_start3A_102] : memref<10240x128xf32, #tpu.memory_space<vmem_shared>> -> memref<128x128xf32, #tpu.memory_space<vmem_shared>>
      tpu.enqueue_dma source(%arg14 : memref<128x128xf32, #tpu.memory_space<vmem>>) target(%dma_start3A_103 : memref<128x128xf32, #tpu.memory_space<vmem_shared>>) target_semaphore(%run_scoped3A_100 : memref<!tpu.dma_semaphore, #tpu.memory_space<semaphore_mem>>)
      %dma_wait3A = arith.constant 0 : i32
      %dma_wait3A_104 = tpu.memref_slice %arg17[%add3A_16, %dma_wait3A] : memref<10240x128xf32, #tpu.memory_space<vmem_shared>> -> memref<128x128xf32, #tpu.memory_space<vmem_shared>>
      %dma_wait3A_105 = arith.constant 0 : i32
      %dma_wait3A_106 = tpu.memref_slice %arg17[%add3A_16, %dma_wait3A_105] : memref<10240x128xf32, #tpu.memory_space<vmem_shared>> -> memref<128x128xf32, #tpu.memory_space<vmem_shared>>
      tpu.wait_dma2 semaphore(%run_scoped3A_100 : memref<!tpu.dma_semaphore, #tpu.memory_space<semaphore_mem>>) src(%arg14 : memref<128x128xf32, #tpu.memory_space<vmem>>) dst(%dma_wait3A_106 : memref<128x128xf32, #tpu.memory_space<vmem_shared>>)
      tpu.yield
    }) : () -> ()
    %mul3A_17 = arith.constant 640 : i32
    %mul3A_18 = arith.muli %arg1, %mul3A_17 : i32
    %add3A_19 = arith.constant 512 : i32
    %add3A_20 = arith.addi %mul3A_18, %add3A_19 : i32
    "tpu.region"() ({
      %run_scoped3A_100 = tpu.sem_alloc : memref<!tpu.dma_semaphore, #tpu.memory_space<semaphore_mem>>
      %dma_start3A = arith.constant 0 : i32
      %dma_start3A_101 = tpu.memref_slice %arg17[%add3A_20, %dma_start3A] : memref<10240x128xf32, #tpu.memory_space<vmem_shared>> -> memref<128x128xf32, #tpu.memory_space<vmem_shared>>
      %dma_start3A_102 = arith.constant 0 : i32
      %dma_start3A_103 = tpu.memref_slice %arg17[%add3A_20, %dma_start3A_102] : memref<10240x128xf32, #tpu.memory_space<vmem_shared>> -> memref<128x128xf32, #tpu.memory_space<vmem_shared>>
      tpu.enqueue_dma source(%arg14 : memref<128x128xf32, #tpu.memory_space<vmem>>) target(%dma_start3A_103 : memref<128x128xf32, #tpu.memory_space<vmem_shared>>) target_semaphore(%run_scoped3A_100 : memref<!tpu.dma_semaphore, #tpu.memory_space<semaphore_mem>>)
      %dma_wait3A = arith.constant 0 : i32
      %dma_wait3A_104 = tpu.memref_slice %arg17[%add3A_20, %dma_wait3A] : memref<10240x128xf32, #tpu.memory_space<vmem_shared>> -> memref<128x128xf32, #tpu.memory_space<vmem_shared>>
      %dma_wait3A_105 = arith.constant 0 : i32
      %dma_wait3A_106 = tpu.memref_slice %arg17[%add3A_20, %dma_wait3A_105] : memref<10240x128xf32, #tpu.memory_space<vmem_shared>> -> memref<128x128xf32, #tpu.memory_space<vmem_shared>>
      tpu.wait_dma2 semaphore(%run_scoped3A_100 : memref<!tpu.dma_semaphore, #tpu.memory_space<semaphore_mem>>) src(%arg14 : memref<128x128xf32, #tpu.memory_space<vmem>>) dst(%dma_wait3A_106 : memref<128x128xf32, #tpu.memory_space<vmem_shared>>)
      tpu.yield
    }) : () -> ()
    "tpu.region"() ({
      %run_scoped3A_100 = tpu.sem_alloc : memref<!tpu.dma_semaphore, #tpu.memory_space<semaphore_mem>>
      tpu.enqueue_dma source(%arg6 : memref<640xf32, #tpu.memory_space<hbm>>) target(%arg15 : memref<640xf32, #tpu.memory_space<vmem>>) target_semaphore(%run_scoped3A_100 : memref<!tpu.dma_semaphore, #tpu.memory_space<semaphore_mem>>)
      tpu.wait_dma2 semaphore(%run_scoped3A_100 : memref<!tpu.dma_semaphore, #tpu.memory_space<semaphore_mem>>) src(%arg6 : memref<640xf32, #tpu.memory_space<hbm>>) dst(%arg15 : memref<640xf32, #tpu.memory_space<vmem>>)
      tpu.yield
    }) : () -> ()
    "tpu.region"() ({
      %run_scoped3A_100 = tpu.sem_alloc : memref<!tpu.dma_semaphore, #tpu.memory_space<semaphore_mem>>
      tpu.enqueue_dma source(%arg7 : memref<80xf32, #tpu.memory_space<hbm>>) target(%arg16 : memref<80xf32, #tpu.memory_space<vmem>>) target_semaphore(%run_scoped3A_100 : memref<!tpu.dma_semaphore, #tpu.memory_space<semaphore_mem>>)
      tpu.wait_dma2 semaphore(%run_scoped3A_100 : memref<!tpu.dma_semaphore, #tpu.memory_space<semaphore_mem>>) src(%arg7 : memref<80xf32, #tpu.memory_space<hbm>>) dst(%arg16 : memref<80xf32, #tpu.memory_space<vmem>>)
      tpu.yield
    }) : () -> ()
    %mul3A_21 = arith.constant 640 : i32
    %mul3A_22 = arith.muli %arg1, %mul3A_21 : i32
    "tpu.region"() ({
      %run_scoped3A_100 = tpu.sem_alloc : memref<!tpu.dma_semaphore, #tpu.memory_space<semaphore_mem>>
      %dma_start3A = tpu.memref_slice %arg18[%mul3A_22] : memref<10240xf32, #tpu.memory_space<vmem_shared>> -> memref<640xf32, #tpu.memory_space<vmem_shared>>
      %dma_start3A_101 = tpu.memref_slice %arg18[%mul3A_22] : memref<10240xf32, #tpu.memory_space<vmem_shared>> -> memref<640xf32, #tpu.memory_space<vmem_shared>>
      tpu.enqueue_dma source(%arg15 : memref<640xf32, #tpu.memory_space<vmem>>) target(%dma_start3A_101 : memref<640xf32, #tpu.memory_space<vmem_shared>>) target_semaphore(%run_scoped3A_100 : memref<!tpu.dma_semaphore, #tpu.memory_space<semaphore_mem>>)
      %dma_wait3A = tpu.memref_slice %arg18[%mul3A_22] : memref<10240xf32, #tpu.memory_space<vmem_shared>> -> memref<640xf32, #tpu.memory_space<vmem_shared>>
      %dma_wait3A_102 = tpu.memref_slice %arg18[%mul3A_22] : memref<10240xf32, #tpu.memory_space<vmem_shared>> -> memref<640xf32, #tpu.memory_space<vmem_shared>>
      tpu.wait_dma2 semaphore(%run_scoped3A_100 : memref<!tpu.dma_semaphore, #tpu.memory_space<semaphore_mem>>) src(%arg15 : memref<640xf32, #tpu.memory_space<vmem>>) dst(%dma_wait3A_102 : memref<640xf32, #tpu.memory_space<vmem_shared>>)
      tpu.yield
    }) : () -> ()
    %mul3A_23 = arith.constant 640 : i32
    %mul3A_24 = arith.muli %arg1, %mul3A_23 : i32
    "tpu.region"() ({
      %run_scoped3A_100 = tpu.sem_alloc : memref<!tpu.dma_semaphore, #tpu.memory_space<semaphore_mem>>
      %dma_start3A = tpu.memref_slice %arg19[%mul3A_24] : memref<10240xf32, #tpu.memory_space<vmem_shared>> -> memref<640xf32, #tpu.memory_space<vmem_shared>>
      %dma_start3A_101 = tpu.memref_slice %arg19[%mul3A_24] : memref<10240xf32, #tpu.memory_space<vmem_shared>> -> memref<640xf32, #tpu.memory_space<vmem_shared>>
      tpu.enqueue_dma source(%arg15 : memref<640xf32, #tpu.memory_space<vmem>>) target(%dma_start3A_101 : memref<640xf32, #tpu.memory_space<vmem_shared>>) target_semaphore(%run_scoped3A_100 : memref<!tpu.dma_semaphore, #tpu.memory_space<semaphore_mem>>)
      %dma_wait3A = tpu.memref_slice %arg19[%mul3A_24] : memref<10240xf32, #tpu.memory_space<vmem_shared>> -> memref<640xf32, #tpu.memory_space<vmem_shared>>
      %dma_wait3A_102 = tpu.memref_slice %arg19[%mul3A_24] : memref<10240xf32, #tpu.memory_space<vmem_shared>> -> memref<640xf32, #tpu.memory_space<vmem_shared>>
      tpu.wait_dma2 semaphore(%run_scoped3A_100 : memref<!tpu.dma_semaphore, #tpu.memory_space<semaphore_mem>>) src(%arg15 : memref<640xf32, #tpu.memory_space<vmem>>) dst(%dma_wait3A_102 : memref<640xf32, #tpu.memory_space<vmem_shared>>)
      tpu.yield
    }) : () -> ()
    %barrier3A = arith.constant 0 : index
    tpu.barrier barrier_id(%barrier3A)
    %mul3A_25 = arith.constant 16 : i32
    %mul3A_26 = arith.muli %arg0, %mul3A_25 : i32
    %add3A_27 = arith.addi %mul3A_26, %arg1 : i32
    %run_scoped3A = arith.constant 0 : i32
    "tpu.region"() ({
      %run_scoped3A_100 = tpu.sem_alloc : memref<!tpu.dma_semaphore, #tpu.memory_space<semaphore_mem>>
      %dma_start3A = arith.constant 0 : i32
      %dma_start3A_101 = arith.constant 0 : i32
      %dma_start3A_102 = tpu.memref_slice %arg3[%add3A_27, %run_scoped3A, %dma_start3A, %dma_start3A_101] : memref<32x5x25x80xi32, #tpu.memory_space<hbm>> -> memref<1x1x25x80xi32, #tpu.memory_space<hbm>>
      %dma_start3A_103 = tpu.memref_squeeze %dma_start3A_102 : memref<1x1x25x80xi32, #tpu.memory_space<hbm>> -> memref<25x80xi32, #tpu.memory_space<hbm>>
      %dma_start3A_104 = arith.constant 0 : i32
      %dma_start3A_105 = arith.constant 0 : i32
      %dma_start3A_106 = tpu.memref_slice %arg3[%add3A_27, %run_scoped3A, %dma_start3A_104, %dma_start3A_105] : memref<32x5x25x80xi32, #tpu.memory_space<hbm>> -> memref<1x1x25x80xi32, #tpu.memory_space<hbm>>
      %dma_start3A_107 = tpu.memref_squeeze %dma_start3A_106 : memref<1x1x25x80xi32, #tpu.memory_space<hbm>> -> memref<25x80xi32, #tpu.memory_space<hbm>>
      tpu.enqueue_dma source(%dma_start3A_107 : memref<25x80xi32, #tpu.memory_space<hbm>>) target(%arg11 : memref<25x80xi32, #tpu.memory_space<vmem>>) target_semaphore(%run_scoped3A_100 : memref<!tpu.dma_semaphore, #tpu.memory_space<semaphore_mem>>)
      %dma_wait3A = arith.constant 0 : i32
      %dma_wait3A_108 = arith.constant 0 : i32
      %dma_wait3A_109 = tpu.memref_slice %arg3[%add3A_27, %run_scoped3A, %dma_wait3A, %dma_wait3A_108] : memref<32x5x25x80xi32, #tpu.memory_space<hbm>> -> memref<1x1x25x80xi32, #tpu.memory_space<hbm>>
      %dma_wait3A_110 = tpu.memref_squeeze %dma_wait3A_109 : memref<1x1x25x80xi32, #tpu.memory_space<hbm>> -> memref<25x80xi32, #tpu.memory_space<hbm>>
      %dma_wait3A_111 = arith.constant 0 : i32
      %dma_wait3A_112 = arith.constant 0 : i32
      %dma_wait3A_113 = tpu.memref_slice %arg3[%add3A_27, %run_scoped3A, %dma_wait3A_111, %dma_wait3A_112] : memref<32x5x25x80xi32, #tpu.memory_space<hbm>> -> memref<1x1x25x80xi32, #tpu.memory_space<hbm>>
      %dma_wait3A_114 = tpu.memref_squeeze %dma_wait3A_113 : memref<1x1x25x80xi32, #tpu.memory_space<hbm>> -> memref<25x80xi32, #tpu.memory_space<hbm>>
      tpu.wait_dma2 semaphore(%run_scoped3A_100 : memref<!tpu.dma_semaphore, #tpu.memory_space<semaphore_mem>>) src(%dma_wait3A_114 : memref<25x80xi32, #tpu.memory_space<hbm>>) dst(%arg11 : memref<25x80xi32, #tpu.memory_space<vmem>>)
      tpu.yield
    }) : () -> ()
    %run_scoped3A_28 = arith.constant 0 : i32
    "tpu.region"() ({
      %run_scoped3A_100 = tpu.sem_alloc : memref<!tpu.dma_semaphore, #tpu.memory_space<semaphore_mem>>
      %dma_start3A = arith.constant 0 : i32
      %dma_start3A_101 = arith.constant 0 : i32
      %dma_start3A_102 = tpu.memref_slice %arg4[%add3A_27, %run_scoped3A_28, %dma_start3A, %dma_start3A_101] : memref<32x5x25x80xi32, #tpu.memory_space<hbm>> -> memref<1x1x25x80xi32, #tpu.memory_space<hbm>>
      %dma_start3A_103 = tpu.memref_squeeze %dma_start3A_102 : memref<1x1x25x80xi32, #tpu.memory_space<hbm>> -> memref<25x80xi32, #tpu.memory_space<hbm>>
      %dma_start3A_104 = arith.constant 0 : i32
      %dma_start3A_105 = arith.constant 0 : i32
      %dma_start3A_106 = tpu.memref_slice %arg4[%add3A_27, %run_scoped3A_28, %dma_start3A_104, %dma_start3A_105] : memref<32x5x25x80xi32, #tpu.memory_space<hbm>> -> memref<1x1x25x80xi32, #tpu.memory_space<hbm>>
      %dma_start3A_107 = tpu.memref_squeeze %dma_start3A_106 : memref<1x1x25x80xi32, #tpu.memory_space<hbm>> -> memref<25x80xi32, #tpu.memory_space<hbm>>
      tpu.enqueue_dma source(%dma_start3A_107 : memref<25x80xi32, #tpu.memory_space<hbm>>) target(%arg12 : memref<25x80xi32, #tpu.memory_space<vmem>>) target_semaphore(%run_scoped3A_100 : memref<!tpu.dma_semaphore, #tpu.memory_space<semaphore_mem>>)
      %dma_wait3A = arith.constant 0 : i32
      %dma_wait3A_108 = arith.constant 0 : i32
      %dma_wait3A_109 = tpu.memref_slice %arg4[%add3A_27, %run_scoped3A_28, %dma_wait3A, %dma_wait3A_108] : memref<32x5x25x80xi32, #tpu.memory_space<hbm>> -> memref<1x1x25x80xi32, #tpu.memory_space<hbm>>
      %dma_wait3A_110 = tpu.memref_squeeze %dma_wait3A_109 : memref<1x1x25x80xi32, #tpu.memory_space<hbm>> -> memref<25x80xi32, #tpu.memory_space<hbm>>
      %dma_wait3A_111 = arith.constant 0 : i32
      %dma_wait3A_112 = arith.constant 0 : i32
      %dma_wait3A_113 = tpu.memref_slice %arg4[%add3A_27, %run_scoped3A_28, %dma_wait3A_111, %dma_wait3A_112] : memref<32x5x25x80xi32, #tpu.memory_space<hbm>> -> memref<1x1x25x80xi32, #tpu.memory_space<hbm>>
      %dma_wait3A_114 = tpu.memref_squeeze %dma_wait3A_113 : memref<1x1x25x80xi32, #tpu.memory_space<hbm>> -> memref<25x80xi32, #tpu.memory_space<hbm>>
      tpu.wait_dma2 semaphore(%run_scoped3A_100 : memref<!tpu.dma_semaphore, #tpu.memory_space<semaphore_mem>>) src(%dma_wait3A_114 : memref<25x80xi32, #tpu.memory_space<hbm>>) dst(%arg12 : memref<25x80xi32, #tpu.memory_space<vmem>>)
      tpu.yield
    }) : () -> ()
    %scan3A = arith.constant 0 : i32
    %scan3A_29 = arith.constant 0 : i32
    %scan3A_30 = arith.constant 25 : i32
    %scan3A_31 = arith.addi %scan3A_29, %scan3A_30 : i32
    %scan3A_32 = arith.constant 1 : i32
    %scan3A_33 = scf.for %scan3A_100 = %scan3A_29 to %scan3A_31 step %scan3A_32 iter_args(%scan3A_101 = %scan3A) -> (i32)  : i32 {
      "tpu.region"() ({
        %run_scoped3A_103 = tpu.sem_alloc : memref<!tpu.dma_semaphore, #tpu.memory_space<semaphore_mem>>
        %dma_start3A = arith.constant 0 : i32
        %dma_start3A_104 = tpu.memref_slice %arg11[%scan3A_100, %dma_start3A] : memref<25x80xi32, #tpu.memory_space<vmem>> -> memref<1x80xi32, #tpu.memory_space<vmem>>
        %dma_start3A_105 = tpu.memref_squeeze %dma_start3A_104 : memref<1x80xi32, #tpu.memory_space<vmem>> -> memref<80xi32, #tpu.memory_space<vmem>>
        %dma_start3A_106 = arith.constant 0 : i32
        %dma_start3A_107 = arith.constant 0 : i32
        %dma_start3A_108 = tpu.memref_slice %arg2[%dma_start3A_106, %dma_start3A_107] : memref<10000x128xf32, #tpu.memory_space<hbm>> -> memref<10000x128xf32, #tpu.memory_space<hbm>>
        tpu.enqueue_indirect_dma source(%dma_start3A_108 : memref<10000x128xf32, #tpu.memory_space<hbm>>) target(%arg13 : memref<80x128xf32, #tpu.memory_space<vmem>>) offsets(%dma_start3A_105 : memref<80xi32, #tpu.memory_space<vmem>>) semaphore(%run_scoped3A_103 : memref<!tpu.dma_semaphore, #tpu.memory_space<semaphore_mem>>)
        %dma_wait3A = arith.constant 0 : i32
        %dma_wait3A_109 = tpu.memref_slice %arg11[%scan3A_100, %dma_wait3A] : memref<25x80xi32, #tpu.memory_space<vmem>> -> memref<1x80xi32, #tpu.memory_space<vmem>>
        %dma_wait3A_110 = tpu.memref_squeeze %dma_wait3A_109 : memref<1x80xi32, #tpu.memory_space<vmem>> -> memref<80xi32, #tpu.memory_space<vmem>>
        %dma_wait3A_111 = arith.constant 0 : i32
        %dma_wait3A_112 = arith.constant 0 : i32
        %dma_wait3A_113 = tpu.memref_slice %arg2[%dma_wait3A_111, %dma_wait3A_112] : memref<10000x128xf32, #tpu.memory_space<hbm>> -> memref<10000x128xf32, #tpu.memory_space<hbm>>
        tpu.wait_indirect_dma semaphore(%run_scoped3A_103 : memref<!tpu.dma_semaphore, #tpu.memory_space<semaphore_mem>>) src(%dma_wait3A_113 : memref<10000x128xf32, #tpu.memory_space<hbm>>) dst(%arg13 : memref<80x128xf32, #tpu.memory_space<vmem>>)
        tpu.yield
      }) : () -> ()
      "tpu.region"() ({
        %run_scoped3A_103 = tpu.sem_alloc : memref<!tpu.dma_semaphore, #tpu.memory_space<semaphore_mem>>
        %dma_start3A = arith.constant 0 : i32
        %dma_start3A_104 = tpu.memref_slice %arg12[%scan3A_100, %dma_start3A] : memref<25x80xi32, #tpu.memory_space<vmem>> -> memref<1x80xi32, #tpu.memory_space<vmem>>
        %dma_start3A_105 = tpu.memref_squeeze %dma_start3A_104 : memref<1x80xi32, #tpu.memory_space<vmem>> -> memref<80xi32, #tpu.memory_space<vmem>>
        %dma_start3A_106 = arith.constant 0 : i32
        %dma_start3A_107 = arith.constant 0 : i32
        %dma_start3A_108 = tpu.memref_slice %arg17[%dma_start3A_106, %dma_start3A_107] : memref<10240x128xf32, #tpu.memory_space<vmem_shared>> -> memref<10240x128xf32, #tpu.memory_space<vmem_shared>>
        tpu.enqueue_indirect_dma source(%arg13 : memref<80x128xf32, #tpu.memory_space<vmem>>) target(%dma_start3A_108 : memref<10240x128xf32, #tpu.memory_space<vmem_shared>>) offsets(%dma_start3A_105 : memref<80xi32, #tpu.memory_space<vmem>>) semaphore(%run_scoped3A_103 : memref<!tpu.dma_semaphore, #tpu.memory_space<semaphore_mem>>) {add = true}
        %dma_wait3A = arith.constant 0 : i32
        %dma_wait3A_109 = tpu.memref_slice %arg12[%scan3A_100, %dma_wait3A] : memref<25x80xi32, #tpu.memory_space<vmem>> -> memref<1x80xi32, #tpu.memory_space<vmem>>
        %dma_wait3A_110 = tpu.memref_squeeze %dma_wait3A_109 : memref<1x80xi32, #tpu.memory_space<vmem>> -> memref<80xi32, #tpu.memory_space<vmem>>
        %dma_wait3A_111 = arith.constant 0 : i32
        %dma_wait3A_112 = arith.constant 0 : i32
        %dma_wait3A_113 = tpu.memref_slice %arg17[%dma_wait3A_111, %dma_wait3A_112] : memref<10240x128xf32, #tpu.memory_space<vmem_shared>> -> memref<10240x128xf32, #tpu.memory_space<vmem_shared>>
        tpu.wait_indirect_dma semaphore(%run_scoped3A_103 : memref<!tpu.dma_semaphore, #tpu.memory_space<semaphore_mem>>) src(%arg13 : memref<80x128xf32, #tpu.memory_space<vmem>>) dst(%dma_wait3A_113 : memref<10240x128xf32, #tpu.memory_space<vmem_shared>>)
        tpu.yield
      }) : () -> ()
      "tpu.region"() ({
        %run_scoped3A_103 = tpu.sem_alloc : memref<!tpu.dma_semaphore, #tpu.memory_space<semaphore_mem>>
        %dma_start3A = arith.constant 0 : i32
        %dma_start3A_104 = tpu.memref_slice %arg11[%scan3A_100, %dma_start3A] : memref<25x80xi32, #tpu.memory_space<vmem>> -> memref<1x80xi32, #tpu.memory_space<vmem>>
        %dma_start3A_105 = tpu.memref_squeeze %dma_start3A_104 : memref<1x80xi32, #tpu.memory_space<vmem>> -> memref<80xi32, #tpu.memory_space<vmem>>
        %dma_start3A_106 = arith.constant 0 : i32
        %dma_start3A_107 = tpu.memref_slice %arg18[%dma_start3A_106] : memref<10240xf32, #tpu.memory_space<vmem_shared>> -> memref<10240xf32, #tpu.memory_space<vmem_shared>>
        tpu.enqueue_indirect_dma source(%arg16 : memref<80xf32, #tpu.memory_space<vmem>>) target(%dma_start3A_107 : memref<10240xf32, #tpu.memory_space<vmem_shared>>) offsets(%dma_start3A_105 : memref<80xi32, #tpu.memory_space<vmem>>) semaphore(%run_scoped3A_103 : memref<!tpu.dma_semaphore, #tpu.memory_space<semaphore_mem>>) {add = true}
        %dma_wait3A = arith.constant 0 : i32
        %dma_wait3A_108 = tpu.memref_slice %arg11[%scan3A_100, %dma_wait3A] : memref<25x80xi32, #tpu.memory_space<vmem>> -> memref<1x80xi32, #tpu.memory_space<vmem>>
        %dma_wait3A_109 = tpu.memref_squeeze %dma_wait3A_108 : memref<1x80xi32, #tpu.memory_space<vmem>> -> memref<80xi32, #tpu.memory_space<vmem>>
        %dma_wait3A_110 = arith.constant 0 : i32
        %dma_wait3A_111 = tpu.memref_slice %arg18[%dma_wait3A_110] : memref<10240xf32, #tpu.memory_space<vmem_shared>> -> memref<10240xf32, #tpu.memory_space<vmem_shared>>
        tpu.wait_indirect_dma semaphore(%run_scoped3A_103 : memref<!tpu.dma_semaphore, #tpu.memory_space<semaphore_mem>>) src(%arg16 : memref<80xf32, #tpu.memory_space<vmem>>) dst(%dma_wait3A_111 : memref<10240xf32, #tpu.memory_space<vmem_shared>>)
        tpu.yield
      }) : () -> ()
      "tpu.region"() ({
        %run_scoped3A_103 = tpu.sem_alloc : memref<!tpu.dma_semaphore, #tpu.memory_space<semaphore_mem>>
        %dma_start3A = arith.constant 0 : i32
        %dma_start3A_104 = tpu.memref_slice %arg12[%scan3A_100, %dma_start3A] : memref<25x80xi32, #tpu.memory_space<vmem>> -> memref<1x80xi32, #tpu.memory_space<vmem>>
        %dma_start3A_105 = tpu.memref_squeeze %dma_start3A_104 : memref<1x80xi32, #tpu.memory_space<vmem>> -> memref<80xi32, #tpu.memory_space<vmem>>
        %dma_start3A_106 = arith.constant 0 : i32
        %dma_start3A_107 = tpu.memref_slice %arg19[%dma_start3A_106] : memref<10240xf32, #tpu.memory_space<vmem_shared>> -> memref<10240xf32, #tpu.memory_space<vmem_shared>>
        tpu.enqueue_indirect_dma source(%arg16 : memref<80xf32, #tpu.memory_space<vmem>>) target(%dma_start3A_107 : memref<10240xf32, #tpu.memory_space<vmem_shared>>) offsets(%dma_start3A_105 : memref<80xi32, #tpu.memory_space<vmem>>) semaphore(%run_scoped3A_103 : memref<!tpu.dma_semaphore, #tpu.memory_space<semaphore_mem>>) {add = true}
        %dma_wait3A = arith.constant 0 : i32
        %dma_wait3A_108 = tpu.memref_slice %arg12[%scan3A_100, %dma_wait3A] : memref<25x80xi32, #tpu.memory_space<vmem>> -> memref<1x80xi32, #tpu.memory_space<vmem>>
        %dma_wait3A_109 = tpu.memref_squeeze %dma_wait3A_108 : memref<1x80xi32, #tpu.memory_space<vmem>> -> memref<80xi32, #tpu.memory_space<vmem>>
        %dma_wait3A_110 = arith.constant 0 : i32
        %dma_wait3A_111 = tpu.memref_slice %arg19[%dma_wait3A_110] : memref<10240xf32, #tpu.memory_space<vmem_shared>> -> memref<10240xf32, #tpu.memory_space<vmem_shared>>
        tpu.wait_indirect_dma semaphore(%run_scoped3A_103 : memref<!tpu.dma_semaphore, #tpu.memory_space<semaphore_mem>>) src(%arg16 : memref<80xf32, #tpu.memory_space<vmem>>) dst(%dma_wait3A_111 : memref<10240xf32, #tpu.memory_space<vmem_shared>>)
        tpu.yield
      }) : () -> ()
      %scan3A_102 = arith.constant 0 : i32
      scf.yield %scan3A_102 : i32
    }
    %scan3A_34 = arith.constant 25 : i32
    %run_scoped3A_35 = arith.constant 1 : i32
    "tpu.region"() ({
      %run_scoped3A_100 = tpu.sem_alloc : memref<!tpu.dma_semaphore, #tpu.memory_space<semaphore_mem>>
      %dma_start3A = arith.constant 0 : i32
      %dma_start3A_101 = arith.constant 0 : i32
      %dma_start3A_102 = tpu.memref_slice %arg3[%add3A_27, %run_scoped3A_35, %dma_start3A, %dma_start3A_101] : memref<32x5x25x80xi32, #tpu.memory_space<hbm>> -> memref<1x1x25x80xi32, #tpu.memory_space<hbm>>
      %dma_start3A_103 = tpu.memref_squeeze %dma_start3A_102 : memref<1x1x25x80xi32, #tpu.memory_space<hbm>> -> memref<25x80xi32, #tpu.memory_space<hbm>>
      %dma_start3A_104 = arith.constant 0 : i32
      %dma_start3A_105 = arith.constant 0 : i32
      %dma_start3A_106 = tpu.memref_slice %arg3[%add3A_27, %run_scoped3A_35, %dma_start3A_104, %dma_start3A_105] : memref<32x5x25x80xi32, #tpu.memory_space<hbm>> -> memref<1x1x25x80xi32, #tpu.memory_space<hbm>>
      %dma_start3A_107 = tpu.memref_squeeze %dma_start3A_106 : memref<1x1x25x80xi32, #tpu.memory_space<hbm>> -> memref<25x80xi32, #tpu.memory_space<hbm>>
      tpu.enqueue_dma source(%dma_start3A_107 : memref<25x80xi32, #tpu.memory_space<hbm>>) target(%arg11 : memref<25x80xi32, #tpu.memory_space<vmem>>) target_semaphore(%run_scoped3A_100 : memref<!tpu.dma_semaphore, #tpu.memory_space<semaphore_mem>>)
      %dma_wait3A = arith.constant 0 : i32
      %dma_wait3A_108 = arith.constant 0 : i32
      %dma_wait3A_109 = tpu.memref_slice %arg3[%add3A_27, %run_scoped3A_35, %dma_wait3A, %dma_wait3A_108] : memref<32x5x25x80xi32, #tpu.memory_space<hbm>> -> memref<1x1x25x80xi32, #tpu.memory_space<hbm>>
      %dma_wait3A_110 = tpu.memref_squeeze %dma_wait3A_109 : memref<1x1x25x80xi32, #tpu.memory_space<hbm>> -> memref<25x80xi32, #tpu.memory_space<hbm>>
      %dma_wait3A_111 = arith.constant 0 : i32
      %dma_wait3A_112 = arith.constant 0 : i32
      %dma_wait3A_113 = tpu.memref_slice %arg3[%add3A_27, %run_scoped3A_35, %dma_wait3A_111, %dma_wait3A_112] : memref<32x5x25x80xi32, #tpu.memory_space<hbm>> -> memref<1x1x25x80xi32, #tpu.memory_space<hbm>>
      %dma_wait3A_114 = tpu.memref_squeeze %dma_wait3A_113 : memref<1x1x25x80xi32, #tpu.memory_space<hbm>> -> memref<25x80xi32, #tpu.memory_space<hbm>>
      tpu.wait_dma2 semaphore(%run_scoped3A_100 : memref<!tpu.dma_semaphore, #tpu.memory_space<semaphore_mem>>) src(%dma_wait3A_114 : memref<25x80xi32, #tpu.memory_space<hbm>>) dst(%arg11 : memref<25x80xi32, #tpu.memory_space<vmem>>)
      tpu.yield
    }) : () -> ()
    %run_scoped3A_36 = arith.constant 1 : i32
    "tpu.region"() ({
      %run_scoped3A_100 = tpu.sem_alloc : memref<!tpu.dma_semaphore, #tpu.memory_space<semaphore_mem>>
      %dma_start3A = arith.constant 0 : i32
      %dma_start3A_101 = arith.constant 0 : i32
      %dma_start3A_102 = tpu.memref_slice %arg4[%add3A_27, %run_scoped3A_36, %dma_start3A, %dma_start3A_101] : memref<32x5x25x80xi32, #tpu.memory_space<hbm>> -> memref<1x1x25x80xi32, #tpu.memory_space<hbm>>
      %dma_start3A_103 = tpu.memref_squeeze %dma_start3A_102 : memref<1x1x25x80xi32, #tpu.memory_space<hbm>> -> memref<25x80xi32, #tpu.memory_space<hbm>>
      %dma_start3A_104 = arith.constant 0 : i32
      %dma_start3A_105 = arith.constant 0 : i32
      %dma_start3A_106 = tpu.memref_slice %arg4[%add3A_27, %run_scoped3A_36, %dma_start3A_104, %dma_start3A_105] : memref<32x5x25x80xi32, #tpu.memory_space<hbm>> -> memref<1x1x25x80xi32, #tpu.memory_space<hbm>>
      %dma_start3A_107 = tpu.memref_squeeze %dma_start3A_106 : memref<1x1x25x80xi32, #tpu.memory_space<hbm>> -> memref<25x80xi32, #tpu.memory_space<hbm>>
      tpu.enqueue_dma source(%dma_start3A_107 : memref<25x80xi32, #tpu.memory_space<hbm>>) target(%arg12 : memref<25x80xi32, #tpu.memory_space<vmem>>) target_semaphore(%run_scoped3A_100 : memref<!tpu.dma_semaphore, #tpu.memory_space<semaphore_mem>>)
      %dma_wait3A = arith.constant 0 : i32
      %dma_wait3A_108 = arith.constant 0 : i32
      %dma_wait3A_109 = tpu.memref_slice %arg4[%add3A_27, %run_scoped3A_36, %dma_wait3A, %dma_wait3A_108] : memref<32x5x25x80xi32, #tpu.memory_space<hbm>> -> memref<1x1x25x80xi32, #tpu.memory_space<hbm>>
      %dma_wait3A_110 = tpu.memref_squeeze %dma_wait3A_109 : memref<1x1x25x80xi32, #tpu.memory_space<hbm>> -> memref<25x80xi32, #tpu.memory_space<hbm>>
      %dma_wait3A_111 = arith.constant 0 : i32
      %dma_wait3A_112 = arith.constant 0 : i32
      %dma_wait3A_113 = tpu.memref_slice %arg4[%add3A_27, %run_scoped3A_36, %dma_wait3A_111, %dma_wait3A_112] : memref<32x5x25x80xi32, #tpu.memory_space<hbm>> -> memref<1x1x25x80xi32, #tpu.memory_space<hbm>>
      %dma_wait3A_114 = tpu.memref_squeeze %dma_wait3A_113 : memref<1x1x25x80xi32, #tpu.memory_space<hbm>> -> memref<25x80xi32, #tpu.memory_space<hbm>>
      tpu.wait_dma2 semaphore(%run_scoped3A_100 : memref<!tpu.dma_semaphore, #tpu.memory_space<semaphore_mem>>) src(%dma_wait3A_114 : memref<25x80xi32, #tpu.memory_space<hbm>>) dst(%arg12 : memref<25x80xi32, #tpu.memory_space<vmem>>)
      tpu.yield
    }) : () -> ()
    %scan3A_37 = arith.constant 0 : i32
    %scan3A_38 = arith.constant 0 : i32
    %scan3A_39 = arith.constant 25 : i32
    %scan3A_40 = arith.addi %scan3A_38, %scan3A_39 : i32
    %scan3A_41 = arith.constant 1 : i32
    %scan3A_42 = scf.for %scan3A_100 = %scan3A_38 to %scan3A_40 step %scan3A_41 iter_args(%scan3A_101 = %scan3A_37) -> (i32)  : i32 {
      "tpu.region"() ({
        %run_scoped3A_103 = tpu.sem_alloc : memref<!tpu.dma_semaphore, #tpu.memory_space<semaphore_mem>>
        %dma_start3A = arith.constant 0 : i32
        %dma_start3A_104 = tpu.memref_slice %arg11[%scan3A_100, %dma_start3A] : memref<25x80xi32, #tpu.memory_space<vmem>> -> memref<1x80xi32, #tpu.memory_space<vmem>>
        %dma_start3A_105 = tpu.memref_squeeze %dma_start3A_104 : memref<1x80xi32, #tpu.memory_space<vmem>> -> memref<80xi32, #tpu.memory_space<vmem>>
        %dma_start3A_106 = arith.constant 0 : i32
        %dma_start3A_107 = arith.constant 0 : i32
        %dma_start3A_108 = tpu.memref_slice %arg2[%dma_start3A_106, %dma_start3A_107] : memref<10000x128xf32, #tpu.memory_space<hbm>> -> memref<10000x128xf32, #tpu.memory_space<hbm>>
        tpu.enqueue_indirect_dma source(%dma_start3A_108 : memref<10000x128xf32, #tpu.memory_space<hbm>>) target(%arg13 : memref<80x128xf32, #tpu.memory_space<vmem>>) offsets(%dma_start3A_105 : memref<80xi32, #tpu.memory_space<vmem>>) semaphore(%run_scoped3A_103 : memref<!tpu.dma_semaphore, #tpu.memory_space<semaphore_mem>>)
        %dma_wait3A = arith.constant 0 : i32
        %dma_wait3A_109 = tpu.memref_slice %arg11[%scan3A_100, %dma_wait3A] : memref<25x80xi32, #tpu.memory_space<vmem>> -> memref<1x80xi32, #tpu.memory_space<vmem>>
        %dma_wait3A_110 = tpu.memref_squeeze %dma_wait3A_109 : memref<1x80xi32, #tpu.memory_space<vmem>> -> memref<80xi32, #tpu.memory_space<vmem>>
        %dma_wait3A_111 = arith.constant 0 : i32
        %dma_wait3A_112 = arith.constant 0 : i32
        %dma_wait3A_113 = tpu.memref_slice %arg2[%dma_wait3A_111, %dma_wait3A_112] : memref<10000x128xf32, #tpu.memory_space<hbm>> -> memref<10000x128xf32, #tpu.memory_space<hbm>>
        tpu.wait_indirect_dma semaphore(%run_scoped3A_103 : memref<!tpu.dma_semaphore, #tpu.memory_space<semaphore_mem>>) src(%dma_wait3A_113 : memref<10000x128xf32, #tpu.memory_space<hbm>>) dst(%arg13 : memref<80x128xf32, #tpu.memory_space<vmem>>)
        tpu.yield
      }) : () -> ()
      "tpu.region"() ({
        %run_scoped3A_103 = tpu.sem_alloc : memref<!tpu.dma_semaphore, #tpu.memory_space<semaphore_mem>>
        %dma_start3A = arith.constant 0 : i32
        %dma_start3A_104 = tpu.memref_slice %arg12[%scan3A_100, %dma_start3A] : memref<25x80xi32, #tpu.memory_space<vmem>> -> memref<1x80xi32, #tpu.memory_space<vmem>>
        %dma_start3A_105 = tpu.memref_squeeze %dma_start3A_104 : memref<1x80xi32, #tpu.memory_space<vmem>> -> memref<80xi32, #tpu.memory_space<vmem>>
        %dma_start3A_106 = arith.constant 0 : i32
        %dma_start3A_107 = arith.constant 0 : i32
        %dma_start3A_108 = tpu.memref_slice %arg17[%dma_start3A_106, %dma_start3A_107] : memref<10240x128xf32, #tpu.memory_space<vmem_shared>> -> memref<10240x128xf32, #tpu.memory_space<vmem_shared>>
        tpu.enqueue_indirect_dma source(%arg13 : memref<80x128xf32, #tpu.memory_space<vmem>>) target(%dma_start3A_108 : memref<10240x128xf32, #tpu.memory_space<vmem_shared>>) offsets(%dma_start3A_105 : memref<80xi32, #tpu.memory_space<vmem>>) semaphore(%run_scoped3A_103 : memref<!tpu.dma_semaphore, #tpu.memory_space<semaphore_mem>>) {add = true}
        %dma_wait3A = arith.constant 0 : i32
        %dma_wait3A_109 = tpu.memref_slice %arg12[%scan3A_100, %dma_wait3A] : memref<25x80xi32, #tpu.memory_space<vmem>> -> memref<1x80xi32, #tpu.memory_space<vmem>>
        %dma_wait3A_110 = tpu.memref_squeeze %dma_wait3A_109 : memref<1x80xi32, #tpu.memory_space<vmem>> -> memref<80xi32, #tpu.memory_space<vmem>>
        %dma_wait3A_111 = arith.constant 0 : i32
        %dma_wait3A_112 = arith.constant 0 : i32
        %dma_wait3A_113 = tpu.memref_slice %arg17[%dma_wait3A_111, %dma_wait3A_112] : memref<10240x128xf32, #tpu.memory_space<vmem_shared>> -> memref<10240x128xf32, #tpu.memory_space<vmem_shared>>
        tpu.wait_indirect_dma semaphore(%run_scoped3A_103 : memref<!tpu.dma_semaphore, #tpu.memory_space<semaphore_mem>>) src(%arg13 : memref<80x128xf32, #tpu.memory_space<vmem>>) dst(%dma_wait3A_113 : memref<10240x128xf32, #tpu.memory_space<vmem_shared>>)
        tpu.yield
      }) : () -> ()
      "tpu.region"() ({
        %run_scoped3A_103 = tpu.sem_alloc : memref<!tpu.dma_semaphore, #tpu.memory_space<semaphore_mem>>
        %dma_start3A = arith.constant 0 : i32
        %dma_start3A_104 = tpu.memref_slice %arg11[%scan3A_100, %dma_start3A] : memref<25x80xi32, #tpu.memory_space<vmem>> -> memref<1x80xi32, #tpu.memory_space<vmem>>
        %dma_start3A_105 = tpu.memref_squeeze %dma_start3A_104 : memref<1x80xi32, #tpu.memory_space<vmem>> -> memref<80xi32, #tpu.memory_space<vmem>>
        %dma_start3A_106 = arith.constant 0 : i32
        %dma_start3A_107 = tpu.memref_slice %arg18[%dma_start3A_106] : memref<10240xf32, #tpu.memory_space<vmem_shared>> -> memref<10240xf32, #tpu.memory_space<vmem_shared>>
        tpu.enqueue_indirect_dma source(%arg16 : memref<80xf32, #tpu.memory_space<vmem>>) target(%dma_start3A_107 : memref<10240xf32, #tpu.memory_space<vmem_shared>>) offsets(%dma_start3A_105 : memref<80xi32, #tpu.memory_space<vmem>>) semaphore(%run_scoped3A_103 : memref<!tpu.dma_semaphore, #tpu.memory_space<semaphore_mem>>) {add = true}
        %dma_wait3A = arith.constant 0 : i32
        %dma_wait3A_108 = tpu.memref_slice %arg11[%scan3A_100, %dma_wait3A] : memref<25x80xi32, #tpu.memory_space<vmem>> -> memref<1x80xi32, #tpu.memory_space<vmem>>
        %dma_wait3A_109 = tpu.memref_squeeze %dma_wait3A_108 : memref<1x80xi32, #tpu.memory_space<vmem>> -> memref<80xi32, #tpu.memory_space<vmem>>
        %dma_wait3A_110 = arith.constant 0 : i32
        %dma_wait3A_111 = tpu.memref_slice %arg18[%dma_wait3A_110] : memref<10240xf32, #tpu.memory_space<vmem_shared>> -> memref<10240xf32, #tpu.memory_space<vmem_shared>>
        tpu.wait_indirect_dma semaphore(%run_scoped3A_103 : memref<!tpu.dma_semaphore, #tpu.memory_space<semaphore_mem>>) src(%arg16 : memref<80xf32, #tpu.memory_space<vmem>>) dst(%dma_wait3A_111 : memref<10240xf32, #tpu.memory_space<vmem_shared>>)
        tpu.yield
      }) : () -> ()
      "tpu.region"() ({
        %run_scoped3A_103 = tpu.sem_alloc : memref<!tpu.dma_semaphore, #tpu.memory_space<semaphore_mem>>
        %dma_start3A = arith.constant 0 : i32
        %dma_start3A_104 = tpu.memref_slice %arg12[%scan3A_100, %dma_start3A] : memref<25x80xi32, #tpu.memory_space<vmem>> -> memref<1x80xi32, #tpu.memory_space<vmem>>
        %dma_start3A_105 = tpu.memref_squeeze %dma_start3A_104 : memref<1x80xi32, #tpu.memory_space<vmem>> -> memref<80xi32, #tpu.memory_space<vmem>>
        %dma_start3A_106 = arith.constant 0 : i32
        %dma_start3A_107 = tpu.memref_slice %arg19[%dma_start3A_106] : memref<10240xf32, #tpu.memory_space<vmem_shared>> -> memref<10240xf32, #tpu.memory_space<vmem_shared>>
        tpu.enqueue_indirect_dma source(%arg16 : memref<80xf32, #tpu.memory_space<vmem>>) target(%dma_start3A_107 : memref<10240xf32, #tpu.memory_space<vmem_shared>>) offsets(%dma_start3A_105 : memref<80xi32, #tpu.memory_space<vmem>>) semaphore(%run_scoped3A_103 : memref<!tpu.dma_semaphore, #tpu.memory_space<semaphore_mem>>) {add = true}
        %dma_wait3A = arith.constant 0 : i32
        %dma_wait3A_108 = tpu.memref_slice %arg12[%scan3A_100, %dma_wait3A] : memref<25x80xi32, #tpu.memory_space<vmem>> -> memref<1x80xi32, #tpu.memory_space<vmem>>
        %dma_wait3A_109 = tpu.memref_squeeze %dma_wait3A_108 : memref<1x80xi32, #tpu.memory_space<vmem>> -> memref<80xi32, #tpu.memory_space<vmem>>
        %dma_wait3A_110 = arith.constant 0 : i32
        %dma_wait3A_111 = tpu.memref_slice %arg19[%dma_wait3A_110] : memref<10240xf32, #tpu.memory_space<vmem_shared>> -> memref<10240xf32, #tpu.memory_space<vmem_shared>>
        tpu.wait_indirect_dma semaphore(%run_scoped3A_103 : memref<!tpu.dma_semaphore, #tpu.memory_space<semaphore_mem>>) src(%arg16 : memref<80xf32, #tpu.memory_space<vmem>>) dst(%dma_wait3A_111 : memref<10240xf32, #tpu.memory_space<vmem_shared>>)
        tpu.yield
      }) : () -> ()
      %scan3A_102 = arith.constant 0 : i32
      scf.yield %scan3A_102 : i32
    }
    %scan3A_43 = arith.constant 25 : i32
    %run_scoped3A_44 = arith.constant 2 : i32
    "tpu.region"() ({
      %run_scoped3A_100 = tpu.sem_alloc : memref<!tpu.dma_semaphore, #tpu.memory_space<semaphore_mem>>
      %dma_start3A = arith.constant 0 : i32
      %dma_start3A_101 = arith.constant 0 : i32
      %dma_start3A_102 = tpu.memref_slice %arg3[%add3A_27, %run_scoped3A_44, %dma_start3A, %dma_start3A_101] : memref<32x5x25x80xi32, #tpu.memory_space<hbm>> -> memref<1x1x25x80xi32, #tpu.memory_space<hbm>>
      %dma_start3A_103 = tpu.memref_squeeze %dma_start3A_102 : memref<1x1x25x80xi32, #tpu.memory_space<hbm>> -> memref<25x80xi32, #tpu.memory_space<hbm>>
      %dma_start3A_104 = arith.constant 0 : i32
      %dma_start3A_105 = arith.constant 0 : i32
      %dma_start3A_106 = tpu.memref_slice %arg3[%add3A_27, %run_scoped3A_44, %dma_start3A_104, %dma_start3A_105] : memref<32x5x25x80xi32, #tpu.memory_space<hbm>> -> memref<1x1x25x80xi32, #tpu.memory_space<hbm>>
      %dma_start3A_107 = tpu.memref_squeeze %dma_start3A_106 : memref<1x1x25x80xi32, #tpu.memory_space<hbm>> -> memref<25x80xi32, #tpu.memory_space<hbm>>
      tpu.enqueue_dma source(%dma_start3A_107 : memref<25x80xi32, #tpu.memory_space<hbm>>) target(%arg11 : memref<25x80xi32, #tpu.memory_space<vmem>>) target_semaphore(%run_scoped3A_100 : memref<!tpu.dma_semaphore, #tpu.memory_space<semaphore_mem>>)
      %dma_wait3A = arith.constant 0 : i32
      %dma_wait3A_108 = arith.constant 0 : i32
      %dma_wait3A_109 = tpu.memref_slice %arg3[%add3A_27, %run_scoped3A_44, %dma_wait3A, %dma_wait3A_108] : memref<32x5x25x80xi32, #tpu.memory_space<hbm>> -> memref<1x1x25x80xi32, #tpu.memory_space<hbm>>
      %dma_wait3A_110 = tpu.memref_squeeze %dma_wait3A_109 : memref<1x1x25x80xi32, #tpu.memory_space<hbm>> -> memref<25x80xi32, #tpu.memory_space<hbm>>
      %dma_wait3A_111 = arith.constant 0 : i32
      %dma_wait3A_112 = arith.constant 0 : i32
      %dma_wait3A_113 = tpu.memref_slice %arg3[%add3A_27, %run_scoped3A_44, %dma_wait3A_111, %dma_wait3A_112] : memref<32x5x25x80xi32, #tpu.memory_space<hbm>> -> memref<1x1x25x80xi32, #tpu.memory_space<hbm>>
      %dma_wait3A_114 = tpu.memref_squeeze %dma_wait3A_113 : memref<1x1x25x80xi32, #tpu.memory_space<hbm>> -> memref<25x80xi32, #tpu.memory_space<hbm>>
      tpu.wait_dma2 semaphore(%run_scoped3A_100 : memref<!tpu.dma_semaphore, #tpu.memory_space<semaphore_mem>>) src(%dma_wait3A_114 : memref<25x80xi32, #tpu.memory_space<hbm>>) dst(%arg11 : memref<25x80xi32, #tpu.memory_space<vmem>>)
      tpu.yield
    }) : () -> ()
    %run_scoped3A_45 = arith.constant 2 : i32
    "tpu.region"() ({
      %run_scoped3A_100 = tpu.sem_alloc : memref<!tpu.dma_semaphore, #tpu.memory_space<semaphore_mem>>
      %dma_start3A = arith.constant 0 : i32
      %dma_start3A_101 = arith.constant 0 : i32
      %dma_start3A_102 = tpu.memref_slice %arg4[%add3A_27, %run_scoped3A_45, %dma_start3A, %dma_start3A_101] : memref<32x5x25x80xi32, #tpu.memory_space<hbm>> -> memref<1x1x25x80xi32, #tpu.memory_space<hbm>>
      %dma_start3A_103 = tpu.memref_squeeze %dma_start3A_102 : memref<1x1x25x80xi32, #tpu.memory_space<hbm>> -> memref<25x80xi32, #tpu.memory_space<hbm>>
      %dma_start3A_104 = arith.constant 0 : i32
      %dma_start3A_105 = arith.constant 0 : i32
      %dma_start3A_106 = tpu.memref_slice %arg4[%add3A_27, %run_scoped3A_45, %dma_start3A_104, %dma_start3A_105] : memref<32x5x25x80xi32, #tpu.memory_space<hbm>> -> memref<1x1x25x80xi32, #tpu.memory_space<hbm>>
      %dma_start3A_107 = tpu.memref_squeeze %dma_start3A_106 : memref<1x1x25x80xi32, #tpu.memory_space<hbm>> -> memref<25x80xi32, #tpu.memory_space<hbm>>
      tpu.enqueue_dma source(%dma_start3A_107 : memref<25x80xi32, #tpu.memory_space<hbm>>) target(%arg12 : memref<25x80xi32, #tpu.memory_space<vmem>>) target_semaphore(%run_scoped3A_100 : memref<!tpu.dma_semaphore, #tpu.memory_space<semaphore_mem>>)
      %dma_wait3A = arith.constant 0 : i32
      %dma_wait3A_108 = arith.constant 0 : i32
      %dma_wait3A_109 = tpu.memref_slice %arg4[%add3A_27, %run_scoped3A_45, %dma_wait3A, %dma_wait3A_108] : memref<32x5x25x80xi32, #tpu.memory_space<hbm>> -> memref<1x1x25x80xi32, #tpu.memory_space<hbm>>
      %dma_wait3A_110 = tpu.memref_squeeze %dma_wait3A_109 : memref<1x1x25x80xi32, #tpu.memory_space<hbm>> -> memref<25x80xi32, #tpu.memory_space<hbm>>
      %dma_wait3A_111 = arith.constant 0 : i32
      %dma_wait3A_112 = arith.constant 0 : i32
      %dma_wait3A_113 = tpu.memref_slice %arg4[%add3A_27, %run_scoped3A_45, %dma_wait3A_111, %dma_wait3A_112] : memref<32x5x25x80xi32, #tpu.memory_space<hbm>> -> memref<1x1x25x80xi32, #tpu.memory_space<hbm>>
      %dma_wait3A_114 = tpu.memref_squeeze %dma_wait3A_113 : memref<1x1x25x80xi32, #tpu.memory_space<hbm>> -> memref<25x80xi32, #tpu.memory_space<hbm>>
      tpu.wait_dma2 semaphore(%run_scoped3A_100 : memref<!tpu.dma_semaphore, #tpu.memory_space<semaphore_mem>>) src(%dma_wait3A_114 : memref<25x80xi32, #tpu.memory_space<hbm>>) dst(%arg12 : memref<25x80xi32, #tpu.memory_space<vmem>>)
      tpu.yield
    }) : () -> ()
    %scan3A_46 = arith.constant 0 : i32
    %scan3A_47 = arith.constant 0 : i32
    %scan3A_48 = arith.constant 25 : i32
    %scan3A_49 = arith.addi %scan3A_47, %scan3A_48 : i32
    %scan3A_50 = arith.constant 1 : i32
    %scan3A_51 = scf.for %scan3A_100 = %scan3A_47 to %scan3A_49 step %scan3A_50 iter_args(%scan3A_101 = %scan3A_46) -> (i32)  : i32 {
      "tpu.region"() ({
        %run_scoped3A_103 = tpu.sem_alloc : memref<!tpu.dma_semaphore, #tpu.memory_space<semaphore_mem>>
        %dma_start3A = arith.constant 0 : i32
        %dma_start3A_104 = tpu.memref_slice %arg11[%scan3A_100, %dma_start3A] : memref<25x80xi32, #tpu.memory_space<vmem>> -> memref<1x80xi32, #tpu.memory_space<vmem>>
        %dma_start3A_105 = tpu.memref_squeeze %dma_start3A_104 : memref<1x80xi32, #tpu.memory_space<vmem>> -> memref<80xi32, #tpu.memory_space<vmem>>
        %dma_start3A_106 = arith.constant 0 : i32
        %dma_start3A_107 = arith.constant 0 : i32
        %dma_start3A_108 = tpu.memref_slice %arg2[%dma_start3A_106, %dma_start3A_107] : memref<10000x128xf32, #tpu.memory_space<hbm>> -> memref<10000x128xf32, #tpu.memory_space<hbm>>
        tpu.enqueue_indirect_dma source(%dma_start3A_108 : memref<10000x128xf32, #tpu.memory_space<hbm>>) target(%arg13 : memref<80x128xf32, #tpu.memory_space<vmem>>) offsets(%dma_start3A_105 : memref<80xi32, #tpu.memory_space<vmem>>) semaphore(%run_scoped3A_103 : memref<!tpu.dma_semaphore, #tpu.memory_space<semaphore_mem>>)
        %dma_wait3A = arith.constant 0 : i32
        %dma_wait3A_109 = tpu.memref_slice %arg11[%scan3A_100, %dma_wait3A] : memref<25x80xi32, #tpu.memory_space<vmem>> -> memref<1x80xi32, #tpu.memory_space<vmem>>
        %dma_wait3A_110 = tpu.memref_squeeze %dma_wait3A_109 : memref<1x80xi32, #tpu.memory_space<vmem>> -> memref<80xi32, #tpu.memory_space<vmem>>
        %dma_wait3A_111 = arith.constant 0 : i32
        %dma_wait3A_112 = arith.constant 0 : i32
        %dma_wait3A_113 = tpu.memref_slice %arg2[%dma_wait3A_111, %dma_wait3A_112] : memref<10000x128xf32, #tpu.memory_space<hbm>> -> memref<10000x128xf32, #tpu.memory_space<hbm>>
        tpu.wait_indirect_dma semaphore(%run_scoped3A_103 : memref<!tpu.dma_semaphore, #tpu.memory_space<semaphore_mem>>) src(%dma_wait3A_113 : memref<10000x128xf32, #tpu.memory_space<hbm>>) dst(%arg13 : memref<80x128xf32, #tpu.memory_space<vmem>>)
        tpu.yield
      }) : () -> ()
      "tpu.region"() ({
        %run_scoped3A_103 = tpu.sem_alloc : memref<!tpu.dma_semaphore, #tpu.memory_space<semaphore_mem>>
        %dma_start3A = arith.constant 0 : i32
        %dma_start3A_104 = tpu.memref_slice %arg12[%scan3A_100, %dma_start3A] : memref<25x80xi32, #tpu.memory_space<vmem>> -> memref<1x80xi32, #tpu.memory_space<vmem>>
        %dma_start3A_105 = tpu.memref_squeeze %dma_start3A_104 : memref<1x80xi32, #tpu.memory_space<vmem>> -> memref<80xi32, #tpu.memory_space<vmem>>
        %dma_start3A_106 = arith.constant 0 : i32
        %dma_start3A_107 = arith.constant 0 : i32
        %dma_start3A_108 = tpu.memref_slice %arg17[%dma_start3A_106, %dma_start3A_107] : memref<10240x128xf32, #tpu.memory_space<vmem_shared>> -> memref<10240x128xf32, #tpu.memory_space<vmem_shared>>
        tpu.enqueue_indirect_dma source(%arg13 : memref<80x128xf32, #tpu.memory_space<vmem>>) target(%dma_start3A_108 : memref<10240x128xf32, #tpu.memory_space<vmem_shared>>) offsets(%dma_start3A_105 : memref<80xi32, #tpu.memory_space<vmem>>) semaphore(%run_scoped3A_103 : memref<!tpu.dma_semaphore, #tpu.memory_space<semaphore_mem>>) {add = true}
        %dma_wait3A = arith.constant 0 : i32
        %dma_wait3A_109 = tpu.memref_slice %arg12[%scan3A_100, %dma_wait3A] : memref<25x80xi32, #tpu.memory_space<vmem>> -> memref<1x80xi32, #tpu.memory_space<vmem>>
        %dma_wait3A_110 = tpu.memref_squeeze %dma_wait3A_109 : memref<1x80xi32, #tpu.memory_space<vmem>> -> memref<80xi32, #tpu.memory_space<vmem>>
        %dma_wait3A_111 = arith.constant 0 : i32
        %dma_wait3A_112 = arith.constant 0 : i32
        %dma_wait3A_113 = tpu.memref_slice %arg17[%dma_wait3A_111, %dma_wait3A_112] : memref<10240x128xf32, #tpu.memory_space<vmem_shared>> -> memref<10240x128xf32, #tpu.memory_space<vmem_shared>>
        tpu.wait_indirect_dma semaphore(%run_scoped3A_103 : memref<!tpu.dma_semaphore, #tpu.memory_space<semaphore_mem>>) src(%arg13 : memref<80x128xf32, #tpu.memory_space<vmem>>) dst(%dma_wait3A_113 : memref<10240x128xf32, #tpu.memory_space<vmem_shared>>)
        tpu.yield
      }) : () -> ()
      "tpu.region"() ({
        %run_scoped3A_103 = tpu.sem_alloc : memref<!tpu.dma_semaphore, #tpu.memory_space<semaphore_mem>>
        %dma_start3A = arith.constant 0 : i32
        %dma_start3A_104 = tpu.memref_slice %arg11[%scan3A_100, %dma_start3A] : memref<25x80xi32, #tpu.memory_space<vmem>> -> memref<1x80xi32, #tpu.memory_space<vmem>>
        %dma_start3A_105 = tpu.memref_squeeze %dma_start3A_104 : memref<1x80xi32, #tpu.memory_space<vmem>> -> memref<80xi32, #tpu.memory_space<vmem>>
        %dma_start3A_106 = arith.constant 0 : i32
        %dma_start3A_107 = tpu.memref_slice %arg18[%dma_start3A_106] : memref<10240xf32, #tpu.memory_space<vmem_shared>> -> memref<10240xf32, #tpu.memory_space<vmem_shared>>
        tpu.enqueue_indirect_dma source(%arg16 : memref<80xf32, #tpu.memory_space<vmem>>) target(%dma_start3A_107 : memref<10240xf32, #tpu.memory_space<vmem_shared>>) offsets(%dma_start3A_105 : memref<80xi32, #tpu.memory_space<vmem>>) semaphore(%run_scoped3A_103 : memref<!tpu.dma_semaphore, #tpu.memory_space<semaphore_mem>>) {add = true}
        %dma_wait3A = arith.constant 0 : i32
        %dma_wait3A_108 = tpu.memref_slice %arg11[%scan3A_100, %dma_wait3A] : memref<25x80xi32, #tpu.memory_space<vmem>> -> memref<1x80xi32, #tpu.memory_space<vmem>>
        %dma_wait3A_109 = tpu.memref_squeeze %dma_wait3A_108 : memref<1x80xi32, #tpu.memory_space<vmem>> -> memref<80xi32, #tpu.memory_space<vmem>>
        %dma_wait3A_110 = arith.constant 0 : i32
        %dma_wait3A_111 = tpu.memref_slice %arg18[%dma_wait3A_110] : memref<10240xf32, #tpu.memory_space<vmem_shared>> -> memref<10240xf32, #tpu.memory_space<vmem_shared>>
        tpu.wait_indirect_dma semaphore(%run_scoped3A_103 : memref<!tpu.dma_semaphore, #tpu.memory_space<semaphore_mem>>) src(%arg16 : memref<80xf32, #tpu.memory_space<vmem>>) dst(%dma_wait3A_111 : memref<10240xf32, #tpu.memory_space<vmem_shared>>)
        tpu.yield
      }) : () -> ()
      "tpu.region"() ({
        %run_scoped3A_103 = tpu.sem_alloc : memref<!tpu.dma_semaphore, #tpu.memory_space<semaphore_mem>>
        %dma_start3A = arith.constant 0 : i32
        %dma_start3A_104 = tpu.memref_slice %arg12[%scan3A_100, %dma_start3A] : memref<25x80xi32, #tpu.memory_space<vmem>> -> memref<1x80xi32, #tpu.memory_space<vmem>>
        %dma_start3A_105 = tpu.memref_squeeze %dma_start3A_104 : memref<1x80xi32, #tpu.memory_space<vmem>> -> memref<80xi32, #tpu.memory_space<vmem>>
        %dma_start3A_106 = arith.constant 0 : i32
        %dma_start3A_107 = tpu.memref_slice %arg19[%dma_start3A_106] : memref<10240xf32, #tpu.memory_space<vmem_shared>> -> memref<10240xf32, #tpu.memory_space<vmem_shared>>
        tpu.enqueue_indirect_dma source(%arg16 : memref<80xf32, #tpu.memory_space<vmem>>) target(%dma_start3A_107 : memref<10240xf32, #tpu.memory_space<vmem_shared>>) offsets(%dma_start3A_105 : memref<80xi32, #tpu.memory_space<vmem>>) semaphore(%run_scoped3A_103 : memref<!tpu.dma_semaphore, #tpu.memory_space<semaphore_mem>>) {add = true}
        %dma_wait3A = arith.constant 0 : i32
        %dma_wait3A_108 = tpu.memref_slice %arg12[%scan3A_100, %dma_wait3A] : memref<25x80xi32, #tpu.memory_space<vmem>> -> memref<1x80xi32, #tpu.memory_space<vmem>>
        %dma_wait3A_109 = tpu.memref_squeeze %dma_wait3A_108 : memref<1x80xi32, #tpu.memory_space<vmem>> -> memref<80xi32, #tpu.memory_space<vmem>>
        %dma_wait3A_110 = arith.constant 0 : i32
        %dma_wait3A_111 = tpu.memref_slice %arg19[%dma_wait3A_110] : memref<10240xf32, #tpu.memory_space<vmem_shared>> -> memref<10240xf32, #tpu.memory_space<vmem_shared>>
        tpu.wait_indirect_dma semaphore(%run_scoped3A_103 : memref<!tpu.dma_semaphore, #tpu.memory_space<semaphore_mem>>) src(%arg16 : memref<80xf32, #tpu.memory_space<vmem>>) dst(%dma_wait3A_111 : memref<10240xf32, #tpu.memory_space<vmem_shared>>)
        tpu.yield
      }) : () -> ()
      %scan3A_102 = arith.constant 0 : i32
      scf.yield %scan3A_102 : i32
    }
    %scan3A_52 = arith.constant 25 : i32
    %run_scoped3A_53 = arith.constant 3 : i32
    "tpu.region"() ({
      %run_scoped3A_100 = tpu.sem_alloc : memref<!tpu.dma_semaphore, #tpu.memory_space<semaphore_mem>>
      %dma_start3A = arith.constant 0 : i32
      %dma_start3A_101 = arith.constant 0 : i32
      %dma_start3A_102 = tpu.memref_slice %arg3[%add3A_27, %run_scoped3A_53, %dma_start3A, %dma_start3A_101] : memref<32x5x25x80xi32, #tpu.memory_space<hbm>> -> memref<1x1x25x80xi32, #tpu.memory_space<hbm>>
      %dma_start3A_103 = tpu.memref_squeeze %dma_start3A_102 : memref<1x1x25x80xi32, #tpu.memory_space<hbm>> -> memref<25x80xi32, #tpu.memory_space<hbm>>
      %dma_start3A_104 = arith.constant 0 : i32
      %dma_start3A_105 = arith.constant 0 : i32
      %dma_start3A_106 = tpu.memref_slice %arg3[%add3A_27, %run_scoped3A_53, %dma_start3A_104, %dma_start3A_105] : memref<32x5x25x80xi32, #tpu.memory_space<hbm>> -> memref<1x1x25x80xi32, #tpu.memory_space<hbm>>
      %dma_start3A_107 = tpu.memref_squeeze %dma_start3A_106 : memref<1x1x25x80xi32, #tpu.memory_space<hbm>> -> memref<25x80xi32, #tpu.memory_space<hbm>>
      tpu.enqueue_dma source(%dma_start3A_107 : memref<25x80xi32, #tpu.memory_space<hbm>>) target(%arg11 : memref<25x80xi32, #tpu.memory_space<vmem>>) target_semaphore(%run_scoped3A_100 : memref<!tpu.dma_semaphore, #tpu.memory_space<semaphore_mem>>)
      %dma_wait3A = arith.constant 0 : i32
      %dma_wait3A_108 = arith.constant 0 : i32
      %dma_wait3A_109 = tpu.memref_slice %arg3[%add3A_27, %run_scoped3A_53, %dma_wait3A, %dma_wait3A_108] : memref<32x5x25x80xi32, #tpu.memory_space<hbm>> -> memref<1x1x25x80xi32, #tpu.memory_space<hbm>>
      %dma_wait3A_110 = tpu.memref_squeeze %dma_wait3A_109 : memref<1x1x25x80xi32, #tpu.memory_space<hbm>> -> memref<25x80xi32, #tpu.memory_space<hbm>>
      %dma_wait3A_111 = arith.constant 0 : i32
      %dma_wait3A_112 = arith.constant 0 : i32
      %dma_wait3A_113 = tpu.memref_slice %arg3[%add3A_27, %run_scoped3A_53, %dma_wait3A_111, %dma_wait3A_112] : memref<32x5x25x80xi32, #tpu.memory_space<hbm>> -> memref<1x1x25x80xi32, #tpu.memory_space<hbm>>
      %dma_wait3A_114 = tpu.memref_squeeze %dma_wait3A_113 : memref<1x1x25x80xi32, #tpu.memory_space<hbm>> -> memref<25x80xi32, #tpu.memory_space<hbm>>
      tpu.wait_dma2 semaphore(%run_scoped3A_100 : memref<!tpu.dma_semaphore, #tpu.memory_space<semaphore_mem>>) src(%dma_wait3A_114 : memref<25x80xi32, #tpu.memory_space<hbm>>) dst(%arg11 : memref<25x80xi32, #tpu.memory_space<vmem>>)
      tpu.yield
    }) : () -> ()
    %run_scoped3A_54 = arith.constant 3 : i32
    "tpu.region"() ({
      %run_scoped3A_100 = tpu.sem_alloc : memref<!tpu.dma_semaphore, #tpu.memory_space<semaphore_mem>>
      %dma_start3A = arith.constant 0 : i32
      %dma_start3A_101 = arith.constant 0 : i32
      %dma_start3A_102 = tpu.memref_slice %arg4[%add3A_27, %run_scoped3A_54, %dma_start3A, %dma_start3A_101] : memref<32x5x25x80xi32, #tpu.memory_space<hbm>> -> memref<1x1x25x80xi32, #tpu.memory_space<hbm>>
      %dma_start3A_103 = tpu.memref_squeeze %dma_start3A_102 : memref<1x1x25x80xi32, #tpu.memory_space<hbm>> -> memref<25x80xi32, #tpu.memory_space<hbm>>
      %dma_start3A_104 = arith.constant 0 : i32
      %dma_start3A_105 = arith.constant 0 : i32
      %dma_start3A_106 = tpu.memref_slice %arg4[%add3A_27, %run_scoped3A_54, %dma_start3A_104, %dma_start3A_105] : memref<32x5x25x80xi32, #tpu.memory_space<hbm>> -> memref<1x1x25x80xi32, #tpu.memory_space<hbm>>
      %dma_start3A_107 = tpu.memref_squeeze %dma_start3A_106 : memref<1x1x25x80xi32, #tpu.memory_space<hbm>> -> memref<25x80xi32, #tpu.memory_space<hbm>>
      tpu.enqueue_dma source(%dma_start3A_107 : memref<25x80xi32, #tpu.memory_space<hbm>>) target(%arg12 : memref<25x80xi32, #tpu.memory_space<vmem>>) target_semaphore(%run_scoped3A_100 : memref<!tpu.dma_semaphore, #tpu.memory_space<semaphore_mem>>)
      %dma_wait3A = arith.constant 0 : i32
      %dma_wait3A_108 = arith.constant 0 : i32
      %dma_wait3A_109 = tpu.memref_slice %arg4[%add3A_27, %run_scoped3A_54, %dma_wait3A, %dma_wait3A_108] : memref<32x5x25x80xi32, #tpu.memory_space<hbm>> -> memref<1x1x25x80xi32, #tpu.memory_space<hbm>>
      %dma_wait3A_110 = tpu.memref_squeeze %dma_wait3A_109 : memref<1x1x25x80xi32, #tpu.memory_space<hbm>> -> memref<25x80xi32, #tpu.memory_space<hbm>>
      %dma_wait3A_111 = arith.constant 0 : i32
      %dma_wait3A_112 = arith.constant 0 : i32
      %dma_wait3A_113 = tpu.memref_slice %arg4[%add3A_27, %run_scoped3A_54, %dma_wait3A_111, %dma_wait3A_112] : memref<32x5x25x80xi32, #tpu.memory_space<hbm>> -> memref<1x1x25x80xi32, #tpu.memory_space<hbm>>
      %dma_wait3A_114 = tpu.memref_squeeze %dma_wait3A_113 : memref<1x1x25x80xi32, #tpu.memory_space<hbm>> -> memref<25x80xi32, #tpu.memory_space<hbm>>
      tpu.wait_dma2 semaphore(%run_scoped3A_100 : memref<!tpu.dma_semaphore, #tpu.memory_space<semaphore_mem>>) src(%dma_wait3A_114 : memref<25x80xi32, #tpu.memory_space<hbm>>) dst(%arg12 : memref<25x80xi32, #tpu.memory_space<vmem>>)
      tpu.yield
    }) : () -> ()
    %scan3A_55 = arith.constant 0 : i32
    %scan3A_56 = arith.constant 0 : i32
    %scan3A_57 = arith.constant 25 : i32
    %scan3A_58 = arith.addi %scan3A_56, %scan3A_57 : i32
    %scan3A_59 = arith.constant 1 : i32
    %scan3A_60 = scf.for %scan3A_100 = %scan3A_56 to %scan3A_58 step %scan3A_59 iter_args(%scan3A_101 = %scan3A_55) -> (i32)  : i32 {
      "tpu.region"() ({
        %run_scoped3A_103 = tpu.sem_alloc : memref<!tpu.dma_semaphore, #tpu.memory_space<semaphore_mem>>
        %dma_start3A = arith.constant 0 : i32
        %dma_start3A_104 = tpu.memref_slice %arg11[%scan3A_100, %dma_start3A] : memref<25x80xi32, #tpu.memory_space<vmem>> -> memref<1x80xi32, #tpu.memory_space<vmem>>
        %dma_start3A_105 = tpu.memref_squeeze %dma_start3A_104 : memref<1x80xi32, #tpu.memory_space<vmem>> -> memref<80xi32, #tpu.memory_space<vmem>>
        %dma_start3A_106 = arith.constant 0 : i32
        %dma_start3A_107 = arith.constant 0 : i32
        %dma_start3A_108 = tpu.memref_slice %arg2[%dma_start3A_106, %dma_start3A_107] : memref<10000x128xf32, #tpu.memory_space<hbm>> -> memref<10000x128xf32, #tpu.memory_space<hbm>>
        tpu.enqueue_indirect_dma source(%dma_start3A_108 : memref<10000x128xf32, #tpu.memory_space<hbm>>) target(%arg13 : memref<80x128xf32, #tpu.memory_space<vmem>>) offsets(%dma_start3A_105 : memref<80xi32, #tpu.memory_space<vmem>>) semaphore(%run_scoped3A_103 : memref<!tpu.dma_semaphore, #tpu.memory_space<semaphore_mem>>)
        %dma_wait3A = arith.constant 0 : i32
        %dma_wait3A_109 = tpu.memref_slice %arg11[%scan3A_100, %dma_wait3A] : memref<25x80xi32, #tpu.memory_space<vmem>> -> memref<1x80xi32, #tpu.memory_space<vmem>>
        %dma_wait3A_110 = tpu.memref_squeeze %dma_wait3A_109 : memref<1x80xi32, #tpu.memory_space<vmem>> -> memref<80xi32, #tpu.memory_space<vmem>>
        %dma_wait3A_111 = arith.constant 0 : i32
        %dma_wait3A_112 = arith.constant 0 : i32
        %dma_wait3A_113 = tpu.memref_slice %arg2[%dma_wait3A_111, %dma_wait3A_112] : memref<10000x128xf32, #tpu.memory_space<hbm>> -> memref<10000x128xf32, #tpu.memory_space<hbm>>
        tpu.wait_indirect_dma semaphore(%run_scoped3A_103 : memref<!tpu.dma_semaphore, #tpu.memory_space<semaphore_mem>>) src(%dma_wait3A_113 : memref<10000x128xf32, #tpu.memory_space<hbm>>) dst(%arg13 : memref<80x128xf32, #tpu.memory_space<vmem>>)
        tpu.yield
      }) : () -> ()
      "tpu.region"() ({
        %run_scoped3A_103 = tpu.sem_alloc : memref<!tpu.dma_semaphore, #tpu.memory_space<semaphore_mem>>
        %dma_start3A = arith.constant 0 : i32
        %dma_start3A_104 = tpu.memref_slice %arg12[%scan3A_100, %dma_start3A] : memref<25x80xi32, #tpu.memory_space<vmem>> -> memref<1x80xi32, #tpu.memory_space<vmem>>
        %dma_start3A_105 = tpu.memref_squeeze %dma_start3A_104 : memref<1x80xi32, #tpu.memory_space<vmem>> -> memref<80xi32, #tpu.memory_space<vmem>>
        %dma_start3A_106 = arith.constant 0 : i32
        %dma_start3A_107 = arith.constant 0 : i32
        %dma_start3A_108 = tpu.memref_slice %arg17[%dma_start3A_106, %dma_start3A_107] : memref<10240x128xf32, #tpu.memory_space<vmem_shared>> -> memref<10240x128xf32, #tpu.memory_space<vmem_shared>>
        tpu.enqueue_indirect_dma source(%arg13 : memref<80x128xf32, #tpu.memory_space<vmem>>) target(%dma_start3A_108 : memref<10240x128xf32, #tpu.memory_space<vmem_shared>>) offsets(%dma_start3A_105 : memref<80xi32, #tpu.memory_space<vmem>>) semaphore(%run_scoped3A_103 : memref<!tpu.dma_semaphore, #tpu.memory_space<semaphore_mem>>) {add = true}
        %dma_wait3A = arith.constant 0 : i32
        %dma_wait3A_109 = tpu.memref_slice %arg12[%scan3A_100, %dma_wait3A] : memref<25x80xi32, #tpu.memory_space<vmem>> -> memref<1x80xi32, #tpu.memory_space<vmem>>
        %dma_wait3A_110 = tpu.memref_squeeze %dma_wait3A_109 : memref<1x80xi32, #tpu.memory_space<vmem>> -> memref<80xi32, #tpu.memory_space<vmem>>
        %dma_wait3A_111 = arith.constant 0 : i32
        %dma_wait3A_112 = arith.constant 0 : i32
        %dma_wait3A_113 = tpu.memref_slice %arg17[%dma_wait3A_111, %dma_wait3A_112] : memref<10240x128xf32, #tpu.memory_space<vmem_shared>> -> memref<10240x128xf32, #tpu.memory_space<vmem_shared>>
        tpu.wait_indirect_dma semaphore(%run_scoped3A_103 : memref<!tpu.dma_semaphore, #tpu.memory_space<semaphore_mem>>) src(%arg13 : memref<80x128xf32, #tpu.memory_space<vmem>>) dst(%dma_wait3A_113 : memref<10240x128xf32, #tpu.memory_space<vmem_shared>>)
        tpu.yield
      }) : () -> ()
      "tpu.region"() ({
        %run_scoped3A_103 = tpu.sem_alloc : memref<!tpu.dma_semaphore, #tpu.memory_space<semaphore_mem>>
        %dma_start3A = arith.constant 0 : i32
        %dma_start3A_104 = tpu.memref_slice %arg11[%scan3A_100, %dma_start3A] : memref<25x80xi32, #tpu.memory_space<vmem>> -> memref<1x80xi32, #tpu.memory_space<vmem>>
        %dma_start3A_105 = tpu.memref_squeeze %dma_start3A_104 : memref<1x80xi32, #tpu.memory_space<vmem>> -> memref<80xi32, #tpu.memory_space<vmem>>
        %dma_start3A_106 = arith.constant 0 : i32
        %dma_start3A_107 = tpu.memref_slice %arg18[%dma_start3A_106] : memref<10240xf32, #tpu.memory_space<vmem_shared>> -> memref<10240xf32, #tpu.memory_space<vmem_shared>>
        tpu.enqueue_indirect_dma source(%arg16 : memref<80xf32, #tpu.memory_space<vmem>>) target(%dma_start3A_107 : memref<10240xf32, #tpu.memory_space<vmem_shared>>) offsets(%dma_start3A_105 : memref<80xi32, #tpu.memory_space<vmem>>) semaphore(%run_scoped3A_103 : memref<!tpu.dma_semaphore, #tpu.memory_space<semaphore_mem>>) {add = true}
        %dma_wait3A = arith.constant 0 : i32
        %dma_wait3A_108 = tpu.memref_slice %arg11[%scan3A_100, %dma_wait3A] : memref<25x80xi32, #tpu.memory_space<vmem>> -> memref<1x80xi32, #tpu.memory_space<vmem>>
        %dma_wait3A_109 = tpu.memref_squeeze %dma_wait3A_108 : memref<1x80xi32, #tpu.memory_space<vmem>> -> memref<80xi32, #tpu.memory_space<vmem>>
        %dma_wait3A_110 = arith.constant 0 : i32
        %dma_wait3A_111 = tpu.memref_slice %arg18[%dma_wait3A_110] : memref<10240xf32, #tpu.memory_space<vmem_shared>> -> memref<10240xf32, #tpu.memory_space<vmem_shared>>
        tpu.wait_indirect_dma semaphore(%run_scoped3A_103 : memref<!tpu.dma_semaphore, #tpu.memory_space<semaphore_mem>>) src(%arg16 : memref<80xf32, #tpu.memory_space<vmem>>) dst(%dma_wait3A_111 : memref<10240xf32, #tpu.memory_space<vmem_shared>>)
        tpu.yield
      }) : () -> ()
      "tpu.region"() ({
        %run_scoped3A_103 = tpu.sem_alloc : memref<!tpu.dma_semaphore, #tpu.memory_space<semaphore_mem>>
        %dma_start3A = arith.constant 0 : i32
        %dma_start3A_104 = tpu.memref_slice %arg12[%scan3A_100, %dma_start3A] : memref<25x80xi32, #tpu.memory_space<vmem>> -> memref<1x80xi32, #tpu.memory_space<vmem>>
        %dma_start3A_105 = tpu.memref_squeeze %dma_start3A_104 : memref<1x80xi32, #tpu.memory_space<vmem>> -> memref<80xi32, #tpu.memory_space<vmem>>
        %dma_start3A_106 = arith.constant 0 : i32
        %dma_start3A_107 = tpu.memref_slice %arg19[%dma_start3A_106] : memref<10240xf32, #tpu.memory_space<vmem_shared>> -> memref<10240xf32, #tpu.memory_space<vmem_shared>>
        tpu.enqueue_indirect_dma source(%arg16 : memref<80xf32, #tpu.memory_space<vmem>>) target(%dma_start3A_107 : memref<10240xf32, #tpu.memory_space<vmem_shared>>) offsets(%dma_start3A_105 : memref<80xi32, #tpu.memory_space<vmem>>) semaphore(%run_scoped3A_103 : memref<!tpu.dma_semaphore, #tpu.memory_space<semaphore_mem>>) {add = true}
        %dma_wait3A = arith.constant 0 : i32
        %dma_wait3A_108 = tpu.memref_slice %arg12[%scan3A_100, %dma_wait3A] : memref<25x80xi32, #tpu.memory_space<vmem>> -> memref<1x80xi32, #tpu.memory_space<vmem>>
        %dma_wait3A_109 = tpu.memref_squeeze %dma_wait3A_108 : memref<1x80xi32, #tpu.memory_space<vmem>> -> memref<80xi32, #tpu.memory_space<vmem>>
        %dma_wait3A_110 = arith.constant 0 : i32
        %dma_wait3A_111 = tpu.memref_slice %arg19[%dma_wait3A_110] : memref<10240xf32, #tpu.memory_space<vmem_shared>> -> memref<10240xf32, #tpu.memory_space<vmem_shared>>
        tpu.wait_indirect_dma semaphore(%run_scoped3A_103 : memref<!tpu.dma_semaphore, #tpu.memory_space<semaphore_mem>>) src(%arg16 : memref<80xf32, #tpu.memory_space<vmem>>) dst(%dma_wait3A_111 : memref<10240xf32, #tpu.memory_space<vmem_shared>>)
        tpu.yield
      }) : () -> ()
      %scan3A_102 = arith.constant 0 : i32
      scf.yield %scan3A_102 : i32
    }
    %scan3A_61 = arith.constant 25 : i32
    %run_scoped3A_62 = arith.constant 4 : i32
    "tpu.region"() ({
      %run_scoped3A_100 = tpu.sem_alloc : memref<!tpu.dma_semaphore, #tpu.memory_space<semaphore_mem>>
      %dma_start3A = arith.constant 0 : i32
      %dma_start3A_101 = arith.constant 0 : i32
      %dma_start3A_102 = tpu.memref_slice %arg3[%add3A_27, %run_scoped3A_62, %dma_start3A, %dma_start3A_101] : memref<32x5x25x80xi32, #tpu.memory_space<hbm>> -> memref<1x1x25x80xi32, #tpu.memory_space<hbm>>
      %dma_start3A_103 = tpu.memref_squeeze %dma_start3A_102 : memref<1x1x25x80xi32, #tpu.memory_space<hbm>> -> memref<25x80xi32, #tpu.memory_space<hbm>>
      %dma_start3A_104 = arith.constant 0 : i32
      %dma_start3A_105 = arith.constant 0 : i32
      %dma_start3A_106 = tpu.memref_slice %arg3[%add3A_27, %run_scoped3A_62, %dma_start3A_104, %dma_start3A_105] : memref<32x5x25x80xi32, #tpu.memory_space<hbm>> -> memref<1x1x25x80xi32, #tpu.memory_space<hbm>>
      %dma_start3A_107 = tpu.memref_squeeze %dma_start3A_106 : memref<1x1x25x80xi32, #tpu.memory_space<hbm>> -> memref<25x80xi32, #tpu.memory_space<hbm>>
      tpu.enqueue_dma source(%dma_start3A_107 : memref<25x80xi32, #tpu.memory_space<hbm>>) target(%arg11 : memref<25x80xi32, #tpu.memory_space<vmem>>) target_semaphore(%run_scoped3A_100 : memref<!tpu.dma_semaphore, #tpu.memory_space<semaphore_mem>>)
      %dma_wait3A = arith.constant 0 : i32
      %dma_wait3A_108 = arith.constant 0 : i32
      %dma_wait3A_109 = tpu.memref_slice %arg3[%add3A_27, %run_scoped3A_62, %dma_wait3A, %dma_wait3A_108] : memref<32x5x25x80xi32, #tpu.memory_space<hbm>> -> memref<1x1x25x80xi32, #tpu.memory_space<hbm>>
      %dma_wait3A_110 = tpu.memref_squeeze %dma_wait3A_109 : memref<1x1x25x80xi32, #tpu.memory_space<hbm>> -> memref<25x80xi32, #tpu.memory_space<hbm>>
      %dma_wait3A_111 = arith.constant 0 : i32
      %dma_wait3A_112 = arith.constant 0 : i32
      %dma_wait3A_113 = tpu.memref_slice %arg3[%add3A_27, %run_scoped3A_62, %dma_wait3A_111, %dma_wait3A_112] : memref<32x5x25x80xi32, #tpu.memory_space<hbm>> -> memref<1x1x25x80xi32, #tpu.memory_space<hbm>>
      %dma_wait3A_114 = tpu.memref_squeeze %dma_wait3A_113 : memref<1x1x25x80xi32, #tpu.memory_space<hbm>> -> memref<25x80xi32, #tpu.memory_space<hbm>>
      tpu.wait_dma2 semaphore(%run_scoped3A_100 : memref<!tpu.dma_semaphore, #tpu.memory_space<semaphore_mem>>) src(%dma_wait3A_114 : memref<25x80xi32, #tpu.memory_space<hbm>>) dst(%arg11 : memref<25x80xi32, #tpu.memory_space<vmem>>)
      tpu.yield
    }) : () -> ()
    %run_scoped3A_63 = arith.constant 4 : i32
    "tpu.region"() ({
      %run_scoped3A_100 = tpu.sem_alloc : memref<!tpu.dma_semaphore, #tpu.memory_space<semaphore_mem>>
      %dma_start3A = arith.constant 0 : i32
      %dma_start3A_101 = arith.constant 0 : i32
      %dma_start3A_102 = tpu.memref_slice %arg4[%add3A_27, %run_scoped3A_63, %dma_start3A, %dma_start3A_101] : memref<32x5x25x80xi32, #tpu.memory_space<hbm>> -> memref<1x1x25x80xi32, #tpu.memory_space<hbm>>
      %dma_start3A_103 = tpu.memref_squeeze %dma_start3A_102 : memref<1x1x25x80xi32, #tpu.memory_space<hbm>> -> memref<25x80xi32, #tpu.memory_space<hbm>>
      %dma_start3A_104 = arith.constant 0 : i32
      %dma_start3A_105 = arith.constant 0 : i32
      %dma_start3A_106 = tpu.memref_slice %arg4[%add3A_27, %run_scoped3A_63, %dma_start3A_104, %dma_start3A_105] : memref<32x5x25x80xi32, #tpu.memory_space<hbm>> -> memref<1x1x25x80xi32, #tpu.memory_space<hbm>>
      %dma_start3A_107 = tpu.memref_squeeze %dma_start3A_106 : memref<1x1x25x80xi32, #tpu.memory_space<hbm>> -> memref<25x80xi32, #tpu.memory_space<hbm>>
      tpu.enqueue_dma source(%dma_start3A_107 : memref<25x80xi32, #tpu.memory_space<hbm>>) target(%arg12 : memref<25x80xi32, #tpu.memory_space<vmem>>) target_semaphore(%run_scoped3A_100 : memref<!tpu.dma_semaphore, #tpu.memory_space<semaphore_mem>>)
      %dma_wait3A = arith.constant 0 : i32
      %dma_wait3A_108 = arith.constant 0 : i32
      %dma_wait3A_109 = tpu.memref_slice %arg4[%add3A_27, %run_scoped3A_63, %dma_wait3A, %dma_wait3A_108] : memref<32x5x25x80xi32, #tpu.memory_space<hbm>> -> memref<1x1x25x80xi32, #tpu.memory_space<hbm>>
      %dma_wait3A_110 = tpu.memref_squeeze %dma_wait3A_109 : memref<1x1x25x80xi32, #tpu.memory_space<hbm>> -> memref<25x80xi32, #tpu.memory_space<hbm>>
      %dma_wait3A_111 = arith.constant 0 : i32
      %dma_wait3A_112 = arith.constant 0 : i32
      %dma_wait3A_113 = tpu.memref_slice %arg4[%add3A_27, %run_scoped3A_63, %dma_wait3A_111, %dma_wait3A_112] : memref<32x5x25x80xi32, #tpu.memory_space<hbm>> -> memref<1x1x25x80xi32, #tpu.memory_space<hbm>>
      %dma_wait3A_114 = tpu.memref_squeeze %dma_wait3A_113 : memref<1x1x25x80xi32, #tpu.memory_space<hbm>> -> memref<25x80xi32, #tpu.memory_space<hbm>>
      tpu.wait_dma2 semaphore(%run_scoped3A_100 : memref<!tpu.dma_semaphore, #tpu.memory_space<semaphore_mem>>) src(%dma_wait3A_114 : memref<25x80xi32, #tpu.memory_space<hbm>>) dst(%arg12 : memref<25x80xi32, #tpu.memory_space<vmem>>)
      tpu.yield
    }) : () -> ()
    %scan3A_64 = arith.constant 0 : i32
    %scan3A_65 = arith.constant 0 : i32
    %scan3A_66 = arith.constant 25 : i32
    %scan3A_67 = arith.addi %scan3A_65, %scan3A_66 : i32
    %scan3A_68 = arith.constant 1 : i32
    %scan3A_69 = scf.for %scan3A_100 = %scan3A_65 to %scan3A_67 step %scan3A_68 iter_args(%scan3A_101 = %scan3A_64) -> (i32)  : i32 {
      "tpu.region"() ({
        %run_scoped3A_103 = tpu.sem_alloc : memref<!tpu.dma_semaphore, #tpu.memory_space<semaphore_mem>>
        %dma_start3A = arith.constant 0 : i32
        %dma_start3A_104 = tpu.memref_slice %arg11[%scan3A_100, %dma_start3A] : memref<25x80xi32, #tpu.memory_space<vmem>> -> memref<1x80xi32, #tpu.memory_space<vmem>>
        %dma_start3A_105 = tpu.memref_squeeze %dma_start3A_104 : memref<1x80xi32, #tpu.memory_space<vmem>> -> memref<80xi32, #tpu.memory_space<vmem>>
        %dma_start3A_106 = arith.constant 0 : i32
        %dma_start3A_107 = arith.constant 0 : i32
        %dma_start3A_108 = tpu.memref_slice %arg2[%dma_start3A_106, %dma_start3A_107] : memref<10000x128xf32, #tpu.memory_space<hbm>> -> memref<10000x128xf32, #tpu.memory_space<hbm>>
        tpu.enqueue_indirect_dma source(%dma_start3A_108 : memref<10000x128xf32, #tpu.memory_space<hbm>>) target(%arg13 : memref<80x128xf32, #tpu.memory_space<vmem>>) offsets(%dma_start3A_105 : memref<80xi32, #tpu.memory_space<vmem>>) semaphore(%run_scoped3A_103 : memref<!tpu.dma_semaphore, #tpu.memory_space<semaphore_mem>>)
        %dma_wait3A = arith.constant 0 : i32
        %dma_wait3A_109 = tpu.memref_slice %arg11[%scan3A_100, %dma_wait3A] : memref<25x80xi32, #tpu.memory_space<vmem>> -> memref<1x80xi32, #tpu.memory_space<vmem>>
        %dma_wait3A_110 = tpu.memref_squeeze %dma_wait3A_109 : memref<1x80xi32, #tpu.memory_space<vmem>> -> memref<80xi32, #tpu.memory_space<vmem>>
        %dma_wait3A_111 = arith.constant 0 : i32
        %dma_wait3A_112 = arith.constant 0 : i32
        %dma_wait3A_113 = tpu.memref_slice %arg2[%dma_wait3A_111, %dma_wait3A_112] : memref<10000x128xf32, #tpu.memory_space<hbm>> -> memref<10000x128xf32, #tpu.memory_space<hbm>>
        tpu.wait_indirect_dma semaphore(%run_scoped3A_103 : memref<!tpu.dma_semaphore, #tpu.memory_space<semaphore_mem>>) src(%dma_wait3A_113 : memref<10000x128xf32, #tpu.memory_space<hbm>>) dst(%arg13 : memref<80x128xf32, #tpu.memory_space<vmem>>)
        tpu.yield
      }) : () -> ()
      "tpu.region"() ({
        %run_scoped3A_103 = tpu.sem_alloc : memref<!tpu.dma_semaphore, #tpu.memory_space<semaphore_mem>>
        %dma_start3A = arith.constant 0 : i32
        %dma_start3A_104 = tpu.memref_slice %arg12[%scan3A_100, %dma_start3A] : memref<25x80xi32, #tpu.memory_space<vmem>> -> memref<1x80xi32, #tpu.memory_space<vmem>>
        %dma_start3A_105 = tpu.memref_squeeze %dma_start3A_104 : memref<1x80xi32, #tpu.memory_space<vmem>> -> memref<80xi32, #tpu.memory_space<vmem>>
        %dma_start3A_106 = arith.constant 0 : i32
        %dma_start3A_107 = arith.constant 0 : i32
        %dma_start3A_108 = tpu.memref_slice %arg17[%dma_start3A_106, %dma_start3A_107] : memref<10240x128xf32, #tpu.memory_space<vmem_shared>> -> memref<10240x128xf32, #tpu.memory_space<vmem_shared>>
        tpu.enqueue_indirect_dma source(%arg13 : memref<80x128xf32, #tpu.memory_space<vmem>>) target(%dma_start3A_108 : memref<10240x128xf32, #tpu.memory_space<vmem_shared>>) offsets(%dma_start3A_105 : memref<80xi32, #tpu.memory_space<vmem>>) semaphore(%run_scoped3A_103 : memref<!tpu.dma_semaphore, #tpu.memory_space<semaphore_mem>>) {add = true}
        %dma_wait3A = arith.constant 0 : i32
        %dma_wait3A_109 = tpu.memref_slice %arg12[%scan3A_100, %dma_wait3A] : memref<25x80xi32, #tpu.memory_space<vmem>> -> memref<1x80xi32, #tpu.memory_space<vmem>>
        %dma_wait3A_110 = tpu.memref_squeeze %dma_wait3A_109 : memref<1x80xi32, #tpu.memory_space<vmem>> -> memref<80xi32, #tpu.memory_space<vmem>>
        %dma_wait3A_111 = arith.constant 0 : i32
        %dma_wait3A_112 = arith.constant 0 : i32
        %dma_wait3A_113 = tpu.memref_slice %arg17[%dma_wait3A_111, %dma_wait3A_112] : memref<10240x128xf32, #tpu.memory_space<vmem_shared>> -> memref<10240x128xf32, #tpu.memory_space<vmem_shared>>
        tpu.wait_indirect_dma semaphore(%run_scoped3A_103 : memref<!tpu.dma_semaphore, #tpu.memory_space<semaphore_mem>>) src(%arg13 : memref<80x128xf32, #tpu.memory_space<vmem>>) dst(%dma_wait3A_113 : memref<10240x128xf32, #tpu.memory_space<vmem_shared>>)
        tpu.yield
      }) : () -> ()
      "tpu.region"() ({
        %run_scoped3A_103 = tpu.sem_alloc : memref<!tpu.dma_semaphore, #tpu.memory_space<semaphore_mem>>
        %dma_start3A = arith.constant 0 : i32
        %dma_start3A_104 = tpu.memref_slice %arg11[%scan3A_100, %dma_start3A] : memref<25x80xi32, #tpu.memory_space<vmem>> -> memref<1x80xi32, #tpu.memory_space<vmem>>
        %dma_start3A_105 = tpu.memref_squeeze %dma_start3A_104 : memref<1x80xi32, #tpu.memory_space<vmem>> -> memref<80xi32, #tpu.memory_space<vmem>>
        %dma_start3A_106 = arith.constant 0 : i32
        %dma_start3A_107 = tpu.memref_slice %arg18[%dma_start3A_106] : memref<10240xf32, #tpu.memory_space<vmem_shared>> -> memref<10240xf32, #tpu.memory_space<vmem_shared>>
        tpu.enqueue_indirect_dma source(%arg16 : memref<80xf32, #tpu.memory_space<vmem>>) target(%dma_start3A_107 : memref<10240xf32, #tpu.memory_space<vmem_shared>>) offsets(%dma_start3A_105 : memref<80xi32, #tpu.memory_space<vmem>>) semaphore(%run_scoped3A_103 : memref<!tpu.dma_semaphore, #tpu.memory_space<semaphore_mem>>) {add = true}
        %dma_wait3A = arith.constant 0 : i32
        %dma_wait3A_108 = tpu.memref_slice %arg11[%scan3A_100, %dma_wait3A] : memref<25x80xi32, #tpu.memory_space<vmem>> -> memref<1x80xi32, #tpu.memory_space<vmem>>
        %dma_wait3A_109 = tpu.memref_squeeze %dma_wait3A_108 : memref<1x80xi32, #tpu.memory_space<vmem>> -> memref<80xi32, #tpu.memory_space<vmem>>
        %dma_wait3A_110 = arith.constant 0 : i32
        %dma_wait3A_111 = tpu.memref_slice %arg18[%dma_wait3A_110] : memref<10240xf32, #tpu.memory_space<vmem_shared>> -> memref<10240xf32, #tpu.memory_space<vmem_shared>>
        tpu.wait_indirect_dma semaphore(%run_scoped3A_103 : memref<!tpu.dma_semaphore, #tpu.memory_space<semaphore_mem>>) src(%arg16 : memref<80xf32, #tpu.memory_space<vmem>>) dst(%dma_wait3A_111 : memref<10240xf32, #tpu.memory_space<vmem_shared>>)
        tpu.yield
      }) : () -> ()
      "tpu.region"() ({
        %run_scoped3A_103 = tpu.sem_alloc : memref<!tpu.dma_semaphore, #tpu.memory_space<semaphore_mem>>
        %dma_start3A = arith.constant 0 : i32
        %dma_start3A_104 = tpu.memref_slice %arg12[%scan3A_100, %dma_start3A] : memref<25x80xi32, #tpu.memory_space<vmem>> -> memref<1x80xi32, #tpu.memory_space<vmem>>
        %dma_start3A_105 = tpu.memref_squeeze %dma_start3A_104 : memref<1x80xi32, #tpu.memory_space<vmem>> -> memref<80xi32, #tpu.memory_space<vmem>>
        %dma_start3A_106 = arith.constant 0 : i32
        %dma_start3A_107 = tpu.memref_slice %arg19[%dma_start3A_106] : memref<10240xf32, #tpu.memory_space<vmem_shared>> -> memref<10240xf32, #tpu.memory_space<vmem_shared>>
        tpu.enqueue_indirect_dma source(%arg16 : memref<80xf32, #tpu.memory_space<vmem>>) target(%dma_start3A_107 : memref<10240xf32, #tpu.memory_space<vmem_shared>>) offsets(%dma_start3A_105 : memref<80xi32, #tpu.memory_space<vmem>>) semaphore(%run_scoped3A_103 : memref<!tpu.dma_semaphore, #tpu.memory_space<semaphore_mem>>) {add = true}
        %dma_wait3A = arith.constant 0 : i32
        %dma_wait3A_108 = tpu.memref_slice %arg12[%scan3A_100, %dma_wait3A] : memref<25x80xi32, #tpu.memory_space<vmem>> -> memref<1x80xi32, #tpu.memory_space<vmem>>
        %dma_wait3A_109 = tpu.memref_squeeze %dma_wait3A_108 : memref<1x80xi32, #tpu.memory_space<vmem>> -> memref<80xi32, #tpu.memory_space<vmem>>
        %dma_wait3A_110 = arith.constant 0 : i32
        %dma_wait3A_111 = tpu.memref_slice %arg19[%dma_wait3A_110] : memref<10240xf32, #tpu.memory_space<vmem_shared>> -> memref<10240xf32, #tpu.memory_space<vmem_shared>>
        tpu.wait_indirect_dma semaphore(%run_scoped3A_103 : memref<!tpu.dma_semaphore, #tpu.memory_space<semaphore_mem>>) src(%arg16 : memref<80xf32, #tpu.memory_space<vmem>>) dst(%dma_wait3A_111 : memref<10240xf32, #tpu.memory_space<vmem_shared>>)
        tpu.yield
      }) : () -> ()
      %scan3A_102 = arith.constant 0 : i32
      scf.yield %scan3A_102 : i32
    }
    %scan3A_70 = arith.constant 25 : i32
    %barrier3A_71 = arith.constant 0 : index
    tpu.barrier barrier_id(%barrier3A_71)
    %mul3A_72 = arith.constant 640 : i32
    %mul3A_73 = arith.muli %arg1, %mul3A_72 : i32
    %add3A_74 = arith.constant 0 : i32
    %add3A_75 = arith.addi %mul3A_73, %add3A_74 : i32
    "tpu.region"() ({
      %run_scoped3A_100 = tpu.sem_alloc : memref<!tpu.dma_semaphore, #tpu.memory_space<semaphore_mem>>
      %dma_start3A = arith.constant 0 : i32
      %dma_start3A_101 = tpu.memref_slice %arg17[%add3A_75, %dma_start3A] : memref<10240x128xf32, #tpu.memory_space<vmem_shared>> -> memref<128x128xf32, #tpu.memory_space<vmem_shared>>
      %dma_start3A_102 = arith.constant 0 : i32
      %dma_start3A_103 = tpu.memref_slice %arg17[%add3A_75, %dma_start3A_102] : memref<10240x128xf32, #tpu.memory_space<vmem_shared>> -> memref<128x128xf32, #tpu.memory_space<vmem_shared>>
      tpu.enqueue_dma source(%dma_start3A_103 : memref<128x128xf32, #tpu.memory_space<vmem_shared>>) target(%arg14 : memref<128x128xf32, #tpu.memory_space<vmem>>) target_semaphore(%run_scoped3A_100 : memref<!tpu.dma_semaphore, #tpu.memory_space<semaphore_mem>>)
      %dma_wait3A = arith.constant 0 : i32
      %dma_wait3A_104 = tpu.memref_slice %arg17[%add3A_75, %dma_wait3A] : memref<10240x128xf32, #tpu.memory_space<vmem_shared>> -> memref<128x128xf32, #tpu.memory_space<vmem_shared>>
      %dma_wait3A_105 = arith.constant 0 : i32
      %dma_wait3A_106 = tpu.memref_slice %arg17[%add3A_75, %dma_wait3A_105] : memref<10240x128xf32, #tpu.memory_space<vmem_shared>> -> memref<128x128xf32, #tpu.memory_space<vmem_shared>>
      tpu.wait_dma2 semaphore(%run_scoped3A_100 : memref<!tpu.dma_semaphore, #tpu.memory_space<semaphore_mem>>) src(%dma_wait3A_106 : memref<128x128xf32, #tpu.memory_space<vmem_shared>>) dst(%arg14 : memref<128x128xf32, #tpu.memory_space<vmem>>)
      tpu.yield
    }) : () -> ()
    "tpu.region"() ({
      %run_scoped3A_100 = tpu.sem_alloc : memref<!tpu.dma_semaphore, #tpu.memory_space<semaphore_mem>>
      %dma_start3A = arith.constant 0 : i32
      %dma_start3A_101 = tpu.memref_slice %arg8[%arg0, %add3A_75, %dma_start3A] : memref<2x10240x128xf32, #tpu.memory_space<hbm>> -> memref<1x128x128xf32, #tpu.memory_space<hbm>>
      %dma_start3A_102 = tpu.memref_squeeze %dma_start3A_101 : memref<1x128x128xf32, #tpu.memory_space<hbm>> -> memref<128x128xf32, #tpu.memory_space<hbm>>
      %dma_start3A_103 = arith.constant 0 : i32
      %dma_start3A_104 = tpu.memref_slice %arg8[%arg0, %add3A_75, %dma_start3A_103] : memref<2x10240x128xf32, #tpu.memory_space<hbm>> -> memref<1x128x128xf32, #tpu.memory_space<hbm>>
      %dma_start3A_105 = tpu.memref_squeeze %dma_start3A_104 : memref<1x128x128xf32, #tpu.memory_space<hbm>> -> memref<128x128xf32, #tpu.memory_space<hbm>>
      tpu.enqueue_dma source(%arg14 : memref<128x128xf32, #tpu.memory_space<vmem>>) target(%dma_start3A_105 : memref<128x128xf32, #tpu.memory_space<hbm>>) target_semaphore(%run_scoped3A_100 : memref<!tpu.dma_semaphore, #tpu.memory_space<semaphore_mem>>)
      %dma_wait3A = arith.constant 0 : i32
      %dma_wait3A_106 = tpu.memref_slice %arg8[%arg0, %add3A_75, %dma_wait3A] : memref<2x10240x128xf32, #tpu.memory_space<hbm>> -> memref<1x128x128xf32, #tpu.memory_space<hbm>>
      %dma_wait3A_107 = tpu.memref_squeeze %dma_wait3A_106 : memref<1x128x128xf32, #tpu.memory_space<hbm>> -> memref<128x128xf32, #tpu.memory_space<hbm>>
      %dma_wait3A_108 = arith.constant 0 : i32
      %dma_wait3A_109 = tpu.memref_slice %arg8[%arg0, %add3A_75, %dma_wait3A_108] : memref<2x10240x128xf32, #tpu.memory_space<hbm>> -> memref<1x128x128xf32, #tpu.memory_space<hbm>>
      %dma_wait3A_110 = tpu.memref_squeeze %dma_wait3A_109 : memref<1x128x128xf32, #tpu.memory_space<hbm>> -> memref<128x128xf32, #tpu.memory_space<hbm>>
      tpu.wait_dma2 semaphore(%run_scoped3A_100 : memref<!tpu.dma_semaphore, #tpu.memory_space<semaphore_mem>>) src(%arg14 : memref<128x128xf32, #tpu.memory_space<vmem>>) dst(%dma_wait3A_110 : memref<128x128xf32, #tpu.memory_space<hbm>>)
      tpu.yield
    }) : () -> ()
    %mul3A_76 = arith.constant 640 : i32
    %mul3A_77 = arith.muli %arg1, %mul3A_76 : i32
    %add3A_78 = arith.constant 128 : i32
    %add3A_79 = arith.addi %mul3A_77, %add3A_78 : i32
    "tpu.region"() ({
      %run_scoped3A_100 = tpu.sem_alloc : memref<!tpu.dma_semaphore, #tpu.memory_space<semaphore_mem>>
      %dma_start3A = arith.constant 0 : i32
      %dma_start3A_101 = tpu.memref_slice %arg17[%add3A_79, %dma_start3A] : memref<10240x128xf32, #tpu.memory_space<vmem_shared>> -> memref<128x128xf32, #tpu.memory_space<vmem_shared>>
      %dma_start3A_102 = arith.constant 0 : i32
      %dma_start3A_103 = tpu.memref_slice %arg17[%add3A_79, %dma_start3A_102] : memref<10240x128xf32, #tpu.memory_space<vmem_shared>> -> memref<128x128xf32, #tpu.memory_space<vmem_shared>>
      tpu.enqueue_dma source(%dma_start3A_103 : memref<128x128xf32, #tpu.memory_space<vmem_shared>>) target(%arg14 : memref<128x128xf32, #tpu.memory_space<vmem>>) target_semaphore(%run_scoped3A_100 : memref<!tpu.dma_semaphore, #tpu.memory_space<semaphore_mem>>)
      %dma_wait3A = arith.constant 0 : i32
      %dma_wait3A_104 = tpu.memref_slice %arg17[%add3A_79, %dma_wait3A] : memref<10240x128xf32, #tpu.memory_space<vmem_shared>> -> memref<128x128xf32, #tpu.memory_space<vmem_shared>>
      %dma_wait3A_105 = arith.constant 0 : i32
      %dma_wait3A_106 = tpu.memref_slice %arg17[%add3A_79, %dma_wait3A_105] : memref<10240x128xf32, #tpu.memory_space<vmem_shared>> -> memref<128x128xf32, #tpu.memory_space<vmem_shared>>
      tpu.wait_dma2 semaphore(%run_scoped3A_100 : memref<!tpu.dma_semaphore, #tpu.memory_space<semaphore_mem>>) src(%dma_wait3A_106 : memref<128x128xf32, #tpu.memory_space<vmem_shared>>) dst(%arg14 : memref<128x128xf32, #tpu.memory_space<vmem>>)
      tpu.yield
    }) : () -> ()
    "tpu.region"() ({
      %run_scoped3A_100 = tpu.sem_alloc : memref<!tpu.dma_semaphore, #tpu.memory_space<semaphore_mem>>
      %dma_start3A = arith.constant 0 : i32
      %dma_start3A_101 = tpu.memref_slice %arg8[%arg0, %add3A_79, %dma_start3A] : memref<2x10240x128xf32, #tpu.memory_space<hbm>> -> memref<1x128x128xf32, #tpu.memory_space<hbm>>
      %dma_start3A_102 = tpu.memref_squeeze %dma_start3A_101 : memref<1x128x128xf32, #tpu.memory_space<hbm>> -> memref<128x128xf32, #tpu.memory_space<hbm>>
      %dma_start3A_103 = arith.constant 0 : i32
      %dma_start3A_104 = tpu.memref_slice %arg8[%arg0, %add3A_79, %dma_start3A_103] : memref<2x10240x128xf32, #tpu.memory_space<hbm>> -> memref<1x128x128xf32, #tpu.memory_space<hbm>>
      %dma_start3A_105 = tpu.memref_squeeze %dma_start3A_104 : memref<1x128x128xf32, #tpu.memory_space<hbm>> -> memref<128x128xf32, #tpu.memory_space<hbm>>
      tpu.enqueue_dma source(%arg14 : memref<128x128xf32, #tpu.memory_space<vmem>>) target(%dma_start3A_105 : memref<128x128xf32, #tpu.memory_space<hbm>>) target_semaphore(%run_scoped3A_100 : memref<!tpu.dma_semaphore, #tpu.memory_space<semaphore_mem>>)
      %dma_wait3A = arith.constant 0 : i32
      %dma_wait3A_106 = tpu.memref_slice %arg8[%arg0, %add3A_79, %dma_wait3A] : memref<2x10240x128xf32, #tpu.memory_space<hbm>> -> memref<1x128x128xf32, #tpu.memory_space<hbm>>
      %dma_wait3A_107 = tpu.memref_squeeze %dma_wait3A_106 : memref<1x128x128xf32, #tpu.memory_space<hbm>> -> memref<128x128xf32, #tpu.memory_space<hbm>>
      %dma_wait3A_108 = arith.constant 0 : i32
      %dma_wait3A_109 = tpu.memref_slice %arg8[%arg0, %add3A_79, %dma_wait3A_108] : memref<2x10240x128xf32, #tpu.memory_space<hbm>> -> memref<1x128x128xf32, #tpu.memory_space<hbm>>
      %dma_wait3A_110 = tpu.memref_squeeze %dma_wait3A_109 : memref<1x128x128xf32, #tpu.memory_space<hbm>> -> memref<128x128xf32, #tpu.memory_space<hbm>>
      tpu.wait_dma2 semaphore(%run_scoped3A_100 : memref<!tpu.dma_semaphore, #tpu.memory_space<semaphore_mem>>) src(%arg14 : memref<128x128xf32, #tpu.memory_space<vmem>>) dst(%dma_wait3A_110 : memref<128x128xf32, #tpu.memory_space<hbm>>)
      tpu.yield
    }) : () -> ()
    %mul3A_80 = arith.constant 640 : i32
    %mul3A_81 = arith.muli %arg1, %mul3A_80 : i32
    %add3A_82 = arith.constant 256 : i32
    %add3A_83 = arith.addi %mul3A_81, %add3A_82 : i32
    "tpu.region"() ({
      %run_scoped3A_100 = tpu.sem_alloc : memref<!tpu.dma_semaphore, #tpu.memory_space<semaphore_mem>>
      %dma_start3A = arith.constant 0 : i32
      %dma_start3A_101 = tpu.memref_slice %arg17[%add3A_83, %dma_start3A] : memref<10240x128xf32, #tpu.memory_space<vmem_shared>> -> memref<128x128xf32, #tpu.memory_space<vmem_shared>>
      %dma_start3A_102 = arith.constant 0 : i32
      %dma_start3A_103 = tpu.memref_slice %arg17[%add3A_83, %dma_start3A_102] : memref<10240x128xf32, #tpu.memory_space<vmem_shared>> -> memref<128x128xf32, #tpu.memory_space<vmem_shared>>
      tpu.enqueue_dma source(%dma_start3A_103 : memref<128x128xf32, #tpu.memory_space<vmem_shared>>) target(%arg14 : memref<128x128xf32, #tpu.memory_space<vmem>>) target_semaphore(%run_scoped3A_100 : memref<!tpu.dma_semaphore, #tpu.memory_space<semaphore_mem>>)
      %dma_wait3A = arith.constant 0 : i32
      %dma_wait3A_104 = tpu.memref_slice %arg17[%add3A_83, %dma_wait3A] : memref<10240x128xf32, #tpu.memory_space<vmem_shared>> -> memref<128x128xf32, #tpu.memory_space<vmem_shared>>
      %dma_wait3A_105 = arith.constant 0 : i32
      %dma_wait3A_106 = tpu.memref_slice %arg17[%add3A_83, %dma_wait3A_105] : memref<10240x128xf32, #tpu.memory_space<vmem_shared>> -> memref<128x128xf32, #tpu.memory_space<vmem_shared>>
      tpu.wait_dma2 semaphore(%run_scoped3A_100 : memref<!tpu.dma_semaphore, #tpu.memory_space<semaphore_mem>>) src(%dma_wait3A_106 : memref<128x128xf32, #tpu.memory_space<vmem_shared>>) dst(%arg14 : memref<128x128xf32, #tpu.memory_space<vmem>>)
      tpu.yield
    }) : () -> ()
    "tpu.region"() ({
      %run_scoped3A_100 = tpu.sem_alloc : memref<!tpu.dma_semaphore, #tpu.memory_space<semaphore_mem>>
      %dma_start3A = arith.constant 0 : i32
      %dma_start3A_101 = tpu.memref_slice %arg8[%arg0, %add3A_83, %dma_start3A] : memref<2x10240x128xf32, #tpu.memory_space<hbm>> -> memref<1x128x128xf32, #tpu.memory_space<hbm>>
      %dma_start3A_102 = tpu.memref_squeeze %dma_start3A_101 : memref<1x128x128xf32, #tpu.memory_space<hbm>> -> memref<128x128xf32, #tpu.memory_space<hbm>>
      %dma_start3A_103 = arith.constant 0 : i32
      %dma_start3A_104 = tpu.memref_slice %arg8[%arg0, %add3A_83, %dma_start3A_103] : memref<2x10240x128xf32, #tpu.memory_space<hbm>> -> memref<1x128x128xf32, #tpu.memory_space<hbm>>
      %dma_start3A_105 = tpu.memref_squeeze %dma_start3A_104 : memref<1x128x128xf32, #tpu.memory_space<hbm>> -> memref<128x128xf32, #tpu.memory_space<hbm>>
      tpu.enqueue_dma source(%arg14 : memref<128x128xf32, #tpu.memory_space<vmem>>) target(%dma_start3A_105 : memref<128x128xf32, #tpu.memory_space<hbm>>) target_semaphore(%run_scoped3A_100 : memref<!tpu.dma_semaphore, #tpu.memory_space<semaphore_mem>>)
      %dma_wait3A = arith.constant 0 : i32
      %dma_wait3A_106 = tpu.memref_slice %arg8[%arg0, %add3A_83, %dma_wait3A] : memref<2x10240x128xf32, #tpu.memory_space<hbm>> -> memref<1x128x128xf32, #tpu.memory_space<hbm>>
      %dma_wait3A_107 = tpu.memref_squeeze %dma_wait3A_106 : memref<1x128x128xf32, #tpu.memory_space<hbm>> -> memref<128x128xf32, #tpu.memory_space<hbm>>
      %dma_wait3A_108 = arith.constant 0 : i32
      %dma_wait3A_109 = tpu.memref_slice %arg8[%arg0, %add3A_83, %dma_wait3A_108] : memref<2x10240x128xf32, #tpu.memory_space<hbm>> -> memref<1x128x128xf32, #tpu.memory_space<hbm>>
      %dma_wait3A_110 = tpu.memref_squeeze %dma_wait3A_109 : memref<1x128x128xf32, #tpu.memory_space<hbm>> -> memref<128x128xf32, #tpu.memory_space<hbm>>
      tpu.wait_dma2 semaphore(%run_scoped3A_100 : memref<!tpu.dma_semaphore, #tpu.memory_space<semaphore_mem>>) src(%arg14 : memref<128x128xf32, #tpu.memory_space<vmem>>) dst(%dma_wait3A_110 : memref<128x128xf32, #tpu.memory_space<hbm>>)
      tpu.yield
    }) : () -> ()
    %mul3A_84 = arith.constant 640 : i32
    %mul3A_85 = arith.muli %arg1, %mul3A_84 : i32
    %add3A_86 = arith.constant 384 : i32
    %add3A_87 = arith.addi %mul3A_85, %add3A_86 : i32
    "tpu.region"() ({
      %run_scoped3A_100 = tpu.sem_alloc : memref<!tpu.dma_semaphore, #tpu.memory_space<semaphore_mem>>
      %dma_start3A = arith.constant 0 : i32
      %dma_start3A_101 = tpu.memref_slice %arg17[%add3A_87, %dma_start3A] : memref<10240x128xf32, #tpu.memory_space<vmem_shared>> -> memref<128x128xf32, #tpu.memory_space<vmem_shared>>
      %dma_start3A_102 = arith.constant 0 : i32
      %dma_start3A_103 = tpu.memref_slice %arg17[%add3A_87, %dma_start3A_102] : memref<10240x128xf32, #tpu.memory_space<vmem_shared>> -> memref<128x128xf32, #tpu.memory_space<vmem_shared>>
      tpu.enqueue_dma source(%dma_start3A_103 : memref<128x128xf32, #tpu.memory_space<vmem_shared>>) target(%arg14 : memref<128x128xf32, #tpu.memory_space<vmem>>) target_semaphore(%run_scoped3A_100 : memref<!tpu.dma_semaphore, #tpu.memory_space<semaphore_mem>>)
      %dma_wait3A = arith.constant 0 : i32
      %dma_wait3A_104 = tpu.memref_slice %arg17[%add3A_87, %dma_wait3A] : memref<10240x128xf32, #tpu.memory_space<vmem_shared>> -> memref<128x128xf32, #tpu.memory_space<vmem_shared>>
      %dma_wait3A_105 = arith.constant 0 : i32
      %dma_wait3A_106 = tpu.memref_slice %arg17[%add3A_87, %dma_wait3A_105] : memref<10240x128xf32, #tpu.memory_space<vmem_shared>> -> memref<128x128xf32, #tpu.memory_space<vmem_shared>>
      tpu.wait_dma2 semaphore(%run_scoped3A_100 : memref<!tpu.dma_semaphore, #tpu.memory_space<semaphore_mem>>) src(%dma_wait3A_106 : memref<128x128xf32, #tpu.memory_space<vmem_shared>>) dst(%arg14 : memref<128x128xf32, #tpu.memory_space<vmem>>)
      tpu.yield
    }) : () -> ()
    "tpu.region"() ({
      %run_scoped3A_100 = tpu.sem_alloc : memref<!tpu.dma_semaphore, #tpu.memory_space<semaphore_mem>>
      %dma_start3A = arith.constant 0 : i32
      %dma_start3A_101 = tpu.memref_slice %arg8[%arg0, %add3A_87, %dma_start3A] : memref<2x10240x128xf32, #tpu.memory_space<hbm>> -> memref<1x128x128xf32, #tpu.memory_space<hbm>>
      %dma_start3A_102 = tpu.memref_squeeze %dma_start3A_101 : memref<1x128x128xf32, #tpu.memory_space<hbm>> -> memref<128x128xf32, #tpu.memory_space<hbm>>
      %dma_start3A_103 = arith.constant 0 : i32
      %dma_start3A_104 = tpu.memref_slice %arg8[%arg0, %add3A_87, %dma_start3A_103] : memref<2x10240x128xf32, #tpu.memory_space<hbm>> -> memref<1x128x128xf32, #tpu.memory_space<hbm>>
      %dma_start3A_105 = tpu.memref_squeeze %dma_start3A_104 : memref<1x128x128xf32, #tpu.memory_space<hbm>> -> memref<128x128xf32, #tpu.memory_space<hbm>>
      tpu.enqueue_dma source(%arg14 : memref<128x128xf32, #tpu.memory_space<vmem>>) target(%dma_start3A_105 : memref<128x128xf32, #tpu.memory_space<hbm>>) target_semaphore(%run_scoped3A_100 : memref<!tpu.dma_semaphore, #tpu.memory_space<semaphore_mem>>)
      %dma_wait3A = arith.constant 0 : i32
      %dma_wait3A_106 = tpu.memref_slice %arg8[%arg0, %add3A_87, %dma_wait3A] : memref<2x10240x128xf32, #tpu.memory_space<hbm>> -> memref<1x128x128xf32, #tpu.memory_space<hbm>>
      %dma_wait3A_107 = tpu.memref_squeeze %dma_wait3A_106 : memref<1x128x128xf32, #tpu.memory_space<hbm>> -> memref<128x128xf32, #tpu.memory_space<hbm>>
      %dma_wait3A_108 = arith.constant 0 : i32
      %dma_wait3A_109 = tpu.memref_slice %arg8[%arg0, %add3A_87, %dma_wait3A_108] : memref<2x10240x128xf32, #tpu.memory_space<hbm>> -> memref<1x128x128xf32, #tpu.memory_space<hbm>>
      %dma_wait3A_110 = tpu.memref_squeeze %dma_wait3A_109 : memref<1x128x128xf32, #tpu.memory_space<hbm>> -> memref<128x128xf32, #tpu.memory_space<hbm>>
      tpu.wait_dma2 semaphore(%run_scoped3A_100 : memref<!tpu.dma_semaphore, #tpu.memory_space<semaphore_mem>>) src(%arg14 : memref<128x128xf32, #tpu.memory_space<vmem>>) dst(%dma_wait3A_110 : memref<128x128xf32, #tpu.memory_space<hbm>>)
      tpu.yield
    }) : () -> ()
    %mul3A_88 = arith.constant 640 : i32
    %mul3A_89 = arith.muli %arg1, %mul3A_88 : i32
    %add3A_90 = arith.constant 512 : i32
    %add3A_91 = arith.addi %mul3A_89, %add3A_90 : i32
    "tpu.region"() ({
      %run_scoped3A_100 = tpu.sem_alloc : memref<!tpu.dma_semaphore, #tpu.memory_space<semaphore_mem>>
      %dma_start3A = arith.constant 0 : i32
      %dma_start3A_101 = tpu.memref_slice %arg17[%add3A_91, %dma_start3A] : memref<10240x128xf32, #tpu.memory_space<vmem_shared>> -> memref<128x128xf32, #tpu.memory_space<vmem_shared>>
      %dma_start3A_102 = arith.constant 0 : i32
      %dma_start3A_103 = tpu.memref_slice %arg17[%add3A_91, %dma_start3A_102] : memref<10240x128xf32, #tpu.memory_space<vmem_shared>> -> memref<128x128xf32, #tpu.memory_space<vmem_shared>>
      tpu.enqueue_dma source(%dma_start3A_103 : memref<128x128xf32, #tpu.memory_space<vmem_shared>>) target(%arg14 : memref<128x128xf32, #tpu.memory_space<vmem>>) target_semaphore(%run_scoped3A_100 : memref<!tpu.dma_semaphore, #tpu.memory_space<semaphore_mem>>)
      %dma_wait3A = arith.constant 0 : i32
      %dma_wait3A_104 = tpu.memref_slice %arg17[%add3A_91, %dma_wait3A] : memref<10240x128xf32, #tpu.memory_space<vmem_shared>> -> memref<128x128xf32, #tpu.memory_space<vmem_shared>>
      %dma_wait3A_105 = arith.constant 0 : i32
      %dma_wait3A_106 = tpu.memref_slice %arg17[%add3A_91, %dma_wait3A_105] : memref<10240x128xf32, #tpu.memory_space<vmem_shared>> -> memref<128x128xf32, #tpu.memory_space<vmem_shared>>
      tpu.wait_dma2 semaphore(%run_scoped3A_100 : memref<!tpu.dma_semaphore, #tpu.memory_space<semaphore_mem>>) src(%dma_wait3A_106 : memref<128x128xf32, #tpu.memory_space<vmem_shared>>) dst(%arg14 : memref<128x128xf32, #tpu.memory_space<vmem>>)
      tpu.yield
    }) : () -> ()
    "tpu.region"() ({
      %run_scoped3A_100 = tpu.sem_alloc : memref<!tpu.dma_semaphore, #tpu.memory_space<semaphore_mem>>
      %dma_start3A = arith.constant 0 : i32
      %dma_start3A_101 = tpu.memref_slice %arg8[%arg0, %add3A_91, %dma_start3A] : memref<2x10240x128xf32, #tpu.memory_space<hbm>> -> memref<1x128x128xf32, #tpu.memory_space<hbm>>
      %dma_start3A_102 = tpu.memref_squeeze %dma_start3A_101 : memref<1x128x128xf32, #tpu.memory_space<hbm>> -> memref<128x128xf32, #tpu.memory_space<hbm>>
      %dma_start3A_103 = arith.constant 0 : i32
      %dma_start3A_104 = tpu.memref_slice %arg8[%arg0, %add3A_91, %dma_start3A_103] : memref<2x10240x128xf32, #tpu.memory_space<hbm>> -> memref<1x128x128xf32, #tpu.memory_space<hbm>>
      %dma_start3A_105 = tpu.memref_squeeze %dma_start3A_104 : memref<1x128x128xf32, #tpu.memory_space<hbm>> -> memref<128x128xf32, #tpu.memory_space<hbm>>
      tpu.enqueue_dma source(%arg14 : memref<128x128xf32, #tpu.memory_space<vmem>>) target(%dma_start3A_105 : memref<128x128xf32, #tpu.memory_space<hbm>>) target_semaphore(%run_scoped3A_100 : memref<!tpu.dma_semaphore, #tpu.memory_space<semaphore_mem>>)
      %dma_wait3A = arith.constant 0 : i32
      %dma_wait3A_106 = tpu.memref_slice %arg8[%arg0, %add3A_91, %dma_wait3A] : memref<2x10240x128xf32, #tpu.memory_space<hbm>> -> memref<1x128x128xf32, #tpu.memory_space<hbm>>
      %dma_wait3A_107 = tpu.memref_squeeze %dma_wait3A_106 : memref<1x128x128xf32, #tpu.memory_space<hbm>> -> memref<128x128xf32, #tpu.memory_space<hbm>>
      %dma_wait3A_108 = arith.constant 0 : i32
      %dma_wait3A_109 = tpu.memref_slice %arg8[%arg0, %add3A_91, %dma_wait3A_108] : memref<2x10240x128xf32, #tpu.memory_space<hbm>> -> memref<1x128x128xf32, #tpu.memory_space<hbm>>
      %dma_wait3A_110 = tpu.memref_squeeze %dma_wait3A_109 : memref<1x128x128xf32, #tpu.memory_space<hbm>> -> memref<128x128xf32, #tpu.memory_space<hbm>>
      tpu.wait_dma2 semaphore(%run_scoped3A_100 : memref<!tpu.dma_semaphore, #tpu.memory_space<semaphore_mem>>) src(%arg14 : memref<128x128xf32, #tpu.memory_space<vmem>>) dst(%dma_wait3A_110 : memref<128x128xf32, #tpu.memory_space<hbm>>)
      tpu.yield
    }) : () -> ()
    %mul3A_92 = arith.constant 640 : i32
    %mul3A_93 = arith.muli %arg1, %mul3A_92 : i32
    "tpu.region"() ({
      %run_scoped3A_100 = tpu.sem_alloc : memref<!tpu.dma_semaphore, #tpu.memory_space<semaphore_mem>>
      %dma_start3A = tpu.memref_slice %arg18[%mul3A_93] : memref<10240xf32, #tpu.memory_space<vmem_shared>> -> memref<640xf32, #tpu.memory_space<vmem_shared>>
      %dma_start3A_101 = tpu.memref_slice %arg18[%mul3A_93] : memref<10240xf32, #tpu.memory_space<vmem_shared>> -> memref<640xf32, #tpu.memory_space<vmem_shared>>
      tpu.enqueue_dma source(%dma_start3A_101 : memref<640xf32, #tpu.memory_space<vmem_shared>>) target(%arg15 : memref<640xf32, #tpu.memory_space<vmem>>) target_semaphore(%run_scoped3A_100 : memref<!tpu.dma_semaphore, #tpu.memory_space<semaphore_mem>>)
      %dma_wait3A = tpu.memref_slice %arg18[%mul3A_93] : memref<10240xf32, #tpu.memory_space<vmem_shared>> -> memref<640xf32, #tpu.memory_space<vmem_shared>>
      %dma_wait3A_102 = tpu.memref_slice %arg18[%mul3A_93] : memref<10240xf32, #tpu.memory_space<vmem_shared>> -> memref<640xf32, #tpu.memory_space<vmem_shared>>
      tpu.wait_dma2 semaphore(%run_scoped3A_100 : memref<!tpu.dma_semaphore, #tpu.memory_space<semaphore_mem>>) src(%dma_wait3A_102 : memref<640xf32, #tpu.memory_space<vmem_shared>>) dst(%arg15 : memref<640xf32, #tpu.memory_space<vmem>>)
      tpu.yield
    }) : () -> ()
    %mul3A_94 = arith.constant 640 : i32
    %mul3A_95 = arith.muli %arg1, %mul3A_94 : i32
    "tpu.region"() ({
      %run_scoped3A_100 = tpu.sem_alloc : memref<!tpu.dma_semaphore, #tpu.memory_space<semaphore_mem>>
      %dma_start3A = tpu.memref_slice %arg9[%arg0, %mul3A_95] : memref<2x10240xf32, #tpu.memory_space<hbm>> -> memref<1x640xf32, #tpu.memory_space<hbm>>
      %dma_start3A_101 = tpu.memref_squeeze %dma_start3A : memref<1x640xf32, #tpu.memory_space<hbm>> -> memref<640xf32, #tpu.memory_space<hbm>>
      %dma_start3A_102 = tpu.memref_slice %arg9[%arg0, %mul3A_95] : memref<2x10240xf32, #tpu.memory_space<hbm>> -> memref<1x640xf32, #tpu.memory_space<hbm>>
      %dma_start3A_103 = tpu.memref_squeeze %dma_start3A_102 : memref<1x640xf32, #tpu.memory_space<hbm>> -> memref<640xf32, #tpu.memory_space<hbm>>
      tpu.enqueue_dma source(%arg15 : memref<640xf32, #tpu.memory_space<vmem>>) target(%dma_start3A_103 : memref<640xf32, #tpu.memory_space<hbm>>) target_semaphore(%run_scoped3A_100 : memref<!tpu.dma_semaphore, #tpu.memory_space<semaphore_mem>>)
      %dma_wait3A = tpu.memref_slice %arg9[%arg0, %mul3A_95] : memref<2x10240xf32, #tpu.memory_space<hbm>> -> memref<1x640xf32, #tpu.memory_space<hbm>>
      %dma_wait3A_104 = tpu.memref_squeeze %dma_wait3A : memref<1x640xf32, #tpu.memory_space<hbm>> -> memref<640xf32, #tpu.memory_space<hbm>>
      %dma_wait3A_105 = tpu.memref_slice %arg9[%arg0, %mul3A_95] : memref<2x10240xf32, #tpu.memory_space<hbm>> -> memref<1x640xf32, #tpu.memory_space<hbm>>
      %dma_wait3A_106 = tpu.memref_squeeze %dma_wait3A_105 : memref<1x640xf32, #tpu.memory_space<hbm>> -> memref<640xf32, #tpu.memory_space<hbm>>
      tpu.wait_dma2 semaphore(%run_scoped3A_100 : memref<!tpu.dma_semaphore, #tpu.memory_space<semaphore_mem>>) src(%arg15 : memref<640xf32, #tpu.memory_space<vmem>>) dst(%dma_wait3A_106 : memref<640xf32, #tpu.memory_space<hbm>>)
      tpu.yield
    }) : () -> ()
    %mul3A_96 = arith.constant 640 : i32
    %mul3A_97 = arith.muli %arg1, %mul3A_96 : i32
    "tpu.region"() ({
      %run_scoped3A_100 = tpu.sem_alloc : memref<!tpu.dma_semaphore, #tpu.memory_space<semaphore_mem>>
      %dma_start3A = tpu.memref_slice %arg19[%mul3A_97] : memref<10240xf32, #tpu.memory_space<vmem_shared>> -> memref<640xf32, #tpu.memory_space<vmem_shared>>
      %dma_start3A_101 = tpu.memref_slice %arg19[%mul3A_97] : memref<10240xf32, #tpu.memory_space<vmem_shared>> -> memref<640xf32, #tpu.memory_space<vmem_shared>>
      tpu.enqueue_dma source(%dma_start3A_101 : memref<640xf32, #tpu.memory_space<vmem_shared>>) target(%arg15 : memref<640xf32, #tpu.memory_space<vmem>>) target_semaphore(%run_scoped3A_100 : memref<!tpu.dma_semaphore, #tpu.memory_space<semaphore_mem>>)
      %dma_wait3A = tpu.memref_slice %arg19[%mul3A_97] : memref<10240xf32, #tpu.memory_space<vmem_shared>> -> memref<640xf32, #tpu.memory_space<vmem_shared>>
      %dma_wait3A_102 = tpu.memref_slice %arg19[%mul3A_97] : memref<10240xf32, #tpu.memory_space<vmem_shared>> -> memref<640xf32, #tpu.memory_space<vmem_shared>>
      tpu.wait_dma2 semaphore(%run_scoped3A_100 : memref<!tpu.dma_semaphore, #tpu.memory_space<semaphore_mem>>) src(%dma_wait3A_102 : memref<640xf32, #tpu.memory_space<vmem_shared>>) dst(%arg15 : memref<640xf32, #tpu.memory_space<vmem>>)
      tpu.yield
    }) : () -> ()
    %mul3A_98 = arith.constant 640 : i32
    %mul3A_99 = arith.muli %arg1, %mul3A_98 : i32
    "tpu.region"() ({
      %run_scoped3A_100 = tpu.sem_alloc : memref<!tpu.dma_semaphore, #tpu.memory_space<semaphore_mem>>
      %dma_start3A = tpu.memref_slice %arg10[%arg0, %mul3A_99] : memref<2x10240xf32, #tpu.memory_space<hbm>> -> memref<1x640xf32, #tpu.memory_space<hbm>>
      %dma_start3A_101 = tpu.memref_squeeze %dma_start3A : memref<1x640xf32, #tpu.memory_space<hbm>> -> memref<640xf32, #tpu.memory_space<hbm>>
      %dma_start3A_102 = tpu.memref_slice %arg10[%arg0, %mul3A_99] : memref<2x10240xf32, #tpu.memory_space<hbm>> -> memref<1x640xf32, #tpu.memory_space<hbm>>
      %dma_start3A_103 = tpu.memref_squeeze %dma_start3A_102 : memref<1x640xf32, #tpu.memory_space<hbm>> -> memref<640xf32, #tpu.memory_space<hbm>>
      tpu.enqueue_dma source(%arg15 : memref<640xf32, #tpu.memory_space<vmem>>) target(%dma_start3A_103 : memref<640xf32, #tpu.memory_space<hbm>>) target_semaphore(%run_scoped3A_100 : memref<!tpu.dma_semaphore, #tpu.memory_space<semaphore_mem>>)
      %dma_wait3A = tpu.memref_slice %arg10[%arg0, %mul3A_99] : memref<2x10240xf32, #tpu.memory_space<hbm>> -> memref<1x640xf32, #tpu.memory_space<hbm>>
      %dma_wait3A_104 = tpu.memref_squeeze %dma_wait3A : memref<1x640xf32, #tpu.memory_space<hbm>> -> memref<640xf32, #tpu.memory_space<hbm>>
      %dma_wait3A_105 = tpu.memref_slice %arg10[%arg0, %mul3A_99] : memref<2x10240xf32, #tpu.memory_space<hbm>> -> memref<1x640xf32, #tpu.memory_space<hbm>>
      %dma_wait3A_106 = tpu.memref_squeeze %dma_wait3A_105 : memref<1x640xf32, #tpu.memory_space<hbm>> -> memref<640xf32, #tpu.memory_space<hbm>>
      tpu.wait_dma2 semaphore(%run_scoped3A_100 : memref<!tpu.dma_semaphore, #tpu.memory_space<semaphore_mem>>) src(%arg15 : memref<640xf32, #tpu.memory_space<vmem>>) dst(%dma_wait3A_106 : memref<640xf32, #tpu.memory_space<hbm>>)
      tpu.yield
    }) : () -> ()
    return
  }
}

module attributes {stable_mosaic.version = 14 : i64} {
  func.func @_tc_front_body(%arg0: i32, %arg1: memref<1000x128xf32, #tpu.memory_space<vmem>>, %arg2: memref<128xf32, #tpu.memory_space<vmem>>, %arg3: memref<128xf32, #tpu.memory_space<vmem>>, %arg4: memref<128x128xf32, #tpu.memory_space<vmem>>, %arg5: memref<128xf32, #tpu.memory_space<vmem>>, %arg6: memref<128xf32, #tpu.memory_space<vmem>>, %arg7: memref<128xf32, #tpu.memory_space<vmem>>, %arg8: memref<128x128xf32, #tpu.memory_space<vmem>>, %arg9: memref<1000x128xf32, #tpu.memory_space<vmem>>) attributes {dimension_semantics = [#tpu.dimension_semantics<arbitrary>], iteration_bounds = array<i64: 10>, scalar_prefetch = 0 : i64, scratch_operands = 0 : i64, tpu.core_type = #tpu.core_type<tc>, window_params = [{transform_indices = @transform_0, window_bounds = array<i64: 1000, 128>}, {pipeline_mode = #tpu.pipeline_mode<synchronous>, transform_indices = @transform_1, window_bounds = array<i64: 128>}, {pipeline_mode = #tpu.pipeline_mode<synchronous>, transform_indices = @transform_2, window_bounds = array<i64: 128>}, {pipeline_mode = #tpu.pipeline_mode<synchronous>, transform_indices = @transform_3, window_bounds = array<i64: 128, 128>}, {pipeline_mode = #tpu.pipeline_mode<synchronous>, transform_indices = @transform_4, window_bounds = array<i64: 128>}, {pipeline_mode = #tpu.pipeline_mode<synchronous>, transform_indices = @transform_5, window_bounds = array<i64: 128>}, {pipeline_mode = #tpu.pipeline_mode<synchronous>, transform_indices = @transform_6, window_bounds = array<i64: 128>}, {pipeline_mode = #tpu.pipeline_mode<synchronous>, transform_indices = @transform_7, window_bounds = array<i64: 128, 128>}, {transform_indices = @transform_8, window_bounds = array<i64: 1000, 128>}]} {
    %get3A = arith.constant 0 : index
    %get3A_0 = arith.constant 0 : index
    %get3A_1 = vector.load %arg1[%get3A, %get3A_0] : memref<1000x128xf32, #tpu.memory_space<vmem>>, vector<1000x128xf32>
    %get3A_2 = arith.constant 0 : index
    %get3A_3 = vector.load %arg2[%get3A_2] : memref<128xf32, #tpu.memory_space<vmem>>, vector<128xf32>
    %get3A_4 = arith.constant 0 : index
    %get3A_5 = vector.load %arg3[%get3A_4] : memref<128xf32, #tpu.memory_space<vmem>>, vector<128xf32>
    %reduce_sum3A = arith.constant dense<0.000000e+00> : vector<1000xf32>
    %reduce_sum3A_6 = vector.multi_reduction <add>, %get3A_1, %reduce_sum3A [1] : vector<1000x128xf32> to vector<1000xf32>
    %broadcast_in_dim3A = vector.shape_cast %reduce_sum3A_6 : vector<1000xf32> to vector<1000x1xf32>
    %div3A = arith.constant 1.280000e+02 : f32
    %div3A_7 = vector.broadcast %div3A : f32 to vector<1000x1xf32>
    %div3A_8 = arith.divf %broadcast_in_dim3A, %div3A_7 : vector<1000x1xf32>
    %sub3A = vector.broadcast %div3A_8 : vector<1000x1xf32> to vector<1000x128xf32>
    %sub3A_9 = arith.subf %get3A_1, %sub3A : vector<1000x128xf32>
    %integer_pow3A = arith.mulf %sub3A_9, %sub3A_9 : vector<1000x128xf32>
    %reduce_sum3A_10 = arith.constant dense<0.000000e+00> : vector<1000xf32>
    %reduce_sum3A_11 = vector.multi_reduction <add>, %integer_pow3A, %reduce_sum3A_10 [1] : vector<1000x128xf32> to vector<1000xf32>
    %broadcast_in_dim3A_12 = vector.shape_cast %reduce_sum3A_11 : vector<1000xf32> to vector<1000x1xf32>
    %div3A_13 = arith.constant 1.280000e+02 : f32
    %div3A_14 = vector.broadcast %div3A_13 : f32 to vector<1000x1xf32>
    %div3A_15 = arith.divf %broadcast_in_dim3A_12, %div3A_14 : vector<1000x1xf32>
    %sub3A_16 = vector.broadcast %div3A_8 : vector<1000x1xf32> to vector<1000x128xf32>
    %sub3A_17 = arith.subf %get3A_1, %sub3A_16 : vector<1000x128xf32>
    %add3A = arith.constant 9.99999974E-6 : f32
    %add3A_18 = vector.broadcast %add3A : f32 to vector<1000x1xf32>
    %add3A_19 = arith.addf %div3A_15, %add3A_18 : vector<1000x1xf32>
    %rsqrt3A = math.rsqrt %add3A_19 : vector<1000x1xf32>
    %mul3A = vector.broadcast %rsqrt3A : vector<1000x1xf32> to vector<1000x128xf32>
    %mul3A_20 = arith.mulf %sub3A_17, %mul3A : vector<1000x128xf32>
    %broadcast_in_dim3A_21 = vector.shape_cast %get3A_3 : vector<128xf32> to vector<1x128xf32>
    %mul3A_22 = vector.broadcast %broadcast_in_dim3A_21 : vector<1x128xf32> to vector<1000x128xf32>
    %mul3A_23 = arith.mulf %mul3A_20, %mul3A_22 : vector<1000x128xf32>
    %broadcast_in_dim3A_24 = vector.shape_cast %get3A_5 : vector<128xf32> to vector<1x128xf32>
    %add3A_25 = vector.broadcast %broadcast_in_dim3A_24 : vector<1x128xf32> to vector<1000x128xf32>
    %add3A_26 = arith.addf %mul3A_23, %add3A_25 : vector<1000x128xf32>
    %get3A_27 = arith.constant 0 : index
    %get3A_28 = arith.constant 0 : index
    %get3A_29 = vector.load %arg4[%get3A_27, %get3A_28] : memref<128x128xf32, #tpu.memory_space<vmem>>, vector<128x128xf32>
    %dot_general3A = arith.constant dense<0.000000e+00> : vector<1000x128xf32>
    %dot_general3A_30 = tpu.matmul %add3A_26, %get3A_29, %dot_general3A {dimension_numbers = #tpu.dot_dimension_numbers<[1], [1], [0], [0], [0, 0, 1, 0], [], []>, transpose_lhs_hint = false} : vector<1000x128xf32>, vector<128x128xf32>, vector<1000x128xf32> -> vector<1000x128xf32>
    %get3A_31 = arith.constant 0 : index
    %get3A_32 = vector.load %arg5[%get3A_31] : memref<128xf32, #tpu.memory_space<vmem>>, vector<128xf32>
    %broadcast_in_dim3A_33 = vector.shape_cast %get3A_32 : vector<128xf32> to vector<1x128xf32>
    %add3A_34 = vector.broadcast %broadcast_in_dim3A_33 : vector<1x128xf32> to vector<1000x128xf32>
    %add3A_35 = arith.addf %dot_general3A_30, %add3A_34 : vector<1000x128xf32>
    %ge3A = arith.constant 0.000000e+00 : f32
    %ge3A_36 = vector.broadcast %ge3A : f32 to vector<1000x128xf32>
    %ge3A_37 = arith.cmpf oge, %add3A_35, %ge3A_36 : vector<1000x128xf32>
    %mul3A_38 = arith.constant 0.00999999977 : f32
    %mul3A_39 = vector.broadcast %mul3A_38 : f32 to vector<1000x128xf32>
    %mul3A_40 = arith.mulf %mul3A_39, %add3A_35 : vector<1000x128xf32>
    %select_n3A = arith.select %ge3A_37, %add3A_35, %mul3A_40 : vector<1000x128xi1>, vector<1000x128xf32>
    %get3A_41 = arith.constant 0 : index
    %get3A_42 = vector.load %arg6[%get3A_41] : memref<128xf32, #tpu.memory_space<vmem>>, vector<128xf32>
    %get3A_43 = arith.constant 0 : index
    %get3A_44 = vector.load %arg7[%get3A_43] : memref<128xf32, #tpu.memory_space<vmem>>, vector<128xf32>
    %reduce_sum3A_45 = arith.constant dense<0.000000e+00> : vector<1000xf32>
    %reduce_sum3A_46 = vector.multi_reduction <add>, %select_n3A, %reduce_sum3A_45 [1] : vector<1000x128xf32> to vector<1000xf32>
    %broadcast_in_dim3A_47 = vector.shape_cast %reduce_sum3A_46 : vector<1000xf32> to vector<1000x1xf32>
    %div3A_48 = arith.constant 1.280000e+02 : f32
    %div3A_49 = vector.broadcast %div3A_48 : f32 to vector<1000x1xf32>
    %div3A_50 = arith.divf %broadcast_in_dim3A_47, %div3A_49 : vector<1000x1xf32>
    %sub3A_51 = vector.broadcast %div3A_50 : vector<1000x1xf32> to vector<1000x128xf32>
    %sub3A_52 = arith.subf %select_n3A, %sub3A_51 : vector<1000x128xf32>
    %integer_pow3A_53 = arith.mulf %sub3A_52, %sub3A_52 : vector<1000x128xf32>
    %reduce_sum3A_54 = arith.constant dense<0.000000e+00> : vector<1000xf32>
    %reduce_sum3A_55 = vector.multi_reduction <add>, %integer_pow3A_53, %reduce_sum3A_54 [1] : vector<1000x128xf32> to vector<1000xf32>
    %broadcast_in_dim3A_56 = vector.shape_cast %reduce_sum3A_55 : vector<1000xf32> to vector<1000x1xf32>
    %div3A_57 = arith.constant 1.280000e+02 : f32
    %div3A_58 = vector.broadcast %div3A_57 : f32 to vector<1000x1xf32>
    %div3A_59 = arith.divf %broadcast_in_dim3A_56, %div3A_58 : vector<1000x1xf32>
    %sub3A_60 = vector.broadcast %div3A_50 : vector<1000x1xf32> to vector<1000x128xf32>
    %sub3A_61 = arith.subf %select_n3A, %sub3A_60 : vector<1000x128xf32>
    %add3A_62 = arith.constant 9.99999974E-6 : f32
    %add3A_63 = vector.broadcast %add3A_62 : f32 to vector<1000x1xf32>
    %add3A_64 = arith.addf %div3A_59, %add3A_63 : vector<1000x1xf32>
    %rsqrt3A_65 = math.rsqrt %add3A_64 : vector<1000x1xf32>
    %mul3A_66 = vector.broadcast %rsqrt3A_65 : vector<1000x1xf32> to vector<1000x128xf32>
    %mul3A_67 = arith.mulf %sub3A_61, %mul3A_66 : vector<1000x128xf32>
    %broadcast_in_dim3A_68 = vector.shape_cast %get3A_42 : vector<128xf32> to vector<1x128xf32>
    %mul3A_69 = vector.broadcast %broadcast_in_dim3A_68 : vector<1x128xf32> to vector<1000x128xf32>
    %mul3A_70 = arith.mulf %mul3A_67, %mul3A_69 : vector<1000x128xf32>
    %broadcast_in_dim3A_71 = vector.shape_cast %get3A_44 : vector<128xf32> to vector<1x128xf32>
    %add3A_72 = vector.broadcast %broadcast_in_dim3A_71 : vector<1x128xf32> to vector<1000x128xf32>
    %add3A_73 = arith.addf %mul3A_70, %add3A_72 : vector<1000x128xf32>
    %get3A_74 = arith.constant 0 : index
    %get3A_75 = arith.constant 0 : index
    %get3A_76 = vector.load %arg8[%get3A_74, %get3A_75] : memref<128x128xf32, #tpu.memory_space<vmem>>, vector<128x128xf32>
    %dot_general3A_77 = arith.constant dense<0.000000e+00> : vector<1000x128xf32>
    %dot_general3A_78 = tpu.matmul %add3A_73, %get3A_76, %dot_general3A_77 {dimension_numbers = #tpu.dot_dimension_numbers<[1], [1], [0], [0], [0, 0, 1, 0], [], []>, transpose_lhs_hint = false} : vector<1000x128xf32>, vector<128x128xf32>, vector<1000x128xf32> -> vector<1000x128xf32>
    %swap3A = arith.constant 0 : index
    %swap3A_79 = arith.constant 0 : index
    %swap3A_80 = vector.load %arg9[%swap3A, %swap3A_79] : memref<1000x128xf32, #tpu.memory_space<vmem>>, vector<1000x128xf32>
    tpu.vector_store %arg9[%swap3A, %swap3A_79], %dot_general3A_78 {strides = array<i32>} : memref<1000x128xf32, #tpu.memory_space<vmem>>, vector<1000x128xf32>,
    return
  }
  func.func @transform_0(%arg0: i32) -> (i32, i32) {
    %c0_i32 = arith.constant 0 : i32
    %c0_i32_0 = arith.constant 0 : i32
    return %arg0, %c0_i32 : i32, i32
  }
  func.func @transform_1(%arg0: i32) -> i32 {
    %c0_i32 = arith.constant 0 : i32
    %c0_i32_0 = arith.constant 0 : i32
    return %c0_i32 : i32
  }
  func.func @transform_2(%arg0: i32) -> i32 {
    %c0_i32 = arith.constant 0 : i32
    %c0_i32_0 = arith.constant 0 : i32
    return %c0_i32 : i32
  }
  func.func @transform_3(%arg0: i32) -> (i32, i32) {
    %c0_i32 = arith.constant 0 : i32
    %c0_i32_0 = arith.constant 0 : i32
    %c0_i32_1 = arith.constant 0 : i32
    return %c0_i32, %c0_i32_0 : i32, i32
  }
  func.func @transform_4(%arg0: i32) -> i32 {
    %c0_i32 = arith.constant 0 : i32
    %c0_i32_0 = arith.constant 0 : i32
    return %c0_i32 : i32
  }
  func.func @transform_5(%arg0: i32) -> i32 {
    %c0_i32 = arith.constant 0 : i32
    %c0_i32_0 = arith.constant 0 : i32
    return %c0_i32 : i32
  }
  func.func @transform_6(%arg0: i32) -> i32 {
    %c0_i32 = arith.constant 0 : i32
    %c0_i32_0 = arith.constant 0 : i32
    return %c0_i32 : i32
  }
  func.func @transform_7(%arg0: i32) -> (i32, i32) {
    %c0_i32 = arith.constant 0 : i32
    %c0_i32_0 = arith.constant 0 : i32
    %c0_i32_1 = arith.constant 0 : i32
    return %c0_i32, %c0_i32_0 : i32, i32
  }
  func.func @transform_8(%arg0: i32) -> (i32, i32) {
    %c0_i32 = arith.constant 0 : i32
    %c0_i32_0 = arith.constant 0 : i32
    return %arg0, %c0_i32 : i32, i32
  }
}

module attributes {stable_mosaic.version = 14 : i64} {
  func.func @_tc_scale_body(%arg0: i32, %arg1: memref<2x1024x128xf32, #tpu.memory_space<vmem>>, %arg2: memref<2x1024xf32, #tpu.memory_space<vmem>>, %arg3: memref<128xf32, #tpu.memory_space<vmem>>, %arg4: memref<1024x128xf32, #tpu.memory_space<vmem>>) attributes {dimension_semantics = [#tpu.dimension_semantics<arbitrary>], iteration_bounds = array<i64: 10>, scalar_prefetch = 0 : i64, scratch_operands = 0 : i64, tpu.core_type = #tpu.core_type<tc>, window_params = [{transform_indices = @transform_0, window_bounds = array<i64: 2, 1024, 128>}, {transform_indices = @transform_1, window_bounds = array<i64: 2, 1024>}, {pipeline_mode = #tpu.pipeline_mode<synchronous>, transform_indices = @transform_2, window_bounds = array<i64: 128>}, {transform_indices = @transform_3, window_bounds = array<i64: 1024, 128>}]} {
    %get3A = arith.constant 0 : index
    %get3A_0 = arith.constant 0 : index
    %get3A_1 = arith.constant 0 : index
    %get3A_2 = vector.load %arg1[%get3A, %get3A_0, %get3A_1] : memref<2x1024x128xf32, #tpu.memory_space<vmem>>, vector<2x1024x128xf32>
    %slice3A = vector.extract_strided_slice %get3A_2 {offsets = [0, 0, 0], sizes = [1, 1024, 128], strides = [1, 1, 1]} : vector<2x1024x128xf32> to vector<1x1024x128xf32>
    %squeeze3A = vector.shape_cast %slice3A : vector<1x1024x128xf32> to vector<1024x128xf32>
    %slice3A_3 = vector.extract_strided_slice %get3A_2 {offsets = [1, 0, 0], sizes = [1, 1024, 128], strides = [1, 1, 1]} : vector<2x1024x128xf32> to vector<1x1024x128xf32>
    %squeeze3A_4 = vector.shape_cast %slice3A_3 : vector<1x1024x128xf32> to vector<1024x128xf32>
    %add3A = arith.addf %squeeze3A, %squeeze3A_4 : vector<1024x128xf32>
    %get3A_5 = arith.constant 0 : index
    %get3A_6 = arith.constant 0 : index
    %get3A_7 = vector.load %arg2[%get3A_5, %get3A_6] : memref<2x1024xf32, #tpu.memory_space<vmem>>, vector<2x1024xf32>
    %slice3A_8 = vector.extract_strided_slice %get3A_7 {offsets = [0, 0], sizes = [1, 1024], strides = [1, 1]} : vector<2x1024xf32> to vector<1x1024xf32>
    %squeeze3A_9 = vector.shape_cast %slice3A_8 : vector<1x1024xf32> to vector<1024xf32>
    %slice3A_10 = vector.extract_strided_slice %get3A_7 {offsets = [1, 0], sizes = [1, 1024], strides = [1, 1]} : vector<2x1024xf32> to vector<1x1024xf32>
    %squeeze3A_11 = vector.shape_cast %slice3A_10 : vector<1x1024xf32> to vector<1024xf32>
    %add3A_12 = arith.addf %squeeze3A_9, %squeeze3A_11 : vector<1024xf32>
    %gt3A = arith.constant 0.000000e+00 : f32
    %gt3A_13 = vector.broadcast %gt3A : f32 to vector<1024xf32>
    %gt3A_14 = arith.cmpf ogt, %add3A_12, %gt3A_13 : vector<1024xf32>
    %div3A = arith.constant 1.000000e+00 : f32
    %div3A_15 = vector.broadcast %div3A : f32 to vector<1024xf32>
    %div3A_16 = arith.divf %div3A_15, %add3A_12 : vector<1024xf32>
    %jit3A = arith.constant 0.000000e+00 : f32
    %broadcast_in_dim3A = vector.broadcast %jit3A : f32 to vector<1024xf32>
    %select_n3A = arith.select %gt3A_14, %div3A_16, %broadcast_in_dim3A : vector<1024xi1>, vector<1024xf32>
    %broadcast_in_dim3A_17 = vector.shape_cast %select_n3A : vector<1024xf32> to vector<1024x1xf32>
    %mul3A = vector.broadcast %broadcast_in_dim3A_17 : vector<1024x1xf32> to vector<1024x128xf32>
    %mul3A_18 = arith.mulf %add3A, %mul3A : vector<1024x128xf32>
    %swap3A = arith.constant 0 : index
    %swap3A_19 = arith.constant 0 : index
    %swap3A_20 = vector.load %arg4[%swap3A, %swap3A_19] : memref<1024x128xf32, #tpu.memory_space<vmem>>, vector<1024x128xf32>
    tpu.vector_store %arg4[%swap3A, %swap3A_19], %mul3A_18 {strides = array<i32>} : memref<1024x128xf32, #tpu.memory_space<vmem>>, vector<1024x128xf32>,
    return
  }
  func.func @transform_0(%arg0: i32) -> (i32, i32, i32) {
    %c0_i32 = arith.constant 0 : i32
    %c0_i32_0 = arith.constant 0 : i32
    %c0_i32_1 = arith.constant 0 : i32
    return %c0_i32, %arg0, %c0_i32_0 : i32, i32, i32
  }
  func.func @transform_1(%arg0: i32) -> (i32, i32) {
    %c0_i32 = arith.constant 0 : i32
    %c0_i32_0 = arith.constant 0 : i32
    return %c0_i32, %arg0 : i32, i32
  }
  func.func @transform_2(%arg0: i32) -> i32 {
    %c0_i32 = arith.constant 0 : i32
    %c0_i32_0 = arith.constant 0 : i32
    return %c0_i32 : i32
  }
  func.func @transform_3(%arg0: i32) -> (i32, i32) {
    %c0_i32 = arith.constant 0 : i32
    %c0_i32_0 = arith.constant 0 : i32
    return %arg0, %c0_i32 : i32, i32
  }
}

module attributes {stable_mosaic.version = 14 : i64} {
  func.func @_tc_scale_body(%arg0: i32, %arg1: memref<2x1024x128xf32, #tpu.memory_space<vmem>>, %arg2: memref<2x1024xf32, #tpu.memory_space<vmem>>, %arg3: memref<128xf32, #tpu.memory_space<vmem>>, %arg4: memref<1024x128xf32, #tpu.memory_space<vmem>>) attributes {dimension_semantics = [#tpu.dimension_semantics<arbitrary>], iteration_bounds = array<i64: 10>, scalar_prefetch = 0 : i64, scratch_operands = 0 : i64, tpu.core_type = #tpu.core_type<tc>, window_params = [{transform_indices = @transform_0, window_bounds = array<i64: 2, 1024, 128>}, {transform_indices = @transform_1, window_bounds = array<i64: 2, 1024>}, {pipeline_mode = #tpu.pipeline_mode<synchronous>, transform_indices = @transform_2, window_bounds = array<i64: 128>}, {transform_indices = @transform_3, window_bounds = array<i64: 1024, 128>}]} {
    %get3A = arith.constant 0 : index
    %get3A_0 = arith.constant 0 : index
    %get3A_1 = arith.constant 0 : index
    %get3A_2 = vector.load %arg1[%get3A, %get3A_0, %get3A_1] : memref<2x1024x128xf32, #tpu.memory_space<vmem>>, vector<2x1024x128xf32>
    %slice3A = vector.extract_strided_slice %get3A_2 {offsets = [0, 0, 0], sizes = [1, 1024, 128], strides = [1, 1, 1]} : vector<2x1024x128xf32> to vector<1x1024x128xf32>
    %squeeze3A = vector.shape_cast %slice3A : vector<1x1024x128xf32> to vector<1024x128xf32>
    %slice3A_3 = vector.extract_strided_slice %get3A_2 {offsets = [1, 0, 0], sizes = [1, 1024, 128], strides = [1, 1, 1]} : vector<2x1024x128xf32> to vector<1x1024x128xf32>
    %squeeze3A_4 = vector.shape_cast %slice3A_3 : vector<1x1024x128xf32> to vector<1024x128xf32>
    %add3A = arith.addf %squeeze3A, %squeeze3A_4 : vector<1024x128xf32>
    %get3A_5 = arith.constant 0 : index
    %get3A_6 = arith.constant 0 : index
    %get3A_7 = vector.load %arg2[%get3A_5, %get3A_6] : memref<2x1024xf32, #tpu.memory_space<vmem>>, vector<2x1024xf32>
    %slice3A_8 = vector.extract_strided_slice %get3A_7 {offsets = [0, 0], sizes = [1, 1024], strides = [1, 1]} : vector<2x1024xf32> to vector<1x1024xf32>
    %squeeze3A_9 = vector.shape_cast %slice3A_8 : vector<1x1024xf32> to vector<1024xf32>
    %slice3A_10 = vector.extract_strided_slice %get3A_7 {offsets = [1, 0], sizes = [1, 1024], strides = [1, 1]} : vector<2x1024xf32> to vector<1x1024xf32>
    %squeeze3A_11 = vector.shape_cast %slice3A_10 : vector<1x1024xf32> to vector<1024xf32>
    %add3A_12 = arith.addf %squeeze3A_9, %squeeze3A_11 : vector<1024xf32>
    %gt3A = arith.constant 0.000000e+00 : f32
    %gt3A_13 = vector.broadcast %gt3A : f32 to vector<1024xf32>
    %gt3A_14 = arith.cmpf ogt, %add3A_12, %gt3A_13 : vector<1024xf32>
    %div3A = arith.constant 1.000000e+00 : f32
    %div3A_15 = vector.broadcast %div3A : f32 to vector<1024xf32>
    %div3A_16 = arith.divf %div3A_15, %add3A_12 : vector<1024xf32>
    %jit3A = arith.constant 0.000000e+00 : f32
    %broadcast_in_dim3A = vector.broadcast %jit3A : f32 to vector<1024xf32>
    %select_n3A = arith.select %gt3A_14, %div3A_16, %broadcast_in_dim3A : vector<1024xi1>, vector<1024xf32>
    %broadcast_in_dim3A_17 = vector.shape_cast %select_n3A : vector<1024xf32> to vector<1024x1xf32>
    %mul3A = vector.broadcast %broadcast_in_dim3A_17 : vector<1024x1xf32> to vector<1024x128xf32>
    %mul3A_18 = arith.mulf %add3A, %mul3A : vector<1024x128xf32>
    %get3A_19 = arith.constant 0 : index
    %get3A_20 = vector.load %arg3[%get3A_19] : memref<128xf32, #tpu.memory_space<vmem>>, vector<128xf32>
    %broadcast_in_dim3A_21 = vector.shape_cast %get3A_20 : vector<128xf32> to vector<1x128xf32>
    %add3A_22 = vector.broadcast %broadcast_in_dim3A_21 : vector<1x128xf32> to vector<1024x128xf32>
    %add3A_23 = arith.addf %mul3A_18, %add3A_22 : vector<1024x128xf32>
    %ge3A = arith.constant 0.000000e+00 : f32
    %ge3A_24 = vector.broadcast %ge3A : f32 to vector<1024x128xf32>
    %ge3A_25 = arith.cmpf oge, %add3A_23, %ge3A_24 : vector<1024x128xf32>
    %mul3A_26 = arith.constant 0.00999999977 : f32
    %mul3A_27 = vector.broadcast %mul3A_26 : f32 to vector<1024x128xf32>
    %mul3A_28 = arith.mulf %mul3A_27, %add3A_23 : vector<1024x128xf32>
    %select_n3A_29 = arith.select %ge3A_25, %add3A_23, %mul3A_28 : vector<1024x128xi1>, vector<1024x128xf32>
    %swap3A = arith.constant 0 : index
    %swap3A_30 = arith.constant 0 : index
    %swap3A_31 = vector.load %arg4[%swap3A, %swap3A_30] : memref<1024x128xf32, #tpu.memory_space<vmem>>, vector<1024x128xf32>
    tpu.vector_store %arg4[%swap3A, %swap3A_30], %select_n3A_29 {strides = array<i32>} : memref<1024x128xf32, #tpu.memory_space<vmem>>, vector<1024x128xf32>,
    return
  }
  func.func @transform_0(%arg0: i32) -> (i32, i32, i32) {
    %c0_i32 = arith.constant 0 : i32
    %c0_i32_0 = arith.constant 0 : i32
    %c0_i32_1 = arith.constant 0 : i32
    return %c0_i32, %arg0, %c0_i32_0 : i32, i32, i32
  }
  func.func @transform_1(%arg0: i32) -> (i32, i32) {
    %c0_i32 = arith.constant 0 : i32
    %c0_i32_0 = arith.constant 0 : i32
    return %c0_i32, %arg0 : i32, i32
  }
  func.func @transform_2(%arg0: i32) -> i32 {
    %c0_i32 = arith.constant 0 : i32
    %c0_i32_0 = arith.constant 0 : i32
    return %c0_i32 : i32
  }
  func.func @transform_3(%arg0: i32) -> (i32, i32) {
    %c0_i32 = arith.constant 0 : i32
    %c0_i32_0 = arith.constant 0 : i32
    return %arg0, %c0_i32 : i32, i32
  }
}

module attributes {stable_mosaic.version = 14 : i64} {
  func.func @body(%arg0: i32, %arg1: memref<128x1024xf32, #tpu.memory_space<vmem>>, %arg2: memref<128x128xf32, #tpu.memory_space<vmem>>, %arg3: memref<128xf32, #tpu.memory_space<vmem>>, %arg4: memref<1024x128xf32, #tpu.memory_space<vmem>>) attributes {dimension_semantics = [#tpu.dimension_semantics<arbitrary>], iteration_bounds = array<i64: 10>, scalar_prefetch = 0 : i64, scratch_operands = 0 : i64, tpu.core_type = #tpu.core_type<tc>, window_params = [{transform_indices = @transform_0, window_bounds = array<i64: 128, 1024>}, {pipeline_mode = #tpu.pipeline_mode<synchronous>, transform_indices = @transform_1, window_bounds = array<i64: 128, 128>}, {pipeline_mode = #tpu.pipeline_mode<synchronous>, transform_indices = @transform_2, window_bounds = array<i64: 128>}, {transform_indices = @transform_3, window_bounds = array<i64: 1024, 128>}]} {
    %get3A = arith.constant 0 : index
    %get3A_0 = arith.constant 0 : index
    %get3A_1 = vector.load %arg1[%get3A, %get3A_0] : memref<128x1024xf32, #tpu.memory_space<vmem>>, vector<128x1024xf32>
    %lt3A = arith.constant 0x7F800000 : f32
    %lt3A_2 = vector.broadcast %lt3A : f32 to vector<128x1024xf32>
    %lt3A_3 = arith.cmpf olt, %get3A_1, %lt3A_2 : vector<128x1024xf32>
    %jit3A = arith.constant 0.000000e+00 : f32
    %broadcast_in_dim3A = vector.broadcast %jit3A : f32 to vector<128x1024xf32>
    %select_n3A = arith.select %lt3A_3, %get3A_1, %broadcast_in_dim3A : vector<128x1024xi1>, vector<128x1024xf32>
    %get3A_4 = arith.constant 0 : index
    %get3A_5 = arith.constant 0 : index
    %get3A_6 = vector.load %arg2[%get3A_4, %get3A_5] : memref<128x128xf32, #tpu.memory_space<vmem>>, vector<128x128xf32>
    %dot_general3A = arith.constant dense<0.000000e+00> : vector<1024x128xf32>
    %dot_general3A_7 = tpu.matmul %select_n3A, %get3A_6, %dot_general3A {dimension_numbers = #tpu.dot_dimension_numbers<[0], [1], [1], [0], [0, 1, 1, 0], [], []>, transpose_lhs_hint = false} : vector<128x1024xf32>, vector<128x128xf32>, vector<1024x128xf32> -> vector<1024x128xf32>
    %get3A_8 = arith.constant 0 : index
    %get3A_9 = vector.load %arg3[%get3A_8] : memref<128xf32, #tpu.memory_space<vmem>>, vector<128xf32>
    %broadcast_in_dim3A_10 = vector.shape_cast %get3A_9 : vector<128xf32> to vector<1x128xf32>
    %add3A = vector.broadcast %broadcast_in_dim3A_10 : vector<1x128xf32> to vector<1024x128xf32>
    %add3A_11 = arith.addf %dot_general3A_7, %add3A : vector<1024x128xf32>
    %swap3A = arith.constant 0 : index
    %swap3A_12 = arith.constant 0 : index
    %swap3A_13 = vector.load %arg4[%swap3A, %swap3A_12] : memref<1024x128xf32, #tpu.memory_space<vmem>>, vector<1024x128xf32>
    tpu.vector_store %arg4[%swap3A, %swap3A_12], %add3A_11 {strides = array<i32>} : memref<1024x128xf32, #tpu.memory_space<vmem>>, vector<1024x128xf32>,
    return
  }
  func.func @transform_0(%arg0: i32) -> (i32, i32) {
    %c0_i32 = arith.constant 0 : i32
    %c0_i32_0 = arith.constant 0 : i32
    return %c0_i32, %arg0 : i32, i32
  }
  func.func @transform_1(%arg0: i32) -> (i32, i32) {
    %c0_i32 = arith.constant 0 : i32
    %c0_i32_0 = arith.constant 0 : i32
    %c0_i32_1 = arith.constant 0 : i32
    return %c0_i32, %c0_i32_0 : i32, i32
  }
  func.func @transform_2(%arg0: i32) -> i32 {
    %c0_i32 = arith.constant 0 : i32
    %c0_i32_0 = arith.constant 0 : i32
    return %c0_i32 : i32
  }
  func.func @transform_3(%arg0: i32) -> (i32, i32) {
    %c0_i32 = arith.constant 0 : i32
    %c0_i32_0 = arith.constant 0 : i32
    return %arg0, %c0_i32 : i32, i32
  }
}

</mosaic_0001>

<sc_bundles>
// kernel: kernel.12.cloned.1.call-start
scs
__scs_entry_jumppad:
0x0: {  	(pc) =	sbr.rel $0x88, $3  }
0x1: {  	(tag) =	ssettag $0x0;
	lr =	simm.s32 $0x1  }
0x2: {  	[smem:$0x3F95] =	sst lr;
	_ =	strace $0xD0000000  }
0x3: {  	_ = 	snop  }
0x4: {  	_ = 	snop  }
0x5: {  	_ = 	snop  }
0x6: {  	_ = 	snop  }
0x7: {  	_ = 	snop  }
__scs_overlays_trampoline_lowered:
0x8: {  	[smem:$0x3FA4] =	sst s0  }
0x9: {  	[smem:$0x3FA5] =	sst s1  }
0xa: {  	[smem:$0x3FA6] =	sst s2  }
0xb: {  	[smem:$0x3FA7] =	sst s3  }
0xc: {  	[smem:$0x3FA8] =	sst s4  }
0xd: {  	[smem:$0x3FA9] =	sst s5  }
0xe: {  	[smem:$0x3FAA] =	sst s6  }
0xf: {  	[smem:$0x3FAB] =	sst s7  }
0x10: {  	[smem:$0x3FAC] =	sst s8  }
0x11: {  	[smem:$0x3FAD] =	sst s9;
	s0 =	simm.s32 @!p0 $0x0  }
0x12: {  	s1 =	sld [smem:$0x3F93];
	s0 =	simm.s32 @p0 $0x1  }
0x13: {  	[smem:$0x3FAE] =	sst s0;
	s0 =	simm.s32 @!p1 $0x0  }
0x14: {  	s2 =	sld [smem:$0x3F92];
	s0 =	simm.s32 @p1 $0x1  }
0x15: {  	[smem:$0x3FAF] =	sst s0;
	s0 =	simm.s32 @!p2 $0x0  }
0x16: {  	s3 =	sld [smem:$0x3FDB];
	s0 =	simm.s32 @p2 $0x1  }
0x17: {  	s4 =	simm.s32 $0x1BF5;
	[smem:$0x3FB1] =	sst s0  }
0x18: {  	s0 =	sld [smem:$0x3F94];
	_ =	swait.ge [sflag:s4], $0x0  }
0x19: {  	s7 =	sld [smem:$0x3F95]  }
0x1a: {  	s8 =	sadd.s32 $0xFFFFE003, lr  }
0x1b: {  	s9 =	sadd.s32 $0xFFFFFEF7, lr;
	s5 =	simm.s32 $0xFFFFFFFF;
	p2 =	slt.u32 s8, $0xFFFFF086  }
0x1c: {  	p1 =	slt.u32 s9, $0xF7A;
	s5 =	simm.s32 @!p2 $0x0  }
0x1d: {  	s5 =	simm.s32 @p1 $0x1;
	p0 =	seq.s32 s7, s2  }
0x1e: {  	s7 =	smul.u32 @!p0 $0xF7A, s2;
	p2 =	seq.s32 @!p0 s5, $0x0  }
0x1f: {  	s9 =	smul.u32 $0xF7A, s1;
	s8 =	simm.s32 @!p0 $0x1BF5;
	p2 =	por !p2, p0  }
0x20: {  	[sflag:s8] =	ssyncset.s32 @!p0 $0xFFFFF086;
	s6 =	sadd.s32 @!p0 s3, s7;
	s7 =	simm.s32 @!p0 $0x108  }
0x21: {  	s3 =	sadd.s32 s3, s9;
	s6 =	sadd.s32 @!p0 $0x88, s6;
	s7 =	simm.s32 @p2 $0x1082  }
0x22: {  	[simem:s7], [sflag:s8] =	dma.local @!p0 [hbm:s6], $0xF7A  }
0x23: {  	s9 =	sor.u32 $0xD0000000, s2;
	s6 =	simm.s32 $0x108;
	_ =	swait.ge @!p0 [sflag:s8], $0x0  }
0x24: {  	s3 =	sadd.s32 $0x88, s3;
	s6 =	simm.s32 @!p1 $0x1082;
	[sflag:s4] =	ssyncset.s32 $0xFFFFF086  }
0x25: {  	[simem:s6], [sflag:s4] =	dma.local [hbm:s3], $0xF7A  }
0x26: {  	[smem:$0x3F95] =	sst s1;
	(tag) =	ssettag s2;
	_ =	strace s9  }
0x27: {  	s1 =	sld [smem:$0x3FA5]  }
0x28: {  	s2 =	sld [smem:$0x3FA6]  }
0x29: {  	s4 =	sld [smem:$0x3FA8]  }
0x2a: {  	p0 =	seq.s32 s5, $0x0;
	s5 =	sld [smem:$0x3FA9]  }
0x2b: {  	s6 =	sld [smem:$0x3FAA]  }
0x2c: {  	s7 =	sld [smem:$0x3FAB]  }
0x2d: {  	s3 =	simm.s32 $0x108;
	s8 =	sld [smem:$0x3FAC]  }
0x2e: {  	s3 =	simm.s32 @!p0 $0x1082;
	s9 =	sld [smem:$0x3FAD]  }
0x2f: {  	lr =	sadd.s32 s0, s3;
	s0 =	sld [smem:$0x3FA4]  }
0x30: {  	s3 =	sld [smem:$0x3FA7]  }
0x31: {  	[smem:$0x3FB0] =	sst s10  }
0x32: {  	s10 =	sld [smem:$0x3FAE];
	_ =	sdelay $0x3  }
0x33: {  	p0 =	seq.s32 s10, $0x1;
	s10 =	sld [smem:$0x3FB0];
	_ =	sdelay $0x3  }
0x34: {  	[smem:$0x3FB0] =	sst s10  }
0x35: {  	s10 =	sld [smem:$0x3FAF];
	_ =	sdelay $0x3  }
0x36: {  	p1 =	seq.s32 s10, $0x1;
	s10 =	sld [smem:$0x3FB0];
	_ =	sdelay $0x3  }
0x37: {  	[smem:$0x3FB0] =	sst s10  }
0x38: {  	s10 =	sld [smem:$0x3FB1]  }
0x39: {  	_ = 	snop;
	(pc) =	sbr.ind lr, $3  }
0x3a: {  	_ = 	snop  }
0x3b: {  	_ = 	snop  }
0x3c: {  	p2 =	seq.s32 s10, $0x1;
	s10 =	sld [smem:$0x3FB0]  }
0x3d: {  	_ =	shalt  }
0x3e: {  	_ =	shalt  }
0x3f: {  	_ =	shalt  }
0x40: {  	_ =	shalt  }
0x41: {  	_ =	shalt  }
0x42: {  	_ =	shalt  }
0x43: {  	_ =	shalt  }
0x44: {  	_ =	shalt  }
0x45: {  	_ =	shalt  }
0x46: {  	_ =	shalt  }
0x47: {  	_ =	shalt  }
0x48: {  	_ =	shalt  }
0x49: {  	_ =	shalt  }
0x4a: {  	_ =	shalt  }
0x4b: {  	_ =	shalt  }
0x4c: {  	_ =	shalt  }
0x4d: {  	_ =	shalt  }
0x4e: {  	_ =	shalt  }
0x4f: {  	_ =	shalt  }
0x50: {  	_ =	shalt  }
0x51: {  	_ =	shalt  }
0x52: {  	_ =	shalt  }
0x53: {  	_ =	shalt  }
0x54: {  	_ =	shalt  }
0x55: {  	_ =	shalt  }
0x56: {  	_ =	shalt  }
0x57: {  	_ =	shalt  }
0x58: {  	_ =	shalt  }
0x59: {  	_ =	shalt  }
0x5a: {  	_ =	shalt  }
0x5b: {  	_ =	shalt  }
0x5c: {  	_ =	shalt  }
0x5d: {  	_ =	shalt  }
0x5e: {  	_ =	shalt  }
0x5f: {  	_ =	shalt  }
0x60: {  	_ =	shalt  }
0x61: {  	_ =	shalt  }
0x62: {  	_ =	shalt  }
0x63: {  	_ =	shalt  }
0x64: {  	_ =	shalt  }
0x65: {  	_ =	shalt  }
0x66: {  	_ =	shalt  }
0x67: {  	_ =	shalt  }
0x68: {  	_ =	shalt  }
0x69: {  	_ =	shalt  }
0x6a: {  	_ =	shalt  }
0x6b: {  	_ =	shalt  }
0x6c: {  	_ =	shalt  }
0x6d: {  	_ =	shalt  }
0x6e: {  	_ =	shalt  }
0x6f: {  	_ =	shalt  }
0x70: {  	_ =	shalt  }
0x71: {  	_ =	shalt  }
0x72: {  	_ =	shalt  }
0x73: {  	_ =	shalt  }
0x74: {  	_ =	shalt  }
0x75: {  	_ =	shalt  }
0x76: {  	_ =	shalt  }
0x77: {  	_ =	shalt  }
0x78: {  	_ =	shalt  }
0x79: {  	_ =	shalt  }
0x7a: {  	_ =	shalt  }
0x7b: {  	_ =	shalt  }
0x7c: {  	_ =	shalt  }
0x7d: {  	_ =	shalt  }
0x7e: {  	_ =	shalt  }
0x7f: {  	_ =	shalt  }
0x80: {  	_ =	shalt  }
0x81: {  	_ =	shalt  }
0x82: {  	_ =	shalt  }
0x83: {  	_ =	shalt  }
0x84: {  	_ =	shalt  }
0x85: {  	_ =	shalt  }
0x86: {  	_ =	shalt  }
0x87: {  	_ =	shalt  }
.Lfunc_end0:
.L_simem_size_0:
called_computation.1_lowered:
.L_overlay_start_0:
0x88: {  	s2 =	sld [smem:$0x3FD9]  }
0x89: {  	s3 =	sld [smem:$0x3FFE];
	_ =	sdelay $0x1  }
0x8a: {  	s1 =	srdreg.scid  }
0x8b: {  	s0 =	sand.u32 $0x1, s1  }
0x8c: {  	s16 =	sshll.u32 s0, $0xA;
	s2 =	sadd.s32 s3, s2  }
0x8d: {  	s2 =	sadd.s32 s2, s16  }
0x8e: {  	[smem:$0x3FBC] =	sst s2  }
0x8f: {  	_ = 	snop  }
0x90: {  	(tm) =	ssettm $0x1  }
0x91: {  	s17 =	sld [smem:$0x3FFB];
	_ =	sdelay $0x3  }
0x92: {  	_ =	strace s17  }
0x93: {  	s2 =	sld [smem:$0x3FFC];
	_ =	sdelay $0x3  }
0x94: {  	_ =	strace s2  }
0x95: {  	s2 =	sld [smem:$0x3FFD];
	_ =	sdelay $0x3  }
0x96: {  	_ =	strace s2  }
0x97: {  	_ =	strace $0x8FFFFFFF  }
0x98: {  	s18 =	sld [smem:$0x3FDB];
	_ =	sdelay $0x1  }
0x99: {  	s19 =	simm.s32 $_scs_section_size  }
0x9a: {  	s4 =	simm.s32 $_size__tile_overlayer_lowered;
	s5 =	simm.s32 $_tile_overlayer_lowered  }
0x9b: {  	s22 =	simm.s32 $0x1BFF;
	s21 =	sshll.u32 s5, $0x1;
	s2 =	sadd.s32 s19, s18  }
0x9c: {  	s6 =	simm.s32 $0x0;
	s20 =	sshll.u32 s4, $0x1;
	s4 =	sadd.s32 s21, s2  }
0x9d: {  	[timem:s6], [sflag:s22] =	dma.local [hbm:s4], s20  }
0x9e: {  	_ =	swait.ge [sflag:s22], s20  }
0x9f: {  	s3 =	ssub.s32 $0x0, s20;
	[sflag:s22] =	ssyncset.done $0x0  }
0xa0: {  	[sflag:s22] =	ssyncadd.s32 s3;
	_ =	sdelay $0x1  }
0xa1: {  	s23 =	simm.s32 $0x1B8B  }
0xa2: {  	_ =	swait.ge [sflag:s23], $0x1  }
0xa3: {  	[sflag:s23] =	ssyncset.done $0x0  }
0xa4: {  	s25 =	simm.s32 $0x1B8E;
	s24 =	sld [smem:$0x3FFE];
	[sflag:s23] =	ssyncadd.s32 $0xFFFFFFFF  }
0xa5: {  	s26 =	simm.s32 $execute0_lowered;
	[smem:$0x3FD2] =	sst s25  }
0xa6: {  	s4 =	sshll.u32 s26, $0x1;
	_ =	strace $0x80000049;
	[dreg:$0x1] =	wrdreg $0xFFFFFFFF  }
0xa7: {  	s28 =	simm.s32 $_size_execute0_lowered;
	s2 =	sadd.s32 s2, s4;
	[dreg:$0x0] =	wrdreg $0x0  }
0xa8: {  	s4 =	sshll.u32 s28, $0x1;
	[dreg:$0x2] =	wrdreg s2  }
0xa9: {  	[dreg:$0x3] =	wrdreg s4  }
0xaa: {  	[dreg:$0x4] =	wrdreg $0xC0  }
0xab: {  	_ =	task [dreg:s6], $0x5FFFF  }
0xac: {  	[dreg:$0x1] =	wrdreg $0xFFFFFFFF  }
0xad: {  	[dreg:$0x0] =	wrdreg $0x60  }
0xae: {  	[dreg:$0x2] =	wrdreg s24  }
0xaf: {  	[dreg:$0x3] =	wrdreg $0x88000  }
0xb0: {  	[dreg:$0x4] =	wrdreg $0x9  }
0xb1: {  	_ =	task.clear_ibuf [dreg:s6], $0x5FFFF;
	_ =	strace $0x90000049  }
0xb2: {  	s29 =	simm.s32 $0x9;
	_ =	strace $0x8000004B  }
0xb3: {  	_ =	swait.ge [sflag:s29], $0x1  }
0xb4: {  	[sflag:s29] =	ssyncadd.s32 $0xFFFFFFFF  }
0xb5: {  	_ =	strace $0x9000004B  }
0xb6: {  	_ =	sfence  }
0xb7: {  	s30 =	sld [smem:$0x0];
	_ =	sdelay $0x2  }
0xb8: {  	s31 =	sshll.u32 s1, $0xD;
	s1 =	sshrl.u32 s1, $0x2  }
0xb9: {  	s3 =	sand.u32 $0x4000, s31;
	s1 =	sadd.s32 s1, s30  }
0xba: {  	s0 =	sor.u32 s3, s0;
	s1 =	sshll.u32 s1, $0x11  }
0xbb: {  	s0 =	sor.u32 s1, s0  }
0xbc: {  	s0 =	sadd.s32 $0x8F2B, s0  }
0xbd: {  	[sflag:s0] =	ssyncadd.remote.s32 $0x1  }
0xbe: {  	_ =	sfence.sel $0xFFFF  }
0xbf: {  	[dreg:$0x0] =	wrdreg $0xFFFFFFFF;
	(pc) =	sbr.abs _section_cstart, $3  }
0xc0: {  	[dreg:$0x1] =	wrdreg $0xFFFFFFFF  }
0xc1: {  	_ =	task.clear_ibuf [dreg:s6], $0x2FFFF;
	_ =	strace $0x9FFFFFFF  }
0xc2: {  	(tm) =	ssettm $0x7FFFFFFF  }
0xc3: {  	_ =	shalt  }
tec
execute0_lowered:
.L_overlay_start_1:
0x0: {  	(tag) =	ssettag $0x1  }
0x1: {  	s0 =	rddreg [dreg:$0x0]  }
0x2: {  	s1 =	rddreg [dreg:$0x1];
	s2 =	simm.s32 $0x0;
	s3 =	srdreg.scid  }
0x3: {  	s17 =	stileid.u32;
	s28 =	simm.s32 $0x4800;
	s29 =	simm.s32 $0x1  }
0x4: {  	s30 =	simm.s32 $0x1000;
	s31 =	simm.s32 $0x50;
	[smem:$0x7FF] =	sst s2  }
0x5: {  	s3 =	sand.u32 $0x1, s3;
	s4 =	sadd.s32 $0x2B200, s0;
	s14 =	smul.u32 $0x14000, s17  }
0x6: {  	s13 =	sadd.s32 $0x17200, s0;
	s18 =	sadd.s32 $0x91200, s0;
	s5 =	sshll.u32 s3, $0x4  }
0x7: {  	s6 =	ssub.s32 $0x2, s3;
	s3 =	smul.u32 $0x140000, s3;
	s5 =	sor.u32 s17, s5  }
0x8: {  	s7 =	sshrl.u32 s6, $0x1;
	s22 =	sadd.s32 $0x4000, s14;
	s23 =	sadd.s32 $0x8000, s14  }
0x9: {  	s24 =	sadd.s32 $0xC000, s14;
	s25 =	sadd.s32 $0x10000, s14;
	s5 =	smul.u32 $0x5000, s5  }
0xa: {  	s26 =	ssub.s32 s6, s7;
	s20 =	sadd.s32 s14, s3;
	s21 =	sadd.s32 s3, s22  }
0xb: {  	s6 =	sadd.s32 s3, s24;
	s7 =	smul.u32 $0x50000, s17;
	s5 =	sshrl.u32 s5, $0x3  }
0xc: {  	s22 =	sadd.s32 s22, s1;
	s24 =	sadd.s32 s24, s1;
	s11 =	sadd.s32 s4, s5  }
0xd: {  	s26 =	smax.u32 s26, $0x1;
	s15 =	sadd.s32 s13, s5;
	[dreg:$0x3] =	wrdreg s11  }
0xe: {  	s12 =	sadd.s32 $0x200, s5;
	s9 =	sadd.s32 $0x400, s5;
	[dreg:$0x4] =	wrdreg s15  }
0xf: {  	s16 =	sadd.s32 s4, s12;
	s19 =	sadd.s32 s13, s12;
	s8 =	sadd.s32 s4, s9  }
0x10: {  	s9 =	sadd.s32 s13, s9;
	s11 =	sadd.s32 $0x600, s5;
	[dreg:$0x5] =	wrdreg s16  }
0x11: {  	s5 =	sadd.s32 $0x800, s5;
	[dreg:$0x6] =	wrdreg s19;
	s10 =	sadd.s32 s4, s11  }
0x12: {  	s11 =	sadd.s32 s13, s11;
	s12 =	sadd.s32 s4, s5;
	s13 =	sadd.s32 s13, s5  }
0x13: {  	s4 =	sshrl.u32 s20, $0x3;
	s5 =	sshrl.u32 s21, $0x3;
	s16 =	sadd.s32 s3, s23  }
0x14: {  	s3 =	sadd.s32 s3, s25;
	s19 =	sadd.s32 $0x3FA00, s0;
	s20 =	sadd.s32 $0x3F200, s0  }
0x15: {  	s21 =	sshrl.u32 s7, $0x2;
	s23 =	sadd.s32 s23, s1;
	s25 =	sadd.s32 s25, s1  }
0x16: {  	s0 =	simm.s32 $0x2000;
	s14 =	sadd.s32 s18, s4;
	s15 =	sadd.s32 s18, s5  }
0x17: {  	s5 =	sshrl.u32 s16, $0x3;
	s4 =	sshrl.u32 s6, $0x3;
	s3 =	sshrl.u32 s3, $0x3  }
0x18: {  	_ =	strace $0x8000004A;
	s21 =	sadd.s32 s21, s1;
	s16 =	sadd.s32 s18, s5  }
0x19: {  	s17 =	sadd.s32 s18, s4;
	s18 =	sadd.s32 s18, s3;
	s3 =	simm.s32 $0x0  }
.LBB2_1:
0x1a: {  	[tilespmem:s28], [sflag:$0x1] =	stream.linear.gather [hbm4b:s20+s2], $0x4000, $0x38;
	[tilespmem:$0x1C800] =	vst v63  }
0x1b: {  	_ =	swait.ge [sflag:s29], $0x4000  }
0x1c: {  	[sflag:s29] =	ssyncset.done $0x0  }
0x1d: {  	[sflag:s29] =	ssyncadd.s32 $0xFFFFC000  }
0x1e: {  	[spmem:s21] =	stream.linear.scatter [tilespmem:s28], [sflag:$0x1], $0x4000, $0x38;
	[tilespmem:$0x1C800] =	vst v63  }
0x1f: {  	_ =	swait.ge [sflag:s29], $0x4000  }
0x20: {  	[sflag:s29] =	ssyncset.done $0x0  }
0x21: {  	[sflag:s29] =	ssyncadd.s32 $0xFFFFC000  }
0x22: {  	[spmem:s22] =	stream.linear.scatter [tilespmem:s28], [sflag:$0x1], $0x4000, $0x38;
	[tilespmem:$0x1C800] =	vst v63  }
0x23: {  	_ =	swait.ge [sflag:s29], $0x4000  }
0x24: {  	[sflag:s29] =	ssyncset.done $0x0  }
0x25: {  	[sflag:s29] =	ssyncadd.s32 $0xFFFFC000  }
0x26: {  	[spmem:s23] =	stream.linear.scatter [tilespmem:s28], [sflag:$0x1], $0x4000, $0x38;
	[tilespmem:$0x1C800] =	vst v63  }
0x27: {  	_ =	swait.ge [sflag:s29], $0x4000  }
0x28: {  	[sflag:s29] =	ssyncset.done $0x0  }
0x29: {  	[sflag:s29] =	ssyncadd.s32 $0xFFFFC000  }
0x2a: {  	[spmem:s24] =	stream.linear.scatter [tilespmem:s28], [sflag:$0x1], $0x4000, $0x38;
	[tilespmem:$0x1C800] =	vst v63  }
0x2b: {  	_ =	swait.ge [sflag:s29], $0x4000  }
0x2c: {  	[sflag:s29] =	ssyncset.done $0x0  }
0x2d: {  	[sflag:s29] =	ssyncadd.s32 $0xFFFFC000  }
0x2e: {  	[spmem:s25] =	stream.linear.scatter [tilespmem:s28], [sflag:$0x1], $0x4000, $0x38;
	[tilespmem:$0x1C800] =	vst v63  }
0x2f: {  	_ =	swait.ge [sflag:s29], $0x4000  }
0x30: {  	[sflag:s29] =	ssyncset.done $0x0  }
0x31: {  	[sflag:s29] =	ssyncadd.s32 $0xFFFFC000  }
0x32: {  	[bflag:$0x0] =	sbarrier.arrive $0xFFFF  }
0x33: {  	s4 =	rddreg [dreg:$0x3]  }
0x34: {  	[tilespmem:s2], [sflag:$0x1] =	stream.linear.gather [hbm4b:s4+s2], $0xC80, $0x38;
	[tilespmem:$0x1C800] =	vst v63  }
0x35: {  	_ =	swait.ge [sflag:s29], $0xC80  }
0x36: {  	[sflag:s29] =	ssyncset.done $0x0  }
0x37: {  	s5 =	rddreg [dreg:$0x4];
	[sflag:s29] =	ssyncadd.s32 $0xFFFFF380  }
0x38: {  	[tilespmem:s30], [sflag:$0x1] =	stream.linear.gather [hbm4b:s5+s2], $0xC80, $0x38;
	[tilespmem:$0x1C800] =	vst v63  }
0x39: {  	_ =	swait.ge [sflag:s29], $0xC80  }
0x3a: {  	[sflag:s29] =	ssyncset.done $0x0  }
0x3b: {  	s6 =	simm.s32 $0x0;
	[sflag:s29] =	ssyncadd.s32 $0xFFFFF380  }
0x3c: {  	[tilespmem:s0], [sflag:$0x1] =	stream.indirect.gather [hbm4b:s19+s31], $0x80, s6, s31, $0xb8;
	[tilespmem:$0x1C800] =	vst v63  }
0x3d: {  	_ =	swait.ge [sflag:s29], $0x2800  }
0x3e: {  	[sflag:s29] =	ssyncset.done $0x0  }
0x3f: {  	s7 =	simm.s32 $0x1000;
	[sflag:s29] =	ssyncadd.s32 $0xFFFFD800  }
0x40: {  	[spmem:s1] =	stream.indirect.scatter.add.f32 [tilespmem:s0], [sflag:$0x1], $0x80, s7, s31, $0xb8;
	[tilespmem:$0x1C800] =	vst v63  }
0x41: {  	_ =	swait.ge [sflag:s29], $0x2800  }
0x42: {  	s4 =	simm.s32 $0x200;
	s5 =	simm.s32 $0x400;
	[sflag:s29] =	ssyncset.done $0x0  }
.LBB2_2:
0x43: {  	s6 =	sshra.s32 s4, $0x2  }
0x44: {  	[sflag:s29] =	ssyncadd.s32 $0xFFFFD800;
	s4 =	smov.u32 s5;
	s7 =	sadd.s32 $0x200, s5  }
0x45: {  	[tilespmem:s0], [sflag:$0x1] =	stream.indirect.gather [hbm4b:s19+s31], $0x80, s6, s31, $0xb8;
	[tilespmem:$0x1C800] =	vst v63  }
0x46: {  	p0 =	sne.s32 s5, $0x3000;
	_ =	swait.ge [sflag:s29], $0x2800  }
.Ltmp0:
0x47: {  	[sflag:s29] =	ssyncset.done $0x0;
	(pc) =	sbr.rel @p0 .LBB2_2-.Ltmp0, $4  }
0x48: {  	s5 =	sadd.s32 $0x1000, s6;
	[sflag:s29] =	ssyncadd.s32 $0xFFFFD800  }
0x49: {  	[spmem:s1] =	stream.indirect.scatter.add.f32 [tilespmem:s0], [sflag:$0x1], $0x80, s5, s31, $0xb8;
	[tilespmem:$0x1C800] =	vst v63  }
0x4a: {  	_ =	swait.ge [sflag:s29], $0x2800  }
0x4b: {  	s5 =	smov.u32 s7;
	[sflag:s29] =	ssyncset.done $0x0  }
0x4c: {  	s4 =	sshra.s32 s4, $0x2;
	[sflag:s29] =	ssyncadd.s32 $0xFFFFD800  }
0x4d: {  	[tilespmem:s0], [sflag:$0x1] =	stream.indirect.gather [hbm4b:s19+s31], $0x80, s4, s31, $0xb8;
	[tilespmem:$0x1C800] =	vst v63  }
0x4e: {  	_ =	swait.ge [sflag:s29], $0x2800  }
0x4f: {  	[sflag:s29] =	ssyncset.done $0x0  }
0x50: {  	s4 =	sadd.s32 $0x1000, s4;
	[sflag:s29] =	ssyncadd.s32 $0xFFFFD800  }
0x51: {  	[spmem:s1] =	stream.indirect.scatter.add.f32 [tilespmem:s0], [sflag:$0x1], $0x80, s4, s31, $0xb8;
	[tilespmem:$0x1C800] =	vst v63  }
0x52: {  	_ =	swait.ge [sflag:s29], $0x2800  }
0x53: {  	[sflag:s29] =	ssyncset.done $0x0  }
0x54: {  	s6 =	simm.s32 $0x0;
	s5 =	rddreg [dreg:$0x5];
	[sflag:s29] =	ssyncadd.s32 $0xFFFFD800  }
0x55: {  	[tilespmem:s6], [sflag:$0x1] =	stream.linear.gather [hbm4b:s5+s6], $0xC80, $0x38;
	[tilespmem:$0x1C800] =	vst v63  }
0x56: {  	_ =	swait.ge [sflag:s29], $0xC80  }
0x57: {  	[sflag:s29] =	ssyncset.done $0x0  }
0x58: {  	s7 =	rddreg [dreg:$0x6];
	[sflag:s29] =	ssyncadd.s32 $0xFFFFF380  }
0x59: {  	[tilespmem:s30], [sflag:$0x1] =	stream.linear.gather [hbm4b:s7+s6], $0xC80, $0x38;
	[tilespmem:$0x1C800] =	vst v63  }
0x5a: {  	_ =	swait.ge [sflag:s29], $0xC80  }
0x5b: {  	[sflag:s29] =	ssyncset.done $0x0  }
0x5c: {  	s6 =	simm.s32 $0x0;
	[sflag:s29] =	ssyncadd.s32 $0xFFFFF380  }
0x5d: {  	[tilespmem:s0], [sflag:$0x1] =	stream.indirect.gather [hbm4b:s19+s31], $0x80, s6, s31, $0xb8;
	[tilespmem:$0x1C800] =	vst v63  }
0x5e: {  	_ =	swait.ge [sflag:s29], $0x2800  }
0x5f: {  	[sflag:s29] =	ssyncset.done $0x0  }
0x60: {  	s7 =	simm.s32 $0x1000;
	[sflag:s29] =	ssyncadd.s32 $0xFFFFD800  }
0x61: {  	[spmem:s1] =	stream.indirect.scatter.add.f32 [tilespmem:s0], [sflag:$0x1], $0x80, s7, s31, $0xb8;
	[tilespmem:$0x1C800] =	vst v63  }
0x62: {  	_ =	swait.ge [sflag:s29], $0x2800  }
0x63: {  	s4 =	simm.s32 $0x200;
	s5 =	simm.s32 $0x400;
	[sflag:s29] =	ssyncset.done $0x0  }
.LBB2_4:
0x64: {  	s6 =	sshra.s32 s4, $0x2  }
0x65: {  	[sflag:s29] =	ssyncadd.s32 $0xFFFFD800;
	s4 =	smov.u32 s5;
	s7 =	sadd.s32 $0x200, s5  }
0x66: {  	[tilespmem:s0], [sflag:$0x1] =	stream.indirect.gather [hbm4b:s19+s31], $0x80, s6, s31, $0xb8;
	[tilespmem:$0x1C800] =	vst v63  }
0x67: {  	p0 =	sne.s32 s5, $0x3000;
	_ =	swait.ge [sflag:s29], $0x2800  }
.Ltmp1:
0x68: {  	[sflag:s29] =	ssyncset.done $0x0;
	(pc) =	sbr.rel @p0 .LBB2_4-.Ltmp1, $4  }
0x69: {  	s5 =	sadd.s32 $0x1000, s6;
	[sflag:s29] =	ssyncadd.s32 $0xFFFFD800  }
0x6a: {  	[spmem:s1] =	stream.indirect.scatter.add.f32 [tilespmem:s0], [sflag:$0x1], $0x80, s5, s31, $0xb8;
	[tilespmem:$0x1C800] =	vst v63  }
0x6b: {  	_ =	swait.ge [sflag:s29], $0x2800  }
0x6c: {  	s5 =	smov.u32 s7;
	[sflag:s29] =	ssyncset.done $0x0  }
0x6d: {  	s4 =	sshra.s32 s4, $0x2;
	[sflag:s29] =	ssyncadd.s32 $0xFFFFD800  }
0x6e: {  	[tilespmem:s0], [sflag:$0x1] =	stream.indirect.gather [hbm4b:s19+s31], $0x80, s4, s31, $0xb8;
	[tilespmem:$0x1C800] =	vst v63  }
0x6f: {  	_ =	swait.ge [sflag:s29], $0x2800  }
0x70: {  	[sflag:s29] =	ssyncset.done $0x0  }
0x71: {  	s4 =	sadd.s32 $0x1000, s4;
	[sflag:s29] =	ssyncadd.s32 $0xFFFFD800  }
0x72: {  	[spmem:s1] =	stream.indirect.scatter.add.f32 [tilespmem:s0], [sflag:$0x1], $0x80, s4, s31, $0xb8;
	[tilespmem:$0x1C800] =	vst v63  }
0x73: {  	_ =	swait.ge [sflag:s29], $0x2800  }
0x74: {  	[sflag:s29] =	ssyncset.done $0x0  }
0x75: {  	s5 =	simm.s32 $0x0;
	[sflag:s29] =	ssyncadd.s32 $0xFFFFD800  }
0x76: {  	[tilespmem:s5], [sflag:$0x1] =	stream.linear.gather [hbm4b:s8+s5], $0xC80, $0x38;
	[tilespmem:$0x1C800] =	vst v63  }
0x77: {  	_ =	swait.ge [sflag:s29], $0xC80  }
0x78: {  	[sflag:s29] =	ssyncset.done $0x0  }
0x79: {  	[sflag:s29] =	ssyncadd.s32 $0xFFFFF380  }
0x7a: {  	[tilespmem:s30], [sflag:$0x1] =	stream.linear.gather [hbm4b:s9+s5], $0xC80, $0x38;
	[tilespmem:$0x1C800] =	vst v63  }
0x7b: {  	_ =	swait.ge [sflag:s29], $0xC80  }
0x7c: {  	[sflag:s29] =	ssyncset.done $0x0  }
0x7d: {  	s6 =	simm.s32 $0x0;
	[sflag:s29] =	ssyncadd.s32 $0xFFFFF380  }
0x7e: {  	[tilespmem:s0], [sflag:$0x1] =	stream.indirect.gather [hbm4b:s19+s31], $0x80, s6, s31, $0xb8;
	[tilespmem:$0x1C800] =	vst v63  }
0x7f: {  	_ =	swait.ge [sflag:s29], $0x2800  }
0x80: {  	[sflag:s29] =	ssyncset.done $0x0  }
0x81: {  	s7 =	simm.s32 $0x1000;
	[sflag:s29] =	ssyncadd.s32 $0xFFFFD800  }
0x82: {  	[spmem:s1] =	stream.indirect.scatter.add.f32 [tilespmem:s0], [sflag:$0x1], $0x80, s7, s31, $0xb8;
	[tilespmem:$0x1C800] =	vst v63  }
0x83: {  	_ =	swait.ge [sflag:s29], $0x2800  }
0x84: {  	s4 =	simm.s32 $0x200;
	s5 =	simm.s32 $0x400;
	[sflag:s29] =	ssyncset.done $0x0  }
.LBB2_6:
0x85: {  	s6 =	sshra.s32 s4, $0x2  }
0x86: {  	[sflag:s29] =	ssyncadd.s32 $0xFFFFD800;
	s4 =	smov.u32 s5;
	s7 =	sadd.s32 $0x200, s5  }
0x87: {  	[tilespmem:s0], [sflag:$0x1] =	stream.indirect.gather [hbm4b:s19+s31], $0x80, s6, s31, $0xb8;
	[tilespmem:$0x1C800] =	vst v63  }
0x88: {  	p0 =	sne.s32 s5, $0x3000;
	_ =	swait.ge [sflag:s29], $0x2800  }
.Ltmp2:
0x89: {  	[sflag:s29] =	ssyncset.done $0x0;
	(pc) =	sbr.rel @p0 .LBB2_6-.Ltmp2, $4  }
0x8a: {  	s5 =	sadd.s32 $0x1000, s6;
	[sflag:s29] =	ssyncadd.s32 $0xFFFFD800  }
0x8b: {  	[spmem:s1] =	stream.indirect.scatter.add.f32 [tilespmem:s0], [sflag:$0x1], $0x80, s5, s31, $0xb8;
	[tilespmem:$0x1C800] =	vst v63  }
0x8c: {  	_ =	swait.ge [sflag:s29], $0x2800  }
0x8d: {  	s5 =	smov.u32 s7;
	[sflag:s29] =	ssyncset.done $0x0  }
0x8e: {  	s4 =	sshra.s32 s4, $0x2;
	[sflag:s29] =	ssyncadd.s32 $0xFFFFD800  }
0x8f: {  	[tilespmem:s0], [sflag:$0x1] =	stream.indirect.gather [hbm4b:s19+s31], $0x80, s4, s31, $0xb8;
	[tilespmem:$0x1C800] =	vst v63  }
0x90: {  	_ =	swait.ge [sflag:s29], $0x2800  }
0x91: {  	[sflag:s29] =	ssyncset.done $0x0  }
0x92: {  	s4 =	sadd.s32 $0x1000, s4;
	[sflag:s29] =	ssyncadd.s32 $0xFFFFD800  }
0x93: {  	[spmem:s1] =	stream.indirect.scatter.add.f32 [tilespmem:s0], [sflag:$0x1], $0x80, s4, s31, $0xb8;
	[tilespmem:$0x1C800] =	vst v63  }
0x94: {  	_ =	swait.ge [sflag:s29], $0x2800  }
0x95: {  	[sflag:s29] =	ssyncset.done $0x0  }
0x96: {  	s5 =	simm.s32 $0x0;
	[sflag:s29] =	ssyncadd.s32 $0xFFFFD800  }
0x97: {  	[tilespmem:s5], [sflag:$0x1] =	stream.linear.gather [hbm4b:s10+s5], $0xC80, $0x38;
	[tilespmem:$0x1C800] =	vst v63  }
0x98: {  	_ =	swait.ge [sflag:s29], $0xC80  }
0x99: {  	[sflag:s29] =	ssyncset.done $0x0  }
0x9a: {  	[sflag:s29] =	ssyncadd.s32 $0xFFFFF380  }
0x9b: {  	[tilespmem:s30], [sflag:$0x1] =	stream.linear.gather [hbm4b:s11+s5], $0xC80, $0x38;
	[tilespmem:$0x1C800] =	vst v63  }
0x9c: {  	_ =	swait.ge [sflag:s29], $0xC80  }
0x9d: {  	[sflag:s29] =	ssyncset.done $0x0  }
0x9e: {  	s6 =	simm.s32 $0x0;
	[sflag:s29] =	ssyncadd.s32 $0xFFFFF380  }
0x9f: {  	[tilespmem:s0], [sflag:$0x1] =	stream.indirect.gather [hbm4b:s19+s31], $0x80, s6, s31, $0xb8;
	[tilespmem:$0x1C800] =	vst v63  }
0xa0: {  	_ =	swait.ge [sflag:s29], $0x2800  }
0xa1: {  	[sflag:s29] =	ssyncset.done $0x0  }
0xa2: {  	s7 =	simm.s32 $0x1000;
	[sflag:s29] =	ssyncadd.s32 $0xFFFFD800  }
0xa3: {  	[spmem:s1] =	stream.indirect.scatter.add.f32 [tilespmem:s0], [sflag:$0x1], $0x80, s7, s31, $0xb8;
	[tilespmem:$0x1C800] =	vst v63  }
0xa4: {  	_ =	swait.ge [sflag:s29], $0x2800  }
0xa5: {  	s4 =	simm.s32 $0x200;
	s5 =	simm.s32 $0x400;
	[sflag:s29] =	ssyncset.done $0x0  }
.LBB2_8:
0xa6: {  	s6 =	sshra.s32 s4, $0x2  }
0xa7: {  	[sflag:s29] =	ssyncadd.s32 $0xFFFFD800;
	s4 =	smov.u32 s5;
	s7 =	sadd.s32 $0x200, s5  }
0xa8: {  	[tilespmem:s0], [sflag:$0x1] =	stream.indirect.gather [hbm4b:s19+s31], $0x80, s6, s31, $0xb8;
	[tilespmem:$0x1C800] =	vst v63  }
0xa9: {  	p0 =	sne.s32 s5, $0x3000;
	_ =	swait.ge [sflag:s29], $0x2800  }
.Ltmp3:
0xaa: {  	[sflag:s29] =	ssyncset.done $0x0;
	(pc) =	sbr.rel @p0 .LBB2_8-.Ltmp3, $4  }
0xab: {  	s5 =	sadd.s32 $0x1000, s6;
	[sflag:s29] =	ssyncadd.s32 $0xFFFFD800  }
0xac: {  	[spmem:s1] =	stream.indirect.scatter.add.f32 [tilespmem:s0], [sflag:$0x1], $0x80, s5, s31, $0xb8;
	[tilespmem:$0x1C800] =	vst v63  }
0xad: {  	_ =	swait.ge [sflag:s29], $0x2800  }
0xae: {  	s5 =	smov.u32 s7;
	[sflag:s29] =	ssyncset.done $0x0  }
0xaf: {  	s4 =	sshra.s32 s4, $0x2;
	[sflag:s29] =	ssyncadd.s32 $0xFFFFD800  }
0xb0: {  	[tilespmem:s0], [sflag:$0x1] =	stream.indirect.gather [hbm4b:s19+s31], $0x80, s4, s31, $0xb8;
	[tilespmem:$0x1C800] =	vst v63  }
0xb1: {  	_ =	swait.ge [sflag:s29], $0x2800  }
0xb2: {  	[sflag:s29] =	ssyncset.done $0x0  }
0xb3: {  	s4 =	sadd.s32 $0x1000, s4;
	[sflag:s29] =	ssyncadd.s32 $0xFFFFD800  }
0xb4: {  	[spmem:s1] =	stream.indirect.scatter.add.f32 [tilespmem:s0], [sflag:$0x1], $0x80, s4, s31, $0xb8;
	[tilespmem:$0x1C800] =	vst v63  }
0xb5: {  	_ =	swait.ge [sflag:s29], $0x2800  }
0xb6: {  	[sflag:s29] =	ssyncset.done $0x0  }
0xb7: {  	s5 =	simm.s32 $0x0;
	[sflag:s29] =	ssyncadd.s32 $0xFFFFD800  }
0xb8: {  	[tilespmem:s5], [sflag:$0x1] =	stream.linear.gather [hbm4b:s12+s5], $0xC80, $0x38;
	[tilespmem:$0x1C800] =	vst v63  }
0xb9: {  	_ =	swait.ge [sflag:s29], $0xC80  }
0xba: {  	[sflag:s29] =	ssyncset.done $0x0  }
0xbb: {  	[sflag:s29] =	ssyncadd.s32 $0xFFFFF380  }
0xbc: {  	[tilespmem:s30], [sflag:$0x1] =	stream.linear.gather [hbm4b:s13+s5], $0xC80, $0x38;
	[tilespmem:$0x1C800] =	vst v63  }
0xbd: {  	_ =	swait.ge [sflag:s29], $0xC80  }
0xbe: {  	[sflag:s29] =	ssyncset.done $0x0  }
0xbf: {  	s6 =	simm.s32 $0x0;
	[sflag:s29] =	ssyncadd.s32 $0xFFFFF380  }
0xc0: {  	[tilespmem:s0], [sflag:$0x1] =	stream.indirect.gather [hbm4b:s19+s31], $0x80, s6, s31, $0xb8;
	[tilespmem:$0x1C800] =	vst v63  }
0xc1: {  	_ =	swait.ge [sflag:s29], $0x2800  }
0xc2: {  	[sflag:s29] =	ssyncset.done $0x0  }
0xc3: {  	s7 =	simm.s32 $0x1000;
	[sflag:s29] =	ssyncadd.s32 $0xFFFFD800  }
0xc4: {  	[spmem:s1] =	stream.indirect.scatter.add.f32 [tilespmem:s0], [sflag:$0x1], $0x80, s7, s31, $0xb8;
	[tilespmem:$0x1C800] =	vst v63  }
0xc5: {  	_ =	swait.ge [sflag:s29], $0x2800  }
0xc6: {  	s4 =	simm.s32 $0x200;
	s5 =	simm.s32 $0x400;
	[sflag:s29] =	ssyncset.done $0x0  }
.LBB2_10:
0xc7: {  	s6 =	sshra.s32 s4, $0x2  }
0xc8: {  	[sflag:s29] =	ssyncadd.s32 $0xFFFFD800;
	s4 =	smov.u32 s5;
	s7 =	sadd.s32 $0x200, s5  }
0xc9: {  	[tilespmem:s0], [sflag:$0x1] =	stream.indirect.gather [hbm4b:s19+s31], $0x80, s6, s31, $0xb8;
	[tilespmem:$0x1C800] =	vst v63  }
0xca: {  	p0 =	sne.s32 s5, $0x3000;
	_ =	swait.ge [sflag:s29], $0x2800  }
.Ltmp4:
0xcb: {  	[sflag:s29] =	ssyncset.done $0x0;
	(pc) =	sbr.rel @p0 .LBB2_10-.Ltmp4, $4  }
0xcc: {  	s5 =	sadd.s32 $0x1000, s6;
	[sflag:s29] =	ssyncadd.s32 $0xFFFFD800  }
0xcd: {  	[spmem:s1] =	stream.indirect.scatter.add.f32 [tilespmem:s0], [sflag:$0x1], $0x80, s5, s31, $0xb8;
	[tilespmem:$0x1C800] =	vst v63  }
0xce: {  	_ =	swait.ge [sflag:s29], $0x2800  }
0xcf: {  	s5 =	smov.u32 s7;
	[sflag:s29] =	ssyncset.done $0x0  }
0xd0: {  	s4 =	sshra.s32 s4, $0x2;
	[sflag:s29] =	ssyncadd.s32 $0xFFFFD800  }
0xd1: {  	[tilespmem:s0], [sflag:$0x1] =	stream.indirect.gather [hbm4b:s19+s31], $0x80, s4, s31, $0xb8;
	[tilespmem:$0x1C800] =	vst v63  }
0xd2: {  	_ =	swait.ge [sflag:s29], $0x2800  }
0xd3: {  	[sflag:s29] =	ssyncset.done $0x0  }
0xd4: {  	s4 =	sadd.s32 $0x1000, s4;
	[sflag:s29] =	ssyncadd.s32 $0xFFFFD800  }
0xd5: {  	[spmem:s1] =	stream.indirect.scatter.add.f32 [tilespmem:s0], [sflag:$0x1], $0x80, s4, s31, $0xb8;
	[tilespmem:$0x1C800] =	vst v63  }
0xd6: {  	_ =	swait.ge [sflag:s29], $0x2800  }
0xd7: {  	[sflag:s29] =	ssyncset.done $0x0  }
0xd8: {  	[sflag:s29] =	ssyncadd.s32 $0xFFFFD800  }
0xd9: {  	[bflag:$0x0] =	sbarrier.arrive $0xFFFF  }
0xda: {  	[tilespmem:s28], [sflag:$0x1] =	stream.linear.gather [spmem:s21], $0x4000, $0x38;
	[tilespmem:$0x1C800] =	vst v63  }
0xdb: {  	_ =	swait.ge [sflag:s29], $0x4000  }
0xdc: {  	[sflag:s29] =	ssyncset.done $0x0  }
0xdd: {  	[sflag:s29] =	ssyncadd.s32 $0xFFFFC000  }
0xde: {  	[hbm4b:s14+s2] =	stream.linear.scatter [tilespmem:s28], [sflag:$0x1], $0x4000, $0x38;
	[tilespmem:$0x1C800] =	vst v63  }
0xdf: {  	_ =	swait.ge [sflag:s29], $0x4000  }
0xe0: {  	[sflag:s29] =	ssyncset.done $0x0  }
0xe1: {  	[sflag:s29] =	ssyncadd.s32 $0xFFFFC000  }
0xe2: {  	[tilespmem:s28], [sflag:$0x1] =	stream.linear.gather [spmem:s22], $0x4000, $0x38;
	[tilespmem:$0x1C800] =	vst v63  }
0xe3: {  	_ =	swait.ge [sflag:s29], $0x4000  }
0xe4: {  	[sflag:s29] =	ssyncset.done $0x0  }
0xe5: {  	[sflag:s29] =	ssyncadd.s32 $0xFFFFC000  }
0xe6: {  	[hbm4b:s15+s2] =	stream.linear.scatter [tilespmem:s28], [sflag:$0x1], $0x4000, $0x38;
	[tilespmem:$0x1C800] =	vst v63  }
0xe7: {  	_ =	swait.ge [sflag:s29], $0x4000  }
0xe8: {  	[sflag:s29] =	ssyncset.done $0x0  }
0xe9: {  	[sflag:s29] =	ssyncadd.s32 $0xFFFFC000  }
0xea: {  	[tilespmem:s28], [sflag:$0x1] =	stream.linear.gather [spmem:s23], $0x4000, $0x38;
	[tilespmem:$0x1C800] =	vst v63  }
0xeb: {  	_ =	swait.ge [sflag:s29], $0x4000  }
0xec: {  	[sflag:s29] =	ssyncset.done $0x0  }
0xed: {  	[sflag:s29] =	ssyncadd.s32 $0xFFFFC000  }
0xee: {  	[hbm4b:s16+s2] =	stream.linear.scatter [tilespmem:s28], [sflag:$0x1], $0x4000, $0x38;
	[tilespmem:$0x1C800] =	vst v63  }
0xef: {  	_ =	swait.ge [sflag:s29], $0x4000  }
0xf0: {  	[sflag:s29] =	ssyncset.done $0x0  }
0xf1: {  	[sflag:s29] =	ssyncadd.s32 $0xFFFFC000  }
0xf2: {  	[tilespmem:s28], [sflag:$0x1] =	stream.linear.gather [spmem:s24], $0x4000, $0x38;
	[tilespmem:$0x1C800] =	vst v63  }
0xf3: {  	_ =	swait.ge [sflag:s29], $0x4000  }
0xf4: {  	[sflag:s29] =	ssyncset.done $0x0  }
0xf5: {  	[sflag:s29] =	ssyncadd.s32 $0xFFFFC000  }
0xf6: {  	[hbm4b:s17+s2] =	stream.linear.scatter [tilespmem:s28], [sflag:$0x1], $0x4000, $0x38;
	[tilespmem:$0x1C800] =	vst v63  }
0xf7: {  	_ =	swait.ge [sflag:s29], $0x4000  }
0xf8: {  	[sflag:s29] =	ssyncset.done $0x0  }
0xf9: {  	[sflag:s29] =	ssyncadd.s32 $0xFFFFC000  }
0xfa: {  	[tilespmem:s28], [sflag:$0x1] =	stream.linear.gather [spmem:s25], $0x4000, $0x38;
	[tilespmem:$0x1C800] =	vst v63  }
0xfb: {  	s3 =	sadd.s32 $0x1, s3;
	_ =	swait.ge [sflag:s29], $0x4000  }
0xfc: {  	p0 =	sne.s32 s3, s26;
	[sflag:s29] =	ssyncset.done $0x0  }
.Ltmp5:
0xfd: {  	[sflag:s29] =	ssyncadd.s32 $0xFFFFC000;
	(pc) =	sbr.rel @p0 .LBB2_1-.Ltmp5, $4  }
0xfe: {  	[hbm4b:s18+s2] =	stream.linear.scatter [tilespmem:s28], [sflag:$0x1], $0x4000, $0x38;
	[tilespmem:$0x1C800] =	vst v63  }
0xff: {  	_ =	swait.ge [sflag:s29], $0x4000  }
0x100: {  	[sflag:s29] =	ssyncset.done $0x0  }
0x101: {  	[sflag:s29] =	ssyncadd.s32 $0xFFFFC000  }
0x102: {  	_ =	sfence.sel $0x180000  }
0x103: {  	[bflag:$0x0] =	sbarrier.arrive $0xFFFF  }
0x104: {  	_ =	strace $0x9000004A  }
0x105: {  	s0 =	stileid.u32;
	[bflag:$0x2] =	sbarrier.arrive $0xFFFF  }
0x106: {  	p0 =	sne.s32 s0, $0x0;
	s0 =	rddreg [dreg:$0x2]  }
0x107: {  	s0 =	sadd.s32 @!p0 $0x100000, s0  }
0x108: {  	[sflag:s0] =	ssyncadd.tile.s32 @!p0 $0x1;
	_ =	shalt  }
.Lfunc_end2:
_tile_overlayer_lowered:
.L_overlay_start_2:
0x109: {  	(tag) =	ssettag $0x2  }
0x10a: {  	s0 =	rddreg [dreg:$0x0];
	s2 =	stileid.u32  }
0x10b: {  	s1 =	rddreg [dreg:$0x1];
	p0 =	sne.s32 s2, $0x0  }
0x10c: {  	s3 =	rddreg [dreg:$0x2];
	[bflag:$0x3] =	sbarrier.arrive $0xFFFF;
	s2 =	simm.s32 @!p0 $0x1C01  }
0x10d: {  	[timem:s3], [sflag:s2] =	dma.local @!p0 [hbm:s0], s1  }
0x10e: {  	s0 =	simm.s32 @!p0 $0x1  }
0x10f: {  	_ =	swait.ge @!p0 [sflag:s0], s1  }
0x110: {  	s1 =	ssub.s32 @!p0 $0x0, s1;
	[sflag:s0] =	ssyncset.done @!p0 $0x0  }
0x111: {  	[sflag:s0] =	ssyncadd.s32 @!p0 s1  }
0x112: {  	[bflag:$0x3] =	sbarrier.arrive $0xFFFF  }
0x113: {  	_ =	shalt  }

// kernel: kernel.15.cloned.1.call-start
scs
__scs_entry_jumppad:
0x0: {  	(pc) =	sbr.rel $0x88, $3  }
0x1: {  	(tag) =	ssettag $0x0;
	lr =	simm.s32 $0x1  }
0x2: {  	[smem:$0x3F95] =	sst lr;
	_ =	strace $0xD0000000  }
0x3: {  	_ = 	snop  }
0x4: {  	_ = 	snop  }
0x5: {  	_ = 	snop  }
0x6: {  	_ = 	snop  }
0x7: {  	_ = 	snop  }
__scs_overlays_trampoline_lowered:
0x8: {  	[smem:$0x3FA4] =	sst s0  }
0x9: {  	[smem:$0x3FA5] =	sst s1  }
0xa: {  	[smem:$0x3FA6] =	sst s2  }
0xb: {  	[smem:$0x3FA7] =	sst s3  }
0xc: {  	[smem:$0x3FA8] =	sst s4  }
0xd: {  	[smem:$0x3FA9] =	sst s5  }
0xe: {  	[smem:$0x3FAA] =	sst s6  }
0xf: {  	[smem:$0x3FAB] =	sst s7  }
0x10: {  	[smem:$0x3FAC] =	sst s8  }
0x11: {  	[smem:$0x3FAD] =	sst s9;
	s0 =	simm.s32 @!p0 $0x0  }
0x12: {  	s1 =	sld [smem:$0x3F93];
	s0 =	simm.s32 @p0 $0x1  }
0x13: {  	[smem:$0x3FAE] =	sst s0;
	s0 =	simm.s32 @!p1 $0x0  }
0x14: {  	s2 =	sld [smem:$0x3F92];
	s0 =	simm.s32 @p1 $0x1  }
0x15: {  	[smem:$0x3FAF] =	sst s0;
	s0 =	simm.s32 @!p2 $0x0  }
0x16: {  	s3 =	sld [smem:$0x3FDB];
	s0 =	simm.s32 @p2 $0x1  }
0x17: {  	s4 =	simm.s32 $0x1BF5;
	[smem:$0x3FB1] =	sst s0  }
0x18: {  	s0 =	sld [smem:$0x3F94];
	_ =	swait.ge [sflag:s4], $0x0  }
0x19: {  	s7 =	sld [smem:$0x3F95]  }
0x1a: {  	s8 =	sadd.s32 $0xFFFFE003, lr  }
0x1b: {  	s9 =	sadd.s32 $0xFFFFFEF7, lr;
	s5 =	simm.s32 $0xFFFFFFFF;
	p2 =	slt.u32 s8, $0xFFFFF086  }
0x1c: {  	p1 =	slt.u32 s9, $0xF7A;
	s5 =	simm.s32 @!p2 $0x0  }
0x1d: {  	s5 =	simm.s32 @p1 $0x1;
	p0 =	seq.s32 s7, s2  }
0x1e: {  	s7 =	smul.u32 @!p0 $0xF7A, s2;
	p2 =	seq.s32 @!p0 s5, $0x0  }
0x1f: {  	s9 =	smul.u32 $0xF7A, s1;
	s8 =	simm.s32 @!p0 $0x1BF5;
	p2 =	por !p2, p0  }
0x20: {  	[sflag:s8] =	ssyncset.s32 @!p0 $0xFFFFF086;
	s6 =	sadd.s32 @!p0 s3, s7;
	s7 =	simm.s32 @!p0 $0x108  }
0x21: {  	s3 =	sadd.s32 s3, s9;
	s6 =	sadd.s32 @!p0 $0x88, s6;
	s7 =	simm.s32 @p2 $0x1082  }
0x22: {  	[simem:s7], [sflag:s8] =	dma.local @!p0 [hbm:s6], $0xF7A  }
0x23: {  	s9 =	sor.u32 $0xD0000000, s2;
	s6 =	simm.s32 $0x108;
	_ =	swait.ge @!p0 [sflag:s8], $0x0  }
0x24: {  	s3 =	sadd.s32 $0x88, s3;
	s6 =	simm.s32 @!p1 $0x1082;
	[sflag:s4] =	ssyncset.s32 $0xFFFFF086  }
0x25: {  	[simem:s6], [sflag:s4] =	dma.local [hbm:s3], $0xF7A  }
0x26: {  	[smem:$0x3F95] =	sst s1;
	(tag) =	ssettag s2;
	_ =	strace s9  }
0x27: {  	s1 =	sld [smem:$0x3FA5]  }
0x28: {  	s2 =	sld [smem:$0x3FA6]  }
0x29: {  	s4 =	sld [smem:$0x3FA8]  }
0x2a: {  	p0 =	seq.s32 s5, $0x0;
	s5 =	sld [smem:$0x3FA9]  }
0x2b: {  	s6 =	sld [smem:$0x3FAA]  }
0x2c: {  	s7 =	sld [smem:$0x3FAB]  }
0x2d: {  	s3 =	simm.s32 $0x108;
	s8 =	sld [smem:$0x3FAC]  }
0x2e: {  	s3 =	simm.s32 @!p0 $0x1082;
	s9 =	sld [smem:$0x3FAD]  }
0x2f: {  	lr =	sadd.s32 s0, s3;
	s0 =	sld [smem:$0x3FA4]  }
0x30: {  	s3 =	sld [smem:$0x3FA7]  }
0x31: {  	[smem:$0x3FB0] =	sst s10  }
0x32: {  	s10 =	sld [smem:$0x3FAE];
	_ =	sdelay $0x3  }
0x33: {  	p0 =	seq.s32 s10, $0x1;
	s10 =	sld [smem:$0x3FB0];
	_ =	sdelay $0x3  }
0x34: {  	[smem:$0x3FB0] =	sst s10  }
0x35: {  	s10 =	sld [smem:$0x3FAF];
	_ =	sdelay $0x3  }
0x36: {  	p1 =	seq.s32 s10, $0x1;
	s10 =	sld [smem:$0x3FB0];
	_ =	sdelay $0x3  }
0x37: {  	[smem:$0x3FB0] =	sst s10  }
0x38: {  	s10 =	sld [smem:$0x3FB1]  }
0x39: {  	_ = 	snop;
	(pc) =	sbr.ind lr, $3  }
0x3a: {  	_ = 	snop  }
0x3b: {  	_ = 	snop  }
0x3c: {  	p2 =	seq.s32 s10, $0x1;
	s10 =	sld [smem:$0x3FB0]  }
0x3d: {  	_ =	shalt  }
0x3e: {  	_ =	shalt  }
0x3f: {  	_ =	shalt  }
0x40: {  	_ =	shalt  }
0x41: {  	_ =	shalt  }
0x42: {  	_ =	shalt  }
0x43: {  	_ =	shalt  }
0x44: {  	_ =	shalt  }
0x45: {  	_ =	shalt  }
0x46: {  	_ =	shalt  }
0x47: {  	_ =	shalt  }
0x48: {  	_ =	shalt  }
0x49: {  	_ =	shalt  }
0x4a: {  	_ =	shalt  }
0x4b: {  	_ =	shalt  }
0x4c: {  	_ =	shalt  }
0x4d: {  	_ =	shalt  }
0x4e: {  	_ =	shalt  }
0x4f: {  	_ =	shalt  }
0x50: {  	_ =	shalt  }
0x51: {  	_ =	shalt  }
0x52: {  	_ =	shalt  }
0x53: {  	_ =	shalt  }
0x54: {  	_ =	shalt  }
0x55: {  	_ =	shalt  }
0x56: {  	_ =	shalt  }
0x57: {  	_ =	shalt  }
0x58: {  	_ =	shalt  }
0x59: {  	_ =	shalt  }
0x5a: {  	_ =	shalt  }
0x5b: {  	_ =	shalt  }
0x5c: {  	_ =	shalt  }
0x5d: {  	_ =	shalt  }
0x5e: {  	_ =	shalt  }
0x5f: {  	_ =	shalt  }
0x60: {  	_ =	shalt  }
0x61: {  	_ =	shalt  }
0x62: {  	_ =	shalt  }
0x63: {  	_ =	shalt  }
0x64: {  	_ =	shalt  }
0x65: {  	_ =	shalt  }
0x66: {  	_ =	shalt  }
0x67: {  	_ =	shalt  }
0x68: {  	_ =	shalt  }
0x69: {  	_ =	shalt  }
0x6a: {  	_ =	shalt  }
0x6b: {  	_ =	shalt  }
0x6c: {  	_ =	shalt  }
0x6d: {  	_ =	shalt  }
0x6e: {  	_ =	shalt  }
0x6f: {  	_ =	shalt  }
0x70: {  	_ =	shalt  }
0x71: {  	_ =	shalt  }
0x72: {  	_ =	shalt  }
0x73: {  	_ =	shalt  }
0x74: {  	_ =	shalt  }
0x75: {  	_ =	shalt  }
0x76: {  	_ =	shalt  }
0x77: {  	_ =	shalt  }
0x78: {  	_ =	shalt  }
0x79: {  	_ =	shalt  }
0x7a: {  	_ =	shalt  }
0x7b: {  	_ =	shalt  }
0x7c: {  	_ =	shalt  }
0x7d: {  	_ =	shalt  }
0x7e: {  	_ =	shalt  }
0x7f: {  	_ =	shalt  }
0x80: {  	_ =	shalt  }
0x81: {  	_ =	shalt  }
0x82: {  	_ =	shalt  }
0x83: {  	_ =	shalt  }
0x84: {  	_ =	shalt  }
0x85: {  	_ =	shalt  }
0x86: {  	_ =	shalt  }
0x87: {  	_ =	shalt  }
.Lfunc_end0:
.L_simem_size_0:
called_computation.2_lowered:
.L_overlay_start_0:
0x88: {  	s2 =	sld [smem:$0x3FD9]  }
0x89: {  	s3 =	sld [smem:$0x3FFE];
	_ =	sdelay $0x1  }
0x8a: {  	s1 =	srdreg.scid  }
0x8b: {  	s0 =	sand.u32 $0x1, s1  }
0x8c: {  	s17 =	sshll.u32 s0, $0xA;
	s2 =	sadd.s32 s3, s2  }
0x8d: {  	s2 =	sadd.s32 s2, s17  }
0x8e: {  	[smem:$0x3FBC] =	sst s2  }
0x8f: {  	_ = 	snop  }
0x90: {  	s2 =	sld [smem:$0x3FD0];
	(tm) =	ssettm $0x1  }
0x91: {  	s18 =	sld [smem:$0x3FFB];
	_ =	sdelay $0x3  }
0x92: {  	_ =	strace s18  }
0x93: {  	s3 =	sld [smem:$0x3FFC];
	_ =	sdelay $0x3  }
0x94: {  	_ =	strace s3  }
0x95: {  	s3 =	sld [smem:$0x3FFD];
	_ =	sdelay $0x3  }
0x96: {  	_ =	strace s3  }
0x97: {  	_ =	strace $0x8FFFFFFF  }
0x98: {  	s19 =	sld [smem:$0x3FDB];
	_ =	sdelay $0x1  }
0x99: {  	s4 =	simm.s32 $_scs_section_size  }
0x9a: {  	s5 =	simm.s32 $_size__tile_overlayer_lowered;
	s6 =	simm.s32 $_tile_overlayer_lowered  }
0x9b: {  	s22 =	simm.s32 $0x1BFF;
	s21 =	sshll.u32 s6, $0x1;
	s3 =	sadd.s32 s4, s19  }
0x9c: {  	s7 =	simm.s32 $0x0;
	s20 =	sshll.u32 s5, $0x1;
	s5 =	sadd.s32 s21, s3  }
0x9d: {  	[timem:s7], [sflag:s22] =	dma.local [hbm:s5], s20  }
0x9e: {  	_ =	swait.ge [sflag:s22], s20  }
0x9f: {  	s4 =	ssub.s32 $0x0, s20;
	[sflag:s22] =	ssyncset.done $0x0  }
0xa0: {  	[sflag:s22] =	ssyncadd.s32 s4;
	_ =	sdelay $0x1  }
0xa1: {  	s23 =	simm.s32 $0x1B8B  }
0xa2: {  	_ =	swait.ge [sflag:s23], $0x1  }
0xa3: {  	[sflag:s23] =	ssyncset.done $0x0  }
0xa4: {  	s25 =	simm.s32 $0x1B8E;
	s24 =	sld [smem:$0x3FFE];
	[sflag:s23] =	ssyncadd.s32 $0xFFFFFFFF  }
0xa5: {  	s26 =	simm.s32 $execute0_lowered;
	[smem:$0x3FD2] =	sst s25  }
0xa6: {  	s5 =	sshll.u32 s26, $0x1;
	_ =	strace $0x8000004C;
	[dreg:$0x1] =	wrdreg $0xFFFFFFFF  }
0xa7: {  	s28 =	simm.s32 $_size_execute0_lowered;
	s3 =	sadd.s32 s3, s5;
	[dreg:$0x0] =	wrdreg $0x0  }
0xa8: {  	s5 =	sshll.u32 s28, $0x1;
	[dreg:$0x2] =	wrdreg s3  }
0xa9: {  	[dreg:$0x3] =	wrdreg s5  }
0xaa: {  	[dreg:$0x4] =	wrdreg $0xC0  }
0xab: {  	_ =	task [dreg:s7], $0x5FFFF  }
0xac: {  	[dreg:$0x1] =	wrdreg $0xFFFFFFFF  }
0xad: {  	[dreg:$0x0] =	wrdreg $0x60  }
0xae: {  	[dreg:$0x2] =	wrdreg s24  }
0xaf: {  	[dreg:$0x3] =	wrdreg s2  }
0xb0: {  	[dreg:$0x4] =	wrdreg $0x9  }
0xb1: {  	_ =	task.clear_ibuf [dreg:s7], $0x5FFFF;
	_ =	strace $0x9000004C  }
0xb2: {  	s29 =	simm.s32 $0x9;
	_ =	strace $0x8000004E  }
0xb3: {  	_ =	swait.ge [sflag:s29], $0x1  }
0xb4: {  	[sflag:s29] =	ssyncadd.s32 $0xFFFFFFFF  }
0xb5: {  	_ =	strace $0x9000004E  }
0xb6: {  	_ =	sfence  }
0xb7: {  	s30 =	sld [smem:$0x0];
	_ =	sdelay $0x2  }
0xb8: {  	s31 =	sshll.u32 s1, $0xD;
	s1 =	sshrl.u32 s1, $0x2  }
0xb9: {  	s3 =	sand.u32 $0x4000, s31;
	s1 =	sadd.s32 s1, s30  }
0xba: {  	s0 =	sor.u32 s3, s0;
	s1 =	sshll.u32 s1, $0x11  }
0xbb: {  	s0 =	sor.u32 s1, s0  }
0xbc: {  	s0 =	sadd.s32 $0x8F2B, s0  }
0xbd: {  	[sflag:s0] =	ssyncadd.remote.s32 $0x1  }
0xbe: {  	_ =	sfence.sel $0xFFFF  }
0xbf: {  	[dreg:$0x0] =	wrdreg $0xFFFFFFFF;
	(pc) =	sbr.abs _section_cstart, $3  }
0xc0: {  	[dreg:$0x1] =	wrdreg $0xFFFFFFFF  }
0xc1: {  	_ =	task.clear_ibuf [dreg:s7], $0x2FFFF;
	_ =	strace $0x9FFFFFFF  }
0xc2: {  	(tm) =	ssettm $0x7FFFFFFF  }
0xc3: {  	_ =	shalt  }
tec
execute0_lowered:
.L_overlay_start_1:
0x0: {  	(tag) =	ssettag $0x1  }
0x1: {  	s7 =	rddreg [dreg:$0x0]  }
0x2: {  	s0 =	srdreg.scid;
	s2 =	rddreg [dreg:$0x1];
	s3 =	simm.s32 $0x0  }
0x3: {  	s13 =	simm.s32 $0x10000;
	s14 =	simm.s32 $0x12800;
	s15 =	simm.s32 $0x15000  }
0x4: {  	s16 =	simm.s32 $0x800;
	s17 =	simm.s32 $0x17800;
	s18 =	simm.s32 $0x80  }
0x5: {  	s19 =	simm.s32 $0x400;
	s20 =	simm.s32 $0x0;
	s5 =	sand.u32 $0x1, s0  }
0x6: {  	s0 =	stileid.u32;
	[smem:$0x7FF] =	sst s3;
	s1 =	sshll.u32 s5, $0x4  }
0x7: {  	s30 =	sshll.u32 s0, $0x7;
	s31 =	ssub.s32 $0x2, s5;
	s8 =	sor.u32 s0, s1  }
0x8: {  	s5 =	sadd.s32 $0xD400, s7;
	s1 =	rddreg [dreg:$0x2];
	s4 =	sshrl.u32 s8, $0x3  }
0x9: {  	_ =	strace $0x8000004D;
	s9 =	sand.u32 $0x380, s30;
	s6 =	smul.u32 $0x50000, s4  }
.Ltmp0:
0xa: {  	s11 =	sshrl.u32 s31, $0x1;
	s12 =	sshll.u32 s8, $0x2;
	(pc) =	sbr.rel .LBB2_1-.Ltmp0, $4  }
0xb: {  	s4 =	sadd.s32 $0x17200, s7;
	v0 =	vmov s12;
	s12 =	simm.s32 $0xD800;
	s6 =	sor.u32 s9, s6  }
0xc: {  	s9 =	ssub.s32 s31, s11;
	s11 =	simm.s32 $0x3800;
	s10 =	sshrl.u32 s6, $0x3  }
0xd: {  	v4 =	vlaneseq.u32;
	v5 =	vimm.f32 $1.000000000e+00;
	s6 =	sadd.s32 $0x3600, s7;
	s8 =	smax.u32 s9, $0x1;
	s7 =	sadd.s32 s10, s7  }
0xe: {  	v1 =	vor.u32 $0x1, v0;
	v2 =	vor.u32 $0x2, v0;
	v3 =	vor.u32 $0x3, v0;
	s9 =	simm.s32 $0x1000;
	s10 =	simm.s32 $0x1;
	s7 =	sadd.s32 $0x3F200, s7  }
.LBB2_19:
0xf: {  	s20 =	sadd.s32 $0x1, s20  }
0x10: {  	p0 =	sne.s32 s20, s8  }
.Ltmp1:
0x11: {  	_ = 	snop;
	(pc) =	sbr.rel @!p0 .LBB2_20-.Ltmp1, $4  }
0x12: {  	[hbm4b:s7+s18] =	stream.strided.scatter [tilespmem:s12], [sflag:$0x1], $0xA000, s19, s18, $0x38;
	[tilespmem:$0x19F80] =	vst v63  }
0x13: {  	_ =	swait.ge [sflag:s10], $0xA000  }
0x14: {  	[sflag:s10] =	ssyncset.done $0x0  }
0x15: {  	[sflag:s10] =	ssyncadd.s32 $0xFFFF6000  }
.LBB2_1:
0x16: {  	s21 =	simm.s32 $0x0  }
.LBB2_2:
0x17: {  	s22 =	simm.s32 $0x0  }
0x18: {  	s23 =	smul.u32 $0x500, s21;
	v7 =	vor.u32 s22, v4  }
0x19: {  	v8 =	vshll.u32 v7, $0x7  }
0x1a: {  	s23 =	sadd.s32 s4, s23;
	v9 =	vor.u32 v0, v8  }
0x1b: {  	[tilespmem:s9], [sflag:$0x1] =	stream.linear.gather [hbm4b:s23+s22], $0x2800, $0x38;
	[tilespmem:$0x19F80] =	vst v63  }
0x1c: {  	s30 =	smul.u32 $0x50, s21;
	_ =	swait.ge [sflag:s10], $0x2800  }
0x1d: {  	[sflag:s10] =	ssyncset.done $0x0  }
0x1e: {  	v6 =	vmov s30;
	[sflag:s10] =	ssyncadd.s32 $0xFFFFD800  }
0x1f: {  	v7 =	vadd.s32 v6, v7;
	v9 =	vld.idx.msk [tilespmem:v9+s9+$0x0], $0xffff  }
0x20: {  	v10 =	vor.u32 v1, v8;
	_ =	sdelay $0x3  }
0x21: {  	[tilespmem:v7+s11+$0x0] =	vst.idx.msk $0xffff, v9;
	v7 =	vand.u32 $0x7FFF, v7  }
0x22: {  	v9 =	vld.idx.msk [tilespmem:v10+s9+$0x0], $0xffff;
	v10 =	vadd.s32 $0x2800, v7  }
0x23: {  	v11 =	vor.u32 v2, v8;
	_ =	sdelay $0x3  }
0x24: {  	[tilespmem:v10+s11+$0x0] =	vst.idx.msk $0xffff, v9  }
0x25: {  	v10 =	vadd.s32 $0x5000, v7;
	v9 =	vld.idx.msk [tilespmem:v11+s9+$0x0], $0xffff  }
0x26: {  	v11 =	vor.u32 v3, v8;
	_ =	sdelay $0x3  }
0x27: {  	s31 =	simm.s32 $0x10;
	[tilespmem:v10+s11+$0x0] =	vst.idx.msk $0xffff, v9  }
0x28: {  	s22 =	simm.s32 $0x20;
	v8 =	vor.u32 s31, v4;
	v9 =	vld.idx.msk [tilespmem:v11+s9+$0x0], $0xffff  }
.LBB2_3:
0x29: {  	p0 =	sne.s32 s22, $0x40;
	v10 =	vshll.u32 v8, $0x7;
	v7 =	vadd.s32 $0x7800, v7  }
0x2a: {  	v11 =	vor.u32 v0, v10;
	_ =	sdelay $0x3  }
0x2b: {  	[tilespmem:v7+s11+$0x0] =	vst.idx.msk $0xffff, v9  }
0x2c: {  	v7 =	vld.idx.msk [tilespmem:v11+s9+$0x0], $0xffff  }
0x2d: {  	v8 =	vadd.s32 v6, v8  }
0x2e: {  	v9 =	vor.u32 v1, v10;
	_ =	sdelay $0x3  }
0x2f: {  	[tilespmem:v8+s11+$0x0] =	vst.idx.msk $0xffff, v7  }
0x30: {  	v7 =	vand.u32 $0x7FFF, v8;
	v9 =	vld.idx.msk [tilespmem:v9+s9+$0x0], $0xffff  }
0x31: {  	v8 =	vadd.s32 $0x2800, v7  }
0x32: {  	v11 =	vor.u32 v2, v10;
	_ =	sdelay $0x3  }
0x33: {  	[tilespmem:v8+s11+$0x0] =	vst.idx.msk $0xffff, v9  }
0x34: {  	v8 =	vld.idx.msk [tilespmem:v11+s9+$0x0], $0xffff  }
0x35: {  	v9 =	vadd.s32 $0x5000, v7  }
0x36: {  	v10 =	vor.u32 v3, v10  }
.Ltmp2:
0x37: {  	(pc) =	sbr.rel @p0 .LBB2_3-.Ltmp2, $3  }
0x38: {  	_ =	sdelay $0x1  }
0x39: {  	[tilespmem:v9+s11+$0x0] =	vst.idx.msk $0xffff, v8  }
0x3a: {  	v8 =	vor.u32 s22, v4;
	s22 =	sadd.s32 $0x10, s22;
	v9 =	vld.idx.msk [tilespmem:v10+s9+$0x0], $0xffff  }
0x3b: {  	v10 =	vshll.u32 v8, $0x7;
	v7 =	vadd.s32 $0x7800, v7  }
0x3c: {  	v11 =	vor.u32 v0, v10;
	_ =	sdelay $0x3  }
0x3d: {  	[tilespmem:v7+s11+$0x0] =	vst.idx.msk $0xffff, v9  }
0x3e: {  	v6 =	vadd.s32 v6, v8;
	v7 =	vld.idx.msk [tilespmem:v11+s9+$0x0], $0xffff  }
0x3f: {  	v59 =	vor.u32 v1, v10;
	_ =	sdelay $0x3  }
0x40: {  	[tilespmem:v6+s11+$0x0] =	vst.idx.msk $0xffff, v7;
	v6 =	vand.u32 $0x7FFF, v6  }
0x41: {  	v7 =	vld.idx.msk [tilespmem:v59+s9+$0x0], $0xffff;
	v60 =	vadd.s32 $0x2800, v6  }
0x42: {  	v61 =	vor.u32 v2, v10;
	_ =	sdelay $0x3  }
0x43: {  	[tilespmem:v60+s11+$0x0] =	vst.idx.msk $0xffff, v7  }
0x44: {  	v62 =	vadd.s32 $0x5000, v6;
	v7 =	vld.idx.msk [tilespmem:v61+s9+$0x0], $0xffff  }
0x45: {  	v63 =	vor.u32 v3, v10;
	_ =	sdelay $0x3  }
0x46: {  	s21 =	sadd.s32 $0x1, s21;
	[tilespmem:v62+s11+$0x0] =	vst.idx.msk $0xffff, v7  }
0x47: {  	p0 =	sne.s32 s21, $0x80;
	v6 =	vadd.s32 $0x7800, v6;
	v7 =	vld.idx.msk [tilespmem:v63+s9+$0x0], $0xffff  }
.Ltmp3:
0x48: {  	_ = 	snop;
	(pc) =	sbr.rel @p0 .LBB2_2-.Ltmp3, $2  }
0x49: {  	_ =	sdelay $0x2  }
0x4a: {  	[tilespmem:v6+s11+$0x0] =	vst.idx.msk $0xffff, v7  }
0x4b: {  	s21 =	simm.s32 $0x0  }
0x4c: {  	[tilespmem:s12], [sflag:$0x1] =	stream.linear.gather [hbm4b:s2+s21], $0x2800, $0x38;
	[tilespmem:$0x19F80] =	vst v63  }
0x4d: {  	_ =	swait.ge [sflag:s10], $0x2800  }
0x4e: {  	[sflag:s10] =	ssyncset.done $0x0  }
0x4f: {  	[sflag:s10] =	ssyncadd.s32 $0xFFFFD800  }
0x50: {  	[tilespmem:s13], [sflag:$0x1] =	stream.linear.gather [hbm4b:s2+s21], $0x2800, $0x38;
	[tilespmem:$0x19F80] =	vst v63  }
0x51: {  	_ =	swait.ge [sflag:s10], $0x2800  }
0x52: {  	[sflag:s10] =	ssyncset.done $0x0  }
0x53: {  	[sflag:s10] =	ssyncadd.s32 $0xFFFFD800  }
0x54: {  	[tilespmem:s14], [sflag:$0x1] =	stream.linear.gather [hbm4b:s2+s21], $0x2800, $0x38;
	[tilespmem:$0x19F80] =	vst v63  }
0x55: {  	_ =	swait.ge [sflag:s10], $0x2800  }
0x56: {  	[sflag:s10] =	ssyncset.done $0x0  }
.Ltmp4:
0x57: {  	[sflag:s10] =	ssyncadd.s32 $0xFFFFD800;
	(pc) =	sbr.rel .LBB2_6-.Ltmp4, $4  }
0x58: {  	[tilespmem:s15], [sflag:$0x1] =	stream.linear.gather [hbm4b:s2+s21], $0x2800, $0x38;
	[tilespmem:$0x19F80] =	vst v63  }
0x59: {  	_ =	swait.ge [sflag:s10], $0x2800  }
0x5a: {  	[sflag:s10] =	ssyncset.done $0x0  }
0x5b: {  	[sflag:s10] =	ssyncadd.s32 $0xFFFFD800  }
.LBB2_18:
0x5c: {  	s21 =	sadd.s32 $0x1, s21  }
0x5d: {  	p0 =	sne.s32 s21, $0xA0  }
.Ltmp5:
0x5e: {  	_ = 	snop;
	(pc) =	sbr.rel @!p0 .LBB2_19-.Ltmp5, $1  }
0x5f: {  	_ =	sdelay $0x3  }
.LBB2_6:
0x60: {  	s22 =	smul.u32 $0xFA, s21;
	_ =	sdelay $0x1  }
0x61: {  	s23 =	sadd.s32 s5, s22  }
0x62: {  	[tilespmem:s3], [sflag:$0x1] =	stream.linear.gather [hbm4b:s23+s3], $0x7D0, $0x38;
	[tilespmem:$0x19F80] =	vst v63  }
0x63: {  	_ =	swait.ge [sflag:s10], $0x7D0  }
0x64: {  	[sflag:s10] =	ssyncset.done $0x0  }
.Ltmp6:
0x65: {  	s22 =	sadd.s32 s6, s22;
	[sflag:s10] =	ssyncadd.s32 $0xFFFFF830;
	(pc) =	sbr.rel .LBB2_7-.Ltmp6, $4  }
0x66: {  	[tilespmem:s16], [sflag:$0x1] =	stream.linear.gather [hbm4b:s22+s3], $0x7D0, $0x38;
	[tilespmem:$0x19F80] =	vst v63  }
0x67: {  	_ =	swait.ge [sflag:s10], $0x7D0  }
0x68: {  	s24 =	simm.s32 $0x820;
	[sflag:s10] =	ssyncset.done $0x0  }
0x69: {  	s23 =	simm.s32 $0x20;
	s22 =	simm.s32 $0xFFFFFFFB;
	[sflag:s10] =	ssyncadd.s32 $0xFFFFF830  }
.LBB2_17:
0x6a: {  	s22 =	sadd.s32 $0x5, s22  }
0x6b: {  	p0 =	slt.u32 s22, $0x78  }
.Ltmp7:
0x6c: {  	_ = 	snop;
	(pc) =	sbr.rel @!p0 .LBB2_18-.Ltmp7, $2  }
0x6d: {  	_ =	sdelay $0x2  }
0x6e: {  	s23 =	sadd.s32 $0x50, s23;
	s24 =	sadd.s32 $0x50, s24  }
.LBB2_7:
0x6f: {  	v12 =	vld [tilespmem:s24+$0xFFFFFFE0];
	_ =	sdelay $0x4  }
0x70: {  	v6 =	vld [tilespmem:s23+$0xFFFFFFE0];
	_ =	sdelay $0x2  }
0x71: {  	[tilespmem:v12+s17+$0x0] =	vst.idx.msk $0xffff, v4  }
0x72: {  	v7 =	vld.idx.msk [tilespmem:v12+s17+$0x0], $0xffff;
	_ =	sdelay $0x3  }
0x73: {  	v13 =	vld.idx.msk [tilespmem:v6+s11+$0x0], $0xffff  }
0x74: {  	v8 =	vld.idx.msk [tilespmem:v12+s12+$0x0], $0xffff;
	vm0 =	veq.s32 v7, v4  }
0x75: {  	v7 =	vsel vm0, $0x0, v5  }
0x76: {  	v9 =	vadd.s32 $0x2800, v6;
	(xrf0) =	vmax.scan.msk.f32 $0xffff, v7  }
0x77: {  	v10 =	vadd.s32 $0x2800, v12;
	_ =	sdelay $0x1  }
0x78: {  	v7 =	vmin.f32 v8, v13  }
0x79: {  	[tilespmem:v12+s12+$0x0] =	vst.idx.msk $0xffff, v7  }
0x7a: {  	v11 =	vld.idx.msk [tilespmem:v9+s11+$0x0], $0xffff  }
0x7b: {  	v7 =	vld.idx.msk [tilespmem:v10+s12+$0x0], $0xffff;
	v14, _, _ =	vpop (xrf0)  }
0x7c: {  	(v2sf) =	vpush v14, $0xF  }
0x7d: {  	v9 =	vadd.s32 $0x5000, v6  }
0x7e: {  	v8 =	vadd.s32 $0x5000, v12;
	_ =	sdelay $0x1  }
0x7f: {  	v7 =	vmin.f32 v7, v11  }
0x80: {  	[tilespmem:v10+s12+$0x0] =	vst.idx.msk $0xffff, v7  }
0x81: {  	v9 =	vld.idx.msk [tilespmem:v9+s11+$0x0], $0xffff  }
0x82: {  	v7 =	vld.idx.msk [tilespmem:v8+s12+$0x0], $0xffff;
	_ =	sdelay $0x1  }
0x83: {  	v14 =	vadd.s32 $0x7800, v6  }
0x84: {  	v6 =	vadd.s32 $0x7800, v12;
	_ =	sdelay $0x1  }
0x85: {  	v7 =	vmin.f32 v7, v9  }
0x86: {  	[tilespmem:v8+s12+$0x0] =	vst.idx.msk $0xffff, v7  }
0x87: {  	v7 =	vld.idx.msk [tilespmem:v14+s11+$0x0], $0xffff  }
0x88: {  	v14 =	vld.idx.msk [tilespmem:v6+s12+$0x0], $0xffff;
	s25 =	spop (v2sf)  }
0x89: {  	p0 =	sgt.f32 s25, $0.0e+00  }
.Ltmp8:
0x8a: {  	_ = 	snop;
	(pc) =	sbr.rel @!p0 .LBB2_9-.Ltmp8, $3  }
0x8b: {  	_ =	sdelay $0x1  }
0x8c: {  	v14 =	vmin.f32 v14, v7  }
0x8d: {  	[tilespmem:v6+s12+$0x0] =	vst.idx.msk $0xffff, v14  }
0x8e: {  	_ =	sdelay $0x3  }
0x8f: {  	v14 =	vld.idx.msk [tilespmem:v12+s12+$0x0], $0xffff;
	_ =	sdelay $0x4  }
0x90: {  	vm0 =	vgt.f32 v14, v13;
	_ =	sdelay $0x4  }
0x91: {  	v14 =	vmin.f32 v14, v13  }
0x92: {  	[tilespmem:v12+s12+$0x0] =	vst.idx.msk vm0, v14  }
0x93: {  	v14 =	vld.idx.msk [tilespmem:v12+s12+$0x0], $0xffff;
	_ =	sdelay $0x4  }
0x94: {  	vm13 =	vgt.f32 v14, v13;
	_ =	sdelay $0x4  }
0x95: {  	v14 =	vmin.f32 v14, v13  }
0x96: {  	[tilespmem:v12+s12+$0x0] =	vst.idx.msk vm13, v14  }
0x97: {  	v14 =	vld.idx.msk [tilespmem:v12+s12+$0x0], $0xffff;
	_ =	sdelay $0x4  }
0x98: {  	vm14 =	vgt.f32 v14, v13;
	_ =	sdelay $0x4  }
0x99: {  	v14 =	vmin.f32 v14, v13  }
0x9a: {  	[tilespmem:v12+s12+$0x0] =	vst.idx.msk vm14, v14  }
0x9b: {  	v14 =	vld.idx.msk [tilespmem:v12+s12+$0x0], $0xffff;
	_ =	sdelay $0x4  }
0x9c: {  	vm15 =	vgt.f32 v14, v13;
	_ =	sdelay $0x4  }
0x9d: {  	v14 =	vmin.f32 v14, v13  }
0x9e: {  	[tilespmem:v12+s12+$0x0] =	vst.idx.msk vm15, v14  }
0x9f: {  	v14 =	vld.idx.msk [tilespmem:v12+s12+$0x0], $0xffff;
	_ =	sdelay $0x4  }
0xa0: {  	vm4 =	vgt.f32 v14, v13;
	_ =	sdelay $0x4  }
0xa1: {  	v14 =	vmin.f32 v14, v13  }
0xa2: {  	[tilespmem:v12+s12+$0x0] =	vst.idx.msk vm4, v14  }
0xa3: {  	v14 =	vld.idx.msk [tilespmem:v12+s12+$0x0], $0xffff;
	_ =	sdelay $0x4  }
0xa4: {  	vm5 =	vgt.f32 v14, v13;
	_ =	sdelay $0x4  }
0xa5: {  	v14 =	vmin.f32 v14, v13  }
0xa6: {  	[tilespmem:v12+s12+$0x0] =	vst.idx.msk vm5, v14  }
0xa7: {  	v14 =	vld.idx.msk [tilespmem:v12+s12+$0x0], $0xffff;
	_ =	sdelay $0x4  }
0xa8: {  	vm6 =	vgt.f32 v14, v13;
	_ =	sdelay $0x4  }
0xa9: {  	v14 =	vmin.f32 v14, v13  }
0xaa: {  	[tilespmem:v12+s12+$0x0] =	vst.idx.msk vm6, v14  }
0xab: {  	v14 =	vld.idx.msk [tilespmem:v12+s12+$0x0], $0xffff;
	_ =	sdelay $0x4  }
0xac: {  	vm7 =	vgt.f32 v14, v13;
	_ =	sdelay $0x4  }
0xad: {  	v14 =	vmin.f32 v14, v13  }
0xae: {  	[tilespmem:v12+s12+$0x0] =	vst.idx.msk vm7, v14  }
0xaf: {  	v14 =	vld.idx.msk [tilespmem:v12+s12+$0x0], $0xffff;
	_ =	sdelay $0x4  }
0xb0: {  	vm8 =	vgt.f32 v14, v13;
	_ =	sdelay $0x4  }
0xb1: {  	v14 =	vmin.f32 v14, v13  }
0xb2: {  	[tilespmem:v12+s12+$0x0] =	vst.idx.msk vm8, v14  }
0xb3: {  	v14 =	vld.idx.msk [tilespmem:v12+s12+$0x0], $0xffff;
	_ =	sdelay $0x4  }
0xb4: {  	vm9 =	vgt.f32 v14, v13;
	_ =	sdelay $0x4  }
0xb5: {  	v14 =	vmin.f32 v14, v13  }
0xb6: {  	[tilespmem:v12+s12+$0x0] =	vst.idx.msk vm9, v14  }
0xb7: {  	v14 =	vld.idx.msk [tilespmem:v12+s12+$0x0], $0xffff;
	_ =	sdelay $0x4  }
0xb8: {  	vm10 =	vgt.f32 v14, v13;
	_ =	sdelay $0x4  }
0xb9: {  	v14 =	vmin.f32 v14, v13  }
0xba: {  	[tilespmem:v12+s12+$0x0] =	vst.idx.msk vm10, v14  }
0xbb: {  	v14 =	vld.idx.msk [tilespmem:v12+s12+$0x0], $0xffff;
	_ =	sdelay $0x4  }
0xbc: {  	vm11 =	vgt.f32 v14, v13;
	_ =	sdelay $0x4  }
0xbd: {  	v14 =	vmin.f32 v14, v13  }
0xbe: {  	[tilespmem:v12+s12+$0x0] =	vst.idx.msk vm11, v14  }
0xbf: {  	v14 =	vld.idx.msk [tilespmem:v12+s12+$0x0], $0xffff;
	_ =	sdelay $0x4  }
0xc0: {  	vm12 =	vgt.f32 v14, v13;
	_ =	sdelay $0x4  }
0xc1: {  	v14 =	vmin.f32 v14, v13  }
0xc2: {  	[tilespmem:v12+s12+$0x0] =	vst.idx.msk vm12, v14  }
0xc3: {  	v14 =	vld.idx.msk [tilespmem:v12+s12+$0x0], $0xffff;
	_ =	sdelay $0x4  }
0xc4: {  	vm13 =	vgt.f32 v14, v13;
	_ =	sdelay $0x4  }
0xc5: {  	v14 =	vmin.f32 v14, v13  }
0xc6: {  	[tilespmem:v12+s12+$0x0] =	vst.idx.msk vm13, v14  }
0xc7: {  	v14 =	vld.idx.msk [tilespmem:v12+s12+$0x0], $0xffff;
	_ =	sdelay $0x4  }
0xc8: {  	vm14 =	vgt.f32 v14, v13;
	_ =	sdelay $0x4  }
0xc9: {  	v14 =	vmin.f32 v14, v13  }
0xca: {  	[tilespmem:v12+s12+$0x0] =	vst.idx.msk vm14, v14  }
0xcb: {  	v14 =	vld.idx.msk [tilespmem:v12+s12+$0x0], $0xffff;
	_ =	sdelay $0x4  }
0xcc: {  	vm15 =	vgt.f32 v14, v13;
	_ =	sdelay $0x4  }
0xcd: {  	v61 =	vmin.f32 v14, v13  }
0xce: {  	[tilespmem:v12+s12+$0x0] =	vst.idx.msk vm15, v61  }
0xcf: {  	v12 =	vld.idx.msk [tilespmem:v10+s12+$0x0], $0xffff;
	_ =	sdelay $0x4  }
0xd0: {  	vm4 =	vgt.f32 v12, v11;
	_ =	sdelay $0x4  }
0xd1: {  	v12 =	vmin.f32 v12, v11  }
0xd2: {  	[tilespmem:v10+s12+$0x0] =	vst.idx.msk vm4, v12  }
0xd3: {  	v12 =	vld.idx.msk [tilespmem:v10+s12+$0x0], $0xffff;
	_ =	sdelay $0x4  }
0xd4: {  	vm5 =	vgt.f32 v12, v11;
	_ =	sdelay $0x4  }
0xd5: {  	v12 =	vmin.f32 v12, v11  }
0xd6: {  	[tilespmem:v10+s12+$0x0] =	vst.idx.msk vm5, v12  }
0xd7: {  	v12 =	vld.idx.msk [tilespmem:v10+s12+$0x0], $0xffff;
	_ =	sdelay $0x4  }
0xd8: {  	vm6 =	vgt.f32 v12, v11;
	_ =	sdelay $0x4  }
0xd9: {  	v12 =	vmin.f32 v12, v11  }
0xda: {  	[tilespmem:v10+s12+$0x0] =	vst.idx.msk vm6, v12  }
0xdb: {  	v12 =	vld.idx.msk [tilespmem:v10+s12+$0x0], $0xffff;
	_ =	sdelay $0x4  }
0xdc: {  	vm7 =	vgt.f32 v12, v11;
	_ =	sdelay $0x4  }
0xdd: {  	v12 =	vmin.f32 v12, v11  }
0xde: {  	[tilespmem:v10+s12+$0x0] =	vst.idx.msk vm7, v12  }
0xdf: {  	v12 =	vld.idx.msk [tilespmem:v10+s12+$0x0], $0xffff;
	_ =	sdelay $0x4  }
0xe0: {  	vm8 =	vgt.f32 v12, v11;
	_ =	sdelay $0x4  }
0xe1: {  	v12 =	vmin.f32 v12, v11  }
0xe2: {  	[tilespmem:v10+s12+$0x0] =	vst.idx.msk vm8, v12  }
0xe3: {  	v12 =	vld.idx.msk [tilespmem:v10+s12+$0x0], $0xffff;
	_ =	sdelay $0x4  }
0xe4: {  	vm9 =	vgt.f32 v12, v11;
	_ =	sdelay $0x4  }
0xe5: {  	v12 =	vmin.f32 v12, v11  }
0xe6: {  	[tilespmem:v10+s12+$0x0] =	vst.idx.msk vm9, v12  }
0xe7: {  	v12 =	vld.idx.msk [tilespmem:v10+s12+$0x0], $0xffff;
	_ =	sdelay $0x4  }
0xe8: {  	vm10 =	vgt.f32 v12, v11;
	_ =	sdelay $0x4  }
0xe9: {  	v12 =	vmin.f32 v12, v11  }
0xea: {  	[tilespmem:v10+s12+$0x0] =	vst.idx.msk vm10, v12  }
0xeb: {  	v12 =	vld.idx.msk [tilespmem:v10+s12+$0x0], $0xffff;
	_ =	sdelay $0x4  }
0xec: {  	vm11 =	vgt.f32 v12, v11;
	_ =	sdelay $0x4  }
0xed: {  	v12 =	vmin.f32 v12, v11  }
0xee: {  	[tilespmem:v10+s12+$0x0] =	vst.idx.msk vm11, v12  }
0xef: {  	v12 =	vld.idx.msk [tilespmem:v10+s12+$0x0], $0xffff;
	_ =	sdelay $0x4  }
0xf0: {  	vm12 =	vgt.f32 v12, v11;
	_ =	sdelay $0x4  }
0xf1: {  	v12 =	vmin.f32 v12, v11  }
0xf2: {  	[tilespmem:v10+s12+$0x0] =	vst.idx.msk vm12, v12  }
0xf3: {  	v12 =	vld.idx.msk [tilespmem:v10+s12+$0x0], $0xffff;
	_ =	sdelay $0x4  }
0xf4: {  	vm13 =	vgt.f32 v12, v11;
	_ =	sdelay $0x4  }
0xf5: {  	v12 =	vmin.f32 v12, v11  }
0xf6: {  	[tilespmem:v10+s12+$0x0] =	vst.idx.msk vm13, v12  }
0xf7: {  	v12 =	vld.idx.msk [tilespmem:v10+s12+$0x0], $0xffff;
	_ =	sdelay $0x4  }
0xf8: {  	vm14 =	vgt.f32 v12, v11;
	_ =	sdelay $0x4  }
0xf9: {  	v12 =	vmin.f32 v12, v11  }
0xfa: {  	[tilespmem:v10+s12+$0x0] =	vst.idx.msk vm14, v12  }
0xfb: {  	v12 =	vld.idx.msk [tilespmem:v10+s12+$0x0], $0xffff;
	_ =	sdelay $0x4  }
0xfc: {  	vm15 =	vgt.f32 v12, v11;
	_ =	sdelay $0x4  }
0xfd: {  	v12 =	vmin.f32 v12, v11  }
0xfe: {  	[tilespmem:v10+s12+$0x0] =	vst.idx.msk vm15, v12  }
0xff: {  	v12 =	vld.idx.msk [tilespmem:v10+s12+$0x0], $0xffff;
	_ =	sdelay $0x4  }
0x100: {  	vm4 =	vgt.f32 v12, v11;
	_ =	sdelay $0x4  }
0x101: {  	v12 =	vmin.f32 v12, v11  }
0x102: {  	[tilespmem:v10+s12+$0x0] =	vst.idx.msk vm4, v12  }
0x103: {  	v12 =	vld.idx.msk [tilespmem:v10+s12+$0x0], $0xffff;
	_ =	sdelay $0x4  }
0x104: {  	vm5 =	vgt.f32 v12, v11;
	_ =	sdelay $0x4  }
0x105: {  	v12 =	vmin.f32 v12, v11  }
0x106: {  	[tilespmem:v10+s12+$0x0] =	vst.idx.msk vm5, v12  }
0x107: {  	v12 =	vld.idx.msk [tilespmem:v10+s12+$0x0], $0xffff;
	_ =	sdelay $0x4  }
0x108: {  	vm6 =	vgt.f32 v12, v11;
	_ =	sdelay $0x4  }
0x109: {  	v12 =	vmin.f32 v12, v11  }
0x10a: {  	[tilespmem:v10+s12+$0x0] =	vst.idx.msk vm6, v12  }
0x10b: {  	v12 =	vld.idx.msk [tilespmem:v10+s12+$0x0], $0xffff;
	_ =	sdelay $0x4  }
0x10c: {  	vm7 =	vgt.f32 v12, v11;
	_ =	sdelay $0x4  }
0x10d: {  	v62 =	vmin.f32 v12, v11  }
0x10e: {  	[tilespmem:v10+s12+$0x0] =	vst.idx.msk vm7, v62  }
0x10f: {  	v10 =	vld.idx.msk [tilespmem:v8+s12+$0x0], $0xffff;
	_ =	sdelay $0x4  }
0x110: {  	vm8 =	vgt.f32 v10, v9;
	_ =	sdelay $0x4  }
0x111: {  	v10 =	vmin.f32 v10, v9  }
0x112: {  	[tilespmem:v8+s12+$0x0] =	vst.idx.msk vm8, v10  }
0x113: {  	v10 =	vld.idx.msk [tilespmem:v8+s12+$0x0], $0xffff;
	_ =	sdelay $0x4  }
0x114: {  	vm9 =	vgt.f32 v10, v9;
	_ =	sdelay $0x4  }
0x115: {  	v10 =	vmin.f32 v10, v9  }
0x116: {  	[tilespmem:v8+s12+$0x0] =	vst.idx.msk vm9, v10  }
0x117: {  	v10 =	vld.idx.msk [tilespmem:v8+s12+$0x0], $0xffff;
	_ =	sdelay $0x4  }
0x118: {  	vm10 =	vgt.f32 v10, v9;
	_ =	sdelay $0x4  }
0x119: {  	v10 =	vmin.f32 v10, v9  }
0x11a: {  	[tilespmem:v8+s12+$0x0] =	vst.idx.msk vm10, v10  }
0x11b: {  	v10 =	vld.idx.msk [tilespmem:v8+s12+$0x0], $0xffff;
	_ =	sdelay $0x4  }
0x11c: {  	vm11 =	vgt.f32 v10, v9;
	_ =	sdelay $0x4  }
0x11d: {  	v10 =	vmin.f32 v10, v9  }
0x11e: {  	[tilespmem:v8+s12+$0x0] =	vst.idx.msk vm11, v10  }
0x11f: {  	v10 =	vld.idx.msk [tilespmem:v8+s12+$0x0], $0xffff;
	_ =	sdelay $0x4  }
0x120: {  	vm12 =	vgt.f32 v10, v9;
	_ =	sdelay $0x4  }
0x121: {  	v10 =	vmin.f32 v10, v9  }
0x122: {  	[tilespmem:v8+s12+$0x0] =	vst.idx.msk vm12, v10  }
0x123: {  	v10 =	vld.idx.msk [tilespmem:v8+s12+$0x0], $0xffff;
	_ =	sdelay $0x4  }
0x124: {  	vm13 =	vgt.f32 v10, v9;
	_ =	sdelay $0x4  }
0x125: {  	v10 =	vmin.f32 v10, v9  }
0x126: {  	[tilespmem:v8+s12+$0x0] =	vst.idx.msk vm13, v10  }
0x127: {  	v10 =	vld.idx.msk [tilespmem:v8+s12+$0x0], $0xffff;
	_ =	sdelay $0x4  }
0x128: {  	vm14 =	vgt.f32 v10, v9;
	_ =	sdelay $0x4  }
0x129: {  	v10 =	vmin.f32 v10, v9  }
0x12a: {  	[tilespmem:v8+s12+$0x0] =	vst.idx.msk vm14, v10  }
0x12b: {  	v10 =	vld.idx.msk [tilespmem:v8+s12+$0x0], $0xffff;
	_ =	sdelay $0x4  }
0x12c: {  	vm15 =	vgt.f32 v10, v9;
	_ =	sdelay $0x4  }
0x12d: {  	v10 =	vmin.f32 v10, v9  }
0x12e: {  	[tilespmem:v8+s12+$0x0] =	vst.idx.msk vm15, v10  }
0x12f: {  	v10 =	vld.idx.msk [tilespmem:v8+s12+$0x0], $0xffff;
	_ =	sdelay $0x4  }
0x130: {  	vm4 =	vgt.f32 v10, v9;
	_ =	sdelay $0x4  }
0x131: {  	v10 =	vmin.f32 v10, v9  }
0x132: {  	[tilespmem:v8+s12+$0x0] =	vst.idx.msk vm4, v10  }
0x133: {  	v10 =	vld.idx.msk [tilespmem:v8+s12+$0x0], $0xffff;
	_ =	sdelay $0x4  }
0x134: {  	vm5 =	vgt.f32 v10, v9;
	_ =	sdelay $0x4  }
0x135: {  	v10 =	vmin.f32 v10, v9  }
0x136: {  	[tilespmem:v8+s12+$0x0] =	vst.idx.msk vm5, v10  }
0x137: {  	v10 =	vld.idx.msk [tilespmem:v8+s12+$0x0], $0xffff;
	_ =	sdelay $0x4  }
0x138: {  	vm6 =	vgt.f32 v10, v9;
	_ =	sdelay $0x4  }
0x139: {  	v10 =	vmin.f32 v10, v9  }
0x13a: {  	[tilespmem:v8+s12+$0x0] =	vst.idx.msk vm6, v10  }
0x13b: {  	v10 =	vld.idx.msk [tilespmem:v8+s12+$0x0], $0xffff;
	_ =	sdelay $0x4  }
0x13c: {  	vm7 =	vgt.f32 v10, v9;
	_ =	sdelay $0x4  }
0x13d: {  	v10 =	vmin.f32 v10, v9  }
0x13e: {  	[tilespmem:v8+s12+$0x0] =	vst.idx.msk vm7, v10  }
0x13f: {  	v10 =	vld.idx.msk [tilespmem:v8+s12+$0x0], $0xffff;
	_ =	sdelay $0x4  }
0x140: {  	vm8 =	vgt.f32 v10, v9;
	_ =	sdelay $0x4  }
0x141: {  	v10 =	vmin.f32 v10, v9  }
0x142: {  	[tilespmem:v8+s12+$0x0] =	vst.idx.msk vm8, v10  }
0x143: {  	v10 =	vld.idx.msk [tilespmem:v8+s12+$0x0], $0xffff;
	_ =	sdelay $0x4  }
0x144: {  	vm9 =	vgt.f32 v10, v9;
	_ =	sdelay $0x4  }
0x145: {  	v10 =	vmin.f32 v10, v9  }
0x146: {  	[tilespmem:v8+s12+$0x0] =	vst.idx.msk vm9, v10  }
0x147: {  	v10 =	vld.idx.msk [tilespmem:v8+s12+$0x0], $0xffff;
	_ =	sdelay $0x4  }
0x148: {  	vm10 =	vgt.f32 v10, v9;
	_ =	sdelay $0x4  }
0x149: {  	v10 =	vmin.f32 v10, v9  }
0x14a: {  	[tilespmem:v8+s12+$0x0] =	vst.idx.msk vm10, v10  }
0x14b: {  	v10 =	vld.idx.msk [tilespmem:v8+s12+$0x0], $0xffff;
	_ =	sdelay $0x4  }
0x14c: {  	vm11 =	vgt.f32 v10, v9;
	_ =	sdelay $0x4  }
0x14d: {  	v63 =	vmin.f32 v10, v9  }
0x14e: {  	[tilespmem:v8+s12+$0x0] =	vst.idx.msk vm11, v63  }
0x14f: {  	v8 =	vld.idx.msk [tilespmem:v6+s12+$0x0], $0xffff;
	_ =	sdelay $0x4  }
0x150: {  	vm12 =	vgt.f32 v8, v7;
	_ =	sdelay $0x4  }
0x151: {  	v8 =	vmin.f32 v8, v7  }
0x152: {  	[tilespmem:v6+s12+$0x0] =	vst.idx.msk vm12, v8  }
0x153: {  	v8 =	vld.idx.msk [tilespmem:v6+s12+$0x0], $0xffff;
	_ =	sdelay $0x4  }
0x154: {  	vm13 =	vgt.f32 v8, v7;
	_ =	sdelay $0x4  }
0x155: {  	v8 =	vmin.f32 v8, v7  }
0x156: {  	[tilespmem:v6+s12+$0x0] =	vst.idx.msk vm13, v8  }
0x157: {  	v8 =	vld.idx.msk [tilespmem:v6+s12+$0x0], $0xffff;
	_ =	sdelay $0x4  }
0x158: {  	vm14 =	vgt.f32 v8, v7;
	_ =	sdelay $0x4  }
0x159: {  	v8 =	vmin.f32 v8, v7  }
0x15a: {  	[tilespmem:v6+s12+$0x0] =	vst.idx.msk vm14, v8  }
0x15b: {  	v8 =	vld.idx.msk [tilespmem:v6+s12+$0x0], $0xffff;
	_ =	sdelay $0x4  }
0x15c: {  	vm15 =	vgt.f32 v8, v7;
	_ =	sdelay $0x4  }
0x15d: {  	v8 =	vmin.f32 v8, v7  }
0x15e: {  	[tilespmem:v6+s12+$0x0] =	vst.idx.msk vm15, v8  }
0x15f: {  	v8 =	vld.idx.msk [tilespmem:v6+s12+$0x0], $0xffff;
	_ =	sdelay $0x4  }
0x160: {  	vm4 =	vgt.f32 v8, v7;
	_ =	sdelay $0x4  }
0x161: {  	v8 =	vmin.f32 v8, v7  }
0x162: {  	[tilespmem:v6+s12+$0x0] =	vst.idx.msk vm4, v8  }
0x163: {  	v8 =	vld.idx.msk [tilespmem:v6+s12+$0x0], $0xffff;
	_ =	sdelay $0x4  }
0x164: {  	vm5 =	vgt.f32 v8, v7;
	_ =	sdelay $0x4  }
0x165: {  	v8 =	vmin.f32 v8, v7  }
0x166: {  	[tilespmem:v6+s12+$0x0] =	vst.idx.msk vm5, v8  }
0x167: {  	v8 =	vld.idx.msk [tilespmem:v6+s12+$0x0], $0xffff;
	_ =	sdelay $0x4  }
0x168: {  	vm6 =	vgt.f32 v8, v7;
	_ =	sdelay $0x4  }
0x169: {  	v8 =	vmin.f32 v8, v7  }
0x16a: {  	[tilespmem:v6+s12+$0x0] =	vst.idx.msk vm6, v8  }
0x16b: {  	v8 =	vld.idx.msk [tilespmem:v6+s12+$0x0], $0xffff;
	_ =	sdelay $0x4  }
0x16c: {  	vm7 =	vgt.f32 v8, v7;
	_ =	sdelay $0x4  }
0x16d: {  	v8 =	vmin.f32 v8, v7  }
0x16e: {  	[tilespmem:v6+s12+$0x0] =	vst.idx.msk vm7, v8  }
0x16f: {  	v8 =	vld.idx.msk [tilespmem:v6+s12+$0x0], $0xffff;
	_ =	sdelay $0x4  }
0x170: {  	vm8 =	vgt.f32 v8, v7;
	_ =	sdelay $0x4  }
0x171: {  	v8 =	vmin.f32 v8, v7  }
0x172: {  	[tilespmem:v6+s12+$0x0] =	vst.idx.msk vm8, v8  }
0x173: {  	v8 =	vld.idx.msk [tilespmem:v6+s12+$0x0], $0xffff;
	_ =	sdelay $0x4  }
0x174: {  	vm9 =	vgt.f32 v8, v7;
	_ =	sdelay $0x4  }
0x175: {  	v8 =	vmin.f32 v8, v7  }
0x176: {  	[tilespmem:v6+s12+$0x0] =	vst.idx.msk vm9, v8  }
0x177: {  	v8 =	vld.idx.msk [tilespmem:v6+s12+$0x0], $0xffff;
	_ =	sdelay $0x4  }
0x178: {  	vm10 =	vgt.f32 v8, v7;
	_ =	sdelay $0x4  }
0x179: {  	v8 =	vmin.f32 v8, v7  }
0x17a: {  	[tilespmem:v6+s12+$0x0] =	vst.idx.msk vm10, v8  }
0x17b: {  	v8 =	vld.idx.msk [tilespmem:v6+s12+$0x0], $0xffff;
	_ =	sdelay $0x4  }
0x17c: {  	vm11 =	vgt.f32 v8, v7;
	_ =	sdelay $0x4  }
0x17d: {  	v8 =	vmin.f32 v8, v7  }
0x17e: {  	[tilespmem:v6+s12+$0x0] =	vst.idx.msk vm11, v8  }
0x17f: {  	v8 =	vld.idx.msk [tilespmem:v6+s12+$0x0], $0xffff;
	_ =	sdelay $0x4  }
0x180: {  	vm12 =	vgt.f32 v8, v7;
	_ =	sdelay $0x4  }
0x181: {  	v8 =	vmin.f32 v8, v7  }
0x182: {  	[tilespmem:v6+s12+$0x0] =	vst.idx.msk vm12, v8  }
0x183: {  	v8 =	vld.idx.msk [tilespmem:v6+s12+$0x0], $0xffff;
	_ =	sdelay $0x4  }
0x184: {  	vm13 =	vgt.f32 v8, v7;
	_ =	sdelay $0x4  }
0x185: {  	v8 =	vmin.f32 v8, v7  }
0x186: {  	[tilespmem:v6+s12+$0x0] =	vst.idx.msk vm13, v8  }
0x187: {  	v8 =	vld.idx.msk [tilespmem:v6+s12+$0x0], $0xffff;
	_ =	sdelay $0x4  }
0x188: {  	vm14 =	vgt.f32 v8, v7;
	_ =	sdelay $0x4  }
0x189: {  	v8 =	vmin.f32 v8, v7  }
0x18a: {  	[tilespmem:v6+s12+$0x0] =	vst.idx.msk vm14, v8  }
0x18b: {  	v8 =	vld.idx.msk [tilespmem:v6+s12+$0x0], $0xffff;
	_ =	sdelay $0x4  }
0x18c: {  	vm15 =	vgt.f32 v8, v7;
	_ =	sdelay $0x4  }
0x18d: {  	v7 =	vmin.f32 v8, v7  }
0x18e: {  	[tilespmem:v6+s12+$0x0] =	vst.idx.msk vm15, v7  }
.LBB2_9:
0x18f: {  	v12 =	vld [tilespmem:s24+$0xFFFFFFF0];
	_ =	sdelay $0x4  }
0x190: {  	v6 =	vld [tilespmem:s23+$0xFFFFFFF0];
	_ =	sdelay $0x2  }
0x191: {  	[tilespmem:v12+s17+$0x0] =	vst.idx.msk $0xffff, v4  }
0x192: {  	v7 =	vld.idx.msk [tilespmem:v12+s17+$0x0], $0xffff;
	_ =	sdelay $0x3  }
0x193: {  	v13 =	vld.idx.msk [tilespmem:v6+s11+$0x0], $0xffff  }
0x194: {  	v8 =	vld.idx.msk [tilespmem:v12+s12+$0x0], $0xffff;
	vm0 =	veq.s32 v7, v4  }
0x195: {  	v7 =	vsel vm0, $0x0, v5  }
0x196: {  	v9 =	vadd.s32 $0x2800, v6;
	(xrf0) =	vmax.scan.msk.f32 $0xffff, v7  }
0x197: {  	v10 =	vadd.s32 $0x2800, v12;
	_ =	sdelay $0x1  }
0x198: {  	v7 =	vmin.f32 v8, v13  }
0x199: {  	[tilespmem:v12+s12+$0x0] =	vst.idx.msk $0xffff, v7  }
0x19a: {  	v11 =	vld.idx.msk [tilespmem:v9+s11+$0x0], $0xffff  }
0x19b: {  	v7 =	vld.idx.msk [tilespmem:v10+s12+$0x0], $0xffff;
	v14, _, _ =	vpop (xrf0)  }
0x19c: {  	(v2sf) =	vpush v14, $0xF  }
0x19d: {  	v9 =	vadd.s32 $0x5000, v6  }
0x19e: {  	v8 =	vadd.s32 $0x5000, v12;
	_ =	sdelay $0x1  }
0x19f: {  	v7 =	vmin.f32 v7, v11  }
0x1a0: {  	[tilespmem:v10+s12+$0x0] =	vst.idx.msk $0xffff, v7  }
0x1a1: {  	v9 =	vld.idx.msk [tilespmem:v9+s11+$0x0], $0xffff  }
0x1a2: {  	v7 =	vld.idx.msk [tilespmem:v8+s12+$0x0], $0xffff;
	_ =	sdelay $0x1  }
0x1a3: {  	v14 =	vadd.s32 $0x7800, v6  }
0x1a4: {  	v6 =	vadd.s32 $0x7800, v12;
	_ =	sdelay $0x1  }
0x1a5: {  	v7 =	vmin.f32 v7, v9  }
0x1a6: {  	[tilespmem:v8+s12+$0x0] =	vst.idx.msk $0xffff, v7  }
0x1a7: {  	v7 =	vld.idx.msk [tilespmem:v14+s11+$0x0], $0xffff  }
0x1a8: {  	v14 =	vld.idx.msk [tilespmem:v6+s12+$0x0], $0xffff;
	s25 =	spop (v2sf)  }
0x1a9: {  	p0 =	sgt.f32 s25, $0.0e+00  }
.Ltmp9:
0x1aa: {  	_ = 	snop;
	(pc) =	sbr.rel @!p0 .LBB2_11-.Ltmp9, $3  }
0x1ab: {  	_ =	sdelay $0x1  }
0x1ac: {  	v14 =	vmin.f32 v14, v7  }
0x1ad: {  	[tilespmem:v6+s12+$0x0] =	vst.idx.msk $0xffff, v14  }
0x1ae: {  	_ =	sdelay $0x3  }
0x1af: {  	v14 =	vld.idx.msk [tilespmem:v12+s12+$0x0], $0xffff;
	_ =	sdelay $0x4  }
0x1b0: {  	vm0 =	vgt.f32 v14, v13;
	_ =	sdelay $0x4  }
0x1b1: {  	v14 =	vmin.f32 v14, v13  }
0x1b2: {  	[tilespmem:v12+s12+$0x0] =	vst.idx.msk vm0, v14  }
0x1b3: {  	v14 =	vld.idx.msk [tilespmem:v12+s12+$0x0], $0xffff;
	_ =	sdelay $0x4  }
0x1b4: {  	vm13 =	vgt.f32 v14, v13;
	_ =	sdelay $0x4  }
0x1b5: {  	v14 =	vmin.f32 v14, v13  }
0x1b6: {  	[tilespmem:v12+s12+$0x0] =	vst.idx.msk vm13, v14  }
0x1b7: {  	v14 =	vld.idx.msk [tilespmem:v12+s12+$0x0], $0xffff;
	_ =	sdelay $0x4  }
0x1b8: {  	vm14 =	vgt.f32 v14, v13;
	_ =	sdelay $0x4  }
0x1b9: {  	v14 =	vmin.f32 v14, v13  }
0x1ba: {  	[tilespmem:v12+s12+$0x0] =	vst.idx.msk vm14, v14  }
0x1bb: {  	v14 =	vld.idx.msk [tilespmem:v12+s12+$0x0], $0xffff;
	_ =	sdelay $0x4  }
0x1bc: {  	vm15 =	vgt.f32 v14, v13;
	_ =	sdelay $0x4  }
0x1bd: {  	v14 =	vmin.f32 v14, v13  }
0x1be: {  	[tilespmem:v12+s12+$0x0] =	vst.idx.msk vm15, v14  }
0x1bf: {  	v14 =	vld.idx.msk [tilespmem:v12+s12+$0x0], $0xffff;
	_ =	sdelay $0x4  }
0x1c0: {  	vm4 =	vgt.f32 v14, v13;
	_ =	sdelay $0x4  }
0x1c1: {  	v14 =	vmin.f32 v14, v13  }
0x1c2: {  	[tilespmem:v12+s12+$0x0] =	vst.idx.msk vm4, v14  }
0x1c3: {  	v14 =	vld.idx.msk [tilespmem:v12+s12+$0x0], $0xffff;
	_ =	sdelay $0x4  }
0x1c4: {  	vm5 =	vgt.f32 v14, v13;
	_ =	sdelay $0x4  }
0x1c5: {  	v14 =	vmin.f32 v14, v13  }
0x1c6: {  	[tilespmem:v12+s12+$0x0] =	vst.idx.msk vm5, v14  }
0x1c7: {  	v14 =	vld.idx.msk [tilespmem:v12+s12+$0x0], $0xffff;
	_ =	sdelay $0x4  }
0x1c8: {  	vm6 =	vgt.f32 v14, v13;
	_ =	sdelay $0x4  }
0x1c9: {  	v14 =	vmin.f32 v14, v13  }
0x1ca: {  	[tilespmem:v12+s12+$0x0] =	vst.idx.msk vm6, v14  }
0x1cb: {  	v14 =	vld.idx.msk [tilespmem:v12+s12+$0x0], $0xffff;
	_ =	sdelay $0x4  }
0x1cc: {  	vm7 =	vgt.f32 v14, v13;
	_ =	sdelay $0x4  }
0x1cd: {  	v14 =	vmin.f32 v14, v13  }
0x1ce: {  	[tilespmem:v12+s12+$0x0] =	vst.idx.msk vm7, v14  }
0x1cf: {  	v14 =	vld.idx.msk [tilespmem:v12+s12+$0x0], $0xffff;
	_ =	sdelay $0x4  }
0x1d0: {  	vm8 =	vgt.f32 v14, v13;
	_ =	sdelay $0x4  }
0x1d1: {  	v14 =	vmin.f32 v14, v13  }
0x1d2: {  	[tilespmem:v12+s12+$0x0] =	vst.idx.msk vm8, v14  }
0x1d3: {  	v14 =	vld.idx.msk [tilespmem:v12+s12+$0x0], $0xffff;
	_ =	sdelay $0x4  }
0x1d4: {  	vm9 =	vgt.f32 v14, v13;
	_ =	sdelay $0x4  }
0x1d5: {  	v14 =	vmin.f32 v14, v13  }
0x1d6: {  	[tilespmem:v12+s12+$0x0] =	vst.idx.msk vm9, v14  }
0x1d7: {  	v14 =	vld.idx.msk [tilespmem:v12+s12+$0x0], $0xffff;
	_ =	sdelay $0x4  }
0x1d8: {  	vm10 =	vgt.f32 v14, v13;
	_ =	sdelay $0x4  }
0x1d9: {  	v14 =	vmin.f32 v14, v13  }
0x1da: {  	[tilespmem:v12+s12+$0x0] =	vst.idx.msk vm10, v14  }
0x1db: {  	v14 =	vld.idx.msk [tilespmem:v12+s12+$0x0], $0xffff;
	_ =	sdelay $0x4  }
0x1dc: {  	vm11 =	vgt.f32 v14, v13;
	_ =	sdelay $0x4  }
0x1dd: {  	v14 =	vmin.f32 v14, v13  }
0x1de: {  	[tilespmem:v12+s12+$0x0] =	vst.idx.msk vm11, v14  }
0x1df: {  	v14 =	vld.idx.msk [tilespmem:v12+s12+$0x0], $0xffff;
	_ =	sdelay $0x4  }
0x1e0: {  	vm12 =	vgt.f32 v14, v13;
	_ =	sdelay $0x4  }
0x1e1: {  	v14 =	vmin.f32 v14, v13  }
0x1e2: {  	[tilespmem:v12+s12+$0x0] =	vst.idx.msk vm12, v14  }
0x1e3: {  	v14 =	vld.idx.msk [tilespmem:v12+s12+$0x0], $0xffff;
	_ =	sdelay $0x4  }
0x1e4: {  	vm13 =	vgt.f32 v14, v13;
	_ =	sdelay $0x4  }
0x1e5: {  	v14 =	vmin.f32 v14, v13  }
0x1e6: {  	[tilespmem:v12+s12+$0x0] =	vst.idx.msk vm13, v14  }
0x1e7: {  	v14 =	vld.idx.msk [tilespmem:v12+s12+$0x0], $0xffff;
	_ =	sdelay $0x4  }
0x1e8: {  	vm14 =	vgt.f32 v14, v13;
	_ =	sdelay $0x4  }
0x1e9: {  	v14 =	vmin.f32 v14, v13  }
0x1ea: {  	[tilespmem:v12+s12+$0x0] =	vst.idx.msk vm14, v14  }
0x1eb: {  	v14 =	vld.idx.msk [tilespmem:v12+s12+$0x0], $0xffff;
	_ =	sdelay $0x4  }
0x1ec: {  	vm15 =	vgt.f32 v14, v13;
	_ =	sdelay $0x4  }
0x1ed: {  	v61 =	vmin.f32 v14, v13  }
0x1ee: {  	[tilespmem:v12+s12+$0x0] =	vst.idx.msk vm15, v61  }
0x1ef: {  	v12 =	vld.idx.msk [tilespmem:v10+s12+$0x0], $0xffff;
	_ =	sdelay $0x4  }
0x1f0: {  	vm4 =	vgt.f32 v12, v11;
	_ =	sdelay $0x4  }
0x1f1: {  	v12 =	vmin.f32 v12, v11  }
0x1f2: {  	[tilespmem:v10+s12+$0x0] =	vst.idx.msk vm4, v12  }
0x1f3: {  	v12 =	vld.idx.msk [tilespmem:v10+s12+$0x0], $0xffff;
	_ =	sdelay $0x4  }
0x1f4: {  	vm5 =	vgt.f32 v12, v11;
	_ =	sdelay $0x4  }
0x1f5: {  	v12 =	vmin.f32 v12, v11  }
0x1f6: {  	[tilespmem:v10+s12+$0x0] =	vst.idx.msk vm5, v12  }
0x1f7: {  	v12 =	vld.idx.msk [tilespmem:v10+s12+$0x0], $0xffff;
	_ =	sdelay $0x4  }
0x1f8: {  	vm6 =	vgt.f32 v12, v11;
	_ =	sdelay $0x4  }
0x1f9: {  	v12 =	vmin.f32 v12, v11  }
0x1fa: {  	[tilespmem:v10+s12+$0x0] =	vst.idx.msk vm6, v12  }
0x1fb: {  	v12 =	vld.idx.msk [tilespmem:v10+s12+$0x0], $0xffff;
	_ =	sdelay $0x4  }
0x1fc: {  	vm7 =	vgt.f32 v12, v11;
	_ =	sdelay $0x4  }
0x1fd: {  	v12 =	vmin.f32 v12, v11  }
0x1fe: {  	[tilespmem:v10+s12+$0x0] =	vst.idx.msk vm7, v12  }
0x1ff: {  	v12 =	vld.idx.msk [tilespmem:v10+s12+$0x0], $0xffff;
	_ =	sdelay $0x4  }
0x200: {  	vm8 =	vgt.f32 v12, v11;
	_ =	sdelay $0x4  }
0x201: {  	v12 =	vmin.f32 v12, v11  }
0x202: {  	[tilespmem:v10+s12+$0x0] =	vst.idx.msk vm8, v12  }
0x203: {  	v12 =	vld.idx.msk [tilespmem:v10+s12+$0x0], $0xffff;
	_ =	sdelay $0x4  }
0x204: {  	vm9 =	vgt.f32 v12, v11;
	_ =	sdelay $0x4  }
0x205: {  	v12 =	vmin.f32 v12, v11  }
0x206: {  	[tilespmem:v10+s12+$0x0] =	vst.idx.msk vm9, v12  }
0x207: {  	v12 =	vld.idx.msk [tilespmem:v10+s12+$0x0], $0xffff;
	_ =	sdelay $0x4  }
0x208: {  	vm10 =	vgt.f32 v12, v11;
	_ =	sdelay $0x4  }
0x209: {  	v12 =	vmin.f32 v12, v11  }
0x20a: {  	[tilespmem:v10+s12+$0x0] =	vst.idx.msk vm10, v12  }
0x20b: {  	v12 =	vld.idx.msk [tilespmem:v10+s12+$0x0], $0xffff;
	_ =	sdelay $0x4  }
0x20c: {  	vm11 =	vgt.f32 v12, v11;
	_ =	sdelay $0x4  }
0x20d: {  	v12 =	vmin.f32 v12, v11  }
0x20e: {  	[tilespmem:v10+s12+$0x0] =	vst.idx.msk vm11, v12  }
0x20f: {  	v12 =	vld.idx.msk [tilespmem:v10+s12+$0x0], $0xffff;
	_ =	sdelay $0x4  }
0x210: {  	vm12 =	vgt.f32 v12, v11;
	_ =	sdelay $0x4  }
0x211: {  	v12 =	vmin.f32 v12, v11  }
0x212: {  	[tilespmem:v10+s12+$0x0] =	vst.idx.msk vm12, v12  }
0x213: {  	v12 =	vld.idx.msk [tilespmem:v10+s12+$0x0], $0xffff;
	_ =	sdelay $0x4  }
0x214: {  	vm13 =	vgt.f32 v12, v11;
	_ =	sdelay $0x4  }
0x215: {  	v12 =	vmin.f32 v12, v11  }
0x216: {  	[tilespmem:v10+s12+$0x0] =	vst.idx.msk vm13, v12  }
0x217: {  	v12 =	vld.idx.msk [tilespmem:v10+s12+$0x0], $0xffff;
	_ =	sdelay $0x4  }
0x218: {  	vm14 =	vgt.f32 v12, v11;
	_ =	sdelay $0x4  }
0x219: {  	v12 =	vmin.f32 v12, v11  }
0x21a: {  	[tilespmem:v10+s12+$0x0] =	vst.idx.msk vm14, v12  }
0x21b: {  	v12 =	vld.idx.msk [tilespmem:v10+s12+$0x0], $0xffff;
	_ =	sdelay $0x4  }
0x21c: {  	vm15 =	vgt.f32 v12, v11;
	_ =	sdelay $0x4  }
0x21d: {  	v12 =	vmin.f32 v12, v11  }
0x21e: {  	[tilespmem:v10+s12+$0x0] =	vst.idx.msk vm15, v12  }
0x21f: {  	v12 =	vld.idx.msk [tilespmem:v10+s12+$0x0], $0xffff;
	_ =	sdelay $0x4  }
0x220: {  	vm4 =	vgt.f32 v12, v11;
	_ =	sdelay $0x4  }
0x221: {  	v12 =	vmin.f32 v12, v11  }
0x222: {  	[tilespmem:v10+s12+$0x0] =	vst.idx.msk vm4, v12  }
0x223: {  	v12 =	vld.idx.msk [tilespmem:v10+s12+$0x0], $0xffff;
	_ =	sdelay $0x4  }
0x224: {  	vm5 =	vgt.f32 v12, v11;
	_ =	sdelay $0x4  }
0x225: {  	v12 =	vmin.f32 v12, v11  }
0x226: {  	[tilespmem:v10+s12+$0x0] =	vst.idx.msk vm5, v12  }
0x227: {  	v12 =	vld.idx.msk [tilespmem:v10+s12+$0x0], $0xffff;
	_ =	sdelay $0x4  }
0x228: {  	vm6 =	vgt.f32 v12, v11;
	_ =	sdelay $0x4  }
0x229: {  	v12 =	vmin.f32 v12, v11  }
0x22a: {  	[tilespmem:v10+s12+$0x0] =	vst.idx.msk vm6, v12  }
0x22b: {  	v12 =	vld.idx.msk [tilespmem:v10+s12+$0x0], $0xffff;
	_ =	sdelay $0x4  }
0x22c: {  	vm7 =	vgt.f32 v12, v11;
	_ =	sdelay $0x4  }
0x22d: {  	v62 =	vmin.f32 v12, v11  }
0x22e: {  	[tilespmem:v10+s12+$0x0] =	vst.idx.msk vm7, v62  }
0x22f: {  	v10 =	vld.idx.msk [tilespmem:v8+s12+$0x0], $0xffff;
	_ =	sdelay $0x4  }
0x230: {  	vm8 =	vgt.f32 v10, v9;
	_ =	sdelay $0x4  }
0x231: {  	v10 =	vmin.f32 v10, v9  }
0x232: {  	[tilespmem:v8+s12+$0x0] =	vst.idx.msk vm8, v10  }
0x233: {  	v10 =	vld.idx.msk [tilespmem:v8+s12+$0x0], $0xffff;
	_ =	sdelay $0x4  }
0x234: {  	vm9 =	vgt.f32 v10, v9;
	_ =	sdelay $0x4  }
0x235: {  	v10 =	vmin.f32 v10, v9  }
0x236: {  	[tilespmem:v8+s12+$0x0] =	vst.idx.msk vm9, v10  }
0x237: {  	v10 =	vld.idx.msk [tilespmem:v8+s12+$0x0], $0xffff;
	_ =	sdelay $0x4  }
0x238: {  	vm10 =	vgt.f32 v10, v9;
	_ =	sdelay $0x4  }
0x239: {  	v10 =	vmin.f32 v10, v9  }
0x23a: {  	[tilespmem:v8+s12+$0x0] =	vst.idx.msk vm10, v10  }
0x23b: {  	v10 =	vld.idx.msk [tilespmem:v8+s12+$0x0], $0xffff;
	_ =	sdelay $0x4  }
0x23c: {  	vm11 =	vgt.f32 v10, v9;
	_ =	sdelay $0x4  }
0x23d: {  	v10 =	vmin.f32 v10, v9  }
0x23e: {  	[tilespmem:v8+s12+$0x0] =	vst.idx.msk vm11, v10  }
0x23f: {  	v10 =	vld.idx.msk [tilespmem:v8+s12+$0x0], $0xffff;
	_ =	sdelay $0x4  }
0x240: {  	vm12 =	vgt.f32 v10, v9;
	_ =	sdelay $0x4  }
0x241: {  	v10 =	vmin.f32 v10, v9  }
0x242: {  	[tilespmem:v8+s12+$0x0] =	vst.idx.msk vm12, v10  }
0x243: {  	v10 =	vld.idx.msk [tilespmem:v8+s12+$0x0], $0xffff;
	_ =	sdelay $0x4  }
0x244: {  	vm13 =	vgt.f32 v10, v9;
	_ =	sdelay $0x4  }
0x245: {  	v10 =	vmin.f32 v10, v9  }
0x246: {  	[tilespmem:v8+s12+$0x0] =	vst.idx.msk vm13, v10  }
0x247: {  	v10 =	vld.idx.msk [tilespmem:v8+s12+$0x0], $0xffff;
	_ =	sdelay $0x4  }
0x248: {  	vm14 =	vgt.f32 v10, v9;
	_ =	sdelay $0x4  }
0x249: {  	v10 =	vmin.f32 v10, v9  }
0x24a: {  	[tilespmem:v8+s12+$0x0] =	vst.idx.msk vm14, v10  }
0x24b: {  	v10 =	vld.idx.msk [tilespmem:v8+s12+$0x0], $0xffff;
	_ =	sdelay $0x4  }
0x24c: {  	vm15 =	vgt.f32 v10, v9;
	_ =	sdelay $0x4  }
0x24d: {  	v10 =	vmin.f32 v10, v9  }
0x24e: {  	[tilespmem:v8+s12+$0x0] =	vst.idx.msk vm15, v10  }
0x24f: {  	v10 =	vld.idx.msk [tilespmem:v8+s12+$0x0], $0xffff;
	_ =	sdelay $0x4  }
0x250: {  	vm4 =	vgt.f32 v10, v9;
	_ =	sdelay $0x4  }
0x251: {  	v10 =	vmin.f32 v10, v9  }
0x252: {  	[tilespmem:v8+s12+$0x0] =	vst.idx.msk vm4, v10  }
0x253: {  	v10 =	vld.idx.msk [tilespmem:v8+s12+$0x0], $0xffff;
	_ =	sdelay $0x4  }
0x254: {  	vm5 =	vgt.f32 v10, v9;
	_ =	sdelay $0x4  }
0x255: {  	v10 =	vmin.f32 v10, v9  }
0x256: {  	[tilespmem:v8+s12+$0x0] =	vst.idx.msk vm5, v10  }
0x257: {  	v10 =	vld.idx.msk [tilespmem:v8+s12+$0x0], $0xffff;
	_ =	sdelay $0x4  }
0x258: {  	vm6 =	vgt.f32 v10, v9;
	_ =	sdelay $0x4  }
0x259: {  	v10 =	vmin.f32 v10, v9  }
0x25a: {  	[tilespmem:v8+s12+$0x0] =	vst.idx.msk vm6, v10  }
0x25b: {  	v10 =	vld.idx.msk [tilespmem:v8+s12+$0x0], $0xffff;
	_ =	sdelay $0x4  }
0x25c: {  	vm7 =	vgt.f32 v10, v9;
	_ =	sdelay $0x4  }
0x25d: {  	v10 =	vmin.f32 v10, v9  }
0x25e: {  	[tilespmem:v8+s12+$0x0] =	vst.idx.msk vm7, v10  }
0x25f: {  	v10 =	vld.idx.msk [tilespmem:v8+s12+$0x0], $0xffff;
	_ =	sdelay $0x4  }
0x260: {  	vm8 =	vgt.f32 v10, v9;
	_ =	sdelay $0x4  }
0x261: {  	v10 =	vmin.f32 v10, v9  }
0x262: {  	[tilespmem:v8+s12+$0x0] =	vst.idx.msk vm8, v10  }
0x263: {  	v10 =	vld.idx.msk [tilespmem:v8+s12+$0x0], $0xffff;
	_ =	sdelay $0x4  }
0x264: {  	vm9 =	vgt.f32 v10, v9;
	_ =	sdelay $0x4  }
0x265: {  	v10 =	vmin.f32 v10, v9  }
0x266: {  	[tilespmem:v8+s12+$0x0] =	vst.idx.msk vm9, v10  }
0x267: {  	v10 =	vld.idx.msk [tilespmem:v8+s12+$0x0], $0xffff;
	_ =	sdelay $0x4  }
0x268: {  	vm10 =	vgt.f32 v10, v9;
	_ =	sdelay $0x4  }
0x269: {  	v10 =	vmin.f32 v10, v9  }
0x26a: {  	[tilespmem:v8+s12+$0x0] =	vst.idx.msk vm10, v10  }
0x26b: {  	v10 =	vld.idx.msk [tilespmem:v8+s12+$0x0], $0xffff;
	_ =	sdelay $0x4  }
0x26c: {  	vm11 =	vgt.f32 v10, v9;
	_ =	sdelay $0x4  }
0x26d: {  	v63 =	vmin.f32 v10, v9  }
0x26e: {  	[tilespmem:v8+s12+$0x0] =	vst.idx.msk vm11, v63  }
0x26f: {  	v8 =	vld.idx.msk [tilespmem:v6+s12+$0x0], $0xffff;
	_ =	sdelay $0x4  }
0x270: {  	vm12 =	vgt.f32 v8, v7;
	_ =	sdelay $0x4  }
0x271: {  	v8 =	vmin.f32 v8, v7  }
0x272: {  	[tilespmem:v6+s12+$0x0] =	vst.idx.msk vm12, v8  }
0x273: {  	v8 =	vld.idx.msk [tilespmem:v6+s12+$0x0], $0xffff;
	_ =	sdelay $0x4  }
0x274: {  	vm13 =	vgt.f32 v8, v7;
	_ =	sdelay $0x4  }
0x275: {  	v8 =	vmin.f32 v8, v7  }
0x276: {  	[tilespmem:v6+s12+$0x0] =	vst.idx.msk vm13, v8  }
0x277: {  	v8 =	vld.idx.msk [tilespmem:v6+s12+$0x0], $0xffff;
	_ =	sdelay $0x4  }
0x278: {  	vm14 =	vgt.f32 v8, v7;
	_ =	sdelay $0x4  }
0x279: {  	v8 =	vmin.f32 v8, v7  }
0x27a: {  	[tilespmem:v6+s12+$0x0] =	vst.idx.msk vm14, v8  }
0x27b: {  	v8 =	vld.idx.msk [tilespmem:v6+s12+$0x0], $0xffff;
	_ =	sdelay $0x4  }
0x27c: {  	vm15 =	vgt.f32 v8, v7;
	_ =	sdelay $0x4  }
0x27d: {  	v8 =	vmin.f32 v8, v7  }
0x27e: {  	[tilespmem:v6+s12+$0x0] =	vst.idx.msk vm15, v8  }
0x27f: {  	v8 =	vld.idx.msk [tilespmem:v6+s12+$0x0], $0xffff;
	_ =	sdelay $0x4  }
0x280: {  	vm4 =	vgt.f32 v8, v7;
	_ =	sdelay $0x4  }
0x281: {  	v8 =	vmin.f32 v8, v7  }
0x282: {  	[tilespmem:v6+s12+$0x0] =	vst.idx.msk vm4, v8  }
0x283: {  	v8 =	vld.idx.msk [tilespmem:v6+s12+$0x0], $0xffff;
	_ =	sdelay $0x4  }
0x284: {  	vm5 =	vgt.f32 v8, v7;
	_ =	sdelay $0x4  }
0x285: {  	v8 =	vmin.f32 v8, v7  }
0x286: {  	[tilespmem:v6+s12+$0x0] =	vst.idx.msk vm5, v8  }
0x287: {  	v8 =	vld.idx.msk [tilespmem:v6+s12+$0x0], $0xffff;
	_ =	sdelay $0x4  }
0x288: {  	vm6 =	vgt.f32 v8, v7;
	_ =	sdelay $0x4  }
0x289: {  	v8 =	vmin.f32 v8, v7  }
0x28a: {  	[tilespmem:v6+s12+$0x0] =	vst.idx.msk vm6, v8  }
0x28b: {  	v8 =	vld.idx.msk [tilespmem:v6+s12+$0x0], $0xffff;
	_ =	sdelay $0x4  }
0x28c: {  	vm7 =	vgt.f32 v8, v7;
	_ =	sdelay $0x4  }
0x28d: {  	v8 =	vmin.f32 v8, v7  }
0x28e: {  	[tilespmem:v6+s12+$0x0] =	vst.idx.msk vm7, v8  }
0x28f: {  	v8 =	vld.idx.msk [tilespmem:v6+s12+$0x0], $0xffff;
	_ =	sdelay $0x4  }
0x290: {  	vm8 =	vgt.f32 v8, v7;
	_ =	sdelay $0x4  }
0x291: {  	v8 =	vmin.f32 v8, v7  }
0x292: {  	[tilespmem:v6+s12+$0x0] =	vst.idx.msk vm8, v8  }
0x293: {  	v8 =	vld.idx.msk [tilespmem:v6+s12+$0x0], $0xffff;
	_ =	sdelay $0x4  }
0x294: {  	vm9 =	vgt.f32 v8, v7;
	_ =	sdelay $0x4  }
0x295: {  	v8 =	vmin.f32 v8, v7  }
0x296: {  	[tilespmem:v6+s12+$0x0] =	vst.idx.msk vm9, v8  }
0x297: {  	v8 =	vld.idx.msk [tilespmem:v6+s12+$0x0], $0xffff;
	_ =	sdelay $0x4  }
0x298: {  	vm10 =	vgt.f32 v8, v7;
	_ =	sdelay $0x4  }
0x299: {  	v8 =	vmin.f32 v8, v7  }
0x29a: {  	[tilespmem:v6+s12+$0x0] =	vst.idx.msk vm10, v8  }
0x29b: {  	v8 =	vld.idx.msk [tilespmem:v6+s12+$0x0], $0xffff;
	_ =	sdelay $0x4  }
0x29c: {  	vm11 =	vgt.f32 v8, v7;
	_ =	sdelay $0x4  }
0x29d: {  	v8 =	vmin.f32 v8, v7  }
0x29e: {  	[tilespmem:v6+s12+$0x0] =	vst.idx.msk vm11, v8  }
0x29f: {  	v8 =	vld.idx.msk [tilespmem:v6+s12+$0x0], $0xffff;
	_ =	sdelay $0x4  }
0x2a0: {  	vm12 =	vgt.f32 v8, v7;
	_ =	sdelay $0x4  }
0x2a1: {  	v8 =	vmin.f32 v8, v7  }
0x2a2: {  	[tilespmem:v6+s12+$0x0] =	vst.idx.msk vm12, v8  }
0x2a3: {  	v8 =	vld.idx.msk [tilespmem:v6+s12+$0x0], $0xffff;
	_ =	sdelay $0x4  }
0x2a4: {  	vm13 =	vgt.f32 v8, v7;
	_ =	sdelay $0x4  }
0x2a5: {  	v8 =	vmin.f32 v8, v7  }
0x2a6: {  	[tilespmem:v6+s12+$0x0] =	vst.idx.msk vm13, v8  }
0x2a7: {  	v8 =	vld.idx.msk [tilespmem:v6+s12+$0x0], $0xffff;
	_ =	sdelay $0x4  }
0x2a8: {  	vm14 =	vgt.f32 v8, v7;
	_ =	sdelay $0x4  }
0x2a9: {  	v8 =	vmin.f32 v8, v7  }
0x2aa: {  	[tilespmem:v6+s12+$0x0] =	vst.idx.msk vm14, v8  }
0x2ab: {  	v8 =	vld.idx.msk [tilespmem:v6+s12+$0x0], $0xffff;
	_ =	sdelay $0x4  }
0x2ac: {  	vm15 =	vgt.f32 v8, v7;
	_ =	sdelay $0x4  }
0x2ad: {  	v7 =	vmin.f32 v8, v7  }
0x2ae: {  	[tilespmem:v6+s12+$0x0] =	vst.idx.msk vm15, v7  }
.LBB2_11:
0x2af: {  	v12 =	vld [tilespmem:s24+$0x0];
	_ =	sdelay $0x4  }
0x2b0: {  	v6 =	vld [tilespmem:s23+$0x0];
	_ =	sdelay $0x2  }
0x2b1: {  	[tilespmem:v12+s17+$0x0] =	vst.idx.msk $0xffff, v4  }
0x2b2: {  	v7 =	vld.idx.msk [tilespmem:v12+s17+$0x0], $0xffff;
	_ =	sdelay $0x3  }
0x2b3: {  	v13 =	vld.idx.msk [tilespmem:v6+s11+$0x0], $0xffff  }
0x2b4: {  	v8 =	vld.idx.msk [tilespmem:v12+s12+$0x0], $0xffff;
	vm0 =	veq.s32 v7, v4  }
0x2b5: {  	v7 =	vsel vm0, $0x0, v5  }
0x2b6: {  	v9 =	vadd.s32 $0x2800, v6;
	(xrf0) =	vmax.scan.msk.f32 $0xffff, v7  }
0x2b7: {  	v10 =	vadd.s32 $0x2800, v12;
	_ =	sdelay $0x1  }
0x2b8: {  	v7 =	vmin.f32 v8, v13  }
0x2b9: {  	[tilespmem:v12+s12+$0x0] =	vst.idx.msk $0xffff, v7  }
0x2ba: {  	v11 =	vld.idx.msk [tilespmem:v9+s11+$0x0], $0xffff  }
0x2bb: {  	v7 =	vld.idx.msk [tilespmem:v10+s12+$0x0], $0xffff;
	v14, _, _ =	vpop (xrf0)  }
0x2bc: {  	(v2sf) =	vpush v14, $0xF  }
0x2bd: {  	v9 =	vadd.s32 $0x5000, v6  }
0x2be: {  	v8 =	vadd.s32 $0x5000, v12;
	_ =	sdelay $0x1  }
0x2bf: {  	v7 =	vmin.f32 v7, v11  }
0x2c0: {  	[tilespmem:v10+s12+$0x0] =	vst.idx.msk $0xffff, v7  }
0x2c1: {  	v9 =	vld.idx.msk [tilespmem:v9+s11+$0x0], $0xffff  }
0x2c2: {  	v7 =	vld.idx.msk [tilespmem:v8+s12+$0x0], $0xffff;
	_ =	sdelay $0x1  }
0x2c3: {  	v14 =	vadd.s32 $0x7800, v6  }
0x2c4: {  	v6 =	vadd.s32 $0x7800, v12;
	_ =	sdelay $0x1  }
0x2c5: {  	v7 =	vmin.f32 v7, v9  }
0x2c6: {  	[tilespmem:v8+s12+$0x0] =	vst.idx.msk $0xffff, v7  }
0x2c7: {  	v7 =	vld.idx.msk [tilespmem:v14+s11+$0x0], $0xffff  }
0x2c8: {  	v14 =	vld.idx.msk [tilespmem:v6+s12+$0x0], $0xffff;
	s25 =	spop (v2sf)  }
0x2c9: {  	p0 =	sgt.f32 s25, $0.0e+00  }
.Ltmp10:
0x2ca: {  	_ = 	snop;
	(pc) =	sbr.rel @!p0 .LBB2_13-.Ltmp10, $3  }
0x2cb: {  	_ =	sdelay $0x1  }
0x2cc: {  	v14 =	vmin.f32 v14, v7  }
0x2cd: {  	[tilespmem:v6+s12+$0x0] =	vst.idx.msk $0xffff, v14  }
0x2ce: {  	_ =	sdelay $0x3  }
0x2cf: {  	v14 =	vld.idx.msk [tilespmem:v12+s12+$0x0], $0xffff;
	_ =	sdelay $0x4  }
0x2d0: {  	vm0 =	vgt.f32 v14, v13;
	_ =	sdelay $0x4  }
0x2d1: {  	v14 =	vmin.f32 v14, v13  }
0x2d2: {  	[tilespmem:v12+s12+$0x0] =	vst.idx.msk vm0, v14  }
0x2d3: {  	v14 =	vld.idx.msk [tilespmem:v12+s12+$0x0], $0xffff;
	_ =	sdelay $0x4  }
0x2d4: {  	vm13 =	vgt.f32 v14, v13;
	_ =	sdelay $0x4  }
0x2d5: {  	v14 =	vmin.f32 v14, v13  }
0x2d6: {  	[tilespmem:v12+s12+$0x0] =	vst.idx.msk vm13, v14  }
0x2d7: {  	v14 =	vld.idx.msk [tilespmem:v12+s12+$0x0], $0xffff;
	_ =	sdelay $0x4  }
0x2d8: {  	vm14 =	vgt.f32 v14, v13;
	_ =	sdelay $0x4  }
0x2d9: {  	v14 =	vmin.f32 v14, v13  }
0x2da: {  	[tilespmem:v12+s12+$0x0] =	vst.idx.msk vm14, v14  }
0x2db: {  	v14 =	vld.idx.msk [tilespmem:v12+s12+$0x0], $0xffff;
	_ =	sdelay $0x4  }
0x2dc: {  	vm15 =	vgt.f32 v14, v13;
	_ =	sdelay $0x4  }
0x2dd: {  	v14 =	vmin.f32 v14, v13  }
0x2de: {  	[tilespmem:v12+s12+$0x0] =	vst.idx.msk vm15, v14  }
0x2df: {  	v14 =	vld.idx.msk [tilespmem:v12+s12+$0x0], $0xffff;
	_ =	sdelay $0x4  }
0x2e0: {  	vm4 =	vgt.f32 v14, v13;
	_ =	sdelay $0x4  }
0x2e1: {  	v14 =	vmin.f32 v14, v13  }
0x2e2: {  	[tilespmem:v12+s12+$0x0] =	vst.idx.msk vm4, v14  }
0x2e3: {  	v14 =	vld.idx.msk [tilespmem:v12+s12+$0x0], $0xffff;
	_ =	sdelay $0x4  }
0x2e4: {  	vm5 =	vgt.f32 v14, v13;
	_ =	sdelay $0x4  }
0x2e5: {  	v14 =	vmin.f32 v14, v13  }
0x2e6: {  	[tilespmem:v12+s12+$0x0] =	vst.idx.msk vm5, v14  }
0x2e7: {  	v14 =	vld.idx.msk [tilespmem:v12+s12+$0x0], $0xffff;
	_ =	sdelay $0x4  }
0x2e8: {  	vm6 =	vgt.f32 v14, v13;
	_ =	sdelay $0x4  }
0x2e9: {  	v14 =	vmin.f32 v14, v13  }
0x2ea: {  	[tilespmem:v12+s12+$0x0] =	vst.idx.msk vm6, v14  }
0x2eb: {  	v14 =	vld.idx.msk [tilespmem:v12+s12+$0x0], $0xffff;
	_ =	sdelay $0x4  }
0x2ec: {  	vm7 =	vgt.f32 v14, v13;
	_ =	sdelay $0x4  }
0x2ed: {  	v14 =	vmin.f32 v14, v13  }
0x2ee: {  	[tilespmem:v12+s12+$0x0] =	vst.idx.msk vm7, v14  }
0x2ef: {  	v14 =	vld.idx.msk [tilespmem:v12+s12+$0x0], $0xffff;
	_ =	sdelay $0x4  }
0x2f0: {  	vm8 =	vgt.f32 v14, v13;
	_ =	sdelay $0x4  }
0x2f1: {  	v14 =	vmin.f32 v14, v13  }
0x2f2: {  	[tilespmem:v12+s12+$0x0] =	vst.idx.msk vm8, v14  }
0x2f3: {  	v14 =	vld.idx.msk [tilespmem:v12+s12+$0x0], $0xffff;
	_ =	sdelay $0x4  }
0x2f4: {  	vm9 =	vgt.f32 v14, v13;
	_ =	sdelay $0x4  }
0x2f5: {  	v14 =	vmin.f32 v14, v13  }
0x2f6: {  	[tilespmem:v12+s12+$0x0] =	vst.idx.msk vm9, v14  }
0x2f7: {  	v14 =	vld.idx.msk [tilespmem:v12+s12+$0x0], $0xffff;
	_ =	sdelay $0x4  }
0x2f8: {  	vm10 =	vgt.f32 v14, v13;
	_ =	sdelay $0x4  }
0x2f9: {  	v14 =	vmin.f32 v14, v13  }
0x2fa: {  	[tilespmem:v12+s12+$0x0] =	vst.idx.msk vm10, v14  }
0x2fb: {  	v14 =	vld.idx.msk [tilespmem:v12+s12+$0x0], $0xffff;
	_ =	sdelay $0x4  }
0x2fc: {  	vm11 =	vgt.f32 v14, v13;
	_ =	sdelay $0x4  }
0x2fd: {  	v14 =	vmin.f32 v14, v13  }
0x2fe: {  	[tilespmem:v12+s12+$0x0] =	vst.idx.msk vm11, v14  }
0x2ff: {  	v14 =	vld.idx.msk [tilespmem:v12+s12+$0x0], $0xffff;
	_ =	sdelay $0x4  }
0x300: {  	vm12 =	vgt.f32 v14, v13;
	_ =	sdelay $0x4  }
0x301: {  	v14 =	vmin.f32 v14, v13  }
0x302: {  	[tilespmem:v12+s12+$0x0] =	vst.idx.msk vm12, v14  }
0x303: {  	v14 =	vld.idx.msk [tilespmem:v12+s12+$0x0], $0xffff;
	_ =	sdelay $0x4  }
0x304: {  	vm13 =	vgt.f32 v14, v13;
	_ =	sdelay $0x4  }
0x305: {  	v14 =	vmin.f32 v14, v13  }
0x306: {  	[tilespmem:v12+s12+$0x0] =	vst.idx.msk vm13, v14  }
0x307: {  	v14 =	vld.idx.msk [tilespmem:v12+s12+$0x0], $0xffff;
	_ =	sdelay $0x4  }
0x308: {  	vm14 =	vgt.f32 v14, v13;
	_ =	sdelay $0x4  }
0x309: {  	v14 =	vmin.f32 v14, v13  }
0x30a: {  	[tilespmem:v12+s12+$0x0] =	vst.idx.msk vm14, v14  }
0x30b: {  	v14 =	vld.idx.msk [tilespmem:v12+s12+$0x0], $0xffff;
	_ =	sdelay $0x4  }
0x30c: {  	vm15 =	vgt.f32 v14, v13;
	_ =	sdelay $0x4  }
0x30d: {  	v61 =	vmin.f32 v14, v13  }
0x30e: {  	[tilespmem:v12+s12+$0x0] =	vst.idx.msk vm15, v61  }
0x30f: {  	v12 =	vld.idx.msk [tilespmem:v10+s12+$0x0], $0xffff;
	_ =	sdelay $0x4  }
0x310: {  	vm4 =	vgt.f32 v12, v11;
	_ =	sdelay $0x4  }
0x311: {  	v12 =	vmin.f32 v12, v11  }
0x312: {  	[tilespmem:v10+s12+$0x0] =	vst.idx.msk vm4, v12  }
0x313: {  	v12 =	vld.idx.msk [tilespmem:v10+s12+$0x0], $0xffff;
	_ =	sdelay $0x4  }
0x314: {  	vm5 =	vgt.f32 v12, v11;
	_ =	sdelay $0x4  }
0x315: {  	v12 =	vmin.f32 v12, v11  }
0x316: {  	[tilespmem:v10+s12+$0x0] =	vst.idx.msk vm5, v12  }
0x317: {  	v12 =	vld.idx.msk [tilespmem:v10+s12+$0x0], $0xffff;
	_ =	sdelay $0x4  }
0x318: {  	vm6 =	vgt.f32 v12, v11;
	_ =	sdelay $0x4  }
0x319: {  	v12 =	vmin.f32 v12, v11  }
0x31a: {  	[tilespmem:v10+s12+$0x0] =	vst.idx.msk vm6, v12  }
0x31b: {  	v12 =	vld.idx.msk [tilespmem:v10+s12+$0x0], $0xffff;
	_ =	sdelay $0x4  }
0x31c: {  	vm7 =	vgt.f32 v12, v11;
	_ =	sdelay $0x4  }
0x31d: {  	v12 =	vmin.f32 v12, v11  }
0x31e: {  	[tilespmem:v10+s12+$0x0] =	vst.idx.msk vm7, v12  }
0x31f: {  	v12 =	vld.idx.msk [tilespmem:v10+s12+$0x0], $0xffff;
	_ =	sdelay $0x4  }
0x320: {  	vm8 =	vgt.f32 v12, v11;
	_ =	sdelay $0x4  }
0x321: {  	v12 =	vmin.f32 v12, v11  }
0x322: {  	[tilespmem:v10+s12+$0x0] =	vst.idx.msk vm8, v12  }
0x323: {  	v12 =	vld.idx.msk [tilespmem:v10+s12+$0x0], $0xffff;
	_ =	sdelay $0x4  }
0x324: {  	vm9 =	vgt.f32 v12, v11;
	_ =	sdelay $0x4  }
0x325: {  	v12 =	vmin.f32 v12, v11  }
0x326: {  	[tilespmem:v10+s12+$0x0] =	vst.idx.msk vm9, v12  }
0x327: {  	v12 =	vld.idx.msk [tilespmem:v10+s12+$0x0], $0xffff;
	_ =	sdelay $0x4  }
0x328: {  	vm10 =	vgt.f32 v12, v11;
	_ =	sdelay $0x4  }
0x329: {  	v12 =	vmin.f32 v12, v11  }
0x32a: {  	[tilespmem:v10+s12+$0x0] =	vst.idx.msk vm10, v12  }
0x32b: {  	v12 =	vld.idx.msk [tilespmem:v10+s12+$0x0], $0xffff;
	_ =	sdelay $0x4  }
0x32c: {  	vm11 =	vgt.f32 v12, v11;
	_ =	sdelay $0x4  }
0x32d: {  	v12 =	vmin.f32 v12, v11  }
0x32e: {  	[tilespmem:v10+s12+$0x0] =	vst.idx.msk vm11, v12  }
0x32f: {  	v12 =	vld.idx.msk [tilespmem:v10+s12+$0x0], $0xffff;
	_ =	sdelay $0x4  }
0x330: {  	vm12 =	vgt.f32 v12, v11;
	_ =	sdelay $0x4  }
0x331: {  	v12 =	vmin.f32 v12, v11  }
0x332: {  	[tilespmem:v10+s12+$0x0] =	vst.idx.msk vm12, v12  }
0x333: {  	v12 =	vld.idx.msk [tilespmem:v10+s12+$0x0], $0xffff;
	_ =	sdelay $0x4  }
0x334: {  	vm13 =	vgt.f32 v12, v11;
	_ =	sdelay $0x4  }
0x335: {  	v12 =	vmin.f32 v12, v11  }
0x336: {  	[tilespmem:v10+s12+$0x0] =	vst.idx.msk vm13, v12  }
0x337: {  	v12 =	vld.idx.msk [tilespmem:v10+s12+$0x0], $0xffff;
	_ =	sdelay $0x4  }
0x338: {  	vm14 =	vgt.f32 v12, v11;
	_ =	sdelay $0x4  }
0x339: {  	v12 =	vmin.f32 v12, v11  }
0x33a: {  	[tilespmem:v10+s12+$0x0] =	vst.idx.msk vm14, v12  }
0x33b: {  	v12 =	vld.idx.msk [tilespmem:v10+s12+$0x0], $0xffff;
	_ =	sdelay $0x4  }
0x33c: {  	vm15 =	vgt.f32 v12, v11;
	_ =	sdelay $0x4  }
0x33d: {  	v12 =	vmin.f32 v12, v11  }
0x33e: {  	[tilespmem:v10+s12+$0x0] =	vst.idx.msk vm15, v12  }
0x33f: {  	v12 =	vld.idx.msk [tilespmem:v10+s12+$0x0], $0xffff;
	_ =	sdelay $0x4  }
0x340: {  	vm4 =	vgt.f32 v12, v11;
	_ =	sdelay $0x4  }
0x341: {  	v12 =	vmin.f32 v12, v11  }
0x342: {  	[tilespmem:v10+s12+$0x0] =	vst.idx.msk vm4, v12  }
0x343: {  	v12 =	vld.idx.msk [tilespmem:v10+s12+$0x0], $0xffff;
	_ =	sdelay $0x4  }
0x344: {  	vm5 =	vgt.f32 v12, v11;
	_ =	sdelay $0x4  }
0x345: {  	v12 =	vmin.f32 v12, v11  }
0x346: {  	[tilespmem:v10+s12+$0x0] =	vst.idx.msk vm5, v12  }
0x347: {  	v12 =	vld.idx.msk [tilespmem:v10+s12+$0x0], $0xffff;
	_ =	sdelay $0x4  }
0x348: {  	vm6 =	vgt.f32 v12, v11;
	_ =	sdelay $0x4  }
0x349: {  	v12 =	vmin.f32 v12, v11  }
0x34a: {  	[tilespmem:v10+s12+$0x0] =	vst.idx.msk vm6, v12  }
0x34b: {  	v12 =	vld.idx.msk [tilespmem:v10+s12+$0x0], $0xffff;
	_ =	sdelay $0x4  }
0x34c: {  	vm7 =	vgt.f32 v12, v11;
	_ =	sdelay $0x4  }
0x34d: {  	v62 =	vmin.f32 v12, v11  }
0x34e: {  	[tilespmem:v10+s12+$0x0] =	vst.idx.msk vm7, v62  }
0x34f: {  	v10 =	vld.idx.msk [tilespmem:v8+s12+$0x0], $0xffff;
	_ =	sdelay $0x4  }
0x350: {  	vm8 =	vgt.f32 v10, v9;
	_ =	sdelay $0x4  }
0x351: {  	v10 =	vmin.f32 v10, v9  }
0x352: {  	[tilespmem:v8+s12+$0x0] =	vst.idx.msk vm8, v10  }
0x353: {  	v10 =	vld.idx.msk [tilespmem:v8+s12+$0x0], $0xffff;
	_ =	sdelay $0x4  }
0x354: {  	vm9 =	vgt.f32 v10, v9;
	_ =	sdelay $0x4  }
0x355: {  	v10 =	vmin.f32 v10, v9  }
0x356: {  	[tilespmem:v8+s12+$0x0] =	vst.idx.msk vm9, v10  }
0x357: {  	v10 =	vld.idx.msk [tilespmem:v8+s12+$0x0], $0xffff;
	_ =	sdelay $0x4  }
0x358: {  	vm10 =	vgt.f32 v10, v9;
	_ =	sdelay $0x4  }
0x359: {  	v10 =	vmin.f32 v10, v9  }
0x35a: {  	[tilespmem:v8+s12+$0x0] =	vst.idx.msk vm10, v10  }
0x35b: {  	v10 =	vld.idx.msk [tilespmem:v8+s12+$0x0], $0xffff;
	_ =	sdelay $0x4  }
0x35c: {  	vm11 =	vgt.f32 v10, v9;
	_ =	sdelay $0x4  }
0x35d: {  	v10 =	vmin.f32 v10, v9  }
0x35e: {  	[tilespmem:v8+s12+$0x0] =	vst.idx.msk vm11, v10  }
0x35f: {  	v10 =	vld.idx.msk [tilespmem:v8+s12+$0x0], $0xffff;
	_ =	sdelay $0x4  }
0x360: {  	vm12 =	vgt.f32 v10, v9;
	_ =	sdelay $0x4  }
0x361: {  	v10 =	vmin.f32 v10, v9  }
0x362: {  	[tilespmem:v8+s12+$0x0] =	vst.idx.msk vm12, v10  }
0x363: {  	v10 =	vld.idx.msk [tilespmem:v8+s12+$0x0], $0xffff;
	_ =	sdelay $0x4  }
0x364: {  	vm13 =	vgt.f32 v10, v9;
	_ =	sdelay $0x4  }
0x365: {  	v10 =	vmin.f32 v10, v9  }
0x366: {  	[tilespmem:v8+s12+$0x0] =	vst.idx.msk vm13, v10  }
0x367: {  	v10 =	vld.idx.msk [tilespmem:v8+s12+$0x0], $0xffff;
	_ =	sdelay $0x4  }
0x368: {  	vm14 =	vgt.f32 v10, v9;
	_ =	sdelay $0x4  }
0x369: {  	v10 =	vmin.f32 v10, v9  }
0x36a: {  	[tilespmem:v8+s12+$0x0] =	vst.idx.msk vm14, v10  }
0x36b: {  	v10 =	vld.idx.msk [tilespmem:v8+s12+$0x0], $0xffff;
	_ =	sdelay $0x4  }
0x36c: {  	vm15 =	vgt.f32 v10, v9;
	_ =	sdelay $0x4  }
0x36d: {  	v10 =	vmin.f32 v10, v9  }
0x36e: {  	[tilespmem:v8+s12+$0x0] =	vst.idx.msk vm15, v10  }
0x36f: {  	v10 =	vld.idx.msk [tilespmem:v8+s12+$0x0], $0xffff;
	_ =	sdelay $0x4  }
0x370: {  	vm4 =	vgt.f32 v10, v9;
	_ =	sdelay $0x4  }
0x371: {  	v10 =	vmin.f32 v10, v9  }
0x372: {  	[tilespmem:v8+s12+$0x0] =	vst.idx.msk vm4, v10  }
0x373: {  	v10 =	vld.idx.msk [tilespmem:v8+s12+$0x0], $0xffff;
	_ =	sdelay $0x4  }
0x374: {  	vm5 =	vgt.f32 v10, v9;
	_ =	sdelay $0x4  }
0x375: {  	v10 =	vmin.f32 v10, v9  }
0x376: {  	[tilespmem:v8+s12+$0x0] =	vst.idx.msk vm5, v10  }
0x377: {  	v10 =	vld.idx.msk [tilespmem:v8+s12+$0x0], $0xffff;
	_ =	sdelay $0x4  }
0x378: {  	vm6 =	vgt.f32 v10, v9;
	_ =	sdelay $0x4  }
0x379: {  	v10 =	vmin.f32 v10, v9  }
0x37a: {  	[tilespmem:v8+s12+$0x0] =	vst.idx.msk vm6, v10  }
0x37b: {  	v10 =	vld.idx.msk [tilespmem:v8+s12+$0x0], $0xffff;
	_ =	sdelay $0x4  }
0x37c: {  	vm7 =	vgt.f32 v10, v9;
	_ =	sdelay $0x4  }
0x37d: {  	v10 =	vmin.f32 v10, v9  }
0x37e: {  	[tilespmem:v8+s12+$0x0] =	vst.idx.msk vm7, v10  }
0x37f: {  	v10 =	vld.idx.msk [tilespmem:v8+s12+$0x0], $0xffff;
	_ =	sdelay $0x4  }
0x380: {  	vm8 =	vgt.f32 v10, v9;
	_ =	sdelay $0x4  }
0x381: {  	v10 =	vmin.f32 v10, v9  }
0x382: {  	[tilespmem:v8+s12+$0x0] =	vst.idx.msk vm8, v10  }
0x383: {  	v10 =	vld.idx.msk [tilespmem:v8+s12+$0x0], $0xffff;
	_ =	sdelay $0x4  }
0x384: {  	vm9 =	vgt.f32 v10, v9;
	_ =	sdelay $0x4  }
0x385: {  	v10 =	vmin.f32 v10, v9  }
0x386: {  	[tilespmem:v8+s12+$0x0] =	vst.idx.msk vm9, v10  }
0x387: {  	v10 =	vld.idx.msk [tilespmem:v8+s12+$0x0], $0xffff;
	_ =	sdelay $0x4  }
0x388: {  	vm10 =	vgt.f32 v10, v9;
	_ =	sdelay $0x4  }
0x389: {  	v10 =	vmin.f32 v10, v9  }
0x38a: {  	[tilespmem:v8+s12+$0x0] =	vst.idx.msk vm10, v10  }
0x38b: {  	v10 =	vld.idx.msk [tilespmem:v8+s12+$0x0], $0xffff;
	_ =	sdelay $0x4  }
0x38c: {  	vm11 =	vgt.f32 v10, v9;
	_ =	sdelay $0x4  }
0x38d: {  	v63 =	vmin.f32 v10, v9  }
0x38e: {  	[tilespmem:v8+s12+$0x0] =	vst.idx.msk vm11, v63  }
0x38f: {  	v8 =	vld.idx.msk [tilespmem:v6+s12+$0x0], $0xffff;
	_ =	sdelay $0x4  }
0x390: {  	vm12 =	vgt.f32 v8, v7;
	_ =	sdelay $0x4  }
0x391: {  	v8 =	vmin.f32 v8, v7  }
0x392: {  	[tilespmem:v6+s12+$0x0] =	vst.idx.msk vm12, v8  }
0x393: {  	v8 =	vld.idx.msk [tilespmem:v6+s12+$0x0], $0xffff;
	_ =	sdelay $0x4  }
0x394: {  	vm13 =	vgt.f32 v8, v7;
	_ =	sdelay $0x4  }
0x395: {  	v8 =	vmin.f32 v8, v7  }
0x396: {  	[tilespmem:v6+s12+$0x0] =	vst.idx.msk vm13, v8  }
0x397: {  	v8 =	vld.idx.msk [tilespmem:v6+s12+$0x0], $0xffff;
	_ =	sdelay $0x4  }
0x398: {  	vm14 =	vgt.f32 v8, v7;
	_ =	sdelay $0x4  }
0x399: {  	v8 =	vmin.f32 v8, v7  }
0x39a: {  	[tilespmem:v6+s12+$0x0] =	vst.idx.msk vm14, v8  }
0x39b: {  	v8 =	vld.idx.msk [tilespmem:v6+s12+$0x0], $0xffff;
	_ =	sdelay $0x4  }
0x39c: {  	vm15 =	vgt.f32 v8, v7;
	_ =	sdelay $0x4  }
0x39d: {  	v8 =	vmin.f32 v8, v7  }
0x39e: {  	[tilespmem:v6+s12+$0x0] =	vst.idx.msk vm15, v8  }
0x39f: {  	v8 =	vld.idx.msk [tilespmem:v6+s12+$0x0], $0xffff;
	_ =	sdelay $0x4  }
0x3a0: {  	vm4 =	vgt.f32 v8, v7;
	_ =	sdelay $0x4  }
0x3a1: {  	v8 =	vmin.f32 v8, v7  }
0x3a2: {  	[tilespmem:v6+s12+$0x0] =	vst.idx.msk vm4, v8  }
0x3a3: {  	v8 =	vld.idx.msk [tilespmem:v6+s12+$0x0], $0xffff;
	_ =	sdelay $0x4  }
0x3a4: {  	vm5 =	vgt.f32 v8, v7;
	_ =	sdelay $0x4  }
0x3a5: {  	v8 =	vmin.f32 v8, v7  }
0x3a6: {  	[tilespmem:v6+s12+$0x0] =	vst.idx.msk vm5, v8  }
0x3a7: {  	v8 =	vld.idx.msk [tilespmem:v6+s12+$0x0], $0xffff;
	_ =	sdelay $0x4  }
0x3a8: {  	vm6 =	vgt.f32 v8, v7;
	_ =	sdelay $0x4  }
0x3a9: {  	v8 =	vmin.f32 v8, v7  }
0x3aa: {  	[tilespmem:v6+s12+$0x0] =	vst.idx.msk vm6, v8  }
0x3ab: {  	v8 =	vld.idx.msk [tilespmem:v6+s12+$0x0], $0xffff;
	_ =	sdelay $0x4  }
0x3ac: {  	vm7 =	vgt.f32 v8, v7;
	_ =	sdelay $0x4  }
0x3ad: {  	v8 =	vmin.f32 v8, v7  }
0x3ae: {  	[tilespmem:v6+s12+$0x0] =	vst.idx.msk vm7, v8  }
0x3af: {  	v8 =	vld.idx.msk [tilespmem:v6+s12+$0x0], $0xffff;
	_ =	sdelay $0x4  }
0x3b0: {  	vm8 =	vgt.f32 v8, v7;
	_ =	sdelay $0x4  }
0x3b1: {  	v8 =	vmin.f32 v8, v7  }
0x3b2: {  	[tilespmem:v6+s12+$0x0] =	vst.idx.msk vm8, v8  }
0x3b3: {  	v8 =	vld.idx.msk [tilespmem:v6+s12+$0x0], $0xffff;
	_ =	sdelay $0x4  }
0x3b4: {  	vm9 =	vgt.f32 v8, v7;
	_ =	sdelay $0x4  }
0x3b5: {  	v8 =	vmin.f32 v8, v7  }
0x3b6: {  	[tilespmem:v6+s12+$0x0] =	vst.idx.msk vm9, v8  }
0x3b7: {  	v8 =	vld.idx.msk [tilespmem:v6+s12+$0x0], $0xffff;
	_ =	sdelay $0x4  }
0x3b8: {  	vm10 =	vgt.f32 v8, v7;
	_ =	sdelay $0x4  }
0x3b9: {  	v8 =	vmin.f32 v8, v7  }
0x3ba: {  	[tilespmem:v6+s12+$0x0] =	vst.idx.msk vm10, v8  }
0x3bb: {  	v8 =	vld.idx.msk [tilespmem:v6+s12+$0x0], $0xffff;
	_ =	sdelay $0x4  }
0x3bc: {  	vm11 =	vgt.f32 v8, v7;
	_ =	sdelay $0x4  }
0x3bd: {  	v8 =	vmin.f32 v8, v7  }
0x3be: {  	[tilespmem:v6+s12+$0x0] =	vst.idx.msk vm11, v8  }
0x3bf: {  	v8 =	vld.idx.msk [tilespmem:v6+s12+$0x0], $0xffff;
	_ =	sdelay $0x4  }
0x3c0: {  	vm12 =	vgt.f32 v8, v7;
	_ =	sdelay $0x4  }
0x3c1: {  	v8 =	vmin.f32 v8, v7  }
0x3c2: {  	[tilespmem:v6+s12+$0x0] =	vst.idx.msk vm12, v8  }
0x3c3: {  	v8 =	vld.idx.msk [tilespmem:v6+s12+$0x0], $0xffff;
	_ =	sdelay $0x4  }
0x3c4: {  	vm13 =	vgt.f32 v8, v7;
	_ =	sdelay $0x4  }
0x3c5: {  	v8 =	vmin.f32 v8, v7  }
0x3c6: {  	[tilespmem:v6+s12+$0x0] =	vst.idx.msk vm13, v8  }
0x3c7: {  	v8 =	vld.idx.msk [tilespmem:v6+s12+$0x0], $0xffff;
	_ =	sdelay $0x4  }
0x3c8: {  	vm14 =	vgt.f32 v8, v7;
	_ =	sdelay $0x4  }
0x3c9: {  	v8 =	vmin.f32 v8, v7  }
0x3ca: {  	[tilespmem:v6+s12+$0x0] =	vst.idx.msk vm14, v8  }
0x3cb: {  	v8 =	vld.idx.msk [tilespmem:v6+s12+$0x0], $0xffff;
	_ =	sdelay $0x4  }
0x3cc: {  	vm15 =	vgt.f32 v8, v7;
	_ =	sdelay $0x4  }
0x3cd: {  	v7 =	vmin.f32 v8, v7  }
0x3ce: {  	[tilespmem:v6+s12+$0x0] =	vst.idx.msk vm15, v7  }
.LBB2_13:
0x3cf: {  	v12 =	vld [tilespmem:s24+$0x10];
	_ =	sdelay $0x4  }
0x3d0: {  	v6 =	vld [tilespmem:s23+$0x10];
	_ =	sdelay $0x2  }
0x3d1: {  	[tilespmem:v12+s17+$0x0] =	vst.idx.msk $0xffff, v4  }
0x3d2: {  	v7 =	vld.idx.msk [tilespmem:v12+s17+$0x0], $0xffff;
	_ =	sdelay $0x3  }
0x3d3: {  	v13 =	vld.idx.msk [tilespmem:v6+s11+$0x0], $0xffff  }
0x3d4: {  	v8 =	vld.idx.msk [tilespmem:v12+s12+$0x0], $0xffff;
	vm0 =	veq.s32 v7, v4  }
0x3d5: {  	v7 =	vsel vm0, $0x0, v5  }
0x3d6: {  	v9 =	vadd.s32 $0x2800, v6;
	(xrf0) =	vmax.scan.msk.f32 $0xffff, v7  }
0x3d7: {  	v10 =	vadd.s32 $0x2800, v12;
	_ =	sdelay $0x1  }
0x3d8: {  	v7 =	vmin.f32 v8, v13  }
0x3d9: {  	[tilespmem:v12+s12+$0x0] =	vst.idx.msk $0xffff, v7  }
0x3da: {  	v11 =	vld.idx.msk [tilespmem:v9+s11+$0x0], $0xffff  }
0x3db: {  	v7 =	vld.idx.msk [tilespmem:v10+s12+$0x0], $0xffff;
	v14, _, _ =	vpop (xrf0)  }
0x3dc: {  	(v2sf) =	vpush v14, $0xF  }
0x3dd: {  	v9 =	vadd.s32 $0x5000, v6  }
0x3de: {  	v8 =	vadd.s32 $0x5000, v12;
	_ =	sdelay $0x1  }
0x3df: {  	v7 =	vmin.f32 v7, v11  }
0x3e0: {  	[tilespmem:v10+s12+$0x0] =	vst.idx.msk $0xffff, v7  }
0x3e1: {  	v9 =	vld.idx.msk [tilespmem:v9+s11+$0x0], $0xffff  }
0x3e2: {  	v7 =	vld.idx.msk [tilespmem:v8+s12+$0x0], $0xffff;
	_ =	sdelay $0x1  }
0x3e3: {  	v14 =	vadd.s32 $0x7800, v6  }
0x3e4: {  	v6 =	vadd.s32 $0x7800, v12;
	_ =	sdelay $0x1  }
0x3e5: {  	v7 =	vmin.f32 v7, v9  }
0x3e6: {  	[tilespmem:v8+s12+$0x0] =	vst.idx.msk $0xffff, v7  }
0x3e7: {  	v7 =	vld.idx.msk [tilespmem:v14+s11+$0x0], $0xffff  }
0x3e8: {  	v14 =	vld.idx.msk [tilespmem:v6+s12+$0x0], $0xffff;
	s25 =	spop (v2sf)  }
0x3e9: {  	p0 =	sgt.f32 s25, $0.0e+00  }
.Ltmp11:
0x3ea: {  	_ = 	snop;
	(pc) =	sbr.rel @!p0 .LBB2_15-.Ltmp11, $3  }
0x3eb: {  	_ =	sdelay $0x1  }
0x3ec: {  	v14 =	vmin.f32 v14, v7  }
0x3ed: {  	[tilespmem:v6+s12+$0x0] =	vst.idx.msk $0xffff, v14  }
0x3ee: {  	_ =	sdelay $0x3  }
0x3ef: {  	v14 =	vld.idx.msk [tilespmem:v12+s12+$0x0], $0xffff;
	_ =	sdelay $0x4  }
0x3f0: {  	vm0 =	vgt.f32 v14, v13;
	_ =	sdelay $0x4  }
0x3f1: {  	v14 =	vmin.f32 v14, v13  }
0x3f2: {  	[tilespmem:v12+s12+$0x0] =	vst.idx.msk vm0, v14  }
0x3f3: {  	v14 =	vld.idx.msk [tilespmem:v12+s12+$0x0], $0xffff;
	_ =	sdelay $0x4  }
0x3f4: {  	vm13 =	vgt.f32 v14, v13;
	_ =	sdelay $0x4  }
0x3f5: {  	v14 =	vmin.f32 v14, v13  }
0x3f6: {  	[tilespmem:v12+s12+$0x0] =	vst.idx.msk vm13, v14  }
0x3f7: {  	v14 =	vld.idx.msk [tilespmem:v12+s12+$0x0], $0xffff;
	_ =	sdelay $0x4  }
0x3f8: {  	vm14 =	vgt.f32 v14, v13;
	_ =	sdelay $0x4  }
0x3f9: {  	v14 =	vmin.f32 v14, v13  }
0x3fa: {  	[tilespmem:v12+s12+$0x0] =	vst.idx.msk vm14, v14  }
0x3fb: {  	v14 =	vld.idx.msk [tilespmem:v12+s12+$0x0], $0xffff;
	_ =	sdelay $0x4  }
0x3fc: {  	vm15 =	vgt.f32 v14, v13;
	_ =	sdelay $0x4  }
0x3fd: {  	v14 =	vmin.f32 v14, v13  }
0x3fe: {  	[tilespmem:v12+s12+$0x0] =	vst.idx.msk vm15, v14  }
0x3ff: {  	v14 =	vld.idx.msk [tilespmem:v12+s12+$0x0], $0xffff;
	_ =	sdelay $0x4  }
0x400: {  	vm4 =	vgt.f32 v14, v13;
	_ =	sdelay $0x4  }
0x401: {  	v14 =	vmin.f32 v14, v13  }
0x402: {  	[tilespmem:v12+s12+$0x0] =	vst.idx.msk vm4, v14  }
0x403: {  	v14 =	vld.idx.msk [tilespmem:v12+s12+$0x0], $0xffff;
	_ =	sdelay $0x4  }
0x404: {  	vm5 =	vgt.f32 v14, v13;
	_ =	sdelay $0x4  }
0x405: {  	v14 =	vmin.f32 v14, v13  }
0x406: {  	[tilespmem:v12+s12+$0x0] =	vst.idx.msk vm5, v14  }
0x407: {  	v14 =	vld.idx.msk [tilespmem:v12+s12+$0x0], $0xffff;
	_ =	sdelay $0x4  }
0x408: {  	vm6 =	vgt.f32 v14, v13;
	_ =	sdelay $0x4  }
0x409: {  	v14 =	vmin.f32 v14, v13  }
0x40a: {  	[tilespmem:v12+s12+$0x0] =	vst.idx.msk vm6, v14  }
0x40b: {  	v14 =	vld.idx.msk [tilespmem:v12+s12+$0x0], $0xffff;
	_ =	sdelay $0x4  }
0x40c: {  	vm7 =	vgt.f32 v14, v13;
	_ =	sdelay $0x4  }
0x40d: {  	v14 =	vmin.f32 v14, v13  }
0x40e: {  	[tilespmem:v12+s12+$0x0] =	vst.idx.msk vm7, v14  }
0x40f: {  	v14 =	vld.idx.msk [tilespmem:v12+s12+$0x0], $0xffff;
	_ =	sdelay $0x4  }
0x410: {  	vm8 =	vgt.f32 v14, v13;
	_ =	sdelay $0x4  }
0x411: {  	v14 =	vmin.f32 v14, v13  }
0x412: {  	[tilespmem:v12+s12+$0x0] =	vst.idx.msk vm8, v14  }
0x413: {  	v14 =	vld.idx.msk [tilespmem:v12+s12+$0x0], $0xffff;
	_ =	sdelay $0x4  }
0x414: {  	vm9 =	vgt.f32 v14, v13;
	_ =	sdelay $0x4  }
0x415: {  	v14 =	vmin.f32 v14, v13  }
0x416: {  	[tilespmem:v12+s12+$0x0] =	vst.idx.msk vm9, v14  }
0x417: {  	v14 =	vld.idx.msk [tilespmem:v12+s12+$0x0], $0xffff;
	_ =	sdelay $0x4  }
0x418: {  	vm10 =	vgt.f32 v14, v13;
	_ =	sdelay $0x4  }
0x419: {  	v14 =	vmin.f32 v14, v13  }
0x41a: {  	[tilespmem:v12+s12+$0x0] =	vst.idx.msk vm10, v14  }
0x41b: {  	v14 =	vld.idx.msk [tilespmem:v12+s12+$0x0], $0xffff;
	_ =	sdelay $0x4  }
0x41c: {  	vm11 =	vgt.f32 v14, v13;
	_ =	sdelay $0x4  }
0x41d: {  	v14 =	vmin.f32 v14, v13  }
0x41e: {  	[tilespmem:v12+s12+$0x0] =	vst.idx.msk vm11, v14  }
0x41f: {  	v14 =	vld.idx.msk [tilespmem:v12+s12+$0x0], $0xffff;
	_ =	sdelay $0x4  }
0x420: {  	vm12 =	vgt.f32 v14, v13;
	_ =	sdelay $0x4  }
0x421: {  	v14 =	vmin.f32 v14, v13  }
0x422: {  	[tilespmem:v12+s12+$0x0] =	vst.idx.msk vm12, v14  }
0x423: {  	v14 =	vld.idx.msk [tilespmem:v12+s12+$0x0], $0xffff;
	_ =	sdelay $0x4  }
0x424: {  	vm13 =	vgt.f32 v14, v13;
	_ =	sdelay $0x4  }
0x425: {  	v14 =	vmin.f32 v14, v13  }
0x426: {  	[tilespmem:v12+s12+$0x0] =	vst.idx.msk vm13, v14  }
0x427: {  	v14 =	vld.idx.msk [tilespmem:v12+s12+$0x0], $0xffff;
	_ =	sdelay $0x4  }
0x428: {  	vm14 =	vgt.f32 v14, v13;
	_ =	sdelay $0x4  }
0x429: {  	v14 =	vmin.f32 v14, v13  }
0x42a: {  	[tilespmem:v12+s12+$0x0] =	vst.idx.msk vm14, v14  }
0x42b: {  	v14 =	vld.idx.msk [tilespmem:v12+s12+$0x0], $0xffff;
	_ =	sdelay $0x4  }
0x42c: {  	vm15 =	vgt.f32 v14, v13;
	_ =	sdelay $0x4  }
0x42d: {  	v61 =	vmin.f32 v14, v13  }
0x42e: {  	[tilespmem:v12+s12+$0x0] =	vst.idx.msk vm15, v61  }
0x42f: {  	v12 =	vld.idx.msk [tilespmem:v10+s12+$0x0], $0xffff;
	_ =	sdelay $0x4  }
0x430: {  	vm4 =	vgt.f32 v12, v11;
	_ =	sdelay $0x4  }
0x431: {  	v12 =	vmin.f32 v12, v11  }
0x432: {  	[tilespmem:v10+s12+$0x0] =	vst.idx.msk vm4, v12  }
0x433: {  	v12 =	vld.idx.msk [tilespmem:v10+s12+$0x0], $0xffff;
	_ =	sdelay $0x4  }
0x434: {  	vm5 =	vgt.f32 v12, v11;
	_ =	sdelay $0x4  }
0x435: {  	v12 =	vmin.f32 v12, v11  }
0x436: {  	[tilespmem:v10+s12+$0x0] =	vst.idx.msk vm5, v12  }
0x437: {  	v12 =	vld.idx.msk [tilespmem:v10+s12+$0x0], $0xffff;
	_ =	sdelay $0x4  }
0x438: {  	vm6 =	vgt.f32 v12, v11;
	_ =	sdelay $0x4  }
0x439: {  	v12 =	vmin.f32 v12, v11  }
0x43a: {  	[tilespmem:v10+s12+$0x0] =	vst.idx.msk vm6, v12  }
0x43b: {  	v12 =	vld.idx.msk [tilespmem:v10+s12+$0x0], $0xffff;
	_ =	sdelay $0x4  }
0x43c: {  	vm7 =	vgt.f32 v12, v11;
	_ =	sdelay $0x4  }
0x43d: {  	v12 =	vmin.f32 v12, v11  }
0x43e: {  	[tilespmem:v10+s12+$0x0] =	vst.idx.msk vm7, v12  }
0x43f: {  	v12 =	vld.idx.msk [tilespmem:v10+s12+$0x0], $0xffff;
	_ =	sdelay $0x4  }
0x440: {  	vm8 =	vgt.f32 v12, v11;
	_ =	sdelay $0x4  }
0x441: {  	v12 =	vmin.f32 v12, v11  }
0x442: {  	[tilespmem:v10+s12+$0x0] =	vst.idx.msk vm8, v12  }
0x443: {  	v12 =	vld.idx.msk [tilespmem:v10+s12+$0x0], $0xffff;
	_ =	sdelay $0x4  }
0x444: {  	vm9 =	vgt.f32 v12, v11;
	_ =	sdelay $0x4  }
0x445: {  	v12 =	vmin.f32 v12, v11  }
0x446: {  	[tilespmem:v10+s12+$0x0] =	vst.idx.msk vm9, v12  }
0x447: {  	v12 =	vld.idx.msk [tilespmem:v10+s12+$0x0], $0xffff;
	_ =	sdelay $0x4  }
0x448: {  	vm10 =	vgt.f32 v12, v11;
	_ =	sdelay $0x4  }
0x449: {  	v12 =	vmin.f32 v12, v11  }
0x44a: {  	[tilespmem:v10+s12+$0x0] =	vst.idx.msk vm10, v12  }
0x44b: {  	v12 =	vld.idx.msk [tilespmem:v10+s12+$0x0], $0xffff;
	_ =	sdelay $0x4  }
0x44c: {  	vm11 =	vgt.f32 v12, v11;
	_ =	sdelay $0x4  }
0x44d: {  	v12 =	vmin.f32 v12, v11  }
0x44e: {  	[tilespmem:v10+s12+$0x0] =	vst.idx.msk vm11, v12  }
0x44f: {  	v12 =	vld.idx.msk [tilespmem:v10+s12+$0x0], $0xffff;
	_ =	sdelay $0x4  }
0x450: {  	vm12 =	vgt.f32 v12, v11;
	_ =	sdelay $0x4  }
0x451: {  	v12 =	vmin.f32 v12, v11  }
0x452: {  	[tilespmem:v10+s12+$0x0] =	vst.idx.msk vm12, v12  }
0x453: {  	v12 =	vld.idx.msk [tilespmem:v10+s12+$0x0], $0xffff;
	_ =	sdelay $0x4  }
0x454: {  	vm13 =	vgt.f32 v12, v11;
	_ =	sdelay $0x4  }
0x455: {  	v12 =	vmin.f32 v12, v11  }
0x456: {  	[tilespmem:v10+s12+$0x0] =	vst.idx.msk vm13, v12  }
0x457: {  	v12 =	vld.idx.msk [tilespmem:v10+s12+$0x0], $0xffff;
	_ =	sdelay $0x4  }
0x458: {  	vm14 =	vgt.f32 v12, v11;
	_ =	sdelay $0x4  }
0x459: {  	v12 =	vmin.f32 v12, v11  }
0x45a: {  	[tilespmem:v10+s12+$0x0] =	vst.idx.msk vm14, v12  }
0x45b: {  	v12 =	vld.idx.msk [tilespmem:v10+s12+$0x0], $0xffff;
	_ =	sdelay $0x4  }
0x45c: {  	vm15 =	vgt.f32 v12, v11;
	_ =	sdelay $0x4  }
0x45d: {  	v12 =	vmin.f32 v12, v11  }
0x45e: {  	[tilespmem:v10+s12+$0x0] =	vst.idx.msk vm15, v12  }
0x45f: {  	v12 =	vld.idx.msk [tilespmem:v10+s12+$0x0], $0xffff;
	_ =	sdelay $0x4  }
0x460: {  	vm4 =	vgt.f32 v12, v11;
	_ =	sdelay $0x4  }
0x461: {  	v12 =	vmin.f32 v12, v11  }
0x462: {  	[tilespmem:v10+s12+$0x0] =	vst.idx.msk vm4, v12  }
0x463: {  	v12 =	vld.idx.msk [tilespmem:v10+s12+$0x0], $0xffff;
	_ =	sdelay $0x4  }
0x464: {  	vm5 =	vgt.f32 v12, v11;
	_ =	sdelay $0x4  }
0x465: {  	v12 =	vmin.f32 v12, v11  }
0x466: {  	[tilespmem:v10+s12+$0x0] =	vst.idx.msk vm5, v12  }
0x467: {  	v12 =	vld.idx.msk [tilespmem:v10+s12+$0x0], $0xffff;
	_ =	sdelay $0x4  }
0x468: {  	vm6 =	vgt.f32 v12, v11;
	_ =	sdelay $0x4  }
0x469: {  	v12 =	vmin.f32 v12, v11  }
0x46a: {  	[tilespmem:v10+s12+$0x0] =	vst.idx.msk vm6, v12  }
0x46b: {  	v12 =	vld.idx.msk [tilespmem:v10+s12+$0x0], $0xffff;
	_ =	sdelay $0x4  }
0x46c: {  	vm7 =	vgt.f32 v12, v11;
	_ =	sdelay $0x4  }
0x46d: {  	v62 =	vmin.f32 v12, v11  }
0x46e: {  	[tilespmem:v10+s12+$0x0] =	vst.idx.msk vm7, v62  }
0x46f: {  	v10 =	vld.idx.msk [tilespmem:v8+s12+$0x0], $0xffff;
	_ =	sdelay $0x4  }
0x470: {  	vm8 =	vgt.f32 v10, v9;
	_ =	sdelay $0x4  }
0x471: {  	v10 =	vmin.f32 v10, v9  }
0x472: {  	[tilespmem:v8+s12+$0x0] =	vst.idx.msk vm8, v10  }
0x473: {  	v10 =	vld.idx.msk [tilespmem:v8+s12+$0x0], $0xffff;
	_ =	sdelay $0x4  }
0x474: {  	vm9 =	vgt.f32 v10, v9;
	_ =	sdelay $0x4  }
0x475: {  	v10 =	vmin.f32 v10, v9  }
0x476: {  	[tilespmem:v8+s12+$0x0] =	vst.idx.msk vm9, v10  }
0x477: {  	v10 =	vld.idx.msk [tilespmem:v8+s12+$0x0], $0xffff;
	_ =	sdelay $0x4  }
0x478: {  	vm10 =	vgt.f32 v10, v9;
	_ =	sdelay $0x4  }
0x479: {  	v10 =	vmin.f32 v10, v9  }
0x47a: {  	[tilespmem:v8+s12+$0x0] =	vst.idx.msk vm10, v10  }
0x47b: {  	v10 =	vld.idx.msk [tilespmem:v8+s12+$0x0], $0xffff;
	_ =	sdelay $0x4  }
0x47c: {  	vm11 =	vgt.f32 v10, v9;
	_ =	sdelay $0x4  }
0x47d: {  	v10 =	vmin.f32 v10, v9  }
0x47e: {  	[tilespmem:v8+s12+$0x0] =	vst.idx.msk vm11, v10  }
0x47f: {  	v10 =	vld.idx.msk [tilespmem:v8+s12+$0x0], $0xffff;
	_ =	sdelay $0x4  }
0x480: {  	vm12 =	vgt.f32 v10, v9;
	_ =	sdelay $0x4  }
0x481: {  	v10 =	vmin.f32 v10, v9  }
0x482: {  	[tilespmem:v8+s12+$0x0] =	vst.idx.msk vm12, v10  }
0x483: {  	v10 =	vld.idx.msk [tilespmem:v8+s12+$0x0], $0xffff;
	_ =	sdelay $0x4  }
0x484: {  	vm13 =	vgt.f32 v10, v9;
	_ =	sdelay $0x4  }
0x485: {  	v10 =	vmin.f32 v10, v9  }
0x486: {  	[tilespmem:v8+s12+$0x0] =	vst.idx.msk vm13, v10  }
0x487: {  	v10 =	vld.idx.msk [tilespmem:v8+s12+$0x0], $0xffff;
	_ =	sdelay $0x4  }
0x488: {  	vm14 =	vgt.f32 v10, v9;
	_ =	sdelay $0x4  }
0x489: {  	v10 =	vmin.f32 v10, v9  }
0x48a: {  	[tilespmem:v8+s12+$0x0] =	vst.idx.msk vm14, v10  }
0x48b: {  	v10 =	vld.idx.msk [tilespmem:v8+s12+$0x0], $0xffff;
	_ =	sdelay $0x4  }
0x48c: {  	vm15 =	vgt.f32 v10, v9;
	_ =	sdelay $0x4  }
0x48d: {  	v10 =	vmin.f32 v10, v9  }
0x48e: {  	[tilespmem:v8+s12+$0x0] =	vst.idx.msk vm15, v10  }
0x48f: {  	v10 =	vld.idx.msk [tilespmem:v8+s12+$0x0], $0xffff;
	_ =	sdelay $0x4  }
0x490: {  	vm4 =	vgt.f32 v10, v9;
	_ =	sdelay $0x4  }
0x491: {  	v10 =	vmin.f32 v10, v9  }
0x492: {  	[tilespmem:v8+s12+$0x0] =	vst.idx.msk vm4, v10  }
0x493: {  	v10 =	vld.idx.msk [tilespmem:v8+s12+$0x0], $0xffff;
	_ =	sdelay $0x4  }
0x494: {  	vm5 =	vgt.f32 v10, v9;
	_ =	sdelay $0x4  }
0x495: {  	v10 =	vmin.f32 v10, v9  }
0x496: {  	[tilespmem:v8+s12+$0x0] =	vst.idx.msk vm5, v10  }
0x497: {  	v10 =	vld.idx.msk [tilespmem:v8+s12+$0x0], $0xffff;
	_ =	sdelay $0x4  }
0x498: {  	vm6 =	vgt.f32 v10, v9;
	_ =	sdelay $0x4  }
0x499: {  	v10 =	vmin.f32 v10, v9  }
0x49a: {  	[tilespmem:v8+s12+$0x0] =	vst.idx.msk vm6, v10  }
0x49b: {  	v10 =	vld.idx.msk [tilespmem:v8+s12+$0x0], $0xffff;
	_ =	sdelay $0x4  }
0x49c: {  	vm7 =	vgt.f32 v10, v9;
	_ =	sdelay $0x4  }
0x49d: {  	v10 =	vmin.f32 v10, v9  }
0x49e: {  	[tilespmem:v8+s12+$0x0] =	vst.idx.msk vm7, v10  }
0x49f: {  	v10 =	vld.idx.msk [tilespmem:v8+s12+$0x0], $0xffff;
	_ =	sdelay $0x4  }
0x4a0: {  	vm8 =	vgt.f32 v10, v9;
	_ =	sdelay $0x4  }
0x4a1: {  	v10 =	vmin.f32 v10, v9  }
0x4a2: {  	[tilespmem:v8+s12+$0x0] =	vst.idx.msk vm8, v10  }
0x4a3: {  	v10 =	vld.idx.msk [tilespmem:v8+s12+$0x0], $0xffff;
	_ =	sdelay $0x4  }
0x4a4: {  	vm9 =	vgt.f32 v10, v9;
	_ =	sdelay $0x4  }
0x4a5: {  	v10 =	vmin.f32 v10, v9  }
0x4a6: {  	[tilespmem:v8+s12+$0x0] =	vst.idx.msk vm9, v10  }
0x4a7: {  	v10 =	vld.idx.msk [tilespmem:v8+s12+$0x0], $0xffff;
	_ =	sdelay $0x4  }
0x4a8: {  	vm10 =	vgt.f32 v10, v9;
	_ =	sdelay $0x4  }
0x4a9: {  	v10 =	vmin.f32 v10, v9  }
0x4aa: {  	[tilespmem:v8+s12+$0x0] =	vst.idx.msk vm10, v10  }
0x4ab: {  	v10 =	vld.idx.msk [tilespmem:v8+s12+$0x0], $0xffff;
	_ =	sdelay $0x4  }
0x4ac: {  	vm11 =	vgt.f32 v10, v9;
	_ =	sdelay $0x4  }
0x4ad: {  	v63 =	vmin.f32 v10, v9  }
0x4ae: {  	[tilespmem:v8+s12+$0x0] =	vst.idx.msk vm11, v63  }
0x4af: {  	v8 =	vld.idx.msk [tilespmem:v6+s12+$0x0], $0xffff;
	_ =	sdelay $0x4  }
0x4b0: {  	vm12 =	vgt.f32 v8, v7;
	_ =	sdelay $0x4  }
0x4b1: {  	v8 =	vmin.f32 v8, v7  }
0x4b2: {  	[tilespmem:v6+s12+$0x0] =	vst.idx.msk vm12, v8  }
0x4b3: {  	v8 =	vld.idx.msk [tilespmem:v6+s12+$0x0], $0xffff;
	_ =	sdelay $0x4  }
0x4b4: {  	vm13 =	vgt.f32 v8, v7;
	_ =	sdelay $0x4  }
0x4b5: {  	v8 =	vmin.f32 v8, v7  }
0x4b6: {  	[tilespmem:v6+s12+$0x0] =	vst.idx.msk vm13, v8  }
0x4b7: {  	v8 =	vld.idx.msk [tilespmem:v6+s12+$0x0], $0xffff;
	_ =	sdelay $0x4  }
0x4b8: {  	vm14 =	vgt.f32 v8, v7;
	_ =	sdelay $0x4  }
0x4b9: {  	v8 =	vmin.f32 v8, v7  }
0x4ba: {  	[tilespmem:v6+s12+$0x0] =	vst.idx.msk vm14, v8  }
0x4bb: {  	v8 =	vld.idx.msk [tilespmem:v6+s12+$0x0], $0xffff;
	_ =	sdelay $0x4  }
0x4bc: {  	vm15 =	vgt.f32 v8, v7;
	_ =	sdelay $0x4  }
0x4bd: {  	v8 =	vmin.f32 v8, v7  }
0x4be: {  	[tilespmem:v6+s12+$0x0] =	vst.idx.msk vm15, v8  }
0x4bf: {  	v8 =	vld.idx.msk [tilespmem:v6+s12+$0x0], $0xffff;
	_ =	sdelay $0x4  }
0x4c0: {  	vm4 =	vgt.f32 v8, v7;
	_ =	sdelay $0x4  }
0x4c1: {  	v8 =	vmin.f32 v8, v7  }
0x4c2: {  	[tilespmem:v6+s12+$0x0] =	vst.idx.msk vm4, v8  }
0x4c3: {  	v8 =	vld.idx.msk [tilespmem:v6+s12+$0x0], $0xffff;
	_ =	sdelay $0x4  }
0x4c4: {  	vm5 =	vgt.f32 v8, v7;
	_ =	sdelay $0x4  }
0x4c5: {  	v8 =	vmin.f32 v8, v7  }
0x4c6: {  	[tilespmem:v6+s12+$0x0] =	vst.idx.msk vm5, v8  }
0x4c7: {  	v8 =	vld.idx.msk [tilespmem:v6+s12+$0x0], $0xffff;
	_ =	sdelay $0x4  }
0x4c8: {  	vm6 =	vgt.f32 v8, v7;
	_ =	sdelay $0x4  }
0x4c9: {  	v8 =	vmin.f32 v8, v7  }
0x4ca: {  	[tilespmem:v6+s12+$0x0] =	vst.idx.msk vm6, v8  }
0x4cb: {  	v8 =	vld.idx.msk [tilespmem:v6+s12+$0x0], $0xffff;
	_ =	sdelay $0x4  }
0x4cc: {  	vm7 =	vgt.f32 v8, v7;
	_ =	sdelay $0x4  }
0x4cd: {  	v8 =	vmin.f32 v8, v7  }
0x4ce: {  	[tilespmem:v6+s12+$0x0] =	vst.idx.msk vm7, v8  }
0x4cf: {  	v8 =	vld.idx.msk [tilespmem:v6+s12+$0x0], $0xffff;
	_ =	sdelay $0x4  }
0x4d0: {  	vm8 =	vgt.f32 v8, v7;
	_ =	sdelay $0x4  }
0x4d1: {  	v8 =	vmin.f32 v8, v7  }
0x4d2: {  	[tilespmem:v6+s12+$0x0] =	vst.idx.msk vm8, v8  }
0x4d3: {  	v8 =	vld.idx.msk [tilespmem:v6+s12+$0x0], $0xffff;
	_ =	sdelay $0x4  }
0x4d4: {  	vm9 =	vgt.f32 v8, v7;
	_ =	sdelay $0x4  }
0x4d5: {  	v8 =	vmin.f32 v8, v7  }
0x4d6: {  	[tilespmem:v6+s12+$0x0] =	vst.idx.msk vm9, v8  }
0x4d7: {  	v8 =	vld.idx.msk [tilespmem:v6+s12+$0x0], $0xffff;
	_ =	sdelay $0x4  }
0x4d8: {  	vm10 =	vgt.f32 v8, v7;
	_ =	sdelay $0x4  }
0x4d9: {  	v8 =	vmin.f32 v8, v7  }
0x4da: {  	[tilespmem:v6+s12+$0x0] =	vst.idx.msk vm10, v8  }
0x4db: {  	v8 =	vld.idx.msk [tilespmem:v6+s12+$0x0], $0xffff;
	_ =	sdelay $0x4  }
0x4dc: {  	vm11 =	vgt.f32 v8, v7;
	_ =	sdelay $0x4  }
0x4dd: {  	v8 =	vmin.f32 v8, v7  }
0x4de: {  	[tilespmem:v6+s12+$0x0] =	vst.idx.msk vm11, v8  }
0x4df: {  	v8 =	vld.idx.msk [tilespmem:v6+s12+$0x0], $0xffff;
	_ =	sdelay $0x4  }
0x4e0: {  	vm12 =	vgt.f32 v8, v7;
	_ =	sdelay $0x4  }
0x4e1: {  	v8 =	vmin.f32 v8, v7  }
0x4e2: {  	[tilespmem:v6+s12+$0x0] =	vst.idx.msk vm12, v8  }
0x4e3: {  	v8 =	vld.idx.msk [tilespmem:v6+s12+$0x0], $0xffff;
	_ =	sdelay $0x4  }
0x4e4: {  	vm13 =	vgt.f32 v8, v7;
	_ =	sdelay $0x4  }
0x4e5: {  	v8 =	vmin.f32 v8, v7  }
0x4e6: {  	[tilespmem:v6+s12+$0x0] =	vst.idx.msk vm13, v8  }
0x4e7: {  	v8 =	vld.idx.msk [tilespmem:v6+s12+$0x0], $0xffff;
	_ =	sdelay $0x4  }
0x4e8: {  	vm14 =	vgt.f32 v8, v7;
	_ =	sdelay $0x4  }
0x4e9: {  	v8 =	vmin.f32 v8, v7  }
0x4ea: {  	[tilespmem:v6+s12+$0x0] =	vst.idx.msk vm14, v8  }
0x4eb: {  	v8 =	vld.idx.msk [tilespmem:v6+s12+$0x0], $0xffff;
	_ =	sdelay $0x4  }
0x4ec: {  	vm15 =	vgt.f32 v8, v7;
	_ =	sdelay $0x4  }
0x4ed: {  	v7 =	vmin.f32 v8, v7  }
0x4ee: {  	[tilespmem:v6+s12+$0x0] =	vst.idx.msk vm15, v7  }
.LBB2_15:
0x4ef: {  	v12 =	vld [tilespmem:s24+$0x20];
	_ =	sdelay $0x4  }
0x4f0: {  	v6 =	vld [tilespmem:s23+$0x20];
	_ =	sdelay $0x2  }
0x4f1: {  	[tilespmem:v12+s17+$0x0] =	vst.idx.msk $0xffff, v4  }
0x4f2: {  	v7 =	vld.idx.msk [tilespmem:v12+s17+$0x0], $0xffff;
	_ =	sdelay $0x3  }
0x4f3: {  	v13 =	vld.idx.msk [tilespmem:v6+s11+$0x0], $0xffff  }
0x4f4: {  	v8 =	vld.idx.msk [tilespmem:v12+s12+$0x0], $0xffff;
	vm0 =	veq.s32 v7, v4  }
0x4f5: {  	v7 =	vsel vm0, $0x0, v5  }
0x4f6: {  	v9 =	vadd.s32 $0x2800, v6;
	(xrf0) =	vmax.scan.msk.f32 $0xffff, v7  }
0x4f7: {  	v10 =	vadd.s32 $0x2800, v12;
	_ =	sdelay $0x1  }
0x4f8: {  	v7 =	vmin.f32 v8, v13  }
0x4f9: {  	[tilespmem:v12+s12+$0x0] =	vst.idx.msk $0xffff, v7  }
0x4fa: {  	v11 =	vld.idx.msk [tilespmem:v9+s11+$0x0], $0xffff  }
0x4fb: {  	v7 =	vld.idx.msk [tilespmem:v10+s12+$0x0], $0xffff;
	v14, _, _ =	vpop (xrf0)  }
0x4fc: {  	(v2sf) =	vpush v14, $0xF  }
0x4fd: {  	v9 =	vadd.s32 $0x5000, v6  }
0x4fe: {  	v8 =	vadd.s32 $0x5000, v12;
	_ =	sdelay $0x1  }
0x4ff: {  	v7 =	vmin.f32 v7, v11  }
0x500: {  	[tilespmem:v10+s12+$0x0] =	vst.idx.msk $0xffff, v7  }
0x501: {  	v9 =	vld.idx.msk [tilespmem:v9+s11+$0x0], $0xffff  }
0x502: {  	v7 =	vld.idx.msk [tilespmem:v8+s12+$0x0], $0xffff;
	_ =	sdelay $0x1  }
0x503: {  	v14 =	vadd.s32 $0x7800, v6  }
0x504: {  	v6 =	vadd.s32 $0x7800, v12;
	_ =	sdelay $0x1  }
0x505: {  	v7 =	vmin.f32 v7, v9  }
0x506: {  	[tilespmem:v8+s12+$0x0] =	vst.idx.msk $0xffff, v7  }
0x507: {  	v7 =	vld.idx.msk [tilespmem:v14+s11+$0x0], $0xffff  }
0x508: {  	v14 =	vld.idx.msk [tilespmem:v6+s12+$0x0], $0xffff;
	s25 =	spop (v2sf)  }
0x509: {  	p0 =	sgt.f32 s25, $0.0e+00  }
.Ltmp12:
0x50a: {  	_ = 	snop;
	(pc) =	sbr.rel @!p0 .LBB2_17-.Ltmp12, $3  }
0x50b: {  	_ =	sdelay $0x1  }
0x50c: {  	v14 =	vmin.f32 v14, v7  }
0x50d: {  	[tilespmem:v6+s12+$0x0] =	vst.idx.msk $0xffff, v14  }
0x50e: {  	_ =	sdelay $0x3  }
0x50f: {  	v14 =	vld.idx.msk [tilespmem:v12+s12+$0x0], $0xffff;
	_ =	sdelay $0x4  }
0x510: {  	vm0 =	vgt.f32 v14, v13;
	_ =	sdelay $0x4  }
0x511: {  	v14 =	vmin.f32 v14, v13  }
0x512: {  	[tilespmem:v12+s12+$0x0] =	vst.idx.msk vm0, v14  }
0x513: {  	v14 =	vld.idx.msk [tilespmem:v12+s12+$0x0], $0xffff;
	_ =	sdelay $0x4  }
0x514: {  	vm13 =	vgt.f32 v14, v13;
	_ =	sdelay $0x4  }
0x515: {  	v14 =	vmin.f32 v14, v13  }
0x516: {  	[tilespmem:v12+s12+$0x0] =	vst.idx.msk vm13, v14  }
0x517: {  	v14 =	vld.idx.msk [tilespmem:v12+s12+$0x0], $0xffff;
	_ =	sdelay $0x4  }
0x518: {  	vm14 =	vgt.f32 v14, v13;
	_ =	sdelay $0x4  }
0x519: {  	v14 =	vmin.f32 v14, v13  }
0x51a: {  	[tilespmem:v12+s12+$0x0] =	vst.idx.msk vm14, v14  }
0x51b: {  	v14 =	vld.idx.msk [tilespmem:v12+s12+$0x0], $0xffff;
	_ =	sdelay $0x4  }
0x51c: {  	vm15 =	vgt.f32 v14, v13;
	_ =	sdelay $0x4  }
0x51d: {  	v14 =	vmin.f32 v14, v13  }
0x51e: {  	[tilespmem:v12+s12+$0x0] =	vst.idx.msk vm15, v14  }
0x51f: {  	v14 =	vld.idx.msk [tilespmem:v12+s12+$0x0], $0xffff;
	_ =	sdelay $0x4  }
0x520: {  	vm4 =	vgt.f32 v14, v13;
	_ =	sdelay $0x4  }
0x521: {  	v14 =	vmin.f32 v14, v13  }
0x522: {  	[tilespmem:v12+s12+$0x0] =	vst.idx.msk vm4, v14  }
0x523: {  	v14 =	vld.idx.msk [tilespmem:v12+s12+$0x0], $0xffff;
	_ =	sdelay $0x4  }
0x524: {  	vm5 =	vgt.f32 v14, v13;
	_ =	sdelay $0x4  }
0x525: {  	v14 =	vmin.f32 v14, v13  }
0x526: {  	[tilespmem:v12+s12+$0x0] =	vst.idx.msk vm5, v14  }
0x527: {  	v14 =	vld.idx.msk [tilespmem:v12+s12+$0x0], $0xffff;
	_ =	sdelay $0x4  }
0x528: {  	vm6 =	vgt.f32 v14, v13;
	_ =	sdelay $0x4  }
0x529: {  	v14 =	vmin.f32 v14, v13  }
0x52a: {  	[tilespmem:v12+s12+$0x0] =	vst.idx.msk vm6, v14  }
0x52b: {  	v14 =	vld.idx.msk [tilespmem:v12+s12+$0x0], $0xffff;
	_ =	sdelay $0x4  }
0x52c: {  	vm7 =	vgt.f32 v14, v13;
	_ =	sdelay $0x4  }
0x52d: {  	v14 =	vmin.f32 v14, v13  }
0x52e: {  	[tilespmem:v12+s12+$0x0] =	vst.idx.msk vm7, v14  }
0x52f: {  	v14 =	vld.idx.msk [tilespmem:v12+s12+$0x0], $0xffff;
	_ =	sdelay $0x4  }
0x530: {  	vm8 =	vgt.f32 v14, v13;
	_ =	sdelay $0x4  }
0x531: {  	v14 =	vmin.f32 v14, v13  }
0x532: {  	[tilespmem:v12+s12+$0x0] =	vst.idx.msk vm8, v14  }
0x533: {  	v14 =	vld.idx.msk [tilespmem:v12+s12+$0x0], $0xffff;
	_ =	sdelay $0x4  }
0x534: {  	vm9 =	vgt.f32 v14, v13;
	_ =	sdelay $0x4  }
0x535: {  	v14 =	vmin.f32 v14, v13  }
0x536: {  	[tilespmem:v12+s12+$0x0] =	vst.idx.msk vm9, v14  }
0x537: {  	v14 =	vld.idx.msk [tilespmem:v12+s12+$0x0], $0xffff;
	_ =	sdelay $0x4  }
0x538: {  	vm10 =	vgt.f32 v14, v13;
	_ =	sdelay $0x4  }
0x539: {  	v14 =	vmin.f32 v14, v13  }
0x53a: {  	[tilespmem:v12+s12+$0x0] =	vst.idx.msk vm10, v14  }
0x53b: {  	v14 =	vld.idx.msk [tilespmem:v12+s12+$0x0], $0xffff;
	_ =	sdelay $0x4  }
0x53c: {  	vm11 =	vgt.f32 v14, v13;
	_ =	sdelay $0x4  }
0x53d: {  	v14 =	vmin.f32 v14, v13  }
0x53e: {  	[tilespmem:v12+s12+$0x0] =	vst.idx.msk vm11, v14  }
0x53f: {  	v14 =	vld.idx.msk [tilespmem:v12+s12+$0x0], $0xffff;
	_ =	sdelay $0x4  }
0x540: {  	vm12 =	vgt.f32 v14, v13;
	_ =	sdelay $0x4  }
0x541: {  	v14 =	vmin.f32 v14, v13  }
0x542: {  	[tilespmem:v12+s12+$0x0] =	vst.idx.msk vm12, v14  }
0x543: {  	v14 =	vld.idx.msk [tilespmem:v12+s12+$0x0], $0xffff;
	_ =	sdelay $0x4  }
0x544: {  	vm13 =	vgt.f32 v14, v13;
	_ =	sdelay $0x4  }
0x545: {  	v14 =	vmin.f32 v14, v13  }
0x546: {  	[tilespmem:v12+s12+$0x0] =	vst.idx.msk vm13, v14  }
0x547: {  	v14 =	vld.idx.msk [tilespmem:v12+s12+$0x0], $0xffff;
	_ =	sdelay $0x4  }
0x548: {  	vm14 =	vgt.f32 v14, v13;
	_ =	sdelay $0x4  }
0x549: {  	v14 =	vmin.f32 v14, v13  }
0x54a: {  	[tilespmem:v12+s12+$0x0] =	vst.idx.msk vm14, v14  }
0x54b: {  	v14 =	vld.idx.msk [tilespmem:v12+s12+$0x0], $0xffff;
	_ =	sdelay $0x4  }
0x54c: {  	vm15 =	vgt.f32 v14, v13;
	_ =	sdelay $0x4  }
0x54d: {  	v61 =	vmin.f32 v14, v13  }
0x54e: {  	[tilespmem:v12+s12+$0x0] =	vst.idx.msk vm15, v61  }
0x54f: {  	v12 =	vld.idx.msk [tilespmem:v10+s12+$0x0], $0xffff;
	_ =	sdelay $0x4  }
0x550: {  	vm4 =	vgt.f32 v12, v11;
	_ =	sdelay $0x4  }
0x551: {  	v12 =	vmin.f32 v12, v11  }
0x552: {  	[tilespmem:v10+s12+$0x0] =	vst.idx.msk vm4, v12  }
0x553: {  	v12 =	vld.idx.msk [tilespmem:v10+s12+$0x0], $0xffff;
	_ =	sdelay $0x4  }
0x554: {  	vm5 =	vgt.f32 v12, v11;
	_ =	sdelay $0x4  }
0x555: {  	v12 =	vmin.f32 v12, v11  }
0x556: {  	[tilespmem:v10+s12+$0x0] =	vst.idx.msk vm5, v12  }
0x557: {  	v12 =	vld.idx.msk [tilespmem:v10+s12+$0x0], $0xffff;
	_ =	sdelay $0x4  }
0x558: {  	vm6 =	vgt.f32 v12, v11;
	_ =	sdelay $0x4  }
0x559: {  	v12 =	vmin.f32 v12, v11  }
0x55a: {  	[tilespmem:v10+s12+$0x0] =	vst.idx.msk vm6, v12  }
0x55b: {  	v12 =	vld.idx.msk [tilespmem:v10+s12+$0x0], $0xffff;
	_ =	sdelay $0x4  }
0x55c: {  	vm7 =	vgt.f32 v12, v11;
	_ =	sdelay $0x4  }
0x55d: {  	v12 =	vmin.f32 v12, v11  }
0x55e: {  	[tilespmem:v10+s12+$0x0] =	vst.idx.msk vm7, v12  }
0x55f: {  	v12 =	vld.idx.msk [tilespmem:v10+s12+$0x0], $0xffff;
	_ =	sdelay $0x4  }
0x560: {  	vm8 =	vgt.f32 v12, v11;
	_ =	sdelay $0x4  }
0x561: {  	v12 =	vmin.f32 v12, v11  }
0x562: {  	[tilespmem:v10+s12+$0x0] =	vst.idx.msk vm8, v12  }
0x563: {  	v12 =	vld.idx.msk [tilespmem:v10+s12+$0x0], $0xffff;
	_ =	sdelay $0x4  }
0x564: {  	vm9 =	vgt.f32 v12, v11;
	_ =	sdelay $0x4  }
0x565: {  	v12 =	vmin.f32 v12, v11  }
0x566: {  	[tilespmem:v10+s12+$0x0] =	vst.idx.msk vm9, v12  }
0x567: {  	v12 =	vld.idx.msk [tilespmem:v10+s12+$0x0], $0xffff;
	_ =	sdelay $0x4  }
0x568: {  	vm10 =	vgt.f32 v12, v11;
	_ =	sdelay $0x4  }
0x569: {  	v12 =	vmin.f32 v12, v11  }
0x56a: {  	[tilespmem:v10+s12+$0x0] =	vst.idx.msk vm10, v12  }
0x56b: {  	v12 =	vld.idx.msk [tilespmem:v10+s12+$0x0], $0xffff;
	_ =	sdelay $0x4  }
0x56c: {  	vm11 =	vgt.f32 v12, v11;
	_ =	sdelay $0x4  }
0x56d: {  	v12 =	vmin.f32 v12, v11  }
0x56e: {  	[tilespmem:v10+s12+$0x0] =	vst.idx.msk vm11, v12  }
0x56f: {  	v12 =	vld.idx.msk [tilespmem:v10+s12+$0x0], $0xffff;
	_ =	sdelay $0x4  }
0x570: {  	vm12 =	vgt.f32 v12, v11;
	_ =	sdelay $0x4  }
0x571: {  	v12 =	vmin.f32 v12, v11  }
0x572: {  	[tilespmem:v10+s12+$0x0] =	vst.idx.msk vm12, v12  }
0x573: {  	v12 =	vld.idx.msk [tilespmem:v10+s12+$0x0], $0xffff;
	_ =	sdelay $0x4  }
0x574: {  	vm13 =	vgt.f32 v12, v11;
	_ =	sdelay $0x4  }
0x575: {  	v12 =	vmin.f32 v12, v11  }
0x576: {  	[tilespmem:v10+s12+$0x0] =	vst.idx.msk vm13, v12  }
0x577: {  	v12 =	vld.idx.msk [tilespmem:v10+s12+$0x0], $0xffff;
	_ =	sdelay $0x4  }
0x578: {  	vm14 =	vgt.f32 v12, v11;
	_ =	sdelay $0x4  }
0x579: {  	v12 =	vmin.f32 v12, v11  }
0x57a: {  	[tilespmem:v10+s12+$0x0] =	vst.idx.msk vm14, v12  }
0x57b: {  	v12 =	vld.idx.msk [tilespmem:v10+s12+$0x0], $0xffff;
	_ =	sdelay $0x4  }
0x57c: {  	vm15 =	vgt.f32 v12, v11;
	_ =	sdelay $0x4  }
0x57d: {  	v12 =	vmin.f32 v12, v11  }
0x57e: {  	[tilespmem:v10+s12+$0x0] =	vst.idx.msk vm15, v12  }
0x57f: {  	v12 =	vld.idx.msk [tilespmem:v10+s12+$0x0], $0xffff;
	_ =	sdelay $0x4  }
0x580: {  	vm4 =	vgt.f32 v12, v11;
	_ =	sdelay $0x4  }
0x581: {  	v12 =	vmin.f32 v12, v11  }
0x582: {  	[tilespmem:v10+s12+$0x0] =	vst.idx.msk vm4, v12  }
0x583: {  	v12 =	vld.idx.msk [tilespmem:v10+s12+$0x0], $0xffff;
	_ =	sdelay $0x4  }
0x584: {  	vm5 =	vgt.f32 v12, v11;
	_ =	sdelay $0x4  }
0x585: {  	v12 =	vmin.f32 v12, v11  }
0x586: {  	[tilespmem:v10+s12+$0x0] =	vst.idx.msk vm5, v12  }
0x587: {  	v12 =	vld.idx.msk [tilespmem:v10+s12+$0x0], $0xffff;
	_ =	sdelay $0x4  }
0x588: {  	vm6 =	vgt.f32 v12, v11;
	_ =	sdelay $0x4  }
0x589: {  	v12 =	vmin.f32 v12, v11  }
0x58a: {  	[tilespmem:v10+s12+$0x0] =	vst.idx.msk vm6, v12  }
0x58b: {  	v12 =	vld.idx.msk [tilespmem:v10+s12+$0x0], $0xffff;
	_ =	sdelay $0x4  }
0x58c: {  	vm7 =	vgt.f32 v12, v11;
	_ =	sdelay $0x4  }
0x58d: {  	v62 =	vmin.f32 v12, v11  }
0x58e: {  	[tilespmem:v10+s12+$0x0] =	vst.idx.msk vm7, v62  }
0x58f: {  	v10 =	vld.idx.msk [tilespmem:v8+s12+$0x0], $0xffff;
	_ =	sdelay $0x4  }
0x590: {  	vm8 =	vgt.f32 v10, v9;
	_ =	sdelay $0x4  }
0x591: {  	v10 =	vmin.f32 v10, v9  }
0x592: {  	[tilespmem:v8+s12+$0x0] =	vst.idx.msk vm8, v10  }
0x593: {  	v10 =	vld.idx.msk [tilespmem:v8+s12+$0x0], $0xffff;
	_ =	sdelay $0x4  }
0x594: {  	vm9 =	vgt.f32 v10, v9;
	_ =	sdelay $0x4  }
0x595: {  	v10 =	vmin.f32 v10, v9  }
0x596: {  	[tilespmem:v8+s12+$0x0] =	vst.idx.msk vm9, v10  }
0x597: {  	v10 =	vld.idx.msk [tilespmem:v8+s12+$0x0], $0xffff;
	_ =	sdelay $0x4  }
0x598: {  	vm10 =	vgt.f32 v10, v9;
	_ =	sdelay $0x4  }
0x599: {  	v10 =	vmin.f32 v10, v9  }
0x59a: {  	[tilespmem:v8+s12+$0x0] =	vst.idx.msk vm10, v10  }
0x59b: {  	v10 =	vld.idx.msk [tilespmem:v8+s12+$0x0], $0xffff;
	_ =	sdelay $0x4  }
0x59c: {  	vm11 =	vgt.f32 v10, v9;
	_ =	sdelay $0x4  }
0x59d: {  	v10 =	vmin.f32 v10, v9  }
0x59e: {  	[tilespmem:v8+s12+$0x0] =	vst.idx.msk vm11, v10  }
0x59f: {  	v10 =	vld.idx.msk [tilespmem:v8+s12+$0x0], $0xffff;
	_ =	sdelay $0x4  }
0x5a0: {  	vm12 =	vgt.f32 v10, v9;
	_ =	sdelay $0x4  }
0x5a1: {  	v10 =	vmin.f32 v10, v9  }
0x5a2: {  	[tilespmem:v8+s12+$0x0] =	vst.idx.msk vm12, v10  }
0x5a3: {  	v10 =	vld.idx.msk [tilespmem:v8+s12+$0x0], $0xffff;
	_ =	sdelay $0x4  }
0x5a4: {  	vm13 =	vgt.f32 v10, v9;
	_ =	sdelay $0x4  }
0x5a5: {  	v10 =	vmin.f32 v10, v9  }
0x5a6: {  	[tilespmem:v8+s12+$0x0] =	vst.idx.msk vm13, v10  }
0x5a7: {  	v10 =	vld.idx.msk [tilespmem:v8+s12+$0x0], $0xffff;
	_ =	sdelay $0x4  }
0x5a8: {  	vm14 =	vgt.f32 v10, v9;
	_ =	sdelay $0x4  }
0x5a9: {  	v10 =	vmin.f32 v10, v9  }
0x5aa: {  	[tilespmem:v8+s12+$0x0] =	vst.idx.msk vm14, v10  }
0x5ab: {  	v10 =	vld.idx.msk [tilespmem:v8+s12+$0x0], $0xffff;
	_ =	sdelay $0x4  }
0x5ac: {  	vm15 =	vgt.f32 v10, v9;
	_ =	sdelay $0x4  }
0x5ad: {  	v10 =	vmin.f32 v10, v9  }
0x5ae: {  	[tilespmem:v8+s12+$0x0] =	vst.idx.msk vm15, v10  }
0x5af: {  	v10 =	vld.idx.msk [tilespmem:v8+s12+$0x0], $0xffff;
	_ =	sdelay $0x4  }
0x5b0: {  	vm4 =	vgt.f32 v10, v9;
	_ =	sdelay $0x4  }
0x5b1: {  	v10 =	vmin.f32 v10, v9  }
0x5b2: {  	[tilespmem:v8+s12+$0x0] =	vst.idx.msk vm4, v10  }
0x5b3: {  	v10 =	vld.idx.msk [tilespmem:v8+s12+$0x0], $0xffff;
	_ =	sdelay $0x4  }
0x5b4: {  	vm5 =	vgt.f32 v10, v9;
	_ =	sdelay $0x4  }
0x5b5: {  	v10 =	vmin.f32 v10, v9  }
0x5b6: {  	[tilespmem:v8+s12+$0x0] =	vst.idx.msk vm5, v10  }
0x5b7: {  	v10 =	vld.idx.msk [tilespmem:v8+s12+$0x0], $0xffff;
	_ =	sdelay $0x4  }
0x5b8: {  	vm6 =	vgt.f32 v10, v9;
	_ =	sdelay $0x4  }
0x5b9: {  	v10 =	vmin.f32 v10, v9  }
0x5ba: {  	[tilespmem:v8+s12+$0x0] =	vst.idx.msk vm6, v10  }
0x5bb: {  	v10 =	vld.idx.msk [tilespmem:v8+s12+$0x0], $0xffff;
	_ =	sdelay $0x4  }
0x5bc: {  	vm7 =	vgt.f32 v10, v9;
	_ =	sdelay $0x4  }
0x5bd: {  	v10 =	vmin.f32 v10, v9  }
0x5be: {  	[tilespmem:v8+s12+$0x0] =	vst.idx.msk vm7, v10  }
0x5bf: {  	v10 =	vld.idx.msk [tilespmem:v8+s12+$0x0], $0xffff;
	_ =	sdelay $0x4  }
0x5c0: {  	vm8 =	vgt.f32 v10, v9;
	_ =	sdelay $0x4  }
0x5c1: {  	v10 =	vmin.f32 v10, v9  }
0x5c2: {  	[tilespmem:v8+s12+$0x0] =	vst.idx.msk vm8, v10  }
0x5c3: {  	v10 =	vld.idx.msk [tilespmem:v8+s12+$0x0], $0xffff;
	_ =	sdelay $0x4  }
0x5c4: {  	vm9 =	vgt.f32 v10, v9;
	_ =	sdelay $0x4  }
0x5c5: {  	v10 =	vmin.f32 v10, v9  }
0x5c6: {  	[tilespmem:v8+s12+$0x0] =	vst.idx.msk vm9, v10  }
0x5c7: {  	v10 =	vld.idx.msk [tilespmem:v8+s12+$0x0], $0xffff;
	_ =	sdelay $0x4  }
0x5c8: {  	vm10 =	vgt.f32 v10, v9;
	_ =	sdelay $0x4  }
0x5c9: {  	v10 =	vmin.f32 v10, v9  }
0x5ca: {  	[tilespmem:v8+s12+$0x0] =	vst.idx.msk vm10, v10  }
0x5cb: {  	v10 =	vld.idx.msk [tilespmem:v8+s12+$0x0], $0xffff;
	_ =	sdelay $0x4  }
0x5cc: {  	vm11 =	vgt.f32 v10, v9;
	_ =	sdelay $0x4  }
0x5cd: {  	v63 =	vmin.f32 v10, v9  }
0x5ce: {  	[tilespmem:v8+s12+$0x0] =	vst.idx.msk vm11, v63  }
0x5cf: {  	v8 =	vld.idx.msk [tilespmem:v6+s12+$0x0], $0xffff;
	_ =	sdelay $0x4  }
0x5d0: {  	vm12 =	vgt.f32 v8, v7;
	_ =	sdelay $0x4  }
0x5d1: {  	v8 =	vmin.f32 v8, v7  }
0x5d2: {  	[tilespmem:v6+s12+$0x0] =	vst.idx.msk vm12, v8  }
0x5d3: {  	v8 =	vld.idx.msk [tilespmem:v6+s12+$0x0], $0xffff;
	_ =	sdelay $0x4  }
0x5d4: {  	vm13 =	vgt.f32 v8, v7;
	_ =	sdelay $0x4  }
0x5d5: {  	v8 =	vmin.f32 v8, v7  }
0x5d6: {  	[tilespmem:v6+s12+$0x0] =	vst.idx.msk vm13, v8  }
0x5d7: {  	v8 =	vld.idx.msk [tilespmem:v6+s12+$0x0], $0xffff;
	_ =	sdelay $0x4  }
0x5d8: {  	vm14 =	vgt.f32 v8, v7;
	_ =	sdelay $0x4  }
0x5d9: {  	v8 =	vmin.f32 v8, v7  }
0x5da: {  	[tilespmem:v6+s12+$0x0] =	vst.idx.msk vm14, v8  }
0x5db: {  	v8 =	vld.idx.msk [tilespmem:v6+s12+$0x0], $0xffff;
	_ =	sdelay $0x4  }
0x5dc: {  	vm15 =	vgt.f32 v8, v7;
	_ =	sdelay $0x4  }
0x5dd: {  	v8 =	vmin.f32 v8, v7  }
0x5de: {  	[tilespmem:v6+s12+$0x0] =	vst.idx.msk vm15, v8  }
0x5df: {  	v8 =	vld.idx.msk [tilespmem:v6+s12+$0x0], $0xffff;
	_ =	sdelay $0x4  }
0x5e0: {  	vm4 =	vgt.f32 v8, v7;
	_ =	sdelay $0x4  }
0x5e1: {  	v8 =	vmin.f32 v8, v7  }
0x5e2: {  	[tilespmem:v6+s12+$0x0] =	vst.idx.msk vm4, v8  }
0x5e3: {  	v8 =	vld.idx.msk [tilespmem:v6+s12+$0x0], $0xffff;
	_ =	sdelay $0x4  }
0x5e4: {  	vm5 =	vgt.f32 v8, v7;
	_ =	sdelay $0x4  }
0x5e5: {  	v8 =	vmin.f32 v8, v7  }
0x5e6: {  	[tilespmem:v6+s12+$0x0] =	vst.idx.msk vm5, v8  }
0x5e7: {  	v8 =	vld.idx.msk [tilespmem:v6+s12+$0x0], $0xffff;
	_ =	sdelay $0x4  }
0x5e8: {  	vm6 =	vgt.f32 v8, v7;
	_ =	sdelay $0x4  }
0x5e9: {  	v8 =	vmin.f32 v8, v7  }
0x5ea: {  	[tilespmem:v6+s12+$0x0] =	vst.idx.msk vm6, v8  }
0x5eb: {  	v8 =	vld.idx.msk [tilespmem:v6+s12+$0x0], $0xffff;
	_ =	sdelay $0x4  }
0x5ec: {  	vm7 =	vgt.f32 v8, v7;
	_ =	sdelay $0x4  }
0x5ed: {  	v8 =	vmin.f32 v8, v7  }
0x5ee: {  	[tilespmem:v6+s12+$0x0] =	vst.idx.msk vm7, v8  }
0x5ef: {  	v8 =	vld.idx.msk [tilespmem:v6+s12+$0x0], $0xffff;
	_ =	sdelay $0x4  }
0x5f0: {  	vm8 =	vgt.f32 v8, v7;
	_ =	sdelay $0x4  }
0x5f1: {  	v8 =	vmin.f32 v8, v7  }
0x5f2: {  	[tilespmem:v6+s12+$0x0] =	vst.idx.msk vm8, v8  }
0x5f3: {  	v8 =	vld.idx.msk [tilespmem:v6+s12+$0x0], $0xffff;
	_ =	sdelay $0x4  }
0x5f4: {  	vm9 =	vgt.f32 v8, v7;
	_ =	sdelay $0x4  }
0x5f5: {  	v8 =	vmin.f32 v8, v7  }
0x5f6: {  	[tilespmem:v6+s12+$0x0] =	vst.idx.msk vm9, v8  }
0x5f7: {  	v8 =	vld.idx.msk [tilespmem:v6+s12+$0x0], $0xffff;
	_ =	sdelay $0x4  }
0x5f8: {  	vm10 =	vgt.f32 v8, v7;
	_ =	sdelay $0x4  }
0x5f9: {  	v8 =	vmin.f32 v8, v7  }
0x5fa: {  	[tilespmem:v6+s12+$0x0] =	vst.idx.msk vm10, v8  }
0x5fb: {  	v8 =	vld.idx.msk [tilespmem:v6+s12+$0x0], $0xffff;
	_ =	sdelay $0x4  }
0x5fc: {  	vm11 =	vgt.f32 v8, v7;
	_ =	sdelay $0x4  }
0x5fd: {  	v8 =	vmin.f32 v8, v7  }
0x5fe: {  	[tilespmem:v6+s12+$0x0] =	vst.idx.msk vm11, v8  }
0x5ff: {  	v8 =	vld.idx.msk [tilespmem:v6+s12+$0x0], $0xffff;
	_ =	sdelay $0x4  }
0x600: {  	vm12 =	vgt.f32 v8, v7;
	_ =	sdelay $0x4  }
0x601: {  	v8 =	vmin.f32 v8, v7  }
0x602: {  	[tilespmem:v6+s12+$0x0] =	vst.idx.msk vm12, v8  }
0x603: {  	v8 =	vld.idx.msk [tilespmem:v6+s12+$0x0], $0xffff;
	_ =	sdelay $0x4  }
0x604: {  	vm13 =	vgt.f32 v8, v7;
	_ =	sdelay $0x4  }
0x605: {  	v8 =	vmin.f32 v8, v7  }
0x606: {  	[tilespmem:v6+s12+$0x0] =	vst.idx.msk vm13, v8  }
0x607: {  	v8 =	vld.idx.msk [tilespmem:v6+s12+$0x0], $0xffff;
	_ =	sdelay $0x4  }
0x608: {  	vm14 =	vgt.f32 v8, v7;
	_ =	sdelay $0x4  }
0x609: {  	v8 =	vmin.f32 v8, v7  }
0x60a: {  	[tilespmem:v6+s12+$0x0] =	vst.idx.msk vm14, v8  }
0x60b: {  	v8 =	vld.idx.msk [tilespmem:v6+s12+$0x0], $0xffff;
	_ =	sdelay $0x4  }
0x60c: {  	vm15 =	vgt.f32 v8, v7;
	_ =	sdelay $0x1  }
.Ltmp13:
0x60d: {  	_ = 	snop;
	(pc) =	sbr.rel .LBB2_17-.Ltmp13, $3  }
0x60e: {  	_ =	sdelay $0x1  }
0x60f: {  	v7 =	vmin.f32 v8, v7  }
0x610: {  	[tilespmem:v6+s12+$0x0] =	vst.idx.msk vm15, v7  }
.LBB2_20:
0x611: {  	_ =	sfence.sel $0x180000  }
0x612: {  	[bflag:$0x0] =	sbarrier.arrive $0xFFFF  }
0x613: {  	p0 =	sne.s32 s0, $0x0;
	_ =	strace $0x9000004D  }
0x614: {  	s0 =	sadd.s32 @!p0 $0x100000, s1;
	[bflag:$0x2] =	sbarrier.arrive $0xFFFF  }
0x615: {  	[sflag:s0] =	ssyncadd.tile.s32 @!p0 $0x1;
	_ =	shalt  }
.Lfunc_end2:
_tile_overlayer_lowered:
.L_overlay_start_2:
0x616: {  	(tag) =	ssettag $0x2  }
0x617: {  	s0 =	rddreg [dreg:$0x0];
	s2 =	stileid.u32  }
0x618: {  	s1 =	rddreg [dreg:$0x1];
	p0 =	sne.s32 s2, $0x0  }
0x619: {  	s3 =	rddreg [dreg:$0x2];
	[bflag:$0x3] =	sbarrier.arrive $0xFFFF;
	s2 =	simm.s32 @!p0 $0x1C01  }
0x61a: {  	[timem:s3], [sflag:s2] =	dma.local @!p0 [hbm:s0], s1  }
0x61b: {  	s0 =	simm.s32 @!p0 $0x1  }
0x61c: {  	_ =	swait.ge @!p0 [sflag:s0], s1  }
0x61d: {  	s1 =	ssub.s32 @!p0 $0x0, s1;
	[sflag:s0] =	ssyncset.done @!p0 $0x0  }
0x61e: {  	[sflag:s0] =	ssyncadd.s32 @!p0 s1  }
0x61f: {  	[bflag:$0x3] =	sbarrier.arrive $0xFFFF  }
0x620: {  	_ =	shalt  }

// kernel: kernel.9.cloned.1.call-start
scs
__scs_entry_jumppad:
0x0: {  	(pc) =	sbr.rel $0x88, $3  }
0x1: {  	(tag) =	ssettag $0x0;
	lr =	simm.s32 $0x1  }
0x2: {  	[smem:$0x3F95] =	sst lr;
	_ =	strace $0xD0000000  }
0x3: {  	_ = 	snop  }
0x4: {  	_ = 	snop  }
0x5: {  	_ = 	snop  }
0x6: {  	_ = 	snop  }
0x7: {  	_ = 	snop  }
__scs_overlays_trampoline_lowered:
0x8: {  	[smem:$0x3FA4] =	sst s0  }
0x9: {  	[smem:$0x3FA5] =	sst s1  }
0xa: {  	[smem:$0x3FA6] =	sst s2  }
0xb: {  	[smem:$0x3FA7] =	sst s3  }
0xc: {  	[smem:$0x3FA8] =	sst s4  }
0xd: {  	[smem:$0x3FA9] =	sst s5  }
0xe: {  	[smem:$0x3FAA] =	sst s6  }
0xf: {  	[smem:$0x3FAB] =	sst s7  }
0x10: {  	[smem:$0x3FAC] =	sst s8  }
0x11: {  	[smem:$0x3FAD] =	sst s9;
	s0 =	simm.s32 @!p0 $0x0  }
0x12: {  	s1 =	sld [smem:$0x3F93];
	s0 =	simm.s32 @p0 $0x1  }
0x13: {  	[smem:$0x3FAE] =	sst s0;
	s0 =	simm.s32 @!p1 $0x0  }
0x14: {  	s2 =	sld [smem:$0x3F92];
	s0 =	simm.s32 @p1 $0x1  }
0x15: {  	[smem:$0x3FAF] =	sst s0;
	s0 =	simm.s32 @!p2 $0x0  }
0x16: {  	s3 =	sld [smem:$0x3FDB];
	s0 =	simm.s32 @p2 $0x1  }
0x17: {  	s4 =	simm.s32 $0x1BF5;
	[smem:$0x3FB1] =	sst s0  }
0x18: {  	s0 =	sld [smem:$0x3F94];
	_ =	swait.ge [sflag:s4], $0x0  }
0x19: {  	s7 =	sld [smem:$0x3F95]  }
0x1a: {  	s8 =	sadd.s32 $0xFFFFE003, lr  }
0x1b: {  	s9 =	sadd.s32 $0xFFFFFEF7, lr;
	s5 =	simm.s32 $0xFFFFFFFF;
	p2 =	slt.u32 s8, $0xFFFFF086  }
0x1c: {  	p1 =	slt.u32 s9, $0xF7A;
	s5 =	simm.s32 @!p2 $0x0  }
0x1d: {  	s5 =	simm.s32 @p1 $0x1;
	p0 =	seq.s32 s7, s2  }
0x1e: {  	s7 =	smul.u32 @!p0 $0xF7A, s2;
	p2 =	seq.s32 @!p0 s5, $0x0  }
0x1f: {  	s9 =	smul.u32 $0xF7A, s1;
	s8 =	simm.s32 @!p0 $0x1BF5;
	p2 =	por !p2, p0  }
0x20: {  	[sflag:s8] =	ssyncset.s32 @!p0 $0xFFFFF086;
	s6 =	sadd.s32 @!p0 s3, s7;
	s7 =	simm.s32 @!p0 $0x108  }
0x21: {  	s3 =	sadd.s32 s3, s9;
	s6 =	sadd.s32 @!p0 $0x88, s6;
	s7 =	simm.s32 @p2 $0x1082  }
0x22: {  	[simem:s7], [sflag:s8] =	dma.local @!p0 [hbm:s6], $0xF7A  }
0x23: {  	s9 =	sor.u32 $0xD0000000, s2;
	s6 =	simm.s32 $0x108;
	_ =	swait.ge @!p0 [sflag:s8], $0x0  }
0x24: {  	s3 =	sadd.s32 $0x88, s3;
	s6 =	simm.s32 @!p1 $0x1082;
	[sflag:s4] =	ssyncset.s32 $0xFFFFF086  }
0x25: {  	[simem:s6], [sflag:s4] =	dma.local [hbm:s3], $0xF7A  }
0x26: {  	[smem:$0x3F95] =	sst s1;
	(tag) =	ssettag s2;
	_ =	strace s9  }
0x27: {  	s1 =	sld [smem:$0x3FA5]  }
0x28: {  	s2 =	sld [smem:$0x3FA6]  }
0x29: {  	s4 =	sld [smem:$0x3FA8]  }
0x2a: {  	p0 =	seq.s32 s5, $0x0;
	s5 =	sld [smem:$0x3FA9]  }
0x2b: {  	s6 =	sld [smem:$0x3FAA]  }
0x2c: {  	s7 =	sld [smem:$0x3FAB]  }
0x2d: {  	s3 =	simm.s32 $0x108;
	s8 =	sld [smem:$0x3FAC]  }
0x2e: {  	s3 =	simm.s32 @!p0 $0x1082;
	s9 =	sld [smem:$0x3FAD]  }
0x2f: {  	lr =	sadd.s32 s0, s3;
	s0 =	sld [smem:$0x3FA4]  }
0x30: {  	s3 =	sld [smem:$0x3FA7]  }
0x31: {  	[smem:$0x3FB0] =	sst s10  }
0x32: {  	s10 =	sld [smem:$0x3FAE];
	_ =	sdelay $0x3  }
0x33: {  	p0 =	seq.s32 s10, $0x1;
	s10 =	sld [smem:$0x3FB0];
	_ =	sdelay $0x3  }
0x34: {  	[smem:$0x3FB0] =	sst s10  }
0x35: {  	s10 =	sld [smem:$0x3FAF];
	_ =	sdelay $0x3  }
0x36: {  	p1 =	seq.s32 s10, $0x1;
	s10 =	sld [smem:$0x3FB0];
	_ =	sdelay $0x3  }
0x37: {  	[smem:$0x3FB0] =	sst s10  }
0x38: {  	s10 =	sld [smem:$0x3FB1]  }
0x39: {  	_ = 	snop;
	(pc) =	sbr.ind lr, $3  }
0x3a: {  	_ = 	snop  }
0x3b: {  	_ = 	snop  }
0x3c: {  	p2 =	seq.s32 s10, $0x1;
	s10 =	sld [smem:$0x3FB0]  }
0x3d: {  	_ =	shalt  }
0x3e: {  	_ =	shalt  }
0x3f: {  	_ =	shalt  }
0x40: {  	_ =	shalt  }
0x41: {  	_ =	shalt  }
0x42: {  	_ =	shalt  }
0x43: {  	_ =	shalt  }
0x44: {  	_ =	shalt  }
0x45: {  	_ =	shalt  }
0x46: {  	_ =	shalt  }
0x47: {  	_ =	shalt  }
0x48: {  	_ =	shalt  }
0x49: {  	_ =	shalt  }
0x4a: {  	_ =	shalt  }
0x4b: {  	_ =	shalt  }
0x4c: {  	_ =	shalt  }
0x4d: {  	_ =	shalt  }
0x4e: {  	_ =	shalt  }
0x4f: {  	_ =	shalt  }
0x50: {  	_ =	shalt  }
0x51: {  	_ =	shalt  }
0x52: {  	_ =	shalt  }
0x53: {  	_ =	shalt  }
0x54: {  	_ =	shalt  }
0x55: {  	_ =	shalt  }
0x56: {  	_ =	shalt  }
0x57: {  	_ =	shalt  }
0x58: {  	_ =	shalt  }
0x59: {  	_ =	shalt  }
0x5a: {  	_ =	shalt  }
0x5b: {  	_ =	shalt  }
0x5c: {  	_ =	shalt  }
0x5d: {  	_ =	shalt  }
0x5e: {  	_ =	shalt  }
0x5f: {  	_ =	shalt  }
0x60: {  	_ =	shalt  }
0x61: {  	_ =	shalt  }
0x62: {  	_ =	shalt  }
0x63: {  	_ =	shalt  }
0x64: {  	_ =	shalt  }
0x65: {  	_ =	shalt  }
0x66: {  	_ =	shalt  }
0x67: {  	_ =	shalt  }
0x68: {  	_ =	shalt  }
0x69: {  	_ =	shalt  }
0x6a: {  	_ =	shalt  }
0x6b: {  	_ =	shalt  }
0x6c: {  	_ =	shalt  }
0x6d: {  	_ =	shalt  }
0x6e: {  	_ =	shalt  }
0x6f: {  	_ =	shalt  }
0x70: {  	_ =	shalt  }
0x71: {  	_ =	shalt  }
0x72: {  	_ =	shalt  }
0x73: {  	_ =	shalt  }
0x74: {  	_ =	shalt  }
0x75: {  	_ =	shalt  }
0x76: {  	_ =	shalt  }
0x77: {  	_ =	shalt  }
0x78: {  	_ =	shalt  }
0x79: {  	_ =	shalt  }
0x7a: {  	_ =	shalt  }
0x7b: {  	_ =	shalt  }
0x7c: {  	_ =	shalt  }
0x7d: {  	_ =	shalt  }
0x7e: {  	_ =	shalt  }
0x7f: {  	_ =	shalt  }
0x80: {  	_ =	shalt  }
0x81: {  	_ =	shalt  }
0x82: {  	_ =	shalt  }
0x83: {  	_ =	shalt  }
0x84: {  	_ =	shalt  }
0x85: {  	_ =	shalt  }
0x86: {  	_ =	shalt  }
0x87: {  	_ =	shalt  }
.Lfunc_end0:
.L_simem_size_0:
called_computation_lowered:
.L_overlay_start_0:
0x88: {  	s2 =	sld [smem:$0x3FD9]  }
0x89: {  	s3 =	sld [smem:$0x3FFE];
	_ =	sdelay $0x1  }
0x8a: {  	s1 =	srdreg.scid  }
0x8b: {  	s0 =	sand.u32 $0x1, s1  }
0x8c: {  	s17 =	sshll.u32 s0, $0xA;
	s2 =	sadd.s32 s3, s2  }
0x8d: {  	s2 =	sadd.s32 s2, s17  }
0x8e: {  	[smem:$0x3FBC] =	sst s2  }
0x8f: {  	_ = 	snop  }
0x90: {  	s2 =	sld [smem:$0x3FD0];
	(tm) =	ssettm $0x1  }
0x91: {  	s18 =	sld [smem:$0x3FFB];
	_ =	sdelay $0x3  }
0x92: {  	_ =	strace s18  }
0x93: {  	s3 =	sld [smem:$0x3FFC];
	_ =	sdelay $0x3  }
0x94: {  	_ =	strace s3  }
0x95: {  	s3 =	sld [smem:$0x3FFD];
	_ =	sdelay $0x3  }
0x96: {  	_ =	strace s3  }
0x97: {  	_ =	strace $0x8FFFFFFF  }
0x98: {  	s19 =	sld [smem:$0x3FDB];
	_ =	sdelay $0x1  }
0x99: {  	s4 =	simm.s32 $_scs_section_size  }
0x9a: {  	s5 =	simm.s32 $_size__tile_overlayer_lowered;
	s6 =	simm.s32 $_tile_overlayer_lowered  }
0x9b: {  	s22 =	simm.s32 $0x1BFF;
	s21 =	sshll.u32 s6, $0x1;
	s3 =	sadd.s32 s4, s19  }
0x9c: {  	s7 =	simm.s32 $0x0;
	s20 =	sshll.u32 s5, $0x1;
	s5 =	sadd.s32 s21, s3  }
0x9d: {  	[timem:s7], [sflag:s22] =	dma.local [hbm:s5], s20  }
0x9e: {  	_ =	swait.ge [sflag:s22], s20  }
0x9f: {  	s4 =	ssub.s32 $0x0, s20;
	[sflag:s22] =	ssyncset.done $0x0  }
0xa0: {  	[sflag:s22] =	ssyncadd.s32 s4;
	_ =	sdelay $0x1  }
0xa1: {  	s23 =	simm.s32 $0x1B8B  }
0xa2: {  	_ =	swait.ge [sflag:s23], $0x1  }
0xa3: {  	[sflag:s23] =	ssyncset.done $0x0  }
0xa4: {  	s25 =	simm.s32 $0x1B8E;
	s24 =	sld [smem:$0x3FFE];
	[sflag:s23] =	ssyncadd.s32 $0xFFFFFFFF  }
0xa5: {  	s26 =	simm.s32 $execute0_lowered;
	[smem:$0x3FD2] =	sst s25  }
0xa6: {  	s5 =	sshll.u32 s26, $0x1;
	_ =	strace $0x80000046;
	[dreg:$0x1] =	wrdreg $0xFFFFFFFF  }
0xa7: {  	s28 =	simm.s32 $_size_execute0_lowered;
	s3 =	sadd.s32 s3, s5;
	[dreg:$0x0] =	wrdreg $0x0  }
0xa8: {  	s5 =	sshll.u32 s28, $0x1;
	[dreg:$0x2] =	wrdreg s3  }
0xa9: {  	[dreg:$0x3] =	wrdreg s5  }
0xaa: {  	[dreg:$0x4] =	wrdreg $0xC0  }
0xab: {  	_ =	task [dreg:s7], $0x5FFFF  }
0xac: {  	[dreg:$0x1] =	wrdreg $0xFFFFFFFF  }
0xad: {  	[dreg:$0x0] =	wrdreg $0x60  }
0xae: {  	[dreg:$0x2] =	wrdreg s2  }
0xaf: {  	[dreg:$0x3] =	wrdreg s24  }
0xb0: {  	[dreg:$0x4] =	wrdreg $0x8B000  }
0xb1: {  	[dreg:$0x5] =	wrdreg $0x1CB000  }
0xb2: {  	[dreg:$0x6] =	wrdreg $0x1CD800  }
0xb3: {  	[dreg:$0x7] =	wrdreg $0x9  }
0xb4: {  	_ =	task.clear_ibuf [dreg:s7], $0x8FFFF;
	_ =	strace $0x90000046  }
0xb5: {  	s29 =	simm.s32 $0x9;
	_ =	strace $0x80000048  }
0xb6: {  	_ =	swait.ge [sflag:s29], $0x1  }
0xb7: {  	[sflag:s29] =	ssyncadd.s32 $0xFFFFFFFF  }
0xb8: {  	_ =	strace $0x90000048  }
0xb9: {  	_ =	sfence  }
0xba: {  	s30 =	sld [smem:$0x0];
	_ =	sdelay $0x2  }
0xbb: {  	s31 =	sshll.u32 s1, $0xD;
	s1 =	sshrl.u32 s1, $0x2  }
0xbc: {  	s3 =	sand.u32 $0x4000, s31;
	s1 =	sadd.s32 s1, s30  }
0xbd: {  	s0 =	sor.u32 s3, s0;
	s1 =	sshll.u32 s1, $0x11  }
0xbe: {  	s0 =	sor.u32 s1, s0  }
0xbf: {  	s0 =	sadd.s32 $0x8F2B, s0  }
0xc0: {  	[sflag:s0] =	ssyncadd.remote.s32 $0x1  }
0xc1: {  	_ =	sfence.sel $0xFFFF  }
0xc2: {  	[dreg:$0x0] =	wrdreg $0xFFFFFFFF;
	(pc) =	sbr.abs _section_cstart, $3  }
0xc3: {  	[dreg:$0x1] =	wrdreg $0xFFFFFFFF  }
0xc4: {  	_ =	task.clear_ibuf [dreg:s7], $0x2FFFF;
	_ =	strace $0x9FFFFFFF  }
0xc5: {  	(tm) =	ssettm $0x7FFFFFFF  }
tec
execute0_lowered:
.L_overlay_start_1:
0x0: {  	(tag) =	ssettag $0x1  }
0x1: {  	s0 =	rddreg [dreg:$0x0]  }
0x2: {  	s2 =	rddreg [dreg:$0x1]  }
0x3: {  	s1 =	simm.s32 $0x0;
	s3 =	srdreg.scid;
	s17 =	stileid.u32  }
0x4: {  	[smem:$0x7FF] =	sst s1;
	s4 =	sadd.s32 $0x17200, s2;
	s8 =	smul.u32 $0x500, s17  }
0x5: {  	s5 =	sadd.s32 $0x2B200, s2;
	s7 =	sand.u32 $0x1, s3;
	s3 =	smul.u32 $0x280, s17  }
0x6: {  	s22 =	smul.u32 $0x14000, s17;
	s9 =	sshll.u32 s7, $0x7;
	s10 =	sshll.u32 s7, $0x4  }
0x7: {  	s24 =	ssub.s32 $0x2, s7;
	s7 =	smul.u32 $0x140000, s7;
	s10 =	sor.u32 s17, s10  }
0x8: {  	s6 =	sadd.s32 $0x3FE00, s2;
	s8 =	sor.u32 s9, s8;
	s10 =	smul.u32 $0x5000, s10  }
0x9: {  	s11 =	sshrl.u32 s24, $0x1;
	s12 =	sshll.u32 s3, $0x7;
	s8 =	sshrl.u32 s8, $0x3  }
0xa: {  	s9 =	ssub.s32 s24, s11;
	s11 =	sadd.s32 $0x4000, s12;
	s10 =	sshrl.u32 s10, $0x3  }
0xb: {  	s13 =	sadd.s32 $0x8000, s12;
	s14 =	sadd.s32 $0xC000, s12;
	s15 =	sadd.s32 s4, s10  }
0xc: {  	s25 =	sadd.s32 $0x200, s10;
	s16 =	sadd.s32 s5, s10;
	[dreg:$0x6] =	wrdreg s15  }
0xd: {  	s12 =	sadd.s32 $0x10000, s12;
	[dreg:$0x7] =	wrdreg s16;
	s26 =	sadd.s32 s4, s25  }
0xe: {  	s18 =	sadd.s32 $0x400, s10;
	s15 =	sadd.s32 s5, s25;
	[dreg:$0x8] =	wrdreg s26  }
0xf: {  	s23 =	sadd.s32 s22, s7;
	s19 =	sadd.s32 s4, s18;
	[dreg:$0x9] =	wrdreg s15  }
0x10: {  	s21 =	sadd.s32 $0x600, s10;
	s20 =	sadd.s32 s5, s18;
	[dreg:$0xa] =	wrdreg s19  }
0x11: {  	s10 =	sadd.s32 $0x800, s10;
	s18 =	sadd.s32 s4, s21;
	[dreg:$0xb] =	wrdreg s20  }
0x12: {  	s24 =	sadd.s32 s7, s11;
	s4 =	sadd.s32 s4, s10;
	[dreg:$0xc] =	wrdreg s18  }
0x13: {  	s22 =	sadd.s32 s8, s2;
	s8 =	simm.s32 $0x8A80;
	[dreg:$0xe] =	wrdreg s4  }
0x14: {  	s25 =	sshrl.u32 s24, $0x3;
	s24 =	sadd.s32 $0x3FC00, s2;
	s18 =	rddreg [dreg:$0x3]  }
0x15: {  	s15 =	sadd.s32 s5, s21;
	s5 =	sadd.s32 s5, s10;
	s20 =	rddreg [dreg:$0x4]  }
0x16: {  	s4 =	sshrl.u32 s23, $0x3;
	s26 =	sadd.s32 s6, s25;
	[dreg:$0xd] =	wrdreg s15  }
0x17: {  	s10 =	sadd.s32 s7, s14;
	s19 =	sadd.s32 s7, s12;
	[dreg:$0xf] =	wrdreg s5  }
0x18: {  	s21 =	smul.u32 $0x50000, s17;
	s23 =	sadd.s32 $0x3FA00, s2;
	[dreg:$0x11] =	wrdreg s26  }
0x19: {  	s4 =	sadd.s32 s6, s4;
	s5 =	sadd.s32 s7, s13;
	s15 =	rddreg [dreg:$0x2]  }
0x1a: {  	s16 =	sshrl.u32 s10, $0x3;
	s26 =	sadd.s32 $0x3F200, s2;
	s31 =	sadd.s32 s3, s18  }
0x1b: {  	s17 =	sadd.s32 s3, s20;
	s2 =	sadd.s32 $0x90800, s22;
	s3 =	sadd.s32 $0x8FE00, s22  }
0x1c: {  	s7 =	simm.s32 $0x8800;
	s10 =	simm.s32 $0x50;
	[dreg:$0x10] =	wrdreg s4  }
0x1d: {  	s4 =	sshrl.u32 s5, $0x3;
	s5 =	sshrl.u32 s21, $0x2;
	s28 =	sadd.s32 s13, s15  }
0x1e: {  	s29 =	sadd.s32 s14, s15;
	s30 =	sadd.s32 s12, s15;
	s4 =	sadd.s32 s6, s4  }
0x1f: {  	s12 =	simm.s32 $0x80;
	[dreg:$0x12] =	wrdreg s4;
	s4 =	sadd.s32 s6, s16  }
0x20: {  	s13 =	simm.s32 $0x100;
	[dreg:$0x13] =	wrdreg s4;
	s4 =	sshrl.u32 s19, $0x3  }
0x21: {  	s14 =	simm.s32 $0x0;
	s25 =	sadd.s32 s5, s15;
	s4 =	sadd.s32 s6, s4  }
0x22: {  	s5 =	simm.s32 $0x4800;
	s6 =	simm.s32 $0x1;
	[dreg:$0x14] =	wrdreg s4  }
0x23: {  	s4 =	smax.u32 s9, $0x1;
	s9 =	simm.s32 $0x1000;
	_ =	strace $0x80000047  }
0x24: {  	[dreg:$0x15] =	wrdreg s26;
	s26 =	sadd.s32 s11, s15;
	s11 =	simm.s32 $0x2000  }
.LBB2_1:
0x25: {  	s16 =	rddreg [dreg:$0x15]  }
0x26: {  	[tilespmem:s5], [sflag:$0x1] =	stream.linear.gather [hbm4b:s16+s1], $0x4000, $0x38;
	[tilespmem:$0x1D000] =	vst v63  }
0x27: {  	_ =	swait.ge [sflag:s6], $0x4000  }
0x28: {  	[sflag:s6] =	ssyncset.done $0x0  }
0x29: {  	[sflag:s6] =	ssyncadd.s32 $0xFFFFC000  }
0x2a: {  	[spmem:s25] =	stream.linear.scatter [tilespmem:s5], [sflag:$0x1], $0x4000, $0x38;
	[tilespmem:$0x1D000] =	vst v63  }
0x2b: {  	_ =	swait.ge [sflag:s6], $0x4000  }
0x2c: {  	[sflag:s6] =	ssyncset.done $0x0  }
0x2d: {  	[sflag:s6] =	ssyncadd.s32 $0xFFFFC000  }
0x2e: {  	[spmem:s26] =	stream.linear.scatter [tilespmem:s5], [sflag:$0x1], $0x4000, $0x38;
	[tilespmem:$0x1D000] =	vst v63  }
0x2f: {  	_ =	swait.ge [sflag:s6], $0x4000  }
0x30: {  	[sflag:s6] =	ssyncset.done $0x0  }
0x31: {  	[sflag:s6] =	ssyncadd.s32 $0xFFFFC000  }
0x32: {  	[spmem:s28] =	stream.linear.scatter [tilespmem:s5], [sflag:$0x1], $0x4000, $0x38;
	[tilespmem:$0x1D000] =	vst v63  }
0x33: {  	_ =	swait.ge [sflag:s6], $0x4000  }
0x34: {  	[sflag:s6] =	ssyncset.done $0x0  }
0x35: {  	[sflag:s6] =	ssyncadd.s32 $0xFFFFC000  }
0x36: {  	[spmem:s29] =	stream.linear.scatter [tilespmem:s5], [sflag:$0x1], $0x4000, $0x38;
	[tilespmem:$0x1D000] =	vst v63  }
0x37: {  	_ =	swait.ge [sflag:s6], $0x4000  }
0x38: {  	[sflag:s6] =	ssyncset.done $0x0  }
0x39: {  	[sflag:s6] =	ssyncadd.s32 $0xFFFFC000  }
0x3a: {  	[spmem:s30] =	stream.linear.scatter [tilespmem:s5], [sflag:$0x1], $0x4000, $0x38;
	[tilespmem:$0x1D000] =	vst v63  }
0x3b: {  	_ =	swait.ge [sflag:s6], $0x4000  }
0x3c: {  	[sflag:s6] =	ssyncset.done $0x0  }
0x3d: {  	[sflag:s6] =	ssyncadd.s32 $0xFFFFC000  }
0x3e: {  	[tilespmem:s7], [sflag:$0x1] =	stream.linear.gather [hbm4b:s23+s1], $0x280, $0x38;
	[tilespmem:$0x1D000] =	vst v63  }
0x3f: {  	_ =	swait.ge [sflag:s6], $0x280  }
0x40: {  	[sflag:s6] =	ssyncset.done $0x0  }
0x41: {  	[sflag:s6] =	ssyncadd.s32 $0xFFFFFD80  }
0x42: {  	[tilespmem:s8], [sflag:$0x1] =	stream.linear.gather [hbm4b:s24+s1], $0x80, $0x38;
	[tilespmem:$0x1D000] =	vst v63  }
0x43: {  	_ =	swait.ge [sflag:s6], $0x80  }
0x44: {  	[sflag:s6] =	ssyncset.done $0x0  }
0x45: {  	[sflag:s6] =	ssyncadd.s32 $0xFFFFFF80  }
0x46: {  	[spmem:s31] =	stream.linear.scatter [tilespmem:s7], [sflag:$0x1], $0x280, $0x38;
	[tilespmem:$0x1D000] =	vst v63  }
0x47: {  	_ =	swait.ge [sflag:s6], $0x280  }
0x48: {  	[sflag:s6] =	ssyncset.done $0x0  }
0x49: {  	[sflag:s6] =	ssyncadd.s32 $0xFFFFFD80  }
0x4a: {  	[spmem:s17] =	stream.linear.scatter [tilespmem:s7], [sflag:$0x1], $0x280, $0x38;
	[tilespmem:$0x1D000] =	vst v63  }
0x4b: {  	_ =	swait.ge [sflag:s6], $0x280  }
0x4c: {  	[sflag:s6] =	ssyncset.done $0x0  }
0x4d: {  	[sflag:s6] =	ssyncadd.s32 $0xFFFFFD80  }
0x4e: {  	[bflag:$0x0] =	sbarrier.arrive $0xFFFF  }
0x4f: {  	s19 =	rddreg [dreg:$0x6]  }
0x50: {  	[tilespmem:s1], [sflag:$0x1] =	stream.linear.gather [hbm4b:s19+s1], $0xC80, $0x38;
	[tilespmem:$0x1D000] =	vst v63  }
0x51: {  	_ =	swait.ge [sflag:s6], $0xC80  }
0x52: {  	[sflag:s6] =	ssyncset.done $0x0  }
0x53: {  	s21 =	rddreg [dreg:$0x7];
	[sflag:s6] =	ssyncadd.s32 $0xFFFFF380  }
0x54: {  	[tilespmem:s9], [sflag:$0x1] =	stream.linear.gather [hbm4b:s21+s1], $0xC80, $0x38;
	[tilespmem:$0x1D000] =	vst v63  }
0x55: {  	_ =	swait.ge [sflag:s6], $0xC80  }
0x56: {  	[sflag:s6] =	ssyncset.done $0x0  }
0x57: {  	s22 =	simm.s32 $0x0;
	[sflag:s6] =	ssyncadd.s32 $0xFFFFF380  }
0x58: {  	[tilespmem:s11], [sflag:$0x1] =	stream.indirect.gather [hbm4b:s0+s10], $0x80, s22, s10, $0xb8;
	[tilespmem:$0x1D000] =	vst v63  }
0x59: {  	_ =	swait.ge [sflag:s6], $0x2800  }
0x5a: {  	[sflag:s6] =	ssyncset.done $0x0  }
0x5b: {  	s19 =	simm.s32 $0x1000;
	[sflag:s6] =	ssyncadd.s32 $0xFFFFD800  }
0x5c: {  	[spmem:s15] =	stream.indirect.scatter.add.f32 [tilespmem:s11], [sflag:$0x1], $0x80, s19, s10, $0xb8;
	[tilespmem:$0x1D000] =	vst v63  }
0x5d: {  	_ =	swait.ge [sflag:s6], $0x2800  }
0x5e: {  	[sflag:s6] =	ssyncset.done $0x0  }
0x5f: {  	[sflag:s6] =	ssyncadd.s32 $0xFFFFD800  }
0x60: {  	[spmem:s18] =	stream.indirect.scatter.add.f32 [tilespmem:s8], [sflag:$0x1], $0x1, s22, s10, $0xb8;
	[tilespmem:$0x1D000] =	vst v63  }
0x61: {  	_ =	swait.ge [sflag:s6], $0x50  }
0x62: {  	[sflag:s6] =	ssyncset.done $0x0  }
0x63: {  	[sflag:s6] =	ssyncadd.s32 $0xFFFFFFB0  }
0x64: {  	[spmem:s20] =	stream.indirect.scatter.add.f32 [tilespmem:s8], [sflag:$0x1], $0x1, s19, s10, $0xb8;
	[tilespmem:$0x1D000] =	vst v63  }
0x65: {  	_ =	swait.ge [sflag:s6], $0x50  }
0x66: {  	s16 =	simm.s32 $0x200;
	s19 =	simm.s32 $0x400;
	[sflag:s6] =	ssyncset.done $0x0  }
.LBB2_2:
0x67: {  	s21 =	sshra.s32 s16, $0x2  }
0x68: {  	[sflag:s6] =	ssyncadd.s32 $0xFFFFFFB0;
	s16 =	smov.u32 s19;
	s22 =	sadd.s32 $0x200, s19  }
0x69: {  	[tilespmem:s11], [sflag:$0x1] =	stream.indirect.gather [hbm4b:s0+s10], $0x80, s21, s10, $0xb8;
	[tilespmem:$0x1D000] =	vst v63  }
0x6a: {  	p0 =	sne.s32 s19, $0x3000;
	_ =	swait.ge [sflag:s6], $0x2800  }
0x6b: {  	[sflag:s6] =	ssyncset.done $0x0  }
0x6c: {  	s19 =	sadd.s32 $0x1000, s21;
	[sflag:s6] =	ssyncadd.s32 $0xFFFFD800  }
0x6d: {  	[spmem:s15] =	stream.indirect.scatter.add.f32 [tilespmem:s11], [sflag:$0x1], $0x80, s19, s10, $0xb8;
	[tilespmem:$0x1D000] =	vst v63  }
0x6e: {  	_ =	swait.ge [sflag:s6], $0x2800  }
0x6f: {  	[sflag:s6] =	ssyncset.done $0x0  }
0x70: {  	[sflag:s6] =	ssyncadd.s32 $0xFFFFD800  }
0x71: {  	[spmem:s18] =	stream.indirect.scatter.add.f32 [tilespmem:s8], [sflag:$0x1], $0x1, s21, s10, $0xb8;
	[tilespmem:$0x1D000] =	vst v63  }
0x72: {  	_ =	swait.ge [sflag:s6], $0x50  }
.Ltmp0:
0x73: {  	[sflag:s6] =	ssyncset.done $0x0;
	(pc) =	sbr.rel @p0 .LBB2_2-.Ltmp0, $4  }
0x74: {  	[sflag:s6] =	ssyncadd.s32 $0xFFFFFFB0  }
0x75: {  	[spmem:s20] =	stream.indirect.scatter.add.f32 [tilespmem:s8], [sflag:$0x1], $0x1, s19, s10, $0xb8;
	[tilespmem:$0x1D000] =	vst v63  }
0x76: {  	_ =	swait.ge [sflag:s6], $0x50  }
0x77: {  	s19 =	smov.u32 s22;
	[sflag:s6] =	ssyncset.done $0x0  }
0x78: {  	s16 =	sshra.s32 s16, $0x2;
	[sflag:s6] =	ssyncadd.s32 $0xFFFFFFB0  }
0x79: {  	[tilespmem:s11], [sflag:$0x1] =	stream.indirect.gather [hbm4b:s0+s10], $0x80, s16, s10, $0xb8;
	[tilespmem:$0x1D000] =	vst v63  }
0x7a: {  	_ =	swait.ge [sflag:s6], $0x2800  }
0x7b: {  	[sflag:s6] =	ssyncset.done $0x0  }
0x7c: {  	s19 =	sadd.s32 $0x1000, s16;
	[sflag:s6] =	ssyncadd.s32 $0xFFFFD800  }
0x7d: {  	[spmem:s15] =	stream.indirect.scatter.add.f32 [tilespmem:s11], [sflag:$0x1], $0x80, s19, s10, $0xb8;
	[tilespmem:$0x1D000] =	vst v63  }
0x7e: {  	_ =	swait.ge [sflag:s6], $0x2800  }
0x7f: {  	[sflag:s6] =	ssyncset.done $0x0  }
0x80: {  	[sflag:s6] =	ssyncadd.s32 $0xFFFFD800  }
0x81: {  	[spmem:s18] =	stream.indirect.scatter.add.f32 [tilespmem:s8], [sflag:$0x1], $0x1, s16, s10, $0xb8;
	[tilespmem:$0x1D000] =	vst v63  }
0x82: {  	_ =	swait.ge [sflag:s6], $0x50  }
0x83: {  	[sflag:s6] =	ssyncset.done $0x0  }
0x84: {  	[sflag:s6] =	ssyncadd.s32 $0xFFFFFFB0  }
0x85: {  	[spmem:s20] =	stream.indirect.scatter.add.f32 [tilespmem:s8], [sflag:$0x1], $0x1, s19, s10, $0xb8;
	[tilespmem:$0x1D000] =	vst v63  }
0x86: {  	_ =	swait.ge [sflag:s6], $0x50  }
0x87: {  	[sflag:s6] =	ssyncset.done $0x0  }
0x88: {  	s16 =	simm.s32 $0x0;
	s21 =	rddreg [dreg:$0x8];
	[sflag:s6] =	ssyncadd.s32 $0xFFFFFFB0  }
0x89: {  	[tilespmem:s16], [sflag:$0x1] =	stream.linear.gather [hbm4b:s21+s16], $0xC80, $0x38;
	[tilespmem:$0x1D000] =	vst v63  }
0x8a: {  	_ =	swait.ge [sflag:s6], $0xC80  }
0x8b: {  	[sflag:s6] =	ssyncset.done $0x0  }
0x8c: {  	s22 =	rddreg [dreg:$0x9];
	[sflag:s6] =	ssyncadd.s32 $0xFFFFF380  }
0x8d: {  	[tilespmem:s9], [sflag:$0x1] =	stream.linear.gather [hbm4b:s22+s16], $0xC80, $0x38;
	[tilespmem:$0x1D000] =	vst v63  }
0x8e: {  	_ =	swait.ge [sflag:s6], $0xC80  }
0x8f: {  	[sflag:s6] =	ssyncset.done $0x0  }
0x90: {  	s21 =	simm.s32 $0x0;
	[sflag:s6] =	ssyncadd.s32 $0xFFFFF380  }
0x91: {  	[tilespmem:s11], [sflag:$0x1] =	stream.indirect.gather [hbm4b:s0+s10], $0x80, s21, s10, $0xb8;
	[tilespmem:$0x1D000] =	vst v63  }
0x92: {  	_ =	swait.ge [sflag:s6], $0x2800  }
0x93: {  	[sflag:s6] =	ssyncset.done $0x0  }
0x94: {  	s22 =	simm.s32 $0x1000;
	[sflag:s6] =	ssyncadd.s32 $0xFFFFD800  }
0x95: {  	[spmem:s15] =	stream.indirect.scatter.add.f32 [tilespmem:s11], [sflag:$0x1], $0x80, s22, s10, $0xb8;
	[tilespmem:$0x1D000] =	vst v63  }
0x96: {  	_ =	swait.ge [sflag:s6], $0x2800  }
0x97: {  	[sflag:s6] =	ssyncset.done $0x0  }
0x98: {  	[sflag:s6] =	ssyncadd.s32 $0xFFFFD800  }
0x99: {  	[spmem:s18] =	stream.indirect.scatter.add.f32 [tilespmem:s8], [sflag:$0x1], $0x1, s21, s10, $0xb8;
	[tilespmem:$0x1D000] =	vst v63  }
0x9a: {  	_ =	swait.ge [sflag:s6], $0x50  }
0x9b: {  	[sflag:s6] =	ssyncset.done $0x0  }
0x9c: {  	[sflag:s6] =	ssyncadd.s32 $0xFFFFFFB0  }
0x9d: {  	[spmem:s20] =	stream.indirect.scatter.add.f32 [tilespmem:s8], [sflag:$0x1], $0x1, s22, s10, $0xb8;
	[tilespmem:$0x1D000] =	vst v63  }
0x9e: {  	_ =	swait.ge [sflag:s6], $0x50  }
0x9f: {  	s19 =	simm.s32 $0x400;
	s16 =	simm.s32 $0x200;
	[sflag:s6] =	ssyncset.done $0x0  }
.LBB2_4:
0xa0: {  	s21 =	sshra.s32 s16, $0x2  }
0xa1: {  	[sflag:s6] =	ssyncadd.s32 $0xFFFFFFB0;
	s16 =	smov.u32 s19;
	s22 =	sadd.s32 $0x200, s19  }
0xa2: {  	[tilespmem:s11], [sflag:$0x1] =	stream.indirect.gather [hbm4b:s0+s10], $0x80, s21, s10, $0xb8;
	[tilespmem:$0x1D000] =	vst v63  }
0xa3: {  	p0 =	sne.s32 s19, $0x3000;
	_ =	swait.ge [sflag:s6], $0x2800  }
0xa4: {  	[sflag:s6] =	ssyncset.done $0x0  }
0xa5: {  	s19 =	sadd.s32 $0x1000, s21;
	[sflag:s6] =	ssyncadd.s32 $0xFFFFD800  }
0xa6: {  	[spmem:s15] =	stream.indirect.scatter.add.f32 [tilespmem:s11], [sflag:$0x1], $0x80, s19, s10, $0xb8;
	[tilespmem:$0x1D000] =	vst v63  }
0xa7: {  	_ =	swait.ge [sflag:s6], $0x2800  }
0xa8: {  	[sflag:s6] =	ssyncset.done $0x0  }
0xa9: {  	[sflag:s6] =	ssyncadd.s32 $0xFFFFD800  }
0xaa: {  	[spmem:s18] =	stream.indirect.scatter.add.f32 [tilespmem:s8], [sflag:$0x1], $0x1, s21, s10, $0xb8;
	[tilespmem:$0x1D000] =	vst v63  }
0xab: {  	_ =	swait.ge [sflag:s6], $0x50  }
.Ltmp1:
0xac: {  	[sflag:s6] =	ssyncset.done $0x0;
	(pc) =	sbr.rel @p0 .LBB2_4-.Ltmp1, $4  }
0xad: {  	[sflag:s6] =	ssyncadd.s32 $0xFFFFFFB0  }
0xae: {  	[spmem:s20] =	stream.indirect.scatter.add.f32 [tilespmem:s8], [sflag:$0x1], $0x1, s19, s10, $0xb8;
	[tilespmem:$0x1D000] =	vst v63  }
0xaf: {  	_ =	swait.ge [sflag:s6], $0x50  }
0xb0: {  	s19 =	smov.u32 s22;
	[sflag:s6] =	ssyncset.done $0x0  }
0xb1: {  	s16 =	sshra.s32 s16, $0x2;
	[sflag:s6] =	ssyncadd.s32 $0xFFFFFFB0  }
0xb2: {  	[tilespmem:s11], [sflag:$0x1] =	stream.indirect.gather [hbm4b:s0+s10], $0x80, s16, s10, $0xb8;
	[tilespmem:$0x1D000] =	vst v63  }
0xb3: {  	_ =	swait.ge [sflag:s6], $0x2800  }
0xb4: {  	[sflag:s6] =	ssyncset.done $0x0  }
0xb5: {  	s19 =	sadd.s32 $0x1000, s16;
	[sflag:s6] =	ssyncadd.s32 $0xFFFFD800  }
0xb6: {  	[spmem:s15] =	stream.indirect.scatter.add.f32 [tilespmem:s11], [sflag:$0x1], $0x80, s19, s10, $0xb8;
	[tilespmem:$0x1D000] =	vst v63  }
0xb7: {  	_ =	swait.ge [sflag:s6], $0x2800  }
0xb8: {  	[sflag:s6] =	ssyncset.done $0x0  }
0xb9: {  	[sflag:s6] =	ssyncadd.s32 $0xFFFFD800  }
0xba: {  	[spmem:s18] =	stream.indirect.scatter.add.f32 [tilespmem:s8], [sflag:$0x1], $0x1, s16, s10, $0xb8;
	[tilespmem:$0x1D000] =	vst v63  }
0xbb: {  	_ =	swait.ge [sflag:s6], $0x50  }
0xbc: {  	[sflag:s6] =	ssyncset.done $0x0  }
0xbd: {  	[sflag:s6] =	ssyncadd.s32 $0xFFFFFFB0  }
0xbe: {  	[spmem:s20] =	stream.indirect.scatter.add.f32 [tilespmem:s8], [sflag:$0x1], $0x1, s19, s10, $0xb8;
	[tilespmem:$0x1D000] =	vst v63  }
0xbf: {  	_ =	swait.ge [sflag:s6], $0x50  }
0xc0: {  	[sflag:s6] =	ssyncset.done $0x0  }
0xc1: {  	s16 =	simm.s32 $0x0;
	s21 =	rddreg [dreg:$0xa];
	[sflag:s6] =	ssyncadd.s32 $0xFFFFFFB0  }
0xc2: {  	[tilespmem:s16], [sflag:$0x1] =	stream.linear.gather [hbm4b:s21+s16], $0xC80, $0x38;
	[tilespmem:$0x1D000] =	vst v63  }
0xc3: {  	_ =	swait.ge [sflag:s6], $0xC80  }
0xc4: {  	[sflag:s6] =	ssyncset.done $0x0  }
0xc5: {  	s22 =	rddreg [dreg:$0xb];
	[sflag:s6] =	ssyncadd.s32 $0xFFFFF380  }
0xc6: {  	[tilespmem:s9], [sflag:$0x1] =	stream.linear.gather [hbm4b:s22+s16], $0xC80, $0x38;
	[tilespmem:$0x1D000] =	vst v63  }
0xc7: {  	_ =	swait.ge [sflag:s6], $0xC80  }
0xc8: {  	[sflag:s6] =	ssyncset.done $0x0  }
0xc9: {  	s21 =	simm.s32 $0x0;
	[sflag:s6] =	ssyncadd.s32 $0xFFFFF380  }
0xca: {  	[tilespmem:s11], [sflag:$0x1] =	stream.indirect.gather [hbm4b:s0+s10], $0x80, s21, s10, $0xb8;
	[tilespmem:$0x1D000] =	vst v63  }
0xcb: {  	_ =	swait.ge [sflag:s6], $0x2800  }
0xcc: {  	[sflag:s6] =	ssyncset.done $0x0  }
0xcd: {  	s22 =	simm.s32 $0x1000;
	[sflag:s6] =	ssyncadd.s32 $0xFFFFD800  }
0xce: {  	[spmem:s15] =	stream.indirect.scatter.add.f32 [tilespmem:s11], [sflag:$0x1], $0x80, s22, s10, $0xb8;
	[tilespmem:$0x1D000] =	vst v63  }
0xcf: {  	_ =	swait.ge [sflag:s6], $0x2800  }
0xd0: {  	[sflag:s6] =	ssyncset.done $0x0  }
0xd1: {  	[sflag:s6] =	ssyncadd.s32 $0xFFFFD800  }
0xd2: {  	[spmem:s18] =	stream.indirect.scatter.add.f32 [tilespmem:s8], [sflag:$0x1], $0x1, s21, s10, $0xb8;
	[tilespmem:$0x1D000] =	vst v63  }
0xd3: {  	_ =	swait.ge [sflag:s6], $0x50  }
0xd4: {  	[sflag:s6] =	ssyncset.done $0x0  }
0xd5: {  	[sflag:s6] =	ssyncadd.s32 $0xFFFFFFB0  }
0xd6: {  	[spmem:s20] =	stream.indirect.scatter.add.f32 [tilespmem:s8], [sflag:$0x1], $0x1, s22, s10, $0xb8;
	[tilespmem:$0x1D000] =	vst v63  }
0xd7: {  	_ =	swait.ge [sflag:s6], $0x50  }
0xd8: {  	s19 =	simm.s32 $0x400;
	s16 =	simm.s32 $0x200;
	[sflag:s6] =	ssyncset.done $0x0  }
.LBB2_6:
0xd9: {  	s21 =	sshra.s32 s16, $0x2  }
0xda: {  	[sflag:s6] =	ssyncadd.s32 $0xFFFFFFB0;
	s16 =	smov.u32 s19;
	s22 =	sadd.s32 $0x200, s19  }
0xdb: {  	[tilespmem:s11], [sflag:$0x1] =	stream.indirect.gather [hbm4b:s0+s10], $0x80, s21, s10, $0xb8;
	[tilespmem:$0x1D000] =	vst v63  }
0xdc: {  	p0 =	sne.s32 s19, $0x3000;
	_ =	swait.ge [sflag:s6], $0x2800  }
0xdd: {  	[sflag:s6] =	ssyncset.done $0x0  }
0xde: {  	s19 =	sadd.s32 $0x1000, s21;
	[sflag:s6] =	ssyncadd.s32 $0xFFFFD800  }
0xdf: {  	[spmem:s15] =	stream.indirect.scatter.add.f32 [tilespmem:s11], [sflag:$0x1], $0x80, s19, s10, $0xb8;
	[tilespmem:$0x1D000] =	vst v63  }
0xe0: {  	_ =	swait.ge [sflag:s6], $0x2800  }
0xe1: {  	[sflag:s6] =	ssyncset.done $0x0  }
0xe2: {  	[sflag:s6] =	ssyncadd.s32 $0xFFFFD800  }
0xe3: {  	[spmem:s18] =	stream.indirect.scatter.add.f32 [tilespmem:s8], [sflag:$0x1], $0x1, s21, s10, $0xb8;
	[tilespmem:$0x1D000] =	vst v63  }
0xe4: {  	_ =	swait.ge [sflag:s6], $0x50  }
.Ltmp2:
0xe5: {  	[sflag:s6] =	ssyncset.done $0x0;
	(pc) =	sbr.rel @p0 .LBB2_6-.Ltmp2, $4  }
0xe6: {  	[sflag:s6] =	ssyncadd.s32 $0xFFFFFFB0  }
0xe7: {  	[spmem:s20] =	stream.indirect.scatter.add.f32 [tilespmem:s8], [sflag:$0x1], $0x1, s19, s10, $0xb8;
	[tilespmem:$0x1D000] =	vst v63  }
0xe8: {  	_ =	swait.ge [sflag:s6], $0x50  }
0xe9: {  	s19 =	smov.u32 s22;
	[sflag:s6] =	ssyncset.done $0x0  }
0xea: {  	s16 =	sshra.s32 s16, $0x2;
	[sflag:s6] =	ssyncadd.s32 $0xFFFFFFB0  }
0xeb: {  	[tilespmem:s11], [sflag:$0x1] =	stream.indirect.gather [hbm4b:s0+s10], $0x80, s16, s10, $0xb8;
	[tilespmem:$0x1D000] =	vst v63  }
0xec: {  	_ =	swait.ge [sflag:s6], $0x2800  }
0xed: {  	[sflag:s6] =	ssyncset.done $0x0  }
0xee: {  	s19 =	sadd.s32 $0x1000, s16;
	[sflag:s6] =	ssyncadd.s32 $0xFFFFD800  }
0xef: {  	[spmem:s15] =	stream.indirect.scatter.add.f32 [tilespmem:s11], [sflag:$0x1], $0x80, s19, s10, $0xb8;
	[tilespmem:$0x1D000] =	vst v63  }
0xf0: {  	_ =	swait.ge [sflag:s6], $0x2800  }
0xf1: {  	[sflag:s6] =	ssyncset.done $0x0  }
0xf2: {  	[sflag:s6] =	ssyncadd.s32 $0xFFFFD800  }
0xf3: {  	[spmem:s18] =	stream.indirect.scatter.add.f32 [tilespmem:s8], [sflag:$0x1], $0x1, s16, s10, $0xb8;
	[tilespmem:$0x1D000] =	vst v63  }
0xf4: {  	_ =	swait.ge [sflag:s6], $0x50  }
0xf5: {  	[sflag:s6] =	ssyncset.done $0x0  }
0xf6: {  	[sflag:s6] =	ssyncadd.s32 $0xFFFFFFB0  }
0xf7: {  	[spmem:s20] =	stream.indirect.scatter.add.f32 [tilespmem:s8], [sflag:$0x1], $0x1, s19, s10, $0xb8;
	[tilespmem:$0x1D000] =	vst v63  }
0xf8: {  	_ =	swait.ge [sflag:s6], $0x50  }
0xf9: {  	[sflag:s6] =	ssyncset.done $0x0  }
0xfa: {  	s16 =	simm.s32 $0x0;
	s21 =	rddreg [dreg:$0xc];
	[sflag:s6] =	ssyncadd.s32 $0xFFFFFFB0  }
0xfb: {  	[tilespmem:s16], [sflag:$0x1] =	stream.linear.gather [hbm4b:s21+s16], $0xC80, $0x38;
	[tilespmem:$0x1D000] =	vst v63  }
0xfc: {  	_ =	swait.ge [sflag:s6], $0xC80  }
0xfd: {  	[sflag:s6] =	ssyncset.done $0x0  }
0xfe: {  	s22 =	rddreg [dreg:$0xd];
	[sflag:s6] =	ssyncadd.s32 $0xFFFFF380  }
0xff: {  	[tilespmem:s9], [sflag:$0x1] =	stream.linear.gather [hbm4b:s22+s16], $0xC80, $0x38;
	[tilespmem:$0x1D000] =	vst v63  }
0x100: {  	_ =	swait.ge [sflag:s6], $0xC80  }
0x101: {  	[sflag:s6] =	ssyncset.done $0x0  }
0x102: {  	s21 =	simm.s32 $0x0;
	[sflag:s6] =	ssyncadd.s32 $0xFFFFF380  }
0x103: {  	[tilespmem:s11], [sflag:$0x1] =	stream.indirect.gather [hbm4b:s0+s10], $0x80, s21, s10, $0xb8;
	[tilespmem:$0x1D000] =	vst v63  }
0x104: {  	_ =	swait.ge [sflag:s6], $0x2800  }
0x105: {  	[sflag:s6] =	ssyncset.done $0x0  }
0x106: {  	s22 =	simm.s32 $0x1000;
	[sflag:s6] =	ssyncadd.s32 $0xFFFFD800  }
0x107: {  	[spmem:s15] =	stream.indirect.scatter.add.f32 [tilespmem:s11], [sflag:$0x1], $0x80, s22, s10, $0xb8;
	[tilespmem:$0x1D000] =	vst v63  }
0x108: {  	_ =	swait.ge [sflag:s6], $0x2800  }
0x109: {  	[sflag:s6] =	ssyncset.done $0x0  }
0x10a: {  	[sflag:s6] =	ssyncadd.s32 $0xFFFFD800  }
0x10b: {  	[spmem:s18] =	stream.indirect.scatter.add.f32 [tilespmem:s8], [sflag:$0x1], $0x1, s21, s10, $0xb8;
	[tilespmem:$0x1D000] =	vst v63  }
0x10c: {  	_ =	swait.ge [sflag:s6], $0x50  }
0x10d: {  	[sflag:s6] =	ssyncset.done $0x0  }
0x10e: {  	[sflag:s6] =	ssyncadd.s32 $0xFFFFFFB0  }
0x10f: {  	[spmem:s20] =	stream.indirect.scatter.add.f32 [tilespmem:s8], [sflag:$0x1], $0x1, s22, s10, $0xb8;
	[tilespmem:$0x1D000] =	vst v63  }
0x110: {  	_ =	swait.ge [sflag:s6], $0x50  }
0x111: {  	s19 =	simm.s32 $0x400;
	s16 =	simm.s32 $0x200;
	[sflag:s6] =	ssyncset.done $0x0  }
.LBB2_8:
0x112: {  	s21 =	sshra.s32 s16, $0x2  }
0x113: {  	[sflag:s6] =	ssyncadd.s32 $0xFFFFFFB0;
	s16 =	smov.u32 s19;
	s22 =	sadd.s32 $0x200, s19  }
0x114: {  	[tilespmem:s11], [sflag:$0x1] =	stream.indirect.gather [hbm4b:s0+s10], $0x80, s21, s10, $0xb8;
	[tilespmem:$0x1D000] =	vst v63  }
0x115: {  	p0 =	sne.s32 s19, $0x3000;
	_ =	swait.ge [sflag:s6], $0x2800  }
0x116: {  	[sflag:s6] =	ssyncset.done $0x0  }
0x117: {  	s19 =	sadd.s32 $0x1000, s21;
	[sflag:s6] =	ssyncadd.s32 $0xFFFFD800  }
0x118: {  	[spmem:s15] =	stream.indirect.scatter.add.f32 [tilespmem:s11], [sflag:$0x1], $0x80, s19, s10, $0xb8;
	[tilespmem:$0x1D000] =	vst v63  }
0x119: {  	_ =	swait.ge [sflag:s6], $0x2800  }
0x11a: {  	[sflag:s6] =	ssyncset.done $0x0  }
0x11b: {  	[sflag:s6] =	ssyncadd.s32 $0xFFFFD800  }
0x11c: {  	[spmem:s18] =	stream.indirect.scatter.add.f32 [tilespmem:s8], [sflag:$0x1], $0x1, s21, s10, $0xb8;
	[tilespmem:$0x1D000] =	vst v63  }
0x11d: {  	_ =	swait.ge [sflag:s6], $0x50  }
.Ltmp3:
0x11e: {  	[sflag:s6] =	ssyncset.done $0x0;
	(pc) =	sbr.rel @p0 .LBB2_8-.Ltmp3, $4  }
0x11f: {  	[sflag:s6] =	ssyncadd.s32 $0xFFFFFFB0  }
0x120: {  	[spmem:s20] =	stream.indirect.scatter.add.f32 [tilespmem:s8], [sflag:$0x1], $0x1, s19, s10, $0xb8;
	[tilespmem:$0x1D000] =	vst v63  }
0x121: {  	_ =	swait.ge [sflag:s6], $0x50  }
0x122: {  	s19 =	smov.u32 s22;
	[sflag:s6] =	ssyncset.done $0x0  }
0x123: {  	s16 =	sshra.s32 s16, $0x2;
	[sflag:s6] =	ssyncadd.s32 $0xFFFFFFB0  }
0x124: {  	[tilespmem:s11], [sflag:$0x1] =	stream.indirect.gather [hbm4b:s0+s10], $0x80, s16, s10, $0xb8;
	[tilespmem:$0x1D000] =	vst v63  }
0x125: {  	_ =	swait.ge [sflag:s6], $0x2800  }
0x126: {  	[sflag:s6] =	ssyncset.done $0x0  }
0x127: {  	s19 =	sadd.s32 $0x1000, s16;
	[sflag:s6] =	ssyncadd.s32 $0xFFFFD800  }
0x128: {  	[spmem:s15] =	stream.indirect.scatter.add.f32 [tilespmem:s11], [sflag:$0x1], $0x80, s19, s10, $0xb8;
	[tilespmem:$0x1D000] =	vst v63  }
0x129: {  	_ =	swait.ge [sflag:s6], $0x2800  }
0x12a: {  	[sflag:s6] =	ssyncset.done $0x0  }
0x12b: {  	[sflag:s6] =	ssyncadd.s32 $0xFFFFD800  }
0x12c: {  	[spmem:s18] =	stream.indirect.scatter.add.f32 [tilespmem:s8], [sflag:$0x1], $0x1, s16, s10, $0xb8;
	[tilespmem:$0x1D000] =	vst v63  }
0x12d: {  	_ =	swait.ge [sflag:s6], $0x50  }
0x12e: {  	[sflag:s6] =	ssyncset.done $0x0  }
0x12f: {  	[sflag:s6] =	ssyncadd.s32 $0xFFFFFFB0  }
0x130: {  	[spmem:s20] =	stream.indirect.scatter.add.f32 [tilespmem:s8], [sflag:$0x1], $0x1, s19, s10, $0xb8;
	[tilespmem:$0x1D000] =	vst v63  }
0x131: {  	_ =	swait.ge [sflag:s6], $0x50  }
0x132: {  	[sflag:s6] =	ssyncset.done $0x0  }
0x133: {  	s16 =	simm.s32 $0x0;
	s21 =	rddreg [dreg:$0xe];
	[sflag:s6] =	ssyncadd.s32 $0xFFFFFFB0  }
0x134: {  	[tilespmem:s16], [sflag:$0x1] =	stream.linear.gather [hbm4b:s21+s16], $0xC80, $0x38;
	[tilespmem:$0x1D000] =	vst v63  }
0x135: {  	_ =	swait.ge [sflag:s6], $0xC80  }
0x136: {  	[sflag:s6] =	ssyncset.done $0x0  }
0x137: {  	s22 =	rddreg [dreg:$0xf];
	[sflag:s6] =	ssyncadd.s32 $0xFFFFF380  }
0x138: {  	[tilespmem:s9], [sflag:$0x1] =	stream.linear.gather [hbm4b:s22+s16], $0xC80, $0x38;
	[tilespmem:$0x1D000] =	vst v63  }
0x139: {  	_ =	swait.ge [sflag:s6], $0xC80  }
0x13a: {  	[sflag:s6] =	ssyncset.done $0x0  }
0x13b: {  	s21 =	simm.s32 $0x0;
	[sflag:s6] =	ssyncadd.s32 $0xFFFFF380  }
0x13c: {  	[tilespmem:s11], [sflag:$0x1] =	stream.indirect.gather [hbm4b:s0+s10], $0x80, s21, s10, $0xb8;
	[tilespmem:$0x1D000] =	vst v63  }
0x13d: {  	_ =	swait.ge [sflag:s6], $0x2800  }
0x13e: {  	[sflag:s6] =	ssyncset.done $0x0  }
0x13f: {  	s22 =	simm.s32 $0x1000;
	[sflag:s6] =	ssyncadd.s32 $0xFFFFD800  }
0x140: {  	[spmem:s15] =	stream.indirect.scatter.add.f32 [tilespmem:s11], [sflag:$0x1], $0x80, s22, s10, $0xb8;
	[tilespmem:$0x1D000] =	vst v63  }
0x141: {  	_ =	swait.ge [sflag:s6], $0x2800  }
0x142: {  	[sflag:s6] =	ssyncset.done $0x0  }
0x143: {  	[sflag:s6] =	ssyncadd.s32 $0xFFFFD800  }
0x144: {  	[spmem:s18] =	stream.indirect.scatter.add.f32 [tilespmem:s8], [sflag:$0x1], $0x1, s21, s10, $0xb8;
	[tilespmem:$0x1D000] =	vst v63  }
0x145: {  	_ =	swait.ge [sflag:s6], $0x50  }
0x146: {  	[sflag:s6] =	ssyncset.done $0x0  }
0x147: {  	[sflag:s6] =	ssyncadd.s32 $0xFFFFFFB0  }
0x148: {  	[spmem:s20] =	stream.indirect.scatter.add.f32 [tilespmem:s8], [sflag:$0x1], $0x1, s22, s10, $0xb8;
	[tilespmem:$0x1D000] =	vst v63  }
0x149: {  	_ =	swait.ge [sflag:s6], $0x50  }
0x14a: {  	s19 =	simm.s32 $0x400;
	s16 =	simm.s32 $0x200;
	[sflag:s6] =	ssyncset.done $0x0  }
.LBB2_10:
0x14b: {  	s21 =	sshra.s32 s16, $0x2  }
0x14c: {  	[sflag:s6] =	ssyncadd.s32 $0xFFFFFFB0;
	s16 =	smov.u32 s19;
	s22 =	sadd.s32 $0x200, s19  }
0x14d: {  	[tilespmem:s11], [sflag:$0x1] =	stream.indirect.gather [hbm4b:s0+s10], $0x80, s21, s10, $0xb8;
	[tilespmem:$0x1D000] =	vst v63  }
0x14e: {  	p0 =	sne.s32 s19, $0x3000;
	_ =	swait.ge [sflag:s6], $0x2800  }
0x14f: {  	[sflag:s6] =	ssyncset.done $0x0  }
0x150: {  	s19 =	sadd.s32 $0x1000, s21;
	[sflag:s6] =	ssyncadd.s32 $0xFFFFD800  }
0x151: {  	[spmem:s15] =	stream.indirect.scatter.add.f32 [tilespmem:s11], [sflag:$0x1], $0x80, s19, s10, $0xb8;
	[tilespmem:$0x1D000] =	vst v63  }
0x152: {  	_ =	swait.ge [sflag:s6], $0x2800  }
0x153: {  	[sflag:s6] =	ssyncset.done $0x0  }
0x154: {  	[sflag:s6] =	ssyncadd.s32 $0xFFFFD800  }
0x155: {  	[spmem:s18] =	stream.indirect.scatter.add.f32 [tilespmem:s8], [sflag:$0x1], $0x1, s21, s10, $0xb8;
	[tilespmem:$0x1D000] =	vst v63  }
0x156: {  	_ =	swait.ge [sflag:s6], $0x50  }
.Ltmp4:
0x157: {  	[sflag:s6] =	ssyncset.done $0x0;
	(pc) =	sbr.rel @p0 .LBB2_10-.Ltmp4, $4  }
0x158: {  	[sflag:s6] =	ssyncadd.s32 $0xFFFFFFB0  }
0x159: {  	[spmem:s20] =	stream.indirect.scatter.add.f32 [tilespmem:s8], [sflag:$0x1], $0x1, s19, s10, $0xb8;
	[tilespmem:$0x1D000] =	vst v63  }
0x15a: {  	_ =	swait.ge [sflag:s6], $0x50  }
0x15b: {  	s19 =	smov.u32 s22;
	[sflag:s6] =	ssyncset.done $0x0  }
0x15c: {  	s16 =	sshra.s32 s16, $0x2;
	[sflag:s6] =	ssyncadd.s32 $0xFFFFFFB0  }
0x15d: {  	[tilespmem:s11], [sflag:$0x1] =	stream.indirect.gather [hbm4b:s0+s10], $0x80, s16, s10, $0xb8;
	[tilespmem:$0x1D000] =	vst v63  }
0x15e: {  	_ =	swait.ge [sflag:s6], $0x2800  }
0x15f: {  	[sflag:s6] =	ssyncset.done $0x0  }
0x160: {  	s19 =	sadd.s32 $0x1000, s16;
	[sflag:s6] =	ssyncadd.s32 $0xFFFFD800  }
0x161: {  	[spmem:s15] =	stream.indirect.scatter.add.f32 [tilespmem:s11], [sflag:$0x1], $0x80, s19, s10, $0xb8;
	[tilespmem:$0x1D000] =	vst v63  }
0x162: {  	_ =	swait.ge [sflag:s6], $0x2800  }
0x163: {  	[sflag:s6] =	ssyncset.done $0x0  }
0x164: {  	[sflag:s6] =	ssyncadd.s32 $0xFFFFD800  }
0x165: {  	[spmem:s18] =	stream.indirect.scatter.add.f32 [tilespmem:s8], [sflag:$0x1], $0x1, s16, s10, $0xb8;
	[tilespmem:$0x1D000] =	vst v63  }
0x166: {  	_ =	swait.ge [sflag:s6], $0x50  }
0x167: {  	[sflag:s6] =	ssyncset.done $0x0  }
0x168: {  	[sflag:s6] =	ssyncadd.s32 $0xFFFFFFB0  }
0x169: {  	[spmem:s20] =	stream.indirect.scatter.add.f32 [tilespmem:s8], [sflag:$0x1], $0x1, s19, s10, $0xb8;
	[tilespmem:$0x1D000] =	vst v63  }
0x16a: {  	_ =	swait.ge [sflag:s6], $0x50  }
0x16b: {  	[sflag:s6] =	ssyncset.done $0x0  }
0x16c: {  	[sflag:s6] =	ssyncadd.s32 $0xFFFFFFB0  }
0x16d: {  	[bflag:$0x0] =	sbarrier.arrive $0xFFFF  }
0x16e: {  	[tilespmem:s5], [sflag:$0x1] =	stream.linear.gather [spmem:s25], $0x4000, $0x38;
	[tilespmem:$0x1D000] =	vst v63  }
0x16f: {  	_ =	swait.ge [sflag:s6], $0x4000  }
0x170: {  	[sflag:s6] =	ssyncset.done $0x0  }
0x171: {  	s21 =	rddreg [dreg:$0x10];
	[sflag:s6] =	ssyncadd.s32 $0xFFFFC000  }
0x172: {  	[hbm4b:s21+s1] =	stream.linear.scatter [tilespmem:s5], [sflag:$0x1], $0x4000, $0x38;
	[tilespmem:$0x1D000] =	vst v63  }
0x173: {  	_ =	swait.ge [sflag:s6], $0x4000  }
0x174: {  	[sflag:s6] =	ssyncset.done $0x0  }
0x175: {  	[sflag:s6] =	ssyncadd.s32 $0xFFFFC000  }
0x176: {  	[tilespmem:s5], [sflag:$0x1] =	stream.linear.gather [spmem:s26], $0x4000, $0x38;
	[tilespmem:$0x1D000] =	vst v63  }
0x177: {  	_ =	swait.ge [sflag:s6], $0x4000  }
0x178: {  	[sflag:s6] =	ssyncset.done $0x0  }
0x179: {  	s22 =	rddreg [dreg:$0x11];
	[sflag:s6] =	ssyncadd.s32 $0xFFFFC000  }
0x17a: {  	[hbm4b:s22+s1] =	stream.linear.scatter [tilespmem:s5], [sflag:$0x1], $0x4000, $0x38;
	[tilespmem:$0x1D000] =	vst v63  }
0x17b: {  	_ =	swait.ge [sflag:s6], $0x4000  }
0x17c: {  	[sflag:s6] =	ssyncset.done $0x0  }
0x17d: {  	[sflag:s6] =	ssyncadd.s32 $0xFFFFC000  }
0x17e: {  	[tilespmem:s5], [sflag:$0x1] =	stream.linear.gather [spmem:s28], $0x4000, $0x38;
	[tilespmem:$0x1D000] =	vst v63  }
0x17f: {  	_ =	swait.ge [sflag:s6], $0x4000  }
0x180: {  	[sflag:s6] =	ssyncset.done $0x0  }
0x181: {  	s19 =	rddreg [dreg:$0x12];
	[sflag:s6] =	ssyncadd.s32 $0xFFFFC000  }
0x182: {  	[hbm4b:s19+s1] =	stream.linear.scatter [tilespmem:s5], [sflag:$0x1], $0x4000, $0x38;
	[tilespmem:$0x1D000] =	vst v63  }
0x183: {  	_ =	swait.ge [sflag:s6], $0x4000  }
0x184: {  	[sflag:s6] =	ssyncset.done $0x0  }
0x185: {  	[sflag:s6] =	ssyncadd.s32 $0xFFFFC000  }
0x186: {  	[tilespmem:s5], [sflag:$0x1] =	stream.linear.gather [spmem:s29], $0x4000, $0x38;
	[tilespmem:$0x1D000] =	vst v63  }
0x187: {  	_ =	swait.ge [sflag:s6], $0x4000  }
0x188: {  	[sflag:s6] =	ssyncset.done $0x0  }
0x189: {  	s21 =	rddreg [dreg:$0x13];
	[sflag:s6] =	ssyncadd.s32 $0xFFFFC000  }
0x18a: {  	[hbm4b:s21+s1] =	stream.linear.scatter [tilespmem:s5], [sflag:$0x1], $0x4000, $0x38;
	[tilespmem:$0x1D000] =	vst v63  }
0x18b: {  	_ =	swait.ge [sflag:s6], $0x4000  }
0x18c: {  	[sflag:s6] =	ssyncset.done $0x0  }
0x18d: {  	[sflag:s6] =	ssyncadd.s32 $0xFFFFC000  }
0x18e: {  	[tilespmem:s5], [sflag:$0x1] =	stream.linear.gather [spmem:s30], $0x4000, $0x38;
	[tilespmem:$0x1D000] =	vst v63  }
0x18f: {  	_ =	swait.ge [sflag:s6], $0x4000  }
0x190: {  	[sflag:s6] =	ssyncset.done $0x0  }
0x191: {  	s22 =	rddreg [dreg:$0x14];
	[sflag:s6] =	ssyncadd.s32 $0xFFFFC000  }
0x192: {  	[hbm4b:s22+s1] =	stream.linear.scatter [tilespmem:s5], [sflag:$0x1], $0x4000, $0x38;
	[tilespmem:$0x1D000] =	vst v63  }
0x193: {  	_ =	swait.ge [sflag:s6], $0x4000  }
0x194: {  	[sflag:s6] =	ssyncset.done $0x0  }
0x195: {  	[sflag:s6] =	ssyncadd.s32 $0xFFFFC000  }
0x196: {  	[tilespmem:s7], [sflag:$0x1] =	stream.linear.gather [spmem:s31], $0x280, $0x38;
	[tilespmem:$0x1D000] =	vst v63  }
0x197: {  	_ =	swait.ge [sflag:s6], $0x280  }
0x198: {  	[sflag:s6] =	ssyncset.done $0x0  }
0x199: {  	[sflag:s6] =	ssyncadd.s32 $0xFFFFFD80  }
0x19a: {  	[hbm4b:s2+s12] =	stream.strided.scatter [tilespmem:s7], [sflag:$0x1], $0x280, s13, s12, $0x38;
	[tilespmem:$0x1D000] =	vst v63  }
0x19b: {  	_ =	swait.ge [sflag:s6], $0x280  }
0x19c: {  	[sflag:s6] =	ssyncset.done $0x0  }
0x19d: {  	[sflag:s6] =	ssyncadd.s32 $0xFFFFFD80  }
0x19e: {  	[tilespmem:s7], [sflag:$0x1] =	stream.linear.gather [spmem:s17], $0x280, $0x38;
	[tilespmem:$0x1D000] =	vst v63  }
0x19f: {  	s14 =	sadd.s32 $0x1, s14;
	_ =	swait.ge [sflag:s6], $0x280  }
0x1a0: {  	p0 =	sne.s32 s14, s4;
	[sflag:s6] =	ssyncset.done $0x0  }
.Ltmp5:
0x1a1: {  	[sflag:s6] =	ssyncadd.s32 $0xFFFFFD80;
	(pc) =	sbr.rel @p0 .LBB2_1-.Ltmp5, $4  }
0x1a2: {  	[hbm4b:s3+s12] =	stream.strided.scatter [tilespmem:s7], [sflag:$0x1], $0x280, s13, s12, $0x38;
	[tilespmem:$0x1D000] =	vst v63  }
0x1a3: {  	_ =	swait.ge [sflag:s6], $0x280  }
0x1a4: {  	[sflag:s6] =	ssyncset.done $0x0  }
0x1a5: {  	[sflag:s6] =	ssyncadd.s32 $0xFFFFFD80  }
0x1a6: {  	_ =	sfence.sel $0x180000  }
0x1a7: {  	[bflag:$0x0] =	sbarrier.arrive $0xFFFF  }
0x1a8: {  	_ =	strace $0x90000047  }
0x1a9: {  	s0 =	stileid.u32;
	[bflag:$0x2] =	sbarrier.arrive $0xFFFF  }
0x1aa: {  	p0 =	sne.s32 s0, $0x0;
	s0 =	rddreg [dreg:$0x5]  }
0x1ab: {  	s0 =	sadd.s32 @!p0 $0x100000, s0  }
0x1ac: {  	[sflag:s0] =	ssyncadd.tile.s32 @!p0 $0x1;
	_ =	shalt  }
.Lfunc_end2:
_tile_overlayer_lowered:
.L_overlay_start_2:
0x1ad: {  	(tag) =	ssettag $0x2  }
0x1ae: {  	s0 =	rddreg [dreg:$0x0];
	s2 =	stileid.u32  }
0x1af: {  	s1 =	rddreg [dreg:$0x1];
	p0 =	sne.s32 s2, $0x0  }
0x1b0: {  	s3 =	rddreg [dreg:$0x2];
	[bflag:$0x3] =	sbarrier.arrive $0xFFFF;
	s2 =	simm.s32 @!p0 $0x1C01  }
0x1b1: {  	[timem:s3], [sflag:s2] =	dma.local @!p0 [hbm:s0], s1  }
0x1b2: {  	s0 =	simm.s32 @!p0 $0x1  }
0x1b3: {  	_ =	swait.ge @!p0 [sflag:s0], s1  }
0x1b4: {  	s1 =	ssub.s32 @!p0 $0x0, s1;
	[sflag:s0] =	ssyncset.done @!p0 $0x0  }
0x1b5: {  	[sflag:s0] =	ssyncadd.s32 @!p0 s1  }
0x1b6: {  	[bflag:$0x3] =	sbarrier.arrive $0xFFFF  }
0x1b7: {  	_ =	shalt  }

</sc_bundles>
